<compile_context>
chip_gen: v7x
topology: tpu7x:2x2x1
jax: 0.10.2.dev20260603
libtpu: 0.0.44.dev20260713+nightly
codegen_flags: <defaults>
</compile_context>

<pallas_src>
import functools

import jax
import jax.numpy as jnp
from jax import lax
from jax.experimental import pallas as pl
from jax.experimental.pallas import tpu as pltpu
from jax.experimental.pallas import tpu_sc as plsc

N_NODES = 10000
N_EDGES = 320000
D = 128

NC = 2
NS = 16
NW = NC * NS

NP = 10240
EPT = NP
CH = 128
NCHUNK = EPT // CH
IB = 16
NREFILL = NCHUNK // IB
ROWS_PER_TILE = NP // NS
WB = ROWS_PER_TILE // CH

ACH = 128
ANCHUNK = EPT // ACH
AIB = 16
ANREFILL = ANCHUNK // AIB
NBUF = 2
AWB = ROWS_PER_TILE // ACH

_mesh = plsc.VectorSubcoreMesh(core_axis_name="c", subcore_axis_name="s",
                               num_cores=NC, num_subcores=NS)


@functools.partial(
    pl.kernel,
    out_type=jax.ShapeDtypeStruct((NC, NP, D), jnp.float32),
    mesh=_mesh,
    scratch_types=[
        pltpu.VMEM((IB, CH), jnp.int32),
        pltpu.VMEM((CH, D), jnp.float32),
        pltpu.VMEM((CH, D), jnp.float32),
        pltpu.VMEM_SHARED((NP, D), jnp.float32),
    ],
)
def _deg_kernel(dst_hbm, ones_hbm, zeros_hbm, degp_hbm, dstv, onesv, wbuf, acc):
    cid = lax.axis_index("c")
    sid = lax.axis_index("s")
    wid = cid * NS + sid
    pltpu.sync_copy(ones_hbm, onesv)
    pltpu.sync_copy(zeros_hbm, wbuf)
    row0 = sid * ROWS_PER_TILE
    for kk in range(WB):
        pltpu.sync_copy(wbuf, acc.at[pl.ds(row0 + kk * CH, CH)])
    plsc.subcore_barrier()

    def outer(r, _):
        pltpu.sync_copy(dst_hbm.at[wid, pl.ds(r * IB, IB)], dstv)

        def body(j, _):
            pltpu.sync_copy(onesv, acc.at[dstv.at[j]], add=True)
            return 0
        lax.fori_loop(0, IB, body, 0)
        return 0
    lax.fori_loop(0, NREFILL, outer, 0)
    plsc.subcore_barrier()

    def wb(kk, _):
        r = row0 + kk * CH
        pltpu.sync_copy(acc.at[pl.ds(r, CH)], wbuf)
        pltpu.sync_copy(wbuf, degp_hbm.at[cid, pl.ds(r, CH)])
        return 0
    lax.fori_loop(0, WB, wb, 0)


@functools.partial(
    pl.kernel,
    out_type=jax.ShapeDtypeStruct((NC, NP, D), jnp.float32),
    mesh=_mesh,
    scratch_types=(
        [pltpu.VMEM((AIB, ACH), jnp.int32),
         pltpu.VMEM((AIB, ACH), jnp.int32)]
        + [pltpu.VMEM((ACH, D), jnp.float32)] * NBUF
        + [pltpu.VMEM_SHARED((NP, D), jnp.float32)]
        + [pltpu.SemaphoreType.DMA] * NBUF
    ),
)
def _agg_kernel(hs_hbm, src_hbm, dst_hbm, zeros_hbm, part_hbm,
                srcv, dstv, *rest):
    bufs = rest[:NBUF]
    acc = rest[NBUF]
    sems = rest[NBUF + 1:]
    b0 = bufs[0]
    cid = lax.axis_index("c")
    sid = lax.axis_index("s")
    wid = cid * NS + sid

    pltpu.sync_copy(zeros_hbm, b0)
    row0 = sid * ROWS_PER_TILE
    for kk in range(AWB):
        pltpu.sync_copy(b0, acc.at[pl.ds(row0 + kk * ACH, ACH)])
    plsc.subcore_barrier()

    def outer(r, _):
        pltpu.sync_copy(src_hbm.at[wid, pl.ds(r * AIB, AIB)], srcv)
        pltpu.sync_copy(dst_hbm.at[wid, pl.ds(r * AIB, AIB)], dstv)
        handles = [None] * AIB
        for j in range(AIB):
            b = j % NBUF
            if j >= NBUF:
                handles[j - NBUF].wait()
                pltpu.sync_copy(bufs[b], acc.at[dstv.at[j - NBUF]], add=True)
            handles[j] = pltpu.async_copy(hs_hbm.at[srcv.at[j]], bufs[b],
                                          sems[b])
        for j in range(AIB - NBUF, AIB):
            handles[j].wait()
            pltpu.sync_copy(bufs[j % NBUF], acc.at[dstv.at[j]], add=True)
        return 0
    lax.fori_loop(0, ANREFILL, outer, 0)
    plsc.subcore_barrier()

    def wb(kk, _):
        r = row0 + kk * ACH
        pltpu.sync_copy(acc.at[pl.ds(r, ACH)], b0)
        pltpu.sync_copy(b0, part_hbm.at[cid, pl.ds(r, ACH)])
        return 0
    lax.fori_loop(0, AWB, wb, 0)


BM = 1280
GRID = NP // BM


def _prep_body(degp_ref, x_ref, w_ref, hs_ref, dis_ref):
    deg = degp_ref[0, :, 0:1] + degp_ref[1, :, 0:1] + 1.0
    dis = jnp.broadcast_to(lax.rsqrt(deg), (BM, D))
    hs_ref[...] = jnp.dot(x_ref[...], w_ref[...],
                          preferred_element_type=jnp.float32) * dis
    dis_ref[...] = dis


_prep_call = pl.pallas_call(
    _prep_body,
    grid=(GRID,),
    in_specs=[
        pl.BlockSpec((NC, BM, D), lambda i: (0, i, 0)),
        pl.BlockSpec((BM, D), lambda i: (i, 0)),
        pl.BlockSpec((D, D), lambda i: (0, 0)),
    ],
    out_specs=[
        pl.BlockSpec((BM, D), lambda i: (i, 0)),
        pl.BlockSpec((BM, D), lambda i: (i, 0)),
    ],
    out_shape=[
        jax.ShapeDtypeStruct((NP, D), jnp.float32),
        jax.ShapeDtypeStruct((NP, D), jnp.float32),
    ],
)


def _mid_body(part_ref, hs_ref, dis_ref, b_ref, w_ref, out_ref):
    agg = part_ref[0] + part_ref[1] + hs_ref[...]
    o = dis_ref[...] * agg + b_ref[...]
    r = jnp.maximum(o, 0.0)
    out_ref[...] = jnp.dot(r, w_ref[...],
                           preferred_element_type=jnp.float32) * dis_ref[...]


_mid_call = pl.pallas_call(
    _mid_body,
    grid=(GRID,),
    in_specs=[
        pl.BlockSpec((NC, BM, D), lambda i: (0, i, 0)),
        pl.BlockSpec((BM, D), lambda i: (i, 0)),
        pl.BlockSpec((BM, D), lambda i: (i, 0)),
        pl.BlockSpec((1, D), lambda i: (0, 0)),
        pl.BlockSpec((D, D), lambda i: (0, 0)),
    ],
    out_specs=pl.BlockSpec((BM, D), lambda i: (i, 0)),
    out_shape=jax.ShapeDtypeStruct((NP, D), jnp.float32),
)


def _final_body(part_ref, hs_ref, dis_ref, b_ref, out_ref):
    agg = part_ref[0] + part_ref[1] + hs_ref[...]
    out_ref[...] = dis_ref[...] * agg + b_ref[...]


_final_call = pl.pallas_call(
    _final_body,
    grid=(GRID,),
    in_specs=[
        pl.BlockSpec((NC, BM, D), lambda i: (0, i, 0)),
        pl.BlockSpec((BM, D), lambda i: (i, 0)),
        pl.BlockSpec((BM, D), lambda i: (i, 0)),
        pl.BlockSpec((1, D), lambda i: (0, 0)),
    ],
    out_specs=pl.BlockSpec((BM, D), lambda i: (i, 0)),
    out_shape=jax.ShapeDtypeStruct((NP, D), jnp.float32),
)


def kernel(x, edge_index, W1, b1, W2, b2, W3, b3):
    src = edge_index[0].astype(jnp.int32)
    dst = edge_index[1].astype(jnp.int32)

    real_per_tile = N_EDGES // NW
    pad_per_tile = EPT - real_per_tile
    pad_src = N_NODES + jnp.arange(pad_per_tile, dtype=jnp.int32)
    src_flat = jnp.concatenate(
        [src.reshape(NW, real_per_tile),
         jnp.broadcast_to(pad_src, (NW, pad_per_tile))], axis=1)
    trash = N_NODES + jnp.arange(pad_per_tile, dtype=jnp.int32)
    dst_flat = jnp.concatenate(
        [dst.reshape(NW, real_per_tile),
         jnp.broadcast_to(trash, (NW, pad_per_tile))], axis=1)
    dst_deg = dst_flat.reshape(NW, NCHUNK, CH)
    src_flat, dst_flat = lax.sort_key_val(src_flat, dst_flat, dimension=1)
    src_t = src_flat.reshape(NW, ANCHUNK, ACH)
    dst_t = dst_flat.reshape(NW, ANCHUNK, ACH)

    ones_hbm = jnp.ones((CH, D), jnp.float32)
    zeros_hbm = jnp.zeros((CH, D), jnp.float32)
    zeros_a = jnp.zeros((ACH, D), jnp.float32)
    xp = jnp.zeros((NP, D), jnp.float32).at[:N_NODES].set(x)
    b1r = b1.reshape(1, D)
    b2r = b2.reshape(1, D)
    b3r = b3.reshape(1, D)

    degp = _deg_kernel(dst_deg, ones_hbm, zeros_hbm)
    hs1, dis = _prep_call(degp, xp, W1)
    p1 = _agg_kernel(hs1, src_t, dst_t, zeros_a)
    hs2 = _mid_call(p1, hs1, dis, b1r, W2)
    p2 = _agg_kernel(hs2, src_t, dst_t, zeros_a)
    hs3 = _mid_call(p2, hs2, dis, b2r, W3)
    p3 = _agg_kernel(hs3, src_t, dst_t, zeros_a)
    z = _final_call(p3, hs3, dis, b3r)
    return z[:N_NODES]

# --- scband reference (transcript-rebuilt; emitter-appended) ---
"""Pipeline reference for scband-gcnencoder-17463337025661 (READ-ONLY COPY).

The authoritative reference and input builder live on the scoring server;
editing this copy changes nothing except your own understanding.
"""

import jax, jax.numpy as jnp
import numpy as np

N_NODES = 10000
N_EDGES = 320000
D_IN = 128
HIDDEN = [128, 128]
D_OUT = 128


def _glorot(key, fan_in, fan_out):
    limit = jnp.sqrt(6.0 / (fan_in + fan_out))
    return jax.random.uniform(key, (fan_in, fan_out), dtype=jnp.float32, minval=-limit, maxval=limit)


def setup_inputs(seed: int = 0) -> dict:
    key = jax.random.key(seed)
    k = jax.random.split(key, 8)
    x = jax.random.normal(k[0], (N_NODES, D_IN), dtype=jnp.float32)
    edge_index = jax.random.randint(k[1], (2, N_EDGES), 0, N_NODES, dtype=jnp.int64) if jax.config.jax_enable_x64 else jax.random.randint(k[1], (2, N_EDGES), 0, N_NODES).astype(jnp.int32)
    W1 = _glorot(k[2], D_IN, HIDDEN[0])
    b1 = jnp.zeros((HIDDEN[0],), dtype=jnp.float32)
    W2 = _glorot(k[3], HIDDEN[0], HIDDEN[1])
    b2 = jnp.zeros((HIDDEN[1],), dtype=jnp.float32)
    W3 = _glorot(k[4], HIDDEN[1], D_OUT)
    b3 = jnp.zeros((D_OUT,), dtype=jnp.float32)
    return {"x": x, "edge_index": edge_index, "W1": W1, "b1": b1, "W2": W2, "b2": b2, "W3": W3, "b3": b3}


def _gcn_conv(x, src, dst, norm, W, b, n_nodes):
    # GCNConv: x' = D^{-1/2} (A + I) D^{-1/2} X W + b
    h = x @ W
    msg = h[src] * norm[:, None]
    out = jax.ops.segment_sum(msg, dst, num_segments=n_nodes)
    return out + b


def _build_norm(edge_index, n_nodes):
    # add self loops and compute symmetric normalization coefficients
    loop = jnp.arange(n_nodes, dtype=edge_index.dtype)
    src = jnp.concatenate([edge_index[0], loop])
    dst = jnp.concatenate([edge_index[1], loop])
    ones = jnp.ones_like(src, dtype=jnp.float32)
    deg = jax.ops.segment_sum(ones, dst, num_segments=n_nodes)
    deg_inv_sqrt = jnp.where(deg > 0, jax.lax.rsqrt(jnp.maximum(deg, 1e-12)), 0.0)
    norm = deg_inv_sqrt[src] * deg_inv_sqrt[dst]
    return src, dst, norm


def reference(x, edge_index, W1, b1, W2, b2, W3, b3):
    n_nodes = x.shape[0]
    src, dst, norm = _build_norm(edge_index, n_nodes)
    h = _gcn_conv(x, src, dst, norm, W1, b1, n_nodes)
    h = jax.nn.relu(h)
    h = _gcn_conv(h, src, dst, norm, W2, b2, n_nodes)
    h = jax.nn.relu(h)
    z = _gcn_conv(h, src, dst, norm, W3, b3, n_nodes)
    return z

if __name__ == "__main__":
    import jax
    _d = setup_inputs()
    print(jax.jit(kernel)(*tuple(_d.values())))

</pallas_src>

<mosaic_0001>
#map = affine_map<(d0, d1) -> (0, 0)>
#map1 = affine_map<(d0, d1) -> (0, 0, 0)>
module attributes {stable_mosaic.version = 14 : i64} {
  func.func @_agg_kernel(%arg0: i32, %arg1: i32, %arg2: memref<10240x128xf32, #tpu.memory_space<hbm>>, %arg3: memref<32x80x128xi32, #tpu.memory_space<hbm>>, %arg4: memref<32x80x128xi32, #tpu.memory_space<hbm>>, %arg5: memref<128x128xf32, #tpu.memory_space<hbm>>, %arg6: memref<2x10240x128xf32, #tpu.memory_space<hbm>>, %arg7: memref<16x128xi32, #tpu.memory_space<vmem>>, %arg8: memref<16x128xi32, #tpu.memory_space<vmem>>, %arg9: memref<128x128xf32, #tpu.memory_space<vmem>>, %arg10: memref<128x128xf32, #tpu.memory_space<vmem>>, %arg11: memref<10240x128xf32, #tpu.memory_space<vmem_shared>>, %arg12: memref<!tpu.dma_semaphore, #tpu.memory_space<semaphore_mem>>, %arg13: memref<!tpu.dma_semaphore, #tpu.memory_space<semaphore_mem>>) attributes {dimension_semantics = [#tpu.dimension_semantics<core_parallel>, #tpu.dimension_semantics<subcore_parallel>], iteration_bounds = array<i64: 2, 16>, scalar_prefetch = 0 : i64, scratch_operands = 7 : i64, tpu.core_type = #tpu.core_type<sc_vector_subcore>, window_params = [{transform_indices = #map}, {transform_indices = #map1}, {transform_indices = #map1}, {transform_indices = #map}, {transform_indices = #map1}]} {
    %mul3A = arith.constant 16 : i32
    %mul3A_0 = arith.muli %arg0, %mul3A : i32
    %add3A = arith.addi %mul3A_0, %arg1 : i32
    "tpu.region"() ({
      %run_scoped3A = tpu.sem_alloc : memref<!tpu.dma_semaphore, #tpu.memory_space<semaphore_mem>>
      tpu.enqueue_dma source(%arg5 : memref<128x128xf32, #tpu.memory_space<hbm>>) target(%arg9 : memref<128x128xf32, #tpu.memory_space<vmem>>) target_semaphore(%run_scoped3A : memref<!tpu.dma_semaphore, #tpu.memory_space<semaphore_mem>>)
      tpu.wait_dma2 semaphore(%run_scoped3A : memref<!tpu.dma_semaphore, #tpu.memory_space<semaphore_mem>>) src(%arg5 : memref<128x128xf32, #tpu.memory_space<hbm>>) dst(%arg9 : memref<128x128xf32, #tpu.memory_space<vmem>>)
      tpu.yield
    }) : () -> ()
    %mul3A_1 = arith.constant 640 : i32
    %mul3A_2 = arith.muli %arg1, %mul3A_1 : i32
    %add3A_3 = arith.constant 0 : i32
    %add3A_4 = arith.addi %mul3A_2, %add3A_3 : i32
    "tpu.region"() ({
      %run_scoped3A = tpu.sem_alloc : memref<!tpu.dma_semaphore, #tpu.memory_space<semaphore_mem>>
      %dma_start3A = arith.constant 0 : i32
      %dma_start3A_27 = tpu.memref_slice %arg11[%add3A_4, %dma_start3A] : memref<10240x128xf32, #tpu.memory_space<vmem_shared>> -> memref<128x128xf32, #tpu.memory_space<vmem_shared>>
      %dma_start3A_28 = arith.constant 0 : i32
      %dma_start3A_29 = tpu.memref_slice %arg11[%add3A_4, %dma_start3A_28] : memref<10240x128xf32, #tpu.memory_space<vmem_shared>> -> memref<128x128xf32, #tpu.memory_space<vmem_shared>>
      tpu.enqueue_dma source(%arg9 : memref<128x128xf32, #tpu.memory_space<vmem>>) target(%dma_start3A_29 : memref<128x128xf32, #tpu.memory_space<vmem_shared>>) target_semaphore(%run_scoped3A : memref<!tpu.dma_semaphore, #tpu.memory_space<semaphore_mem>>)
      %dma_wait3A = arith.constant 0 : i32
      %dma_wait3A_30 = tpu.memref_slice %arg11[%add3A_4, %dma_wait3A] : memref<10240x128xf32, #tpu.memory_space<vmem_shared>> -> memref<128x128xf32, #tpu.memory_space<vmem_shared>>
      %dma_wait3A_31 = arith.constant 0 : i32
      %dma_wait3A_32 = tpu.memref_slice %arg11[%add3A_4, %dma_wait3A_31] : memref<10240x128xf32, #tpu.memory_space<vmem_shared>> -> memref<128x128xf32, #tpu.memory_space<vmem_shared>>
      tpu.wait_dma2 semaphore(%run_scoped3A : memref<!tpu.dma_semaphore, #tpu.memory_space<semaphore_mem>>) src(%arg9 : memref<128x128xf32, #tpu.memory_space<vmem>>) dst(%dma_wait3A_32 : memref<128x128xf32, #tpu.memory_space<vmem_shared>>)
      tpu.yield
    }) : () -> ()
    %add3A_5 = arith.constant 128 : i32
    %add3A_6 = arith.addi %mul3A_2, %add3A_5 : i32
    "tpu.region"() ({
      %run_scoped3A = tpu.sem_alloc : memref<!tpu.dma_semaphore, #tpu.memory_space<semaphore_mem>>
      %dma_start3A = arith.constant 0 : i32
      %dma_start3A_27 = tpu.memref_slice %arg11[%add3A_6, %dma_start3A] : memref<10240x128xf32, #tpu.memory_space<vmem_shared>> -> memref<128x128xf32, #tpu.memory_space<vmem_shared>>
      %dma_start3A_28 = arith.constant 0 : i32
      %dma_start3A_29 = tpu.memref_slice %arg11[%add3A_6, %dma_start3A_28] : memref<10240x128xf32, #tpu.memory_space<vmem_shared>> -> memref<128x128xf32, #tpu.memory_space<vmem_shared>>
      tpu.enqueue_dma source(%arg9 : memref<128x128xf32, #tpu.memory_space<vmem>>) target(%dma_start3A_29 : memref<128x128xf32, #tpu.memory_space<vmem_shared>>) target_semaphore(%run_scoped3A : memref<!tpu.dma_semaphore, #tpu.memory_space<semaphore_mem>>)
      %dma_wait3A = arith.constant 0 : i32
      %dma_wait3A_30 = tpu.memref_slice %arg11[%add3A_6, %dma_wait3A] : memref<10240x128xf32, #tpu.memory_space<vmem_shared>> -> memref<128x128xf32, #tpu.memory_space<vmem_shared>>
      %dma_wait3A_31 = arith.constant 0 : i32
      %dma_wait3A_32 = tpu.memref_slice %arg11[%add3A_6, %dma_wait3A_31] : memref<10240x128xf32, #tpu.memory_space<vmem_shared>> -> memref<128x128xf32, #tpu.memory_space<vmem_shared>>
      tpu.wait_dma2 semaphore(%run_scoped3A : memref<!tpu.dma_semaphore, #tpu.memory_space<semaphore_mem>>) src(%arg9 : memref<128x128xf32, #tpu.memory_space<vmem>>) dst(%dma_wait3A_32 : memref<128x128xf32, #tpu.memory_space<vmem_shared>>)
      tpu.yield
    }) : () -> ()
    %add3A_7 = arith.constant 256 : i32
    %add3A_8 = arith.addi %mul3A_2, %add3A_7 : i32
    "tpu.region"() ({
      %run_scoped3A = tpu.sem_alloc : memref<!tpu.dma_semaphore, #tpu.memory_space<semaphore_mem>>
      %dma_start3A = arith.constant 0 : i32
      %dma_start3A_27 = tpu.memref_slice %arg11[%add3A_8, %dma_start3A] : memref<10240x128xf32, #tpu.memory_space<vmem_shared>> -> memref<128x128xf32, #tpu.memory_space<vmem_shared>>
      %dma_start3A_28 = arith.constant 0 : i32
      %dma_start3A_29 = tpu.memref_slice %arg11[%add3A_8, %dma_start3A_28] : memref<10240x128xf32, #tpu.memory_space<vmem_shared>> -> memref<128x128xf32, #tpu.memory_space<vmem_shared>>
      tpu.enqueue_dma source(%arg9 : memref<128x128xf32, #tpu.memory_space<vmem>>) target(%dma_start3A_29 : memref<128x128xf32, #tpu.memory_space<vmem_shared>>) target_semaphore(%run_scoped3A : memref<!tpu.dma_semaphore, #tpu.memory_space<semaphore_mem>>)
      %dma_wait3A = arith.constant 0 : i32
      %dma_wait3A_30 = tpu.memref_slice %arg11[%add3A_8, %dma_wait3A] : memref<10240x128xf32, #tpu.memory_space<vmem_shared>> -> memref<128x128xf32, #tpu.memory_space<vmem_shared>>
      %dma_wait3A_31 = arith.constant 0 : i32
      %dma_wait3A_32 = tpu.memref_slice %arg11[%add3A_8, %dma_wait3A_31] : memref<10240x128xf32, #tpu.memory_space<vmem_shared>> -> memref<128x128xf32, #tpu.memory_space<vmem_shared>>
      tpu.wait_dma2 semaphore(%run_scoped3A : memref<!tpu.dma_semaphore, #tpu.memory_space<semaphore_mem>>) src(%arg9 : memref<128x128xf32, #tpu.memory_space<vmem>>) dst(%dma_wait3A_32 : memref<128x128xf32, #tpu.memory_space<vmem_shared>>)
      tpu.yield
    }) : () -> ()
    %add3A_9 = arith.constant 384 : i32
    %add3A_10 = arith.addi %mul3A_2, %add3A_9 : i32
    "tpu.region"() ({
      %run_scoped3A = tpu.sem_alloc : memref<!tpu.dma_semaphore, #tpu.memory_space<semaphore_mem>>
      %dma_start3A = arith.constant 0 : i32
      %dma_start3A_27 = tpu.memref_slice %arg11[%add3A_10, %dma_start3A] : memref<10240x128xf32, #tpu.memory_space<vmem_shared>> -> memref<128x128xf32, #tpu.memory_space<vmem_shared>>
      %dma_start3A_28 = arith.constant 0 : i32
      %dma_start3A_29 = tpu.memref_slice %arg11[%add3A_10, %dma_start3A_28] : memref<10240x128xf32, #tpu.memory_space<vmem_shared>> -> memref<128x128xf32, #tpu.memory_space<vmem_shared>>
      tpu.enqueue_dma source(%arg9 : memref<128x128xf32, #tpu.memory_space<vmem>>) target(%dma_start3A_29 : memref<128x128xf32, #tpu.memory_space<vmem_shared>>) target_semaphore(%run_scoped3A : memref<!tpu.dma_semaphore, #tpu.memory_space<semaphore_mem>>)
      %dma_wait3A = arith.constant 0 : i32
      %dma_wait3A_30 = tpu.memref_slice %arg11[%add3A_10, %dma_wait3A] : memref<10240x128xf32, #tpu.memory_space<vmem_shared>> -> memref<128x128xf32, #tpu.memory_space<vmem_shared>>
      %dma_wait3A_31 = arith.constant 0 : i32
      %dma_wait3A_32 = tpu.memref_slice %arg11[%add3A_10, %dma_wait3A_31] : memref<10240x128xf32, #tpu.memory_space<vmem_shared>> -> memref<128x128xf32, #tpu.memory_space<vmem_shared>>
      tpu.wait_dma2 semaphore(%run_scoped3A : memref<!tpu.dma_semaphore, #tpu.memory_space<semaphore_mem>>) src(%arg9 : memref<128x128xf32, #tpu.memory_space<vmem>>) dst(%dma_wait3A_32 : memref<128x128xf32, #tpu.memory_space<vmem_shared>>)
      tpu.yield
    }) : () -> ()
    %add3A_11 = arith.constant 512 : i32
    %add3A_12 = arith.addi %mul3A_2, %add3A_11 : i32
    "tpu.region"() ({
      %run_scoped3A = tpu.sem_alloc : memref<!tpu.dma_semaphore, #tpu.memory_space<semaphore_mem>>
      %dma_start3A = arith.constant 0 : i32
      %dma_start3A_27 = tpu.memref_slice %arg11[%add3A_12, %dma_start3A] : memref<10240x128xf32, #tpu.memory_space<vmem_shared>> -> memref<128x128xf32, #tpu.memory_space<vmem_shared>>
      %dma_start3A_28 = arith.constant 0 : i32
      %dma_start3A_29 = tpu.memref_slice %arg11[%add3A_12, %dma_start3A_28] : memref<10240x128xf32, #tpu.memory_space<vmem_shared>> -> memref<128x128xf32, #tpu.memory_space<vmem_shared>>
      tpu.enqueue_dma source(%arg9 : memref<128x128xf32, #tpu.memory_space<vmem>>) target(%dma_start3A_29 : memref<128x128xf32, #tpu.memory_space<vmem_shared>>) target_semaphore(%run_scoped3A : memref<!tpu.dma_semaphore, #tpu.memory_space<semaphore_mem>>)
      %dma_wait3A = arith.constant 0 : i32
      %dma_wait3A_30 = tpu.memref_slice %arg11[%add3A_12, %dma_wait3A] : memref<10240x128xf32, #tpu.memory_space<vmem_shared>> -> memref<128x128xf32, #tpu.memory_space<vmem_shared>>
      %dma_wait3A_31 = arith.constant 0 : i32
      %dma_wait3A_32 = tpu.memref_slice %arg11[%add3A_12, %dma_wait3A_31] : memref<10240x128xf32, #tpu.memory_space<vmem_shared>> -> memref<128x128xf32, #tpu.memory_space<vmem_shared>>
      tpu.wait_dma2 semaphore(%run_scoped3A : memref<!tpu.dma_semaphore, #tpu.memory_space<semaphore_mem>>) src(%arg9 : memref<128x128xf32, #tpu.memory_space<vmem>>) dst(%dma_wait3A_32 : memref<128x128xf32, #tpu.memory_space<vmem_shared>>)
      tpu.yield
    }) : () -> ()
    %barrier3A = arith.constant 0 : index
    tpu.barrier barrier_id(%barrier3A)
    %scan3A = arith.constant 0 : i32
    %scan3A_13 = arith.constant 0 : i32
    %scan3A_14 = arith.constant 5 : i32
    %scan3A_15 = arith.addi %scan3A_13, %scan3A_14 : i32
    %scan3A_16 = arith.constant 1 : i32
    %scan3A_17 = scf.for %scan3A_27 = %scan3A_13 to %scan3A_15 step %scan3A_16 iter_args(%scan3A_28 = %scan3A) -> (i32)  : i32 {
      %mul3A_29 = arith.constant 16 : i32
      %mul3A_30 = arith.muli %scan3A_27, %mul3A_29 : i32
      "tpu.region"() ({
        %run_scoped3A_271 = tpu.sem_alloc : memref<!tpu.dma_semaphore, #tpu.memory_space<semaphore_mem>>
        %dma_start3A_272 = arith.constant 0 : i32
        %dma_start3A_273 = tpu.memref_slice %arg3[%add3A, %mul3A_30, %dma_start3A_272] : memref<32x80x128xi32, #tpu.memory_space<hbm>> -> memref<1x16x128xi32, #tpu.memory_space<hbm>>
        %dma_start3A_274 = tpu.memref_squeeze %dma_start3A_273 : memref<1x16x128xi32, #tpu.memory_space<hbm>> -> memref<16x128xi32, #tpu.memory_space<hbm>>
        %dma_start3A_275 = arith.constant 0 : i32
        %dma_start3A_276 = tpu.memref_slice %arg3[%add3A, %mul3A_30, %dma_start3A_275] : memref<32x80x128xi32, #tpu.memory_space<hbm>> -> memref<1x16x128xi32, #tpu.memory_space<hbm>>
        %dma_start3A_277 = tpu.memref_squeeze %dma_start3A_276 : memref<1x16x128xi32, #tpu.memory_space<hbm>> -> memref<16x128xi32, #tpu.memory_space<hbm>>
        tpu.enqueue_dma source(%dma_start3A_277 : memref<16x128xi32, #tpu.memory_space<hbm>>) target(%arg7 : memref<16x128xi32, #tpu.memory_space<vmem>>) target_semaphore(%run_scoped3A_271 : memref<!tpu.dma_semaphore, #tpu.memory_space<semaphore_mem>>)
        %dma_wait3A_278 = arith.constant 0 : i32
        %dma_wait3A_279 = tpu.memref_slice %arg3[%add3A, %mul3A_30, %dma_wait3A_278] : memref<32x80x128xi32, #tpu.memory_space<hbm>> -> memref<1x16x128xi32, #tpu.memory_space<hbm>>
        %dma_wait3A_280 = tpu.memref_squeeze %dma_wait3A_279 : memref<1x16x128xi32, #tpu.memory_space<hbm>> -> memref<16x128xi32, #tpu.memory_space<hbm>>
        %dma_wait3A_281 = arith.constant 0 : i32
        %dma_wait3A_282 = tpu.memref_slice %arg3[%add3A, %mul3A_30, %dma_wait3A_281] : memref<32x80x128xi32, #tpu.memory_space<hbm>> -> memref<1x16x128xi32, #tpu.memory_space<hbm>>
        %dma_wait3A_283 = tpu.memref_squeeze %dma_wait3A_282 : memref<1x16x128xi32, #tpu.memory_space<hbm>> -> memref<16x128xi32, #tpu.memory_space<hbm>>
        tpu.wait_dma2 semaphore(%run_scoped3A_271 : memref<!tpu.dma_semaphore, #tpu.memory_space<semaphore_mem>>) src(%dma_wait3A_283 : memref<16x128xi32, #tpu.memory_space<hbm>>) dst(%arg7 : memref<16x128xi32, #tpu.memory_space<vmem>>)
        tpu.yield
      }) : () -> ()
      %mul3A_31 = arith.constant 16 : i32
      %mul3A_32 = arith.muli %scan3A_27, %mul3A_31 : i32
      "tpu.region"() ({
        %run_scoped3A_271 = tpu.sem_alloc : memref<!tpu.dma_semaphore, #tpu.memory_space<semaphore_mem>>
        %dma_start3A_272 = arith.constant 0 : i32
        %dma_start3A_273 = tpu.memref_slice %arg4[%add3A, %mul3A_32, %dma_start3A_272] : memref<32x80x128xi32, #tpu.memory_space<hbm>> -> memref<1x16x128xi32, #tpu.memory_space<hbm>>
        %dma_start3A_274 = tpu.memref_squeeze %dma_start3A_273 : memref<1x16x128xi32, #tpu.memory_space<hbm>> -> memref<16x128xi32, #tpu.memory_space<hbm>>
        %dma_start3A_275 = arith.constant 0 : i32
        %dma_start3A_276 = tpu.memref_slice %arg4[%add3A, %mul3A_32, %dma_start3A_275] : memref<32x80x128xi32, #tpu.memory_space<hbm>> -> memref<1x16x128xi32, #tpu.memory_space<hbm>>
        %dma_start3A_277 = tpu.memref_squeeze %dma_start3A_276 : memref<1x16x128xi32, #tpu.memory_space<hbm>> -> memref<16x128xi32, #tpu.memory_space<hbm>>
        tpu.enqueue_dma source(%dma_start3A_277 : memref<16x128xi32, #tpu.memory_space<hbm>>) target(%arg8 : memref<16x128xi32, #tpu.memory_space<vmem>>) target_semaphore(%run_scoped3A_271 : memref<!tpu.dma_semaphore, #tpu.memory_space<semaphore_mem>>)
        %dma_wait3A_278 = arith.constant 0 : i32
        %dma_wait3A_279 = tpu.memref_slice %arg4[%add3A, %mul3A_32, %dma_wait3A_278] : memref<32x80x128xi32, #tpu.memory_space<hbm>> -> memref<1x16x128xi32, #tpu.memory_space<hbm>>
        %dma_wait3A_280 = tpu.memref_squeeze %dma_wait3A_279 : memref<1x16x128xi32, #tpu.memory_space<hbm>> -> memref<16x128xi32, #tpu.memory_space<hbm>>
        %dma_wait3A_281 = arith.constant 0 : i32
        %dma_wait3A_282 = tpu.memref_slice %arg4[%add3A, %mul3A_32, %dma_wait3A_281] : memref<32x80x128xi32, #tpu.memory_space<hbm>> -> memref<1x16x128xi32, #tpu.memory_space<hbm>>
        %dma_wait3A_283 = tpu.memref_squeeze %dma_wait3A_282 : memref<1x16x128xi32, #tpu.memory_space<hbm>> -> memref<16x128xi32, #tpu.memory_space<hbm>>
        tpu.wait_dma2 semaphore(%run_scoped3A_271 : memref<!tpu.dma_semaphore, #tpu.memory_space<semaphore_mem>>) src(%dma_wait3A_283 : memref<16x128xi32, #tpu.memory_space<hbm>>) dst(%arg8 : memref<16x128xi32, #tpu.memory_space<vmem>>)
        tpu.yield
      }) : () -> ()
      %dma_start3A = arith.constant 0 : i32
      %dma_start3A_33 = arith.constant 0 : i32
      %dma_start3A_34 = tpu.memref_slice %arg7[%dma_start3A, %dma_start3A_33] : memref<16x128xi32, #tpu.memory_space<vmem>> -> memref<1x128xi32, #tpu.memory_space<vmem>>
      %dma_start3A_35 = tpu.memref_squeeze %dma_start3A_34 : memref<1x128xi32, #tpu.memory_space<vmem>> -> memref<128xi32, #tpu.memory_space<vmem>>
      %dma_start3A_36 = arith.constant 0 : i32
      %dma_start3A_37 = arith.constant 0 : i32
      %dma_start3A_38 = tpu.memref_slice %arg2[%dma_start3A_36, %dma_start3A_37] : memref<10240x128xf32, #tpu.memory_space<hbm>> -> memref<10240x128xf32, #tpu.memory_space<hbm>>
      tpu.enqueue_indirect_dma source(%dma_start3A_38 : memref<10240x128xf32, #tpu.memory_space<hbm>>) target(%arg9 : memref<128x128xf32, #tpu.memory_space<vmem>>) offsets(%dma_start3A_35 : memref<128xi32, #tpu.memory_space<vmem>>) semaphore(%arg12 : memref<!tpu.dma_semaphore, #tpu.memory_space<semaphore_mem>>)
      %dma_start3A_39 = arith.constant 1 : i32
      %dma_start3A_40 = arith.constant 0 : i32
      %dma_start3A_41 = tpu.memref_slice %arg7[%dma_start3A_39, %dma_start3A_40] : memref<16x128xi32, #tpu.memory_space<vmem>> -> memref<1x128xi32, #tpu.memory_space<vmem>>
      %dma_start3A_42 = tpu.memref_squeeze %dma_start3A_41 : memref<1x128xi32, #tpu.memory_space<vmem>> -> memref<128xi32, #tpu.memory_space<vmem>>
      %dma_start3A_43 = arith.constant 0 : i32
      %dma_start3A_44 = arith.constant 0 : i32
      %dma_start3A_45 = tpu.memref_slice %arg2[%dma_start3A_43, %dma_start3A_44] : memref<10240x128xf32, #tpu.memory_space<hbm>> -> memref<10240x128xf32, #tpu.memory_space<hbm>>
      tpu.enqueue_indirect_dma source(%dma_start3A_45 : memref<10240x128xf32, #tpu.memory_space<hbm>>) target(%arg10 : memref<128x128xf32, #tpu.memory_space<vmem>>) offsets(%dma_start3A_42 : memref<128xi32, #tpu.memory_space<vmem>>) semaphore(%arg13 : memref<!tpu.dma_semaphore, #tpu.memory_space<semaphore_mem>>)
      %dma_wait3A = arith.constant 0 : i32
      %dma_wait3A_46 = arith.constant 0 : i32
      %dma_wait3A_47 = tpu.memref_slice %arg7[%dma_wait3A, %dma_wait3A_46] : memref<16x128xi32, #tpu.memory_space<vmem>> -> memref<1x128xi32, #tpu.memory_space<vmem>>
      %dma_wait3A_48 = tpu.memref_squeeze %dma_wait3A_47 : memref<1x128xi32, #tpu.memory_space<vmem>> -> memref<128xi32, #tpu.memory_space<vmem>>
      %dma_wait3A_49 = arith.constant 0 : i32
      %dma_wait3A_50 = arith.constant 0 : i32
      %dma_wait3A_51 = tpu.memref_slice %arg2[%dma_wait3A_49, %dma_wait3A_50] : memref<10240x128xf32, #tpu.memory_space<hbm>> -> memref<10240x128xf32, #tpu.memory_space<hbm>>
      tpu.wait_indirect_dma semaphore(%arg12 : memref<!tpu.dma_semaphore, #tpu.memory_space<semaphore_mem>>) src(%dma_wait3A_51 : memref<10240x128xf32, #tpu.memory_space<hbm>>) dst(%arg9 : memref<128x128xf32, #tpu.memory_space<vmem>>)
      %run_scoped3A = arith.constant 0 : i32
      "tpu.region"() ({
        %run_scoped3A_271 = tpu.sem_alloc : memref<!tpu.dma_semaphore, #tpu.memory_space<semaphore_mem>>
        %dma_start3A_272 = arith.constant 0 : i32
        %dma_start3A_273 = tpu.memref_slice %arg8[%run_scoped3A, %dma_start3A_272] : memref<16x128xi32, #tpu.memory_space<vmem>> -> memref<1x128xi32, #tpu.memory_space<vmem>>
        %dma_start3A_274 = tpu.memref_squeeze %dma_start3A_273 : memref<1x128xi32, #tpu.memory_space<vmem>> -> memref<128xi32, #tpu.memory_space<vmem>>
        %dma_start3A_275 = arith.constant 0 : i32
        %dma_start3A_276 = arith.constant 0 : i32
        %dma_start3A_277 = tpu.memref_slice %arg11[%dma_start3A_275, %dma_start3A_276] : memref<10240x128xf32, #tpu.memory_space<vmem_shared>> -> memref<10240x128xf32, #tpu.memory_space<vmem_shared>>
        tpu.enqueue_indirect_dma source(%arg9 : memref<128x128xf32, #tpu.memory_space<vmem>>) target(%dma_start3A_277 : memref<10240x128xf32, #tpu.memory_space<vmem_shared>>) offsets(%dma_start3A_274 : memref<128xi32, #tpu.memory_space<vmem>>) semaphore(%run_scoped3A_271 : memref<!tpu.dma_semaphore, #tpu.memory_space<semaphore_mem>>) {add = true}
        %dma_wait3A_278 = arith.constant 0 : i32
        %dma_wait3A_279 = tpu.memref_slice %arg8[%run_scoped3A, %dma_wait3A_278] : memref<16x128xi32, #tpu.memory_space<vmem>> -> memref<1x128xi32, #tpu.memory_space<vmem>>
        %dma_wait3A_280 = tpu.memref_squeeze %dma_wait3A_279 : memref<1x128xi32, #tpu.memory_space<vmem>> -> memref<128xi32, #tpu.memory_space<vmem>>
        %dma_wait3A_281 = arith.constant 0 : i32
        %dma_wait3A_282 = arith.constant 0 : i32
        %dma_wait3A_283 = tpu.memref_slice %arg11[%dma_wait3A_281, %dma_wait3A_282] : memref<10240x128xf32, #tpu.memory_space<vmem_shared>> -> memref<10240x128xf32, #tpu.memory_space<vmem_shared>>
        tpu.wait_indirect_dma semaphore(%run_scoped3A_271 : memref<!tpu.dma_semaphore, #tpu.memory_space<semaphore_mem>>) src(%arg9 : memref<128x128xf32, #tpu.memory_space<vmem>>) dst(%dma_wait3A_283 : memref<10240x128xf32, #tpu.memory_space<vmem_shared>>)
        tpu.yield
      }) : () -> ()
      %dma_start3A_52 = arith.constant 2 : i32
      %dma_start3A_53 = arith.constant 0 : i32
      %dma_start3A_54 = tpu.memref_slice %arg7[%dma_start3A_52, %dma_start3A_53] : memref<16x128xi32, #tpu.memory_space<vmem>> -> memref<1x128xi32, #tpu.memory_space<vmem>>
      %dma_start3A_55 = tpu.memref_squeeze %dma_start3A_54 : memref<1x128xi32, #tpu.memory_space<vmem>> -> memref<128xi32, #tpu.memory_space<vmem>>
      %dma_start3A_56 = arith.constant 0 : i32
      %dma_start3A_57 = arith.constant 0 : i32
      %dma_start3A_58 = tpu.memref_slice %arg2[%dma_start3A_56, %dma_start3A_57] : memref<10240x128xf32, #tpu.memory_space<hbm>> -> memref<10240x128xf32, #tpu.memory_space<hbm>>
      tpu.enqueue_indirect_dma source(%dma_start3A_58 : memref<10240x128xf32, #tpu.memory_space<hbm>>) target(%arg9 : memref<128x128xf32, #tpu.memory_space<vmem>>) offsets(%dma_start3A_55 : memref<128xi32, #tpu.memory_space<vmem>>) semaphore(%arg12 : memref<!tpu.dma_semaphore, #tpu.memory_space<semaphore_mem>>)
      %dma_wait3A_59 = arith.constant 1 : i32
      %dma_wait3A_60 = arith.constant 0 : i32
      %dma_wait3A_61 = tpu.memref_slice %arg7[%dma_wait3A_59, %dma_wait3A_60] : memref<16x128xi32, #tpu.memory_space<vmem>> -> memref<1x128xi32, #tpu.memory_space<vmem>>
      %dma_wait3A_62 = tpu.memref_squeeze %dma_wait3A_61 : memref<1x128xi32, #tpu.memory_space<vmem>> -> memref<128xi32, #tpu.memory_space<vmem>>
      %dma_wait3A_63 = arith.constant 0 : i32
      %dma_wait3A_64 = arith.constant 0 : i32
      %dma_wait3A_65 = tpu.memref_slice %arg2[%dma_wait3A_63, %dma_wait3A_64] : memref<10240x128xf32, #tpu.memory_space<hbm>> -> memref<10240x128xf32, #tpu.memory_space<hbm>>
      tpu.wait_indirect_dma semaphore(%arg13 : memref<!tpu.dma_semaphore, #tpu.memory_space<semaphore_mem>>) src(%dma_wait3A_65 : memref<10240x128xf32, #tpu.memory_space<hbm>>) dst(%arg10 : memref<128x128xf32, #tpu.memory_space<vmem>>)
      %run_scoped3A_66 = arith.constant 1 : i32
      "tpu.region"() ({
        %run_scoped3A_271 = tpu.sem_alloc : memref<!tpu.dma_semaphore, #tpu.memory_space<semaphore_mem>>
        %dma_start3A_272 = arith.constant 0 : i32
        %dma_start3A_273 = tpu.memref_slice %arg8[%run_scoped3A_66, %dma_start3A_272] : memref<16x128xi32, #tpu.memory_space<vmem>> -> memref<1x128xi32, #tpu.memory_space<vmem>>
        %dma_start3A_274 = tpu.memref_squeeze %dma_start3A_273 : memref<1x128xi32, #tpu.memory_space<vmem>> -> memref<128xi32, #tpu.memory_space<vmem>>
        %dma_start3A_275 = arith.constant 0 : i32
        %dma_start3A_276 = arith.constant 0 : i32
        %dma_start3A_277 = tpu.memref_slice %arg11[%dma_start3A_275, %dma_start3A_276] : memref<10240x128xf32, #tpu.memory_space<vmem_shared>> -> memref<10240x128xf32, #tpu.memory_space<vmem_shared>>
        tpu.enqueue_indirect_dma source(%arg10 : memref<128x128xf32, #tpu.memory_space<vmem>>) target(%dma_start3A_277 : memref<10240x128xf32, #tpu.memory_space<vmem_shared>>) offsets(%dma_start3A_274 : memref<128xi32, #tpu.memory_space<vmem>>) semaphore(%run_scoped3A_271 : memref<!tpu.dma_semaphore, #tpu.memory_space<semaphore_mem>>) {add = true}
        %dma_wait3A_278 = arith.constant 0 : i32
        %dma_wait3A_279 = tpu.memref_slice %arg8[%run_scoped3A_66, %dma_wait3A_278] : memref<16x128xi32, #tpu.memory_space<vmem>> -> memref<1x128xi32, #tpu.memory_space<vmem>>
        %dma_wait3A_280 = tpu.memref_squeeze %dma_wait3A_279 : memref<1x128xi32, #tpu.memory_space<vmem>> -> memref<128xi32, #tpu.memory_space<vmem>>
        %dma_wait3A_281 = arith.constant 0 : i32
        %dma_wait3A_282 = arith.constant 0 : i32
        %dma_wait3A_283 = tpu.memref_slice %arg11[%dma_wait3A_281, %dma_wait3A_282] : memref<10240x128xf32, #tpu.memory_space<vmem_shared>> -> memref<10240x128xf32, #tpu.memory_space<vmem_shared>>
        tpu.wait_indirect_dma semaphore(%run_scoped3A_271 : memref<!tpu.dma_semaphore, #tpu.memory_space<semaphore_mem>>) src(%arg10 : memref<128x128xf32, #tpu.memory_space<vmem>>) dst(%dma_wait3A_283 : memref<10240x128xf32, #tpu.memory_space<vmem_shared>>)
        tpu.yield
      }) : () -> ()
      %dma_start3A_67 = arith.constant 3 : i32
      %dma_start3A_68 = arith.constant 0 : i32
      %dma_start3A_69 = tpu.memref_slice %arg7[%dma_start3A_67, %dma_start3A_68] : memref<16x128xi32, #tpu.memory_space<vmem>> -> memref<1x128xi32, #tpu.memory_space<vmem>>
      %dma_start3A_70 = tpu.memref_squeeze %dma_start3A_69 : memref<1x128xi32, #tpu.memory_space<vmem>> -> memref<128xi32, #tpu.memory_space<vmem>>
      %dma_start3A_71 = arith.constant 0 : i32
      %dma_start3A_72 = arith.constant 0 : i32
      %dma_start3A_73 = tpu.memref_slice %arg2[%dma_start3A_71, %dma_start3A_72] : memref<10240x128xf32, #tpu.memory_space<hbm>> -> memref<10240x128xf32, #tpu.memory_space<hbm>>
      tpu.enqueue_indirect_dma source(%dma_start3A_73 : memref<10240x128xf32, #tpu.memory_space<hbm>>) target(%arg10 : memref<128x128xf32, #tpu.memory_space<vmem>>) offsets(%dma_start3A_70 : memref<128xi32, #tpu.memory_space<vmem>>) semaphore(%arg13 : memref<!tpu.dma_semaphore, #tpu.memory_space<semaphore_mem>>)
      %dma_wait3A_74 = arith.constant 2 : i32
      %dma_wait3A_75 = arith.constant 0 : i32
      %dma_wait3A_76 = tpu.memref_slice %arg7[%dma_wait3A_74, %dma_wait3A_75] : memref<16x128xi32, #tpu.memory_space<vmem>> -> memref<1x128xi32, #tpu.memory_space<vmem>>
      %dma_wait3A_77 = tpu.memref_squeeze %dma_wait3A_76 : memref<1x128xi32, #tpu.memory_space<vmem>> -> memref<128xi32, #tpu.memory_space<vmem>>
      %dma_wait3A_78 = arith.constant 0 : i32
      %dma_wait3A_79 = arith.constant 0 : i32
      %dma_wait3A_80 = tpu.memref_slice %arg2[%dma_wait3A_78, %dma_wait3A_79] : memref<10240x128xf32, #tpu.memory_space<hbm>> -> memref<10240x128xf32, #tpu.memory_space<hbm>>
      tpu.wait_indirect_dma semaphore(%arg12 : memref<!tpu.dma_semaphore, #tpu.memory_space<semaphore_mem>>) src(%dma_wait3A_80 : memref<10240x128xf32, #tpu.memory_space<hbm>>) dst(%arg9 : memref<128x128xf32, #tpu.memory_space<vmem>>)
      %run_scoped3A_81 = arith.constant 2 : i32
      "tpu.region"() ({
        %run_scoped3A_271 = tpu.sem_alloc : memref<!tpu.dma_semaphore, #tpu.memory_space<semaphore_mem>>
        %dma_start3A_272 = arith.constant 0 : i32
        %dma_start3A_273 = tpu.memref_slice %arg8[%run_scoped3A_81, %dma_start3A_272] : memref<16x128xi32, #tpu.memory_space<vmem>> -> memref<1x128xi32, #tpu.memory_space<vmem>>
        %dma_start3A_274 = tpu.memref_squeeze %dma_start3A_273 : memref<1x128xi32, #tpu.memory_space<vmem>> -> memref<128xi32, #tpu.memory_space<vmem>>
        %dma_start3A_275 = arith.constant 0 : i32
        %dma_start3A_276 = arith.constant 0 : i32
        %dma_start3A_277 = tpu.memref_slice %arg11[%dma_start3A_275, %dma_start3A_276] : memref<10240x128xf32, #tpu.memory_space<vmem_shared>> -> memref<10240x128xf32, #tpu.memory_space<vmem_shared>>
        tpu.enqueue_indirect_dma source(%arg9 : memref<128x128xf32, #tpu.memory_space<vmem>>) target(%dma_start3A_277 : memref<10240x128xf32, #tpu.memory_space<vmem_shared>>) offsets(%dma_start3A_274 : memref<128xi32, #tpu.memory_space<vmem>>) semaphore(%run_scoped3A_271 : memref<!tpu.dma_semaphore, #tpu.memory_space<semaphore_mem>>) {add = true}
        %dma_wait3A_278 = arith.constant 0 : i32
        %dma_wait3A_279 = tpu.memref_slice %arg8[%run_scoped3A_81, %dma_wait3A_278] : memref<16x128xi32, #tpu.memory_space<vmem>> -> memref<1x128xi32, #tpu.memory_space<vmem>>
        %dma_wait3A_280 = tpu.memref_squeeze %dma_wait3A_279 : memref<1x128xi32, #tpu.memory_space<vmem>> -> memref<128xi32, #tpu.memory_space<vmem>>
        %dma_wait3A_281 = arith.constant 0 : i32
        %dma_wait3A_282 = arith.constant 0 : i32
        %dma_wait3A_283 = tpu.memref_slice %arg11[%dma_wait3A_281, %dma_wait3A_282] : memref<10240x128xf32, #tpu.memory_space<vmem_shared>> -> memref<10240x128xf32, #tpu.memory_space<vmem_shared>>
        tpu.wait_indirect_dma semaphore(%run_scoped3A_271 : memref<!tpu.dma_semaphore, #tpu.memory_space<semaphore_mem>>) src(%arg9 : memref<128x128xf32, #tpu.memory_space<vmem>>) dst(%dma_wait3A_283 : memref<10240x128xf32, #tpu.memory_space<vmem_shared>>)
        tpu.yield
      }) : () -> ()
      %dma_start3A_82 = arith.constant 4 : i32
      %dma_start3A_83 = arith.constant 0 : i32
      %dma_start3A_84 = tpu.memref_slice %arg7[%dma_start3A_82, %dma_start3A_83] : memref<16x128xi32, #tpu.memory_space<vmem>> -> memref<1x128xi32, #tpu.memory_space<vmem>>
      %dma_start3A_85 = tpu.memref_squeeze %dma_start3A_84 : memref<1x128xi32, #tpu.memory_space<vmem>> -> memref<128xi32, #tpu.memory_space<vmem>>
      %dma_start3A_86 = arith.constant 0 : i32
      %dma_start3A_87 = arith.constant 0 : i32
      %dma_start3A_88 = tpu.memref_slice %arg2[%dma_start3A_86, %dma_start3A_87] : memref<10240x128xf32, #tpu.memory_space<hbm>> -> memref<10240x128xf32, #tpu.memory_space<hbm>>
      tpu.enqueue_indirect_dma source(%dma_start3A_88 : memref<10240x128xf32, #tpu.memory_space<hbm>>) target(%arg9 : memref<128x128xf32, #tpu.memory_space<vmem>>) offsets(%dma_start3A_85 : memref<128xi32, #tpu.memory_space<vmem>>) semaphore(%arg12 : memref<!tpu.dma_semaphore, #tpu.memory_space<semaphore_mem>>)
      %dma_wait3A_89 = arith.constant 3 : i32
      %dma_wait3A_90 = arith.constant 0 : i32
      %dma_wait3A_91 = tpu.memref_slice %arg7[%dma_wait3A_89, %dma_wait3A_90] : memref<16x128xi32, #tpu.memory_space<vmem>> -> memref<1x128xi32, #tpu.memory_space<vmem>>
      %dma_wait3A_92 = tpu.memref_squeeze %dma_wait3A_91 : memref<1x128xi32, #tpu.memory_space<vmem>> -> memref<128xi32, #tpu.memory_space<vmem>>
      %dma_wait3A_93 = arith.constant 0 : i32
      %dma_wait3A_94 = arith.constant 0 : i32
      %dma_wait3A_95 = tpu.memref_slice %arg2[%dma_wait3A_93, %dma_wait3A_94] : memref<10240x128xf32, #tpu.memory_space<hbm>> -> memref<10240x128xf32, #tpu.memory_space<hbm>>
      tpu.wait_indirect_dma semaphore(%arg13 : memref<!tpu.dma_semaphore, #tpu.memory_space<semaphore_mem>>) src(%dma_wait3A_95 : memref<10240x128xf32, #tpu.memory_space<hbm>>) dst(%arg10 : memref<128x128xf32, #tpu.memory_space<vmem>>)
      %run_scoped3A_96 = arith.constant 3 : i32
      "tpu.region"() ({
        %run_scoped3A_271 = tpu.sem_alloc : memref<!tpu.dma_semaphore, #tpu.memory_space<semaphore_mem>>
        %dma_start3A_272 = arith.constant 0 : i32
        %dma_start3A_273 = tpu.memref_slice %arg8[%run_scoped3A_96, %dma_start3A_272] : memref<16x128xi32, #tpu.memory_space<vmem>> -> memref<1x128xi32, #tpu.memory_space<vmem>>
        %dma_start3A_274 = tpu.memref_squeeze %dma_start3A_273 : memref<1x128xi32, #tpu.memory_space<vmem>> -> memref<128xi32, #tpu.memory_space<vmem>>
        %dma_start3A_275 = arith.constant 0 : i32
        %dma_start3A_276 = arith.constant 0 : i32
        %dma_start3A_277 = tpu.memref_slice %arg11[%dma_start3A_275, %dma_start3A_276] : memref<10240x128xf32, #tpu.memory_space<vmem_shared>> -> memref<10240x128xf32, #tpu.memory_space<vmem_shared>>
        tpu.enqueue_indirect_dma source(%arg10 : memref<128x128xf32, #tpu.memory_space<vmem>>) target(%dma_start3A_277 : memref<10240x128xf32, #tpu.memory_space<vmem_shared>>) offsets(%dma_start3A_274 : memref<128xi32, #tpu.memory_space<vmem>>) semaphore(%run_scoped3A_271 : memref<!tpu.dma_semaphore, #tpu.memory_space<semaphore_mem>>) {add = true}
        %dma_wait3A_278 = arith.constant 0 : i32
        %dma_wait3A_279 = tpu.memref_slice %arg8[%run_scoped3A_96, %dma_wait3A_278] : memref<16x128xi32, #tpu.memory_space<vmem>> -> memref<1x128xi32, #tpu.memory_space<vmem>>
        %dma_wait3A_280 = tpu.memref_squeeze %dma_wait3A_279 : memref<1x128xi32, #tpu.memory_space<vmem>> -> memref<128xi32, #tpu.memory_space<vmem>>
        %dma_wait3A_281 = arith.constant 0 : i32
        %dma_wait3A_282 = arith.constant 0 : i32
        %dma_wait3A_283 = tpu.memref_slice %arg11[%dma_wait3A_281, %dma_wait3A_282] : memref<10240x128xf32, #tpu.memory_space<vmem_shared>> -> memref<10240x128xf32, #tpu.memory_space<vmem_shared>>
        tpu.wait_indirect_dma semaphore(%run_scoped3A_271 : memref<!tpu.dma_semaphore, #tpu.memory_space<semaphore_mem>>) src(%arg10 : memref<128x128xf32, #tpu.memory_space<vmem>>) dst(%dma_wait3A_283 : memref<10240x128xf32, #tpu.memory_space<vmem_shared>>)
        tpu.yield
      }) : () -> ()
      %dma_start3A_97 = arith.constant 5 : i32
      %dma_start3A_98 = arith.constant 0 : i32
      %dma_start3A_99 = tpu.memref_slice %arg7[%dma_start3A_97, %dma_start3A_98] : memref<16x128xi32, #tpu.memory_space<vmem>> -> memref<1x128xi32, #tpu.memory_space<vmem>>
      %dma_start3A_100 = tpu.memref_squeeze %dma_start3A_99 : memref<1x128xi32, #tpu.memory_space<vmem>> -> memref<128xi32, #tpu.memory_space<vmem>>
      %dma_start3A_101 = arith.constant 0 : i32
      %dma_start3A_102 = arith.constant 0 : i32
      %dma_start3A_103 = tpu.memref_slice %arg2[%dma_start3A_101, %dma_start3A_102] : memref<10240x128xf32, #tpu.memory_space<hbm>> -> memref<10240x128xf32, #tpu.memory_space<hbm>>
      tpu.enqueue_indirect_dma source(%dma_start3A_103 : memref<10240x128xf32, #tpu.memory_space<hbm>>) target(%arg10 : memref<128x128xf32, #tpu.memory_space<vmem>>) offsets(%dma_start3A_100 : memref<128xi32, #tpu.memory_space<vmem>>) semaphore(%arg13 : memref<!tpu.dma_semaphore, #tpu.memory_space<semaphore_mem>>)
      %dma_wait3A_104 = arith.constant 4 : i32
      %dma_wait3A_105 = arith.constant 0 : i32
      %dma_wait3A_106 = tpu.memref_slice %arg7[%dma_wait3A_104, %dma_wait3A_105] : memref<16x128xi32, #tpu.memory_space<vmem>> -> memref<1x128xi32, #tpu.memory_space<vmem>>
      %dma_wait3A_107 = tpu.memref_squeeze %dma_wait3A_106 : memref<1x128xi32, #tpu.memory_space<vmem>> -> memref<128xi32, #tpu.memory_space<vmem>>
      %dma_wait3A_108 = arith.constant 0 : i32
      %dma_wait3A_109 = arith.constant 0 : i32
      %dma_wait3A_110 = tpu.memref_slice %arg2[%dma_wait3A_108, %dma_wait3A_109] : memref<10240x128xf32, #tpu.memory_space<hbm>> -> memref<10240x128xf32, #tpu.memory_space<hbm>>
      tpu.wait_indirect_dma semaphore(%arg12 : memref<!tpu.dma_semaphore, #tpu.memory_space<semaphore_mem>>) src(%dma_wait3A_110 : memref<10240x128xf32, #tpu.memory_space<hbm>>) dst(%arg9 : memref<128x128xf32, #tpu.memory_space<vmem>>)
      %run_scoped3A_111 = arith.constant 4 : i32
      "tpu.region"() ({
        %run_scoped3A_271 = tpu.sem_alloc : memref<!tpu.dma_semaphore, #tpu.memory_space<semaphore_mem>>
        %dma_start3A_272 = arith.constant 0 : i32
        %dma_start3A_273 = tpu.memref_slice %arg8[%run_scoped3A_111, %dma_start3A_272] : memref<16x128xi32, #tpu.memory_space<vmem>> -> memref<1x128xi32, #tpu.memory_space<vmem>>
        %dma_start3A_274 = tpu.memref_squeeze %dma_start3A_273 : memref<1x128xi32, #tpu.memory_space<vmem>> -> memref<128xi32, #tpu.memory_space<vmem>>
        %dma_start3A_275 = arith.constant 0 : i32
        %dma_start3A_276 = arith.constant 0 : i32
        %dma_start3A_277 = tpu.memref_slice %arg11[%dma_start3A_275, %dma_start3A_276] : memref<10240x128xf32, #tpu.memory_space<vmem_shared>> -> memref<10240x128xf32, #tpu.memory_space<vmem_shared>>
        tpu.enqueue_indirect_dma source(%arg9 : memref<128x128xf32, #tpu.memory_space<vmem>>) target(%dma_start3A_277 : memref<10240x128xf32, #tpu.memory_space<vmem_shared>>) offsets(%dma_start3A_274 : memref<128xi32, #tpu.memory_space<vmem>>) semaphore(%run_scoped3A_271 : memref<!tpu.dma_semaphore, #tpu.memory_space<semaphore_mem>>) {add = true}
        %dma_wait3A_278 = arith.constant 0 : i32
        %dma_wait3A_279 = tpu.memref_slice %arg8[%run_scoped3A_111, %dma_wait3A_278] : memref<16x128xi32, #tpu.memory_space<vmem>> -> memref<1x128xi32, #tpu.memory_space<vmem>>
        %dma_wait3A_280 = tpu.memref_squeeze %dma_wait3A_279 : memref<1x128xi32, #tpu.memory_space<vmem>> -> memref<128xi32, #tpu.memory_space<vmem>>
        %dma_wait3A_281 = arith.constant 0 : i32
        %dma_wait3A_282 = arith.constant 0 : i32
        %dma_wait3A_283 = tpu.memref_slice %arg11[%dma_wait3A_281, %dma_wait3A_282] : memref<10240x128xf32, #tpu.memory_space<vmem_shared>> -> memref<10240x128xf32, #tpu.memory_space<vmem_shared>>
        tpu.wait_indirect_dma semaphore(%run_scoped3A_271 : memref<!tpu.dma_semaphore, #tpu.memory_space<semaphore_mem>>) src(%arg9 : memref<128x128xf32, #tpu.memory_space<vmem>>) dst(%dma_wait3A_283 : memref<10240x128xf32, #tpu.memory_space<vmem_shared>>)
        tpu.yield
      }) : () -> ()
      %dma_start3A_112 = arith.constant 6 : i32
      %dma_start3A_113 = arith.constant 0 : i32
      %dma_start3A_114 = tpu.memref_slice %arg7[%dma_start3A_112, %dma_start3A_113] : memref<16x128xi32, #tpu.memory_space<vmem>> -> memref<1x128xi32, #tpu.memory_space<vmem>>
      %dma_start3A_115 = tpu.memref_squeeze %dma_start3A_114 : memref<1x128xi32, #tpu.memory_space<vmem>> -> memref<128xi32, #tpu.memory_space<vmem>>
      %dma_start3A_116 = arith.constant 0 : i32
      %dma_start3A_117 = arith.constant 0 : i32
      %dma_start3A_118 = tpu.memref_slice %arg2[%dma_start3A_116, %dma_start3A_117] : memref<10240x128xf32, #tpu.memory_space<hbm>> -> memref<10240x128xf32, #tpu.memory_space<hbm>>
      tpu.enqueue_indirect_dma source(%dma_start3A_118 : memref<10240x128xf32, #tpu.memory_space<hbm>>) target(%arg9 : memref<128x128xf32, #tpu.memory_space<vmem>>) offsets(%dma_start3A_115 : memref<128xi32, #tpu.memory_space<vmem>>) semaphore(%arg12 : memref<!tpu.dma_semaphore, #tpu.memory_space<semaphore_mem>>)
      %dma_wait3A_119 = arith.constant 5 : i32
      %dma_wait3A_120 = arith.constant 0 : i32
      %dma_wait3A_121 = tpu.memref_slice %arg7[%dma_wait3A_119, %dma_wait3A_120] : memref<16x128xi32, #tpu.memory_space<vmem>> -> memref<1x128xi32, #tpu.memory_space<vmem>>
      %dma_wait3A_122 = tpu.memref_squeeze %dma_wait3A_121 : memref<1x128xi32, #tpu.memory_space<vmem>> -> memref<128xi32, #tpu.memory_space<vmem>>
      %dma_wait3A_123 = arith.constant 0 : i32
      %dma_wait3A_124 = arith.constant 0 : i32
      %dma_wait3A_125 = tpu.memref_slice %arg2[%dma_wait3A_123, %dma_wait3A_124] : memref<10240x128xf32, #tpu.memory_space<hbm>> -> memref<10240x128xf32, #tpu.memory_space<hbm>>
      tpu.wait_indirect_dma semaphore(%arg13 : memref<!tpu.dma_semaphore, #tpu.memory_space<semaphore_mem>>) src(%dma_wait3A_125 : memref<10240x128xf32, #tpu.memory_space<hbm>>) dst(%arg10 : memref<128x128xf32, #tpu.memory_space<vmem>>)
      %run_scoped3A_126 = arith.constant 5 : i32
      "tpu.region"() ({
        %run_scoped3A_271 = tpu.sem_alloc : memref<!tpu.dma_semaphore, #tpu.memory_space<semaphore_mem>>
        %dma_start3A_272 = arith.constant 0 : i32
        %dma_start3A_273 = tpu.memref_slice %arg8[%run_scoped3A_126, %dma_start3A_272] : memref<16x128xi32, #tpu.memory_space<vmem>> -> memref<1x128xi32, #tpu.memory_space<vmem>>
        %dma_start3A_274 = tpu.memref_squeeze %dma_start3A_273 : memref<1x128xi32, #tpu.memory_space<vmem>> -> memref<128xi32, #tpu.memory_space<vmem>>
        %dma_start3A_275 = arith.constant 0 : i32
        %dma_start3A_276 = arith.constant 0 : i32
        %dma_start3A_277 = tpu.memref_slice %arg11[%dma_start3A_275, %dma_start3A_276] : memref<10240x128xf32, #tpu.memory_space<vmem_shared>> -> memref<10240x128xf32, #tpu.memory_space<vmem_shared>>
        tpu.enqueue_indirect_dma source(%arg10 : memref<128x128xf32, #tpu.memory_space<vmem>>) target(%dma_start3A_277 : memref<10240x128xf32, #tpu.memory_space<vmem_shared>>) offsets(%dma_start3A_274 : memref<128xi32, #tpu.memory_space<vmem>>) semaphore(%run_scoped3A_271 : memref<!tpu.dma_semaphore, #tpu.memory_space<semaphore_mem>>) {add = true}
        %dma_wait3A_278 = arith.constant 0 : i32
        %dma_wait3A_279 = tpu.memref_slice %arg8[%run_scoped3A_126, %dma_wait3A_278] : memref<16x128xi32, #tpu.memory_space<vmem>> -> memref<1x128xi32, #tpu.memory_space<vmem>>
        %dma_wait3A_280 = tpu.memref_squeeze %dma_wait3A_279 : memref<1x128xi32, #tpu.memory_space<vmem>> -> memref<128xi32, #tpu.memory_space<vmem>>
        %dma_wait3A_281 = arith.constant 0 : i32
        %dma_wait3A_282 = arith.constant 0 : i32
        %dma_wait3A_283 = tpu.memref_slice %arg11[%dma_wait3A_281, %dma_wait3A_282] : memref<10240x128xf32, #tpu.memory_space<vmem_shared>> -> memref<10240x128xf32, #tpu.memory_space<vmem_shared>>
        tpu.wait_indirect_dma semaphore(%run_scoped3A_271 : memref<!tpu.dma_semaphore, #tpu.memory_space<semaphore_mem>>) src(%arg10 : memref<128x128xf32, #tpu.memory_space<vmem>>) dst(%dma_wait3A_283 : memref<10240x128xf32, #tpu.memory_space<vmem_shared>>)
        tpu.yield
      }) : () -> ()
      %dma_start3A_127 = arith.constant 7 : i32
      %dma_start3A_128 = arith.constant 0 : i32
      %dma_start3A_129 = tpu.memref_slice %arg7[%dma_start3A_127, %dma_start3A_128] : memref<16x128xi32, #tpu.memory_space<vmem>> -> memref<1x128xi32, #tpu.memory_space<vmem>>
      %dma_start3A_130 = tpu.memref_squeeze %dma_start3A_129 : memref<1x128xi32, #tpu.memory_space<vmem>> -> memref<128xi32, #tpu.memory_space<vmem>>
      %dma_start3A_131 = arith.constant 0 : i32
      %dma_start3A_132 = arith.constant 0 : i32
      %dma_start3A_133 = tpu.memref_slice %arg2[%dma_start3A_131, %dma_start3A_132] : memref<10240x128xf32, #tpu.memory_space<hbm>> -> memref<10240x128xf32, #tpu.memory_space<hbm>>
      tpu.enqueue_indirect_dma source(%dma_start3A_133 : memref<10240x128xf32, #tpu.memory_space<hbm>>) target(%arg10 : memref<128x128xf32, #tpu.memory_space<vmem>>) offsets(%dma_start3A_130 : memref<128xi32, #tpu.memory_space<vmem>>) semaphore(%arg13 : memref<!tpu.dma_semaphore, #tpu.memory_space<semaphore_mem>>)
      %dma_wait3A_134 = arith.constant 6 : i32
      %dma_wait3A_135 = arith.constant 0 : i32
      %dma_wait3A_136 = tpu.memref_slice %arg7[%dma_wait3A_134, %dma_wait3A_135] : memref<16x128xi32, #tpu.memory_space<vmem>> -> memref<1x128xi32, #tpu.memory_space<vmem>>
      %dma_wait3A_137 = tpu.memref_squeeze %dma_wait3A_136 : memref<1x128xi32, #tpu.memory_space<vmem>> -> memref<128xi32, #tpu.memory_space<vmem>>
      %dma_wait3A_138 = arith.constant 0 : i32
      %dma_wait3A_139 = arith.constant 0 : i32
      %dma_wait3A_140 = tpu.memref_slice %arg2[%dma_wait3A_138, %dma_wait3A_139] : memref<10240x128xf32, #tpu.memory_space<hbm>> -> memref<10240x128xf32, #tpu.memory_space<hbm>>
      tpu.wait_indirect_dma semaphore(%arg12 : memref<!tpu.dma_semaphore, #tpu.memory_space<semaphore_mem>>) src(%dma_wait3A_140 : memref<10240x128xf32, #tpu.memory_space<hbm>>) dst(%arg9 : memref<128x128xf32, #tpu.memory_space<vmem>>)
      %run_scoped3A_141 = arith.constant 6 : i32
      "tpu.region"() ({
        %run_scoped3A_271 = tpu.sem_alloc : memref<!tpu.dma_semaphore, #tpu.memory_space<semaphore_mem>>
        %dma_start3A_272 = arith.constant 0 : i32
        %dma_start3A_273 = tpu.memref_slice %arg8[%run_scoped3A_141, %dma_start3A_272] : memref<16x128xi32, #tpu.memory_space<vmem>> -> memref<1x128xi32, #tpu.memory_space<vmem>>
        %dma_start3A_274 = tpu.memref_squeeze %dma_start3A_273 : memref<1x128xi32, #tpu.memory_space<vmem>> -> memref<128xi32, #tpu.memory_space<vmem>>
        %dma_start3A_275 = arith.constant 0 : i32
        %dma_start3A_276 = arith.constant 0 : i32
        %dma_start3A_277 = tpu.memref_slice %arg11[%dma_start3A_275, %dma_start3A_276] : memref<10240x128xf32, #tpu.memory_space<vmem_shared>> -> memref<10240x128xf32, #tpu.memory_space<vmem_shared>>
        tpu.enqueue_indirect_dma source(%arg9 : memref<128x128xf32, #tpu.memory_space<vmem>>) target(%dma_start3A_277 : memref<10240x128xf32, #tpu.memory_space<vmem_shared>>) offsets(%dma_start3A_274 : memref<128xi32, #tpu.memory_space<vmem>>) semaphore(%run_scoped3A_271 : memref<!tpu.dma_semaphore, #tpu.memory_space<semaphore_mem>>) {add = true}
        %dma_wait3A_278 = arith.constant 0 : i32
        %dma_wait3A_279 = tpu.memref_slice %arg8[%run_scoped3A_141, %dma_wait3A_278] : memref<16x128xi32, #tpu.memory_space<vmem>> -> memref<1x128xi32, #tpu.memory_space<vmem>>
        %dma_wait3A_280 = tpu.memref_squeeze %dma_wait3A_279 : memref<1x128xi32, #tpu.memory_space<vmem>> -> memref<128xi32, #tpu.memory_space<vmem>>
        %dma_wait3A_281 = arith.constant 0 : i32
        %dma_wait3A_282 = arith.constant 0 : i32
        %dma_wait3A_283 = tpu.memref_slice %arg11[%dma_wait3A_281, %dma_wait3A_282] : memref<10240x128xf32, #tpu.memory_space<vmem_shared>> -> memref<10240x128xf32, #tpu.memory_space<vmem_shared>>
        tpu.wait_indirect_dma semaphore(%run_scoped3A_271 : memref<!tpu.dma_semaphore, #tpu.memory_space<semaphore_mem>>) src(%arg9 : memref<128x128xf32, #tpu.memory_space<vmem>>) dst(%dma_wait3A_283 : memref<10240x128xf32, #tpu.memory_space<vmem_shared>>)
        tpu.yield
      }) : () -> ()
      %dma_start3A_142 = arith.constant 8 : i32
      %dma_start3A_143 = arith.constant 0 : i32
      %dma_start3A_144 = tpu.memref_slice %arg7[%dma_start3A_142, %dma_start3A_143] : memref<16x128xi32, #tpu.memory_space<vmem>> -> memref<1x128xi32, #tpu.memory_space<vmem>>
      %dma_start3A_145 = tpu.memref_squeeze %dma_start3A_144 : memref<1x128xi32, #tpu.memory_space<vmem>> -> memref<128xi32, #tpu.memory_space<vmem>>
      %dma_start3A_146 = arith.constant 0 : i32
      %dma_start3A_147 = arith.constant 0 : i32
      %dma_start3A_148 = tpu.memref_slice %arg2[%dma_start3A_146, %dma_start3A_147] : memref<10240x128xf32, #tpu.memory_space<hbm>> -> memref<10240x128xf32, #tpu.memory_space<hbm>>
      tpu.enqueue_indirect_dma source(%dma_start3A_148 : memref<10240x128xf32, #tpu.memory_space<hbm>>) target(%arg9 : memref<128x128xf32, #tpu.memory_space<vmem>>) offsets(%dma_start3A_145 : memref<128xi32, #tpu.memory_space<vmem>>) semaphore(%arg12 : memref<!tpu.dma_semaphore, #tpu.memory_space<semaphore_mem>>)
      %dma_wait3A_149 = arith.constant 7 : i32
      %dma_wait3A_150 = arith.constant 0 : i32
      %dma_wait3A_151 = tpu.memref_slice %arg7[%dma_wait3A_149, %dma_wait3A_150] : memref<16x128xi32, #tpu.memory_space<vmem>> -> memref<1x128xi32, #tpu.memory_space<vmem>>
      %dma_wait3A_152 = tpu.memref_squeeze %dma_wait3A_151 : memref<1x128xi32, #tpu.memory_space<vmem>> -> memref<128xi32, #tpu.memory_space<vmem>>
      %dma_wait3A_153 = arith.constant 0 : i32
      %dma_wait3A_154 = arith.constant 0 : i32
      %dma_wait3A_155 = tpu.memref_slice %arg2[%dma_wait3A_153, %dma_wait3A_154] : memref<10240x128xf32, #tpu.memory_space<hbm>> -> memref<10240x128xf32, #tpu.memory_space<hbm>>
      tpu.wait_indirect_dma semaphore(%arg13 : memref<!tpu.dma_semaphore, #tpu.memory_space<semaphore_mem>>) src(%dma_wait3A_155 : memref<10240x128xf32, #tpu.memory_space<hbm>>) dst(%arg10 : memref<128x128xf32, #tpu.memory_space<vmem>>)
      %run_scoped3A_156 = arith.constant 7 : i32
      "tpu.region"() ({
        %run_scoped3A_271 = tpu.sem_alloc : memref<!tpu.dma_semaphore, #tpu.memory_space<semaphore_mem>>
        %dma_start3A_272 = arith.constant 0 : i32
        %dma_start3A_273 = tpu.memref_slice %arg8[%run_scoped3A_156, %dma_start3A_272] : memref<16x128xi32, #tpu.memory_space<vmem>> -> memref<1x128xi32, #tpu.memory_space<vmem>>
        %dma_start3A_274 = tpu.memref_squeeze %dma_start3A_273 : memref<1x128xi32, #tpu.memory_space<vmem>> -> memref<128xi32, #tpu.memory_space<vmem>>
        %dma_start3A_275 = arith.constant 0 : i32
        %dma_start3A_276 = arith.constant 0 : i32
        %dma_start3A_277 = tpu.memref_slice %arg11[%dma_start3A_275, %dma_start3A_276] : memref<10240x128xf32, #tpu.memory_space<vmem_shared>> -> memref<10240x128xf32, #tpu.memory_space<vmem_shared>>
        tpu.enqueue_indirect_dma source(%arg10 : memref<128x128xf32, #tpu.memory_space<vmem>>) target(%dma_start3A_277 : memref<10240x128xf32, #tpu.memory_space<vmem_shared>>) offsets(%dma_start3A_274 : memref<128xi32, #tpu.memory_space<vmem>>) semaphore(%run_scoped3A_271 : memref<!tpu.dma_semaphore, #tpu.memory_space<semaphore_mem>>) {add = true}
        %dma_wait3A_278 = arith.constant 0 : i32
        %dma_wait3A_279 = tpu.memref_slice %arg8[%run_scoped3A_156, %dma_wait3A_278] : memref<16x128xi32, #tpu.memory_space<vmem>> -> memref<1x128xi32, #tpu.memory_space<vmem>>
        %dma_wait3A_280 = tpu.memref_squeeze %dma_wait3A_279 : memref<1x128xi32, #tpu.memory_space<vmem>> -> memref<128xi32, #tpu.memory_space<vmem>>
        %dma_wait3A_281 = arith.constant 0 : i32
        %dma_wait3A_282 = arith.constant 0 : i32
        %dma_wait3A_283 = tpu.memref_slice %arg11[%dma_wait3A_281, %dma_wait3A_282] : memref<10240x128xf32, #tpu.memory_space<vmem_shared>> -> memref<10240x128xf32, #tpu.memory_space<vmem_shared>>
        tpu.wait_indirect_dma semaphore(%run_scoped3A_271 : memref<!tpu.dma_semaphore, #tpu.memory_space<semaphore_mem>>) src(%arg10 : memref<128x128xf32, #tpu.memory_space<vmem>>) dst(%dma_wait3A_283 : memref<10240x128xf32, #tpu.memory_space<vmem_shared>>)
        tpu.yield
      }) : () -> ()
      %dma_start3A_157 = arith.constant 9 : i32
      %dma_start3A_158 = arith.constant 0 : i32
      %dma_start3A_159 = tpu.memref_slice %arg7[%dma_start3A_157, %dma_start3A_158] : memref<16x128xi32, #tpu.memory_space<vmem>> -> memref<1x128xi32, #tpu.memory_space<vmem>>
      %dma_start3A_160 = tpu.memref_squeeze %dma_start3A_159 : memref<1x128xi32, #tpu.memory_space<vmem>> -> memref<128xi32, #tpu.memory_space<vmem>>
      %dma_start3A_161 = arith.constant 0 : i32
      %dma_start3A_162 = arith.constant 0 : i32
      %dma_start3A_163 = tpu.memref_slice %arg2[%dma_start3A_161, %dma_start3A_162] : memref<10240x128xf32, #tpu.memory_space<hbm>> -> memref<10240x128xf32, #tpu.memory_space<hbm>>
      tpu.enqueue_indirect_dma source(%dma_start3A_163 : memref<10240x128xf32, #tpu.memory_space<hbm>>) target(%arg10 : memref<128x128xf32, #tpu.memory_space<vmem>>) offsets(%dma_start3A_160 : memref<128xi32, #tpu.memory_space<vmem>>) semaphore(%arg13 : memref<!tpu.dma_semaphore, #tpu.memory_space<semaphore_mem>>)
      %dma_wait3A_164 = arith.constant 8 : i32
      %dma_wait3A_165 = arith.constant 0 : i32
      %dma_wait3A_166 = tpu.memref_slice %arg7[%dma_wait3A_164, %dma_wait3A_165] : memref<16x128xi32, #tpu.memory_space<vmem>> -> memref<1x128xi32, #tpu.memory_space<vmem>>
      %dma_wait3A_167 = tpu.memref_squeeze %dma_wait3A_166 : memref<1x128xi32, #tpu.memory_space<vmem>> -> memref<128xi32, #tpu.memory_space<vmem>>
      %dma_wait3A_168 = arith.constant 0 : i32
      %dma_wait3A_169 = arith.constant 0 : i32
      %dma_wait3A_170 = tpu.memref_slice %arg2[%dma_wait3A_168, %dma_wait3A_169] : memref<10240x128xf32, #tpu.memory_space<hbm>> -> memref<10240x128xf32, #tpu.memory_space<hbm>>
      tpu.wait_indirect_dma semaphore(%arg12 : memref<!tpu.dma_semaphore, #tpu.memory_space<semaphore_mem>>) src(%dma_wait3A_170 : memref<10240x128xf32, #tpu.memory_space<hbm>>) dst(%arg9 : memref<128x128xf32, #tpu.memory_space<vmem>>)
      %run_scoped3A_171 = arith.constant 8 : i32
      "tpu.region"() ({
        %run_scoped3A_271 = tpu.sem_alloc : memref<!tpu.dma_semaphore, #tpu.memory_space<semaphore_mem>>
        %dma_start3A_272 = arith.constant 0 : i32
        %dma_start3A_273 = tpu.memref_slice %arg8[%run_scoped3A_171, %dma_start3A_272] : memref<16x128xi32, #tpu.memory_space<vmem>> -> memref<1x128xi32, #tpu.memory_space<vmem>>
        %dma_start3A_274 = tpu.memref_squeeze %dma_start3A_273 : memref<1x128xi32, #tpu.memory_space<vmem>> -> memref<128xi32, #tpu.memory_space<vmem>>
        %dma_start3A_275 = arith.constant 0 : i32
        %dma_start3A_276 = arith.constant 0 : i32
        %dma_start3A_277 = tpu.memref_slice %arg11[%dma_start3A_275, %dma_start3A_276] : memref<10240x128xf32, #tpu.memory_space<vmem_shared>> -> memref<10240x128xf32, #tpu.memory_space<vmem_shared>>
        tpu.enqueue_indirect_dma source(%arg9 : memref<128x128xf32, #tpu.memory_space<vmem>>) target(%dma_start3A_277 : memref<10240x128xf32, #tpu.memory_space<vmem_shared>>) offsets(%dma_start3A_274 : memref<128xi32, #tpu.memory_space<vmem>>) semaphore(%run_scoped3A_271 : memref<!tpu.dma_semaphore, #tpu.memory_space<semaphore_mem>>) {add = true}
        %dma_wait3A_278 = arith.constant 0 : i32
        %dma_wait3A_279 = tpu.memref_slice %arg8[%run_scoped3A_171, %dma_wait3A_278] : memref<16x128xi32, #tpu.memory_space<vmem>> -> memref<1x128xi32, #tpu.memory_space<vmem>>
        %dma_wait3A_280 = tpu.memref_squeeze %dma_wait3A_279 : memref<1x128xi32, #tpu.memory_space<vmem>> -> memref<128xi32, #tpu.memory_space<vmem>>
        %dma_wait3A_281 = arith.constant 0 : i32
        %dma_wait3A_282 = arith.constant 0 : i32
        %dma_wait3A_283 = tpu.memref_slice %arg11[%dma_wait3A_281, %dma_wait3A_282] : memref<10240x128xf32, #tpu.memory_space<vmem_shared>> -> memref<10240x128xf32, #tpu.memory_space<vmem_shared>>
        tpu.wait_indirect_dma semaphore(%run_scoped3A_271 : memref<!tpu.dma_semaphore, #tpu.memory_space<semaphore_mem>>) src(%arg9 : memref<128x128xf32, #tpu.memory_space<vmem>>) dst(%dma_wait3A_283 : memref<10240x128xf32, #tpu.memory_space<vmem_shared>>)
        tpu.yield
      }) : () -> ()
      %dma_start3A_172 = arith.constant 10 : i32
      %dma_start3A_173 = arith.constant 0 : i32
      %dma_start3A_174 = tpu.memref_slice %arg7[%dma_start3A_172, %dma_start3A_173] : memref<16x128xi32, #tpu.memory_space<vmem>> -> memref<1x128xi32, #tpu.memory_space<vmem>>
      %dma_start3A_175 = tpu.memref_squeeze %dma_start3A_174 : memref<1x128xi32, #tpu.memory_space<vmem>> -> memref<128xi32, #tpu.memory_space<vmem>>
      %dma_start3A_176 = arith.constant 0 : i32
      %dma_start3A_177 = arith.constant 0 : i32
      %dma_start3A_178 = tpu.memref_slice %arg2[%dma_start3A_176, %dma_start3A_177] : memref<10240x128xf32, #tpu.memory_space<hbm>> -> memref<10240x128xf32, #tpu.memory_space<hbm>>
      tpu.enqueue_indirect_dma source(%dma_start3A_178 : memref<10240x128xf32, #tpu.memory_space<hbm>>) target(%arg9 : memref<128x128xf32, #tpu.memory_space<vmem>>) offsets(%dma_start3A_175 : memref<128xi32, #tpu.memory_space<vmem>>) semaphore(%arg12 : memref<!tpu.dma_semaphore, #tpu.memory_space<semaphore_mem>>)
      %dma_wait3A_179 = arith.constant 9 : i32
      %dma_wait3A_180 = arith.constant 0 : i32
      %dma_wait3A_181 = tpu.memref_slice %arg7[%dma_wait3A_179, %dma_wait3A_180] : memref<16x128xi32, #tpu.memory_space<vmem>> -> memref<1x128xi32, #tpu.memory_space<vmem>>
      %dma_wait3A_182 = tpu.memref_squeeze %dma_wait3A_181 : memref<1x128xi32, #tpu.memory_space<vmem>> -> memref<128xi32, #tpu.memory_space<vmem>>
      %dma_wait3A_183 = arith.constant 0 : i32
      %dma_wait3A_184 = arith.constant 0 : i32
      %dma_wait3A_185 = tpu.memref_slice %arg2[%dma_wait3A_183, %dma_wait3A_184] : memref<10240x128xf32, #tpu.memory_space<hbm>> -> memref<10240x128xf32, #tpu.memory_space<hbm>>
      tpu.wait_indirect_dma semaphore(%arg13 : memref<!tpu.dma_semaphore, #tpu.memory_space<semaphore_mem>>) src(%dma_wait3A_185 : memref<10240x128xf32, #tpu.memory_space<hbm>>) dst(%arg10 : memref<128x128xf32, #tpu.memory_space<vmem>>)
      %run_scoped3A_186 = arith.constant 9 : i32
      "tpu.region"() ({
        %run_scoped3A_271 = tpu.sem_alloc : memref<!tpu.dma_semaphore, #tpu.memory_space<semaphore_mem>>
        %dma_start3A_272 = arith.constant 0 : i32
        %dma_start3A_273 = tpu.memref_slice %arg8[%run_scoped3A_186, %dma_start3A_272] : memref<16x128xi32, #tpu.memory_space<vmem>> -> memref<1x128xi32, #tpu.memory_space<vmem>>
        %dma_start3A_274 = tpu.memref_squeeze %dma_start3A_273 : memref<1x128xi32, #tpu.memory_space<vmem>> -> memref<128xi32, #tpu.memory_space<vmem>>
        %dma_start3A_275 = arith.constant 0 : i32
        %dma_start3A_276 = arith.constant 0 : i32
        %dma_start3A_277 = tpu.memref_slice %arg11[%dma_start3A_275, %dma_start3A_276] : memref<10240x128xf32, #tpu.memory_space<vmem_shared>> -> memref<10240x128xf32, #tpu.memory_space<vmem_shared>>
        tpu.enqueue_indirect_dma source(%arg10 : memref<128x128xf32, #tpu.memory_space<vmem>>) target(%dma_start3A_277 : memref<10240x128xf32, #tpu.memory_space<vmem_shared>>) offsets(%dma_start3A_274 : memref<128xi32, #tpu.memory_space<vmem>>) semaphore(%run_scoped3A_271 : memref<!tpu.dma_semaphore, #tpu.memory_space<semaphore_mem>>) {add = true}
        %dma_wait3A_278 = arith.constant 0 : i32
        %dma_wait3A_279 = tpu.memref_slice %arg8[%run_scoped3A_186, %dma_wait3A_278] : memref<16x128xi32, #tpu.memory_space<vmem>> -> memref<1x128xi32, #tpu.memory_space<vmem>>
        %dma_wait3A_280 = tpu.memref_squeeze %dma_wait3A_279 : memref<1x128xi32, #tpu.memory_space<vmem>> -> memref<128xi32, #tpu.memory_space<vmem>>
        %dma_wait3A_281 = arith.constant 0 : i32
        %dma_wait3A_282 = arith.constant 0 : i32
        %dma_wait3A_283 = tpu.memref_slice %arg11[%dma_wait3A_281, %dma_wait3A_282] : memref<10240x128xf32, #tpu.memory_space<vmem_shared>> -> memref<10240x128xf32, #tpu.memory_space<vmem_shared>>
        tpu.wait_indirect_dma semaphore(%run_scoped3A_271 : memref<!tpu.dma_semaphore, #tpu.memory_space<semaphore_mem>>) src(%arg10 : memref<128x128xf32, #tpu.memory_space<vmem>>) dst(%dma_wait3A_283 : memref<10240x128xf32, #tpu.memory_space<vmem_shared>>)
        tpu.yield
      }) : () -> ()
      %dma_start3A_187 = arith.constant 11 : i32
      %dma_start3A_188 = arith.constant 0 : i32
      %dma_start3A_189 = tpu.memref_slice %arg7[%dma_start3A_187, %dma_start3A_188] : memref<16x128xi32, #tpu.memory_space<vmem>> -> memref<1x128xi32, #tpu.memory_space<vmem>>
      %dma_start3A_190 = tpu.memref_squeeze %dma_start3A_189 : memref<1x128xi32, #tpu.memory_space<vmem>> -> memref<128xi32, #tpu.memory_space<vmem>>
      %dma_start3A_191 = arith.constant 0 : i32
      %dma_start3A_192 = arith.constant 0 : i32
      %dma_start3A_193 = tpu.memref_slice %arg2[%dma_start3A_191, %dma_start3A_192] : memref<10240x128xf32, #tpu.memory_space<hbm>> -> memref<10240x128xf32, #tpu.memory_space<hbm>>
      tpu.enqueue_indirect_dma source(%dma_start3A_193 : memref<10240x128xf32, #tpu.memory_space<hbm>>) target(%arg10 : memref<128x128xf32, #tpu.memory_space<vmem>>) offsets(%dma_start3A_190 : memref<128xi32, #tpu.memory_space<vmem>>) semaphore(%arg13 : memref<!tpu.dma_semaphore, #tpu.memory_space<semaphore_mem>>)
      %dma_wait3A_194 = arith.constant 10 : i32
      %dma_wait3A_195 = arith.constant 0 : i32
      %dma_wait3A_196 = tpu.memref_slice %arg7[%dma_wait3A_194, %dma_wait3A_195] : memref<16x128xi32, #tpu.memory_space<vmem>> -> memref<1x128xi32, #tpu.memory_space<vmem>>
      %dma_wait3A_197 = tpu.memref_squeeze %dma_wait3A_196 : memref<1x128xi32, #tpu.memory_space<vmem>> -> memref<128xi32, #tpu.memory_space<vmem>>
      %dma_wait3A_198 = arith.constant 0 : i32
      %dma_wait3A_199 = arith.constant 0 : i32
      %dma_wait3A_200 = tpu.memref_slice %arg2[%dma_wait3A_198, %dma_wait3A_199] : memref<10240x128xf32, #tpu.memory_space<hbm>> -> memref<10240x128xf32, #tpu.memory_space<hbm>>
      tpu.wait_indirect_dma semaphore(%arg12 : memref<!tpu.dma_semaphore, #tpu.memory_space<semaphore_mem>>) src(%dma_wait3A_200 : memref<10240x128xf32, #tpu.memory_space<hbm>>) dst(%arg9 : memref<128x128xf32, #tpu.memory_space<vmem>>)
      %run_scoped3A_201 = arith.constant 10 : i32
      "tpu.region"() ({
        %run_scoped3A_271 = tpu.sem_alloc : memref<!tpu.dma_semaphore, #tpu.memory_space<semaphore_mem>>
        %dma_start3A_272 = arith.constant 0 : i32
        %dma_start3A_273 = tpu.memref_slice %arg8[%run_scoped3A_201, %dma_start3A_272] : memref<16x128xi32, #tpu.memory_space<vmem>> -> memref<1x128xi32, #tpu.memory_space<vmem>>
        %dma_start3A_274 = tpu.memref_squeeze %dma_start3A_273 : memref<1x128xi32, #tpu.memory_space<vmem>> -> memref<128xi32, #tpu.memory_space<vmem>>
        %dma_start3A_275 = arith.constant 0 : i32
        %dma_start3A_276 = arith.constant 0 : i32
        %dma_start3A_277 = tpu.memref_slice %arg11[%dma_start3A_275, %dma_start3A_276] : memref<10240x128xf32, #tpu.memory_space<vmem_shared>> -> memref<10240x128xf32, #tpu.memory_space<vmem_shared>>
        tpu.enqueue_indirect_dma source(%arg9 : memref<128x128xf32, #tpu.memory_space<vmem>>) target(%dma_start3A_277 : memref<10240x128xf32, #tpu.memory_space<vmem_shared>>) offsets(%dma_start3A_274 : memref<128xi32, #tpu.memory_space<vmem>>) semaphore(%run_scoped3A_271 : memref<!tpu.dma_semaphore, #tpu.memory_space<semaphore_mem>>) {add = true}
        %dma_wait3A_278 = arith.constant 0 : i32
        %dma_wait3A_279 = tpu.memref_slice %arg8[%run_scoped3A_201, %dma_wait3A_278] : memref<16x128xi32, #tpu.memory_space<vmem>> -> memref<1x128xi32, #tpu.memory_space<vmem>>
        %dma_wait3A_280 = tpu.memref_squeeze %dma_wait3A_279 : memref<1x128xi32, #tpu.memory_space<vmem>> -> memref<128xi32, #tpu.memory_space<vmem>>
        %dma_wait3A_281 = arith.constant 0 : i32
        %dma_wait3A_282 = arith.constant 0 : i32
        %dma_wait3A_283 = tpu.memref_slice %arg11[%dma_wait3A_281, %dma_wait3A_282] : memref<10240x128xf32, #tpu.memory_space<vmem_shared>> -> memref<10240x128xf32, #tpu.memory_space<vmem_shared>>
        tpu.wait_indirect_dma semaphore(%run_scoped3A_271 : memref<!tpu.dma_semaphore, #tpu.memory_space<semaphore_mem>>) src(%arg9 : memref<128x128xf32, #tpu.memory_space<vmem>>) dst(%dma_wait3A_283 : memref<10240x128xf32, #tpu.memory_space<vmem_shared>>)
        tpu.yield
      }) : () -> ()
      %dma_start3A_202 = arith.constant 12 : i32
      %dma_start3A_203 = arith.constant 0 : i32
      %dma_start3A_204 = tpu.memref_slice %arg7[%dma_start3A_202, %dma_start3A_203] : memref<16x128xi32, #tpu.memory_space<vmem>> -> memref<1x128xi32, #tpu.memory_space<vmem>>
      %dma_start3A_205 = tpu.memref_squeeze %dma_start3A_204 : memref<1x128xi32, #tpu.memory_space<vmem>> -> memref<128xi32, #tpu.memory_space<vmem>>
      %dma_start3A_206 = arith.constant 0 : i32
      %dma_start3A_207 = arith.constant 0 : i32
      %dma_start3A_208 = tpu.memref_slice %arg2[%dma_start3A_206, %dma_start3A_207] : memref<10240x128xf32, #tpu.memory_space<hbm>> -> memref<10240x128xf32, #tpu.memory_space<hbm>>
      tpu.enqueue_indirect_dma source(%dma_start3A_208 : memref<10240x128xf32, #tpu.memory_space<hbm>>) target(%arg9 : memref<128x128xf32, #tpu.memory_space<vmem>>) offsets(%dma_start3A_205 : memref<128xi32, #tpu.memory_space<vmem>>) semaphore(%arg12 : memref<!tpu.dma_semaphore, #tpu.memory_space<semaphore_mem>>)
      %dma_wait3A_209 = arith.constant 11 : i32
      %dma_wait3A_210 = arith.constant 0 : i32
      %dma_wait3A_211 = tpu.memref_slice %arg7[%dma_wait3A_209, %dma_wait3A_210] : memref<16x128xi32, #tpu.memory_space<vmem>> -> memref<1x128xi32, #tpu.memory_space<vmem>>
      %dma_wait3A_212 = tpu.memref_squeeze %dma_wait3A_211 : memref<1x128xi32, #tpu.memory_space<vmem>> -> memref<128xi32, #tpu.memory_space<vmem>>
      %dma_wait3A_213 = arith.constant 0 : i32
      %dma_wait3A_214 = arith.constant 0 : i32
      %dma_wait3A_215 = tpu.memref_slice %arg2[%dma_wait3A_213, %dma_wait3A_214] : memref<10240x128xf32, #tpu.memory_space<hbm>> -> memref<10240x128xf32, #tpu.memory_space<hbm>>
      tpu.wait_indirect_dma semaphore(%arg13 : memref<!tpu.dma_semaphore, #tpu.memory_space<semaphore_mem>>) src(%dma_wait3A_215 : memref<10240x128xf32, #tpu.memory_space<hbm>>) dst(%arg10 : memref<128x128xf32, #tpu.memory_space<vmem>>)
      %run_scoped3A_216 = arith.constant 11 : i32
      "tpu.region"() ({
        %run_scoped3A_271 = tpu.sem_alloc : memref<!tpu.dma_semaphore, #tpu.memory_space<semaphore_mem>>
        %dma_start3A_272 = arith.constant 0 : i32
        %dma_start3A_273 = tpu.memref_slice %arg8[%run_scoped3A_216, %dma_start3A_272] : memref<16x128xi32, #tpu.memory_space<vmem>> -> memref<1x128xi32, #tpu.memory_space<vmem>>
        %dma_start3A_274 = tpu.memref_squeeze %dma_start3A_273 : memref<1x128xi32, #tpu.memory_space<vmem>> -> memref<128xi32, #tpu.memory_space<vmem>>
        %dma_start3A_275 = arith.constant 0 : i32
        %dma_start3A_276 = arith.constant 0 : i32
        %dma_start3A_277 = tpu.memref_slice %arg11[%dma_start3A_275, %dma_start3A_276] : memref<10240x128xf32, #tpu.memory_space<vmem_shared>> -> memref<10240x128xf32, #tpu.memory_space<vmem_shared>>
        tpu.enqueue_indirect_dma source(%arg10 : memref<128x128xf32, #tpu.memory_space<vmem>>) target(%dma_start3A_277 : memref<10240x128xf32, #tpu.memory_space<vmem_shared>>) offsets(%dma_start3A_274 : memref<128xi32, #tpu.memory_space<vmem>>) semaphore(%run_scoped3A_271 : memref<!tpu.dma_semaphore, #tpu.memory_space<semaphore_mem>>) {add = true}
        %dma_wait3A_278 = arith.constant 0 : i32
        %dma_wait3A_279 = tpu.memref_slice %arg8[%run_scoped3A_216, %dma_wait3A_278] : memref<16x128xi32, #tpu.memory_space<vmem>> -> memref<1x128xi32, #tpu.memory_space<vmem>>
        %dma_wait3A_280 = tpu.memref_squeeze %dma_wait3A_279 : memref<1x128xi32, #tpu.memory_space<vmem>> -> memref<128xi32, #tpu.memory_space<vmem>>
        %dma_wait3A_281 = arith.constant 0 : i32
        %dma_wait3A_282 = arith.constant 0 : i32
        %dma_wait3A_283 = tpu.memref_slice %arg11[%dma_wait3A_281, %dma_wait3A_282] : memref<10240x128xf32, #tpu.memory_space<vmem_shared>> -> memref<10240x128xf32, #tpu.memory_space<vmem_shared>>
        tpu.wait_indirect_dma semaphore(%run_scoped3A_271 : memref<!tpu.dma_semaphore, #tpu.memory_space<semaphore_mem>>) src(%arg10 : memref<128x128xf32, #tpu.memory_space<vmem>>) dst(%dma_wait3A_283 : memref<10240x128xf32, #tpu.memory_space<vmem_shared>>)
        tpu.yield
      }) : () -> ()
      %dma_start3A_217 = arith.constant 13 : i32
      %dma_start3A_218 = arith.constant 0 : i32
      %dma_start3A_219 = tpu.memref_slice %arg7[%dma_start3A_217, %dma_start3A_218] : memref<16x128xi32, #tpu.memory_space<vmem>> -> memref<1x128xi32, #tpu.memory_space<vmem>>
      %dma_start3A_220 = tpu.memref_squeeze %dma_start3A_219 : memref<1x128xi32, #tpu.memory_space<vmem>> -> memref<128xi32, #tpu.memory_space<vmem>>
      %dma_start3A_221 = arith.constant 0 : i32
      %dma_start3A_222 = arith.constant 0 : i32
      %dma_start3A_223 = tpu.memref_slice %arg2[%dma_start3A_221, %dma_start3A_222] : memref<10240x128xf32, #tpu.memory_space<hbm>> -> memref<10240x128xf32, #tpu.memory_space<hbm>>
      tpu.enqueue_indirect_dma source(%dma_start3A_223 : memref<10240x128xf32, #tpu.memory_space<hbm>>) target(%arg10 : memref<128x128xf32, #tpu.memory_space<vmem>>) offsets(%dma_start3A_220 : memref<128xi32, #tpu.memory_space<vmem>>) semaphore(%arg13 : memref<!tpu.dma_semaphore, #tpu.memory_space<semaphore_mem>>)
      %dma_wait3A_224 = arith.constant 12 : i32
      %dma_wait3A_225 = arith.constant 0 : i32
      %dma_wait3A_226 = tpu.memref_slice %arg7[%dma_wait3A_224, %dma_wait3A_225] : memref<16x128xi32, #tpu.memory_space<vmem>> -> memref<1x128xi32, #tpu.memory_space<vmem>>
      %dma_wait3A_227 = tpu.memref_squeeze %dma_wait3A_226 : memref<1x128xi32, #tpu.memory_space<vmem>> -> memref<128xi32, #tpu.memory_space<vmem>>
      %dma_wait3A_228 = arith.constant 0 : i32
      %dma_wait3A_229 = arith.constant 0 : i32
      %dma_wait3A_230 = tpu.memref_slice %arg2[%dma_wait3A_228, %dma_wait3A_229] : memref<10240x128xf32, #tpu.memory_space<hbm>> -> memref<10240x128xf32, #tpu.memory_space<hbm>>
      tpu.wait_indirect_dma semaphore(%arg12 : memref<!tpu.dma_semaphore, #tpu.memory_space<semaphore_mem>>) src(%dma_wait3A_230 : memref<10240x128xf32, #tpu.memory_space<hbm>>) dst(%arg9 : memref<128x128xf32, #tpu.memory_space<vmem>>)
      %run_scoped3A_231 = arith.constant 12 : i32
      "tpu.region"() ({
        %run_scoped3A_271 = tpu.sem_alloc : memref<!tpu.dma_semaphore, #tpu.memory_space<semaphore_mem>>
        %dma_start3A_272 = arith.constant 0 : i32
        %dma_start3A_273 = tpu.memref_slice %arg8[%run_scoped3A_231, %dma_start3A_272] : memref<16x128xi32, #tpu.memory_space<vmem>> -> memref<1x128xi32, #tpu.memory_space<vmem>>
        %dma_start3A_274 = tpu.memref_squeeze %dma_start3A_273 : memref<1x128xi32, #tpu.memory_space<vmem>> -> memref<128xi32, #tpu.memory_space<vmem>>
        %dma_start3A_275 = arith.constant 0 : i32
        %dma_start3A_276 = arith.constant 0 : i32
        %dma_start3A_277 = tpu.memref_slice %arg11[%dma_start3A_275, %dma_start3A_276] : memref<10240x128xf32, #tpu.memory_space<vmem_shared>> -> memref<10240x128xf32, #tpu.memory_space<vmem_shared>>
        tpu.enqueue_indirect_dma source(%arg9 : memref<128x128xf32, #tpu.memory_space<vmem>>) target(%dma_start3A_277 : memref<10240x128xf32, #tpu.memory_space<vmem_shared>>) offsets(%dma_start3A_274 : memref<128xi32, #tpu.memory_space<vmem>>) semaphore(%run_scoped3A_271 : memref<!tpu.dma_semaphore, #tpu.memory_space<semaphore_mem>>) {add = true}
        %dma_wait3A_278 = arith.constant 0 : i32
        %dma_wait3A_279 = tpu.memref_slice %arg8[%run_scoped3A_231, %dma_wait3A_278] : memref<16x128xi32, #tpu.memory_space<vmem>> -> memref<1x128xi32, #tpu.memory_space<vmem>>
        %dma_wait3A_280 = tpu.memref_squeeze %dma_wait3A_279 : memref<1x128xi32, #tpu.memory_space<vmem>> -> memref<128xi32, #tpu.memory_space<vmem>>
        %dma_wait3A_281 = arith.constant 0 : i32
        %dma_wait3A_282 = arith.constant 0 : i32
        %dma_wait3A_283 = tpu.memref_slice %arg11[%dma_wait3A_281, %dma_wait3A_282] : memref<10240x128xf32, #tpu.memory_space<vmem_shared>> -> memref<10240x128xf32, #tpu.memory_space<vmem_shared>>
        tpu.wait_indirect_dma semaphore(%run_scoped3A_271 : memref<!tpu.dma_semaphore, #tpu.memory_space<semaphore_mem>>) src(%arg9 : memref<128x128xf32, #tpu.memory_space<vmem>>) dst(%dma_wait3A_283 : memref<10240x128xf32, #tpu.memory_space<vmem_shared>>)
        tpu.yield
      }) : () -> ()
      %dma_start3A_232 = arith.constant 14 : i32
      %dma_start3A_233 = arith.constant 0 : i32
      %dma_start3A_234 = tpu.memref_slice %arg7[%dma_start3A_232, %dma_start3A_233] : memref<16x128xi32, #tpu.memory_space<vmem>> -> memref<1x128xi32, #tpu.memory_space<vmem>>
      %dma_start3A_235 = tpu.memref_squeeze %dma_start3A_234 : memref<1x128xi32, #tpu.memory_space<vmem>> -> memref<128xi32, #tpu.memory_space<vmem>>
      %dma_start3A_236 = arith.constant 0 : i32
      %dma_start3A_237 = arith.constant 0 : i32
      %dma_start3A_238 = tpu.memref_slice %arg2[%dma_start3A_236, %dma_start3A_237] : memref<10240x128xf32, #tpu.memory_space<hbm>> -> memref<10240x128xf32, #tpu.memory_space<hbm>>
      tpu.enqueue_indirect_dma source(%dma_start3A_238 : memref<10240x128xf32, #tpu.memory_space<hbm>>) target(%arg9 : memref<128x128xf32, #tpu.memory_space<vmem>>) offsets(%dma_start3A_235 : memref<128xi32, #tpu.memory_space<vmem>>) semaphore(%arg12 : memref<!tpu.dma_semaphore, #tpu.memory_space<semaphore_mem>>)
      %dma_wait3A_239 = arith.constant 13 : i32
      %dma_wait3A_240 = arith.constant 0 : i32
      %dma_wait3A_241 = tpu.memref_slice %arg7[%dma_wait3A_239, %dma_wait3A_240] : memref<16x128xi32, #tpu.memory_space<vmem>> -> memref<1x128xi32, #tpu.memory_space<vmem>>
      %dma_wait3A_242 = tpu.memref_squeeze %dma_wait3A_241 : memref<1x128xi32, #tpu.memory_space<vmem>> -> memref<128xi32, #tpu.memory_space<vmem>>
      %dma_wait3A_243 = arith.constant 0 : i32
      %dma_wait3A_244 = arith.constant 0 : i32
      %dma_wait3A_245 = tpu.memref_slice %arg2[%dma_wait3A_243, %dma_wait3A_244] : memref<10240x128xf32, #tpu.memory_space<hbm>> -> memref<10240x128xf32, #tpu.memory_space<hbm>>
      tpu.wait_indirect_dma semaphore(%arg13 : memref<!tpu.dma_semaphore, #tpu.memory_space<semaphore_mem>>) src(%dma_wait3A_245 : memref<10240x128xf32, #tpu.memory_space<hbm>>) dst(%arg10 : memref<128x128xf32, #tpu.memory_space<vmem>>)
      %run_scoped3A_246 = arith.constant 13 : i32
      "tpu.region"() ({
        %run_scoped3A_271 = tpu.sem_alloc : memref<!tpu.dma_semaphore, #tpu.memory_space<semaphore_mem>>
        %dma_start3A_272 = arith.constant 0 : i32
        %dma_start3A_273 = tpu.memref_slice %arg8[%run_scoped3A_246, %dma_start3A_272] : memref<16x128xi32, #tpu.memory_space<vmem>> -> memref<1x128xi32, #tpu.memory_space<vmem>>
        %dma_start3A_274 = tpu.memref_squeeze %dma_start3A_273 : memref<1x128xi32, #tpu.memory_space<vmem>> -> memref<128xi32, #tpu.memory_space<vmem>>
        %dma_start3A_275 = arith.constant 0 : i32
        %dma_start3A_276 = arith.constant 0 : i32
        %dma_start3A_277 = tpu.memref_slice %arg11[%dma_start3A_275, %dma_start3A_276] : memref<10240x128xf32, #tpu.memory_space<vmem_shared>> -> memref<10240x128xf32, #tpu.memory_space<vmem_shared>>
        tpu.enqueue_indirect_dma source(%arg10 : memref<128x128xf32, #tpu.memory_space<vmem>>) target(%dma_start3A_277 : memref<10240x128xf32, #tpu.memory_space<vmem_shared>>) offsets(%dma_start3A_274 : memref<128xi32, #tpu.memory_space<vmem>>) semaphore(%run_scoped3A_271 : memref<!tpu.dma_semaphore, #tpu.memory_space<semaphore_mem>>) {add = true}
        %dma_wait3A_278 = arith.constant 0 : i32
        %dma_wait3A_279 = tpu.memref_slice %arg8[%run_scoped3A_246, %dma_wait3A_278] : memref<16x128xi32, #tpu.memory_space<vmem>> -> memref<1x128xi32, #tpu.memory_space<vmem>>
        %dma_wait3A_280 = tpu.memref_squeeze %dma_wait3A_279 : memref<1x128xi32, #tpu.memory_space<vmem>> -> memref<128xi32, #tpu.memory_space<vmem>>
        %dma_wait3A_281 = arith.constant 0 : i32
        %dma_wait3A_282 = arith.constant 0 : i32
        %dma_wait3A_283 = tpu.memref_slice %arg11[%dma_wait3A_281, %dma_wait3A_282] : memref<10240x128xf32, #tpu.memory_space<vmem_shared>> -> memref<10240x128xf32, #tpu.memory_space<vmem_shared>>
        tpu.wait_indirect_dma semaphore(%run_scoped3A_271 : memref<!tpu.dma_semaphore, #tpu.memory_space<semaphore_mem>>) src(%arg10 : memref<128x128xf32, #tpu.memory_space<vmem>>) dst(%dma_wait3A_283 : memref<10240x128xf32, #tpu.memory_space<vmem_shared>>)
        tpu.yield
      }) : () -> ()
      %dma_start3A_247 = arith.constant 15 : i32
      %dma_start3A_248 = arith.constant 0 : i32
      %dma_start3A_249 = tpu.memref_slice %arg7[%dma_start3A_247, %dma_start3A_248] : memref<16x128xi32, #tpu.memory_space<vmem>> -> memref<1x128xi32, #tpu.memory_space<vmem>>
      %dma_start3A_250 = tpu.memref_squeeze %dma_start3A_249 : memref<1x128xi32, #tpu.memory_space<vmem>> -> memref<128xi32, #tpu.memory_space<vmem>>
      %dma_start3A_251 = arith.constant 0 : i32
      %dma_start3A_252 = arith.constant 0 : i32
      %dma_start3A_253 = tpu.memref_slice %arg2[%dma_start3A_251, %dma_start3A_252] : memref<10240x128xf32, #tpu.memory_space<hbm>> -> memref<10240x128xf32, #tpu.memory_space<hbm>>
      tpu.enqueue_indirect_dma source(%dma_start3A_253 : memref<10240x128xf32, #tpu.memory_space<hbm>>) target(%arg10 : memref<128x128xf32, #tpu.memory_space<vmem>>) offsets(%dma_start3A_250 : memref<128xi32, #tpu.memory_space<vmem>>) semaphore(%arg13 : memref<!tpu.dma_semaphore, #tpu.memory_space<semaphore_mem>>)
      %dma_wait3A_254 = arith.constant 14 : i32
      %dma_wait3A_255 = arith.constant 0 : i32
      %dma_wait3A_256 = tpu.memref_slice %arg7[%dma_wait3A_254, %dma_wait3A_255] : memref<16x128xi32, #tpu.memory_space<vmem>> -> memref<1x128xi32, #tpu.memory_space<vmem>>
      %dma_wait3A_257 = tpu.memref_squeeze %dma_wait3A_256 : memref<1x128xi32, #tpu.memory_space<vmem>> -> memref<128xi32, #tpu.memory_space<vmem>>
      %dma_wait3A_258 = arith.constant 0 : i32
      %dma_wait3A_259 = arith.constant 0 : i32
      %dma_wait3A_260 = tpu.memref_slice %arg2[%dma_wait3A_258, %dma_wait3A_259] : memref<10240x128xf32, #tpu.memory_space<hbm>> -> memref<10240x128xf32, #tpu.memory_space<hbm>>
      tpu.wait_indirect_dma semaphore(%arg12 : memref<!tpu.dma_semaphore, #tpu.memory_space<semaphore_mem>>) src(%dma_wait3A_260 : memref<10240x128xf32, #tpu.memory_space<hbm>>) dst(%arg9 : memref<128x128xf32, #tpu.memory_space<vmem>>)
      %run_scoped3A_261 = arith.constant 14 : i32
      "tpu.region"() ({
        %run_scoped3A_271 = tpu.sem_alloc : memref<!tpu.dma_semaphore, #tpu.memory_space<semaphore_mem>>
        %dma_start3A_272 = arith.constant 0 : i32
        %dma_start3A_273 = tpu.memref_slice %arg8[%run_scoped3A_261, %dma_start3A_272] : memref<16x128xi32, #tpu.memory_space<vmem>> -> memref<1x128xi32, #tpu.memory_space<vmem>>
        %dma_start3A_274 = tpu.memref_squeeze %dma_start3A_273 : memref<1x128xi32, #tpu.memory_space<vmem>> -> memref<128xi32, #tpu.memory_space<vmem>>
        %dma_start3A_275 = arith.constant 0 : i32
        %dma_start3A_276 = arith.constant 0 : i32
        %dma_start3A_277 = tpu.memref_slice %arg11[%dma_start3A_275, %dma_start3A_276] : memref<10240x128xf32, #tpu.memory_space<vmem_shared>> -> memref<10240x128xf32, #tpu.memory_space<vmem_shared>>
        tpu.enqueue_indirect_dma source(%arg9 : memref<128x128xf32, #tpu.memory_space<vmem>>) target(%dma_start3A_277 : memref<10240x128xf32, #tpu.memory_space<vmem_shared>>) offsets(%dma_start3A_274 : memref<128xi32, #tpu.memory_space<vmem>>) semaphore(%run_scoped3A_271 : memref<!tpu.dma_semaphore, #tpu.memory_space<semaphore_mem>>) {add = true}
        %dma_wait3A_278 = arith.constant 0 : i32
        %dma_wait3A_279 = tpu.memref_slice %arg8[%run_scoped3A_261, %dma_wait3A_278] : memref<16x128xi32, #tpu.memory_space<vmem>> -> memref<1x128xi32, #tpu.memory_space<vmem>>
        %dma_wait3A_280 = tpu.memref_squeeze %dma_wait3A_279 : memref<1x128xi32, #tpu.memory_space<vmem>> -> memref<128xi32, #tpu.memory_space<vmem>>
        %dma_wait3A_281 = arith.constant 0 : i32
        %dma_wait3A_282 = arith.constant 0 : i32
        %dma_wait3A_283 = tpu.memref_slice %arg11[%dma_wait3A_281, %dma_wait3A_282] : memref<10240x128xf32, #tpu.memory_space<vmem_shared>> -> memref<10240x128xf32, #tpu.memory_space<vmem_shared>>
        tpu.wait_indirect_dma semaphore(%run_scoped3A_271 : memref<!tpu.dma_semaphore, #tpu.memory_space<semaphore_mem>>) src(%arg9 : memref<128x128xf32, #tpu.memory_space<vmem>>) dst(%dma_wait3A_283 : memref<10240x128xf32, #tpu.memory_space<vmem_shared>>)
        tpu.yield
      }) : () -> ()
      %dma_wait3A_262 = arith.constant 15 : i32
      %dma_wait3A_263 = arith.constant 0 : i32
      %dma_wait3A_264 = tpu.memref_slice %arg7[%dma_wait3A_262, %dma_wait3A_263] : memref<16x128xi32, #tpu.memory_space<vmem>> -> memref<1x128xi32, #tpu.memory_space<vmem>>
      %dma_wait3A_265 = tpu.memref_squeeze %dma_wait3A_264 : memref<1x128xi32, #tpu.memory_space<vmem>> -> memref<128xi32, #tpu.memory_space<vmem>>
      %dma_wait3A_266 = arith.constant 0 : i32
      %dma_wait3A_267 = arith.constant 0 : i32
      %dma_wait3A_268 = tpu.memref_slice %arg2[%dma_wait3A_266, %dma_wait3A_267] : memref<10240x128xf32, #tpu.memory_space<hbm>> -> memref<10240x128xf32, #tpu.memory_space<hbm>>
      tpu.wait_indirect_dma semaphore(%arg13 : memref<!tpu.dma_semaphore, #tpu.memory_space<semaphore_mem>>) src(%dma_wait3A_268 : memref<10240x128xf32, #tpu.memory_space<hbm>>) dst(%arg10 : memref<128x128xf32, #tpu.memory_space<vmem>>)
      %run_scoped3A_269 = arith.constant 15 : i32
      "tpu.region"() ({
        %run_scoped3A_271 = tpu.sem_alloc : memref<!tpu.dma_semaphore, #tpu.memory_space<semaphore_mem>>
        %dma_start3A_272 = arith.constant 0 : i32
        %dma_start3A_273 = tpu.memref_slice %arg8[%run_scoped3A_269, %dma_start3A_272] : memref<16x128xi32, #tpu.memory_space<vmem>> -> memref<1x128xi32, #tpu.memory_space<vmem>>
        %dma_start3A_274 = tpu.memref_squeeze %dma_start3A_273 : memref<1x128xi32, #tpu.memory_space<vmem>> -> memref<128xi32, #tpu.memory_space<vmem>>
        %dma_start3A_275 = arith.constant 0 : i32
        %dma_start3A_276 = arith.constant 0 : i32
        %dma_start3A_277 = tpu.memref_slice %arg11[%dma_start3A_275, %dma_start3A_276] : memref<10240x128xf32, #tpu.memory_space<vmem_shared>> -> memref<10240x128xf32, #tpu.memory_space<vmem_shared>>
        tpu.enqueue_indirect_dma source(%arg10 : memref<128x128xf32, #tpu.memory_space<vmem>>) target(%dma_start3A_277 : memref<10240x128xf32, #tpu.memory_space<vmem_shared>>) offsets(%dma_start3A_274 : memref<128xi32, #tpu.memory_space<vmem>>) semaphore(%run_scoped3A_271 : memref<!tpu.dma_semaphore, #tpu.memory_space<semaphore_mem>>) {add = true}
        %dma_wait3A_278 = arith.constant 0 : i32
        %dma_wait3A_279 = tpu.memref_slice %arg8[%run_scoped3A_269, %dma_wait3A_278] : memref<16x128xi32, #tpu.memory_space<vmem>> -> memref<1x128xi32, #tpu.memory_space<vmem>>
        %dma_wait3A_280 = tpu.memref_squeeze %dma_wait3A_279 : memref<1x128xi32, #tpu.memory_space<vmem>> -> memref<128xi32, #tpu.memory_space<vmem>>
        %dma_wait3A_281 = arith.constant 0 : i32
        %dma_wait3A_282 = arith.constant 0 : i32
        %dma_wait3A_283 = tpu.memref_slice %arg11[%dma_wait3A_281, %dma_wait3A_282] : memref<10240x128xf32, #tpu.memory_space<vmem_shared>> -> memref<10240x128xf32, #tpu.memory_space<vmem_shared>>
        tpu.wait_indirect_dma semaphore(%run_scoped3A_271 : memref<!tpu.dma_semaphore, #tpu.memory_space<semaphore_mem>>) src(%arg10 : memref<128x128xf32, #tpu.memory_space<vmem>>) dst(%dma_wait3A_283 : memref<10240x128xf32, #tpu.memory_space<vmem_shared>>)
        tpu.yield
      }) : () -> ()
      %scan3A_270 = arith.constant 0 : i32
      scf.yield %scan3A_270 : i32
    }
    %scan3A_18 = arith.constant 5 : i32
    %barrier3A_19 = arith.constant 0 : index
    tpu.barrier barrier_id(%barrier3A_19)
    %scan3A_20 = arith.constant 0 : i32
    %scan3A_21 = arith.constant 0 : i32
    %scan3A_22 = arith.constant 5 : i32
    %scan3A_23 = arith.addi %scan3A_21, %scan3A_22 : i32
    %scan3A_24 = arith.constant 1 : i32
    %scan3A_25 = scf.for %scan3A_27 = %scan3A_21 to %scan3A_23 step %scan3A_24 iter_args(%scan3A_28 = %scan3A_20) -> (i32)  : i32 {
      %mul3A_29 = arith.constant 128 : i32
      %mul3A_30 = arith.muli %scan3A_27, %mul3A_29 : i32
      %add3A_31 = arith.addi %mul3A_2, %mul3A_30 : i32
      "tpu.region"() ({
        %run_scoped3A = tpu.sem_alloc : memref<!tpu.dma_semaphore, #tpu.memory_space<semaphore_mem>>
        %dma_start3A = arith.constant 0 : i32
        %dma_start3A_33 = tpu.memref_slice %arg11[%add3A_31, %dma_start3A] : memref<10240x128xf32, #tpu.memory_space<vmem_shared>> -> memref<128x128xf32, #tpu.memory_space<vmem_shared>>
        %dma_start3A_34 = arith.constant 0 : i32
        %dma_start3A_35 = tpu.memref_slice %arg11[%add3A_31, %dma_start3A_34] : memref<10240x128xf32, #tpu.memory_space<vmem_shared>> -> memref<128x128xf32, #tpu.memory_space<vmem_shared>>
        tpu.enqueue_dma source(%dma_start3A_35 : memref<128x128xf32, #tpu.memory_space<vmem_shared>>) target(%arg9 : memref<128x128xf32, #tpu.memory_space<vmem>>) target_semaphore(%run_scoped3A : memref<!tpu.dma_semaphore, #tpu.memory_space<semaphore_mem>>)
        %dma_wait3A = arith.constant 0 : i32
        %dma_wait3A_36 = tpu.memref_slice %arg11[%add3A_31, %dma_wait3A] : memref<10240x128xf32, #tpu.memory_space<vmem_shared>> -> memref<128x128xf32, #tpu.memory_space<vmem_shared>>
        %dma_wait3A_37 = arith.constant 0 : i32
        %dma_wait3A_38 = tpu.memref_slice %arg11[%add3A_31, %dma_wait3A_37] : memref<10240x128xf32, #tpu.memory_space<vmem_shared>> -> memref<128x128xf32, #tpu.memory_space<vmem_shared>>
        tpu.wait_dma2 semaphore(%run_scoped3A : memref<!tpu.dma_semaphore, #tpu.memory_space<semaphore_mem>>) src(%dma_wait3A_38 : memref<128x128xf32, #tpu.memory_space<vmem_shared>>) dst(%arg9 : memref<128x128xf32, #tpu.memory_space<vmem>>)
        tpu.yield
      }) : () -> ()
      "tpu.region"() ({
        %run_scoped3A = tpu.sem_alloc : memref<!tpu.dma_semaphore, #tpu.memory_space<semaphore_mem>>
        %dma_start3A = arith.constant 0 : i32
        %dma_start3A_33 = tpu.memref_slice %arg6[%arg0, %add3A_31, %dma_start3A] : memref<2x10240x128xf32, #tpu.memory_space<hbm>> -> memref<1x128x128xf32, #tpu.memory_space<hbm>>
        %dma_start3A_34 = tpu.memref_squeeze %dma_start3A_33 : memref<1x128x128xf32, #tpu.memory_space<hbm>> -> memref<128x128xf32, #tpu.memory_space<hbm>>
        %dma_start3A_35 = arith.constant 0 : i32
        %dma_start3A_36 = tpu.memref_slice %arg6[%arg0, %add3A_31, %dma_start3A_35] : memref<2x10240x128xf32, #tpu.memory_space<hbm>> -> memref<1x128x128xf32, #tpu.memory_space<hbm>>
        %dma_start3A_37 = tpu.memref_squeeze %dma_start3A_36 : memref<1x128x128xf32, #tpu.memory_space<hbm>> -> memref<128x128xf32, #tpu.memory_space<hbm>>
        tpu.enqueue_dma source(%arg9 : memref<128x128xf32, #tpu.memory_space<vmem>>) target(%dma_start3A_37 : memref<128x128xf32, #tpu.memory_space<hbm>>) target_semaphore(%run_scoped3A : memref<!tpu.dma_semaphore, #tpu.memory_space<semaphore_mem>>)
        %dma_wait3A = arith.constant 0 : i32
        %dma_wait3A_38 = tpu.memref_slice %arg6[%arg0, %add3A_31, %dma_wait3A] : memref<2x10240x128xf32, #tpu.memory_space<hbm>> -> memref<1x128x128xf32, #tpu.memory_space<hbm>>
        %dma_wait3A_39 = tpu.memref_squeeze %dma_wait3A_38 : memref<1x128x128xf32, #tpu.memory_space<hbm>> -> memref<128x128xf32, #tpu.memory_space<hbm>>
        %dma_wait3A_40 = arith.constant 0 : i32
        %dma_wait3A_41 = tpu.memref_slice %arg6[%arg0, %add3A_31, %dma_wait3A_40] : memref<2x10240x128xf32, #tpu.memory_space<hbm>> -> memref<1x128x128xf32, #tpu.memory_space<hbm>>
        %dma_wait3A_42 = tpu.memref_squeeze %dma_wait3A_41 : memref<1x128x128xf32, #tpu.memory_space<hbm>> -> memref<128x128xf32, #tpu.memory_space<hbm>>
        tpu.wait_dma2 semaphore(%run_scoped3A : memref<!tpu.dma_semaphore, #tpu.memory_space<semaphore_mem>>) src(%arg9 : memref<128x128xf32, #tpu.memory_space<vmem>>) dst(%dma_wait3A_42 : memref<128x128xf32, #tpu.memory_space<hbm>>)
        tpu.yield
      }) : () -> ()
      %scan3A_32 = arith.constant 0 : i32
      scf.yield %scan3A_32 : i32
    }
    %scan3A_26 = arith.constant 5 : i32
    return
  }
}

#map = affine_map<(d0, d1) -> (0, 0)>
#map1 = affine_map<(d0, d1) -> (0, 0, 0)>
module attributes {stable_mosaic.version = 14 : i64} {
  func.func @_agg_kernel(%arg0: i32, %arg1: i32, %arg2: memref<10240x128xf32, #tpu.memory_space<hbm>>, %arg3: memref<32x80x128xi32, #tpu.memory_space<hbm>>, %arg4: memref<32x80x128xi32, #tpu.memory_space<hbm>>, %arg5: memref<128x128xf32, #tpu.memory_space<hbm>>, %arg6: memref<2x10240x128xf32, #tpu.memory_space<hbm>>, %arg7: memref<16x128xi32, #tpu.memory_space<vmem>>, %arg8: memref<16x128xi32, #tpu.memory_space<vmem>>, %arg9: memref<128x128xf32, #tpu.memory_space<vmem>>, %arg10: memref<128x128xf32, #tpu.memory_space<vmem>>, %arg11: memref<10240x128xf32, #tpu.memory_space<vmem_shared>>, %arg12: memref<!tpu.dma_semaphore, #tpu.memory_space<semaphore_mem>>, %arg13: memref<!tpu.dma_semaphore, #tpu.memory_space<semaphore_mem>>) attributes {dimension_semantics = [#tpu.dimension_semantics<core_parallel>, #tpu.dimension_semantics<subcore_parallel>], iteration_bounds = array<i64: 2, 16>, scalar_prefetch = 0 : i64, scratch_operands = 7 : i64, tpu.core_type = #tpu.core_type<sc_vector_subcore>, window_params = [{transform_indices = #map}, {transform_indices = #map1}, {transform_indices = #map1}, {transform_indices = #map}, {transform_indices = #map1}]} {
    %mul3A = arith.constant 16 : i32
    %mul3A_0 = arith.muli %arg0, %mul3A : i32
    %add3A = arith.addi %mul3A_0, %arg1 : i32
    "tpu.region"() ({
      %run_scoped3A = tpu.sem_alloc : memref<!tpu.dma_semaphore, #tpu.memory_space<semaphore_mem>>
      tpu.enqueue_dma source(%arg5 : memref<128x128xf32, #tpu.memory_space<hbm>>) target(%arg9 : memref<128x128xf32, #tpu.memory_space<vmem>>) target_semaphore(%run_scoped3A : memref<!tpu.dma_semaphore, #tpu.memory_space<semaphore_mem>>)
      tpu.wait_dma2 semaphore(%run_scoped3A : memref<!tpu.dma_semaphore, #tpu.memory_space<semaphore_mem>>) src(%arg5 : memref<128x128xf32, #tpu.memory_space<hbm>>) dst(%arg9 : memref<128x128xf32, #tpu.memory_space<vmem>>)
      tpu.yield
    }) : () -> ()
    %mul3A_1 = arith.constant 640 : i32
    %mul3A_2 = arith.muli %arg1, %mul3A_1 : i32
    %add3A_3 = arith.constant 0 : i32
    %add3A_4 = arith.addi %mul3A_2, %add3A_3 : i32
    "tpu.region"() ({
      %run_scoped3A = tpu.sem_alloc : memref<!tpu.dma_semaphore, #tpu.memory_space<semaphore_mem>>
      %dma_start3A = arith.constant 0 : i32
      %dma_start3A_27 = tpu.memref_slice %arg11[%add3A_4, %dma_start3A] : memref<10240x128xf32, #tpu.memory_space<vmem_shared>> -> memref<128x128xf32, #tpu.memory_space<vmem_shared>>
      %dma_start3A_28 = arith.constant 0 : i32
      %dma_start3A_29 = tpu.memref_slice %arg11[%add3A_4, %dma_start3A_28] : memref<10240x128xf32, #tpu.memory_space<vmem_shared>> -> memref<128x128xf32, #tpu.memory_space<vmem_shared>>
      tpu.enqueue_dma source(%arg9 : memref<128x128xf32, #tpu.memory_space<vmem>>) target(%dma_start3A_29 : memref<128x128xf32, #tpu.memory_space<vmem_shared>>) target_semaphore(%run_scoped3A : memref<!tpu.dma_semaphore, #tpu.memory_space<semaphore_mem>>)
      %dma_wait3A = arith.constant 0 : i32
      %dma_wait3A_30 = tpu.memref_slice %arg11[%add3A_4, %dma_wait3A] : memref<10240x128xf32, #tpu.memory_space<vmem_shared>> -> memref<128x128xf32, #tpu.memory_space<vmem_shared>>
      %dma_wait3A_31 = arith.constant 0 : i32
      %dma_wait3A_32 = tpu.memref_slice %arg11[%add3A_4, %dma_wait3A_31] : memref<10240x128xf32, #tpu.memory_space<vmem_shared>> -> memref<128x128xf32, #tpu.memory_space<vmem_shared>>
      tpu.wait_dma2 semaphore(%run_scoped3A : memref<!tpu.dma_semaphore, #tpu.memory_space<semaphore_mem>>) src(%arg9 : memref<128x128xf32, #tpu.memory_space<vmem>>) dst(%dma_wait3A_32 : memref<128x128xf32, #tpu.memory_space<vmem_shared>>)
      tpu.yield
    }) : () -> ()
    %add3A_5 = arith.constant 128 : i32
    %add3A_6 = arith.addi %mul3A_2, %add3A_5 : i32
    "tpu.region"() ({
      %run_scoped3A = tpu.sem_alloc : memref<!tpu.dma_semaphore, #tpu.memory_space<semaphore_mem>>
      %dma_start3A = arith.constant 0 : i32
      %dma_start3A_27 = tpu.memref_slice %arg11[%add3A_6, %dma_start3A] : memref<10240x128xf32, #tpu.memory_space<vmem_shared>> -> memref<128x128xf32, #tpu.memory_space<vmem_shared>>
      %dma_start3A_28 = arith.constant 0 : i32
      %dma_start3A_29 = tpu.memref_slice %arg11[%add3A_6, %dma_start3A_28] : memref<10240x128xf32, #tpu.memory_space<vmem_shared>> -> memref<128x128xf32, #tpu.memory_space<vmem_shared>>
      tpu.enqueue_dma source(%arg9 : memref<128x128xf32, #tpu.memory_space<vmem>>) target(%dma_start3A_29 : memref<128x128xf32, #tpu.memory_space<vmem_shared>>) target_semaphore(%run_scoped3A : memref<!tpu.dma_semaphore, #tpu.memory_space<semaphore_mem>>)
      %dma_wait3A = arith.constant 0 : i32
      %dma_wait3A_30 = tpu.memref_slice %arg11[%add3A_6, %dma_wait3A] : memref<10240x128xf32, #tpu.memory_space<vmem_shared>> -> memref<128x128xf32, #tpu.memory_space<vmem_shared>>
      %dma_wait3A_31 = arith.constant 0 : i32
      %dma_wait3A_32 = tpu.memref_slice %arg11[%add3A_6, %dma_wait3A_31] : memref<10240x128xf32, #tpu.memory_space<vmem_shared>> -> memref<128x128xf32, #tpu.memory_space<vmem_shared>>
      tpu.wait_dma2 semaphore(%run_scoped3A : memref<!tpu.dma_semaphore, #tpu.memory_space<semaphore_mem>>) src(%arg9 : memref<128x128xf32, #tpu.memory_space<vmem>>) dst(%dma_wait3A_32 : memref<128x128xf32, #tpu.memory_space<vmem_shared>>)
      tpu.yield
    }) : () -> ()
    %add3A_7 = arith.constant 256 : i32
    %add3A_8 = arith.addi %mul3A_2, %add3A_7 : i32
    "tpu.region"() ({
      %run_scoped3A = tpu.sem_alloc : memref<!tpu.dma_semaphore, #tpu.memory_space<semaphore_mem>>
      %dma_start3A = arith.constant 0 : i32
      %dma_start3A_27 = tpu.memref_slice %arg11[%add3A_8, %dma_start3A] : memref<10240x128xf32, #tpu.memory_space<vmem_shared>> -> memref<128x128xf32, #tpu.memory_space<vmem_shared>>
      %dma_start3A_28 = arith.constant 0 : i32
      %dma_start3A_29 = tpu.memref_slice %arg11[%add3A_8, %dma_start3A_28] : memref<10240x128xf32, #tpu.memory_space<vmem_shared>> -> memref<128x128xf32, #tpu.memory_space<vmem_shared>>
      tpu.enqueue_dma source(%arg9 : memref<128x128xf32, #tpu.memory_space<vmem>>) target(%dma_start3A_29 : memref<128x128xf32, #tpu.memory_space<vmem_shared>>) target_semaphore(%run_scoped3A : memref<!tpu.dma_semaphore, #tpu.memory_space<semaphore_mem>>)
      %dma_wait3A = arith.constant 0 : i32
      %dma_wait3A_30 = tpu.memref_slice %arg11[%add3A_8, %dma_wait3A] : memref<10240x128xf32, #tpu.memory_space<vmem_shared>> -> memref<128x128xf32, #tpu.memory_space<vmem_shared>>
      %dma_wait3A_31 = arith.constant 0 : i32
      %dma_wait3A_32 = tpu.memref_slice %arg11[%add3A_8, %dma_wait3A_31] : memref<10240x128xf32, #tpu.memory_space<vmem_shared>> -> memref<128x128xf32, #tpu.memory_space<vmem_shared>>
      tpu.wait_dma2 semaphore(%run_scoped3A : memref<!tpu.dma_semaphore, #tpu.memory_space<semaphore_mem>>) src(%arg9 : memref<128x128xf32, #tpu.memory_space<vmem>>) dst(%dma_wait3A_32 : memref<128x128xf32, #tpu.memory_space<vmem_shared>>)
      tpu.yield
    }) : () -> ()
    %add3A_9 = arith.constant 384 : i32
    %add3A_10 = arith.addi %mul3A_2, %add3A_9 : i32
    "tpu.region"() ({
      %run_scoped3A = tpu.sem_alloc : memref<!tpu.dma_semaphore, #tpu.memory_space<semaphore_mem>>
      %dma_start3A = arith.constant 0 : i32
      %dma_start3A_27 = tpu.memref_slice %arg11[%add3A_10, %dma_start3A] : memref<10240x128xf32, #tpu.memory_space<vmem_shared>> -> memref<128x128xf32, #tpu.memory_space<vmem_shared>>
      %dma_start3A_28 = arith.constant 0 : i32
      %dma_start3A_29 = tpu.memref_slice %arg11[%add3A_10, %dma_start3A_28] : memref<10240x128xf32, #tpu.memory_space<vmem_shared>> -> memref<128x128xf32, #tpu.memory_space<vmem_shared>>
      tpu.enqueue_dma source(%arg9 : memref<128x128xf32, #tpu.memory_space<vmem>>) target(%dma_start3A_29 : memref<128x128xf32, #tpu.memory_space<vmem_shared>>) target_semaphore(%run_scoped3A : memref<!tpu.dma_semaphore, #tpu.memory_space<semaphore_mem>>)
      %dma_wait3A = arith.constant 0 : i32
      %dma_wait3A_30 = tpu.memref_slice %arg11[%add3A_10, %dma_wait3A] : memref<10240x128xf32, #tpu.memory_space<vmem_shared>> -> memref<128x128xf32, #tpu.memory_space<vmem_shared>>
      %dma_wait3A_31 = arith.constant 0 : i32
      %dma_wait3A_32 = tpu.memref_slice %arg11[%add3A_10, %dma_wait3A_31] : memref<10240x128xf32, #tpu.memory_space<vmem_shared>> -> memref<128x128xf32, #tpu.memory_space<vmem_shared>>
      tpu.wait_dma2 semaphore(%run_scoped3A : memref<!tpu.dma_semaphore, #tpu.memory_space<semaphore_mem>>) src(%arg9 : memref<128x128xf32, #tpu.memory_space<vmem>>) dst(%dma_wait3A_32 : memref<128x128xf32, #tpu.memory_space<vmem_shared>>)
      tpu.yield
    }) : () -> ()
    %add3A_11 = arith.constant 512 : i32
    %add3A_12 = arith.addi %mul3A_2, %add3A_11 : i32
    "tpu.region"() ({
      %run_scoped3A = tpu.sem_alloc : memref<!tpu.dma_semaphore, #tpu.memory_space<semaphore_mem>>
      %dma_start3A = arith.constant 0 : i32
      %dma_start3A_27 = tpu.memref_slice %arg11[%add3A_12, %dma_start3A] : memref<10240x128xf32, #tpu.memory_space<vmem_shared>> -> memref<128x128xf32, #tpu.memory_space<vmem_shared>>
      %dma_start3A_28 = arith.constant 0 : i32
      %dma_start3A_29 = tpu.memref_slice %arg11[%add3A_12, %dma_start3A_28] : memref<10240x128xf32, #tpu.memory_space<vmem_shared>> -> memref<128x128xf32, #tpu.memory_space<vmem_shared>>
      tpu.enqueue_dma source(%arg9 : memref<128x128xf32, #tpu.memory_space<vmem>>) target(%dma_start3A_29 : memref<128x128xf32, #tpu.memory_space<vmem_shared>>) target_semaphore(%run_scoped3A : memref<!tpu.dma_semaphore, #tpu.memory_space<semaphore_mem>>)
      %dma_wait3A = arith.constant 0 : i32
      %dma_wait3A_30 = tpu.memref_slice %arg11[%add3A_12, %dma_wait3A] : memref<10240x128xf32, #tpu.memory_space<vmem_shared>> -> memref<128x128xf32, #tpu.memory_space<vmem_shared>>
      %dma_wait3A_31 = arith.constant 0 : i32
      %dma_wait3A_32 = tpu.memref_slice %arg11[%add3A_12, %dma_wait3A_31] : memref<10240x128xf32, #tpu.memory_space<vmem_shared>> -> memref<128x128xf32, #tpu.memory_space<vmem_shared>>
      tpu.wait_dma2 semaphore(%run_scoped3A : memref<!tpu.dma_semaphore, #tpu.memory_space<semaphore_mem>>) src(%arg9 : memref<128x128xf32, #tpu.memory_space<vmem>>) dst(%dma_wait3A_32 : memref<128x128xf32, #tpu.memory_space<vmem_shared>>)
      tpu.yield
    }) : () -> ()
    %barrier3A = arith.constant 0 : index
    tpu.barrier barrier_id(%barrier3A)
    %scan3A = arith.constant 0 : i32
    %scan3A_13 = arith.constant 0 : i32
    %scan3A_14 = arith.constant 5 : i32
    %scan3A_15 = arith.addi %scan3A_13, %scan3A_14 : i32
    %scan3A_16 = arith.constant 1 : i32
    %scan3A_17 = scf.for %scan3A_27 = %scan3A_13 to %scan3A_15 step %scan3A_16 iter_args(%scan3A_28 = %scan3A) -> (i32)  : i32 {
      %mul3A_29 = arith.constant 16 : i32
      %mul3A_30 = arith.muli %scan3A_27, %mul3A_29 : i32
      "tpu.region"() ({
        %run_scoped3A_271 = tpu.sem_alloc : memref<!tpu.dma_semaphore, #tpu.memory_space<semaphore_mem>>
        %dma_start3A_272 = arith.constant 0 : i32
        %dma_start3A_273 = tpu.memref_slice %arg3[%add3A, %mul3A_30, %dma_start3A_272] : memref<32x80x128xi32, #tpu.memory_space<hbm>> -> memref<1x16x128xi32, #tpu.memory_space<hbm>>
        %dma_start3A_274 = tpu.memref_squeeze %dma_start3A_273 : memref<1x16x128xi32, #tpu.memory_space<hbm>> -> memref<16x128xi32, #tpu.memory_space<hbm>>
        %dma_start3A_275 = arith.constant 0 : i32
        %dma_start3A_276 = tpu.memref_slice %arg3[%add3A, %mul3A_30, %dma_start3A_275] : memref<32x80x128xi32, #tpu.memory_space<hbm>> -> memref<1x16x128xi32, #tpu.memory_space<hbm>>
        %dma_start3A_277 = tpu.memref_squeeze %dma_start3A_276 : memref<1x16x128xi32, #tpu.memory_space<hbm>> -> memref<16x128xi32, #tpu.memory_space<hbm>>
        tpu.enqueue_dma source(%dma_start3A_277 : memref<16x128xi32, #tpu.memory_space<hbm>>) target(%arg7 : memref<16x128xi32, #tpu.memory_space<vmem>>) target_semaphore(%run_scoped3A_271 : memref<!tpu.dma_semaphore, #tpu.memory_space<semaphore_mem>>)
        %dma_wait3A_278 = arith.constant 0 : i32
        %dma_wait3A_279 = tpu.memref_slice %arg3[%add3A, %mul3A_30, %dma_wait3A_278] : memref<32x80x128xi32, #tpu.memory_space<hbm>> -> memref<1x16x128xi32, #tpu.memory_space<hbm>>
        %dma_wait3A_280 = tpu.memref_squeeze %dma_wait3A_279 : memref<1x16x128xi32, #tpu.memory_space<hbm>> -> memref<16x128xi32, #tpu.memory_space<hbm>>
        %dma_wait3A_281 = arith.constant 0 : i32
        %dma_wait3A_282 = tpu.memref_slice %arg3[%add3A, %mul3A_30, %dma_wait3A_281] : memref<32x80x128xi32, #tpu.memory_space<hbm>> -> memref<1x16x128xi32, #tpu.memory_space<hbm>>
        %dma_wait3A_283 = tpu.memref_squeeze %dma_wait3A_282 : memref<1x16x128xi32, #tpu.memory_space<hbm>> -> memref<16x128xi32, #tpu.memory_space<hbm>>
        tpu.wait_dma2 semaphore(%run_scoped3A_271 : memref<!tpu.dma_semaphore, #tpu.memory_space<semaphore_mem>>) src(%dma_wait3A_283 : memref<16x128xi32, #tpu.memory_space<hbm>>) dst(%arg7 : memref<16x128xi32, #tpu.memory_space<vmem>>)
        tpu.yield
      }) : () -> ()
      %mul3A_31 = arith.constant 16 : i32
      %mul3A_32 = arith.muli %scan3A_27, %mul3A_31 : i32
      "tpu.region"() ({
        %run_scoped3A_271 = tpu.sem_alloc : memref<!tpu.dma_semaphore, #tpu.memory_space<semaphore_mem>>
        %dma_start3A_272 = arith.constant 0 : i32
        %dma_start3A_273 = tpu.memref_slice %arg4[%add3A, %mul3A_32, %dma_start3A_272] : memref<32x80x128xi32, #tpu.memory_space<hbm>> -> memref<1x16x128xi32, #tpu.memory_space<hbm>>
        %dma_start3A_274 = tpu.memref_squeeze %dma_start3A_273 : memref<1x16x128xi32, #tpu.memory_space<hbm>> -> memref<16x128xi32, #tpu.memory_space<hbm>>
        %dma_start3A_275 = arith.constant 0 : i32
        %dma_start3A_276 = tpu.memref_slice %arg4[%add3A, %mul3A_32, %dma_start3A_275] : memref<32x80x128xi32, #tpu.memory_space<hbm>> -> memref<1x16x128xi32, #tpu.memory_space<hbm>>
        %dma_start3A_277 = tpu.memref_squeeze %dma_start3A_276 : memref<1x16x128xi32, #tpu.memory_space<hbm>> -> memref<16x128xi32, #tpu.memory_space<hbm>>
        tpu.enqueue_dma source(%dma_start3A_277 : memref<16x128xi32, #tpu.memory_space<hbm>>) target(%arg8 : memref<16x128xi32, #tpu.memory_space<vmem>>) target_semaphore(%run_scoped3A_271 : memref<!tpu.dma_semaphore, #tpu.memory_space<semaphore_mem>>)
        %dma_wait3A_278 = arith.constant 0 : i32
        %dma_wait3A_279 = tpu.memref_slice %arg4[%add3A, %mul3A_32, %dma_wait3A_278] : memref<32x80x128xi32, #tpu.memory_space<hbm>> -> memref<1x16x128xi32, #tpu.memory_space<hbm>>
        %dma_wait3A_280 = tpu.memref_squeeze %dma_wait3A_279 : memref<1x16x128xi32, #tpu.memory_space<hbm>> -> memref<16x128xi32, #tpu.memory_space<hbm>>
        %dma_wait3A_281 = arith.constant 0 : i32
        %dma_wait3A_282 = tpu.memref_slice %arg4[%add3A, %mul3A_32, %dma_wait3A_281] : memref<32x80x128xi32, #tpu.memory_space<hbm>> -> memref<1x16x128xi32, #tpu.memory_space<hbm>>
        %dma_wait3A_283 = tpu.memref_squeeze %dma_wait3A_282 : memref<1x16x128xi32, #tpu.memory_space<hbm>> -> memref<16x128xi32, #tpu.memory_space<hbm>>
        tpu.wait_dma2 semaphore(%run_scoped3A_271 : memref<!tpu.dma_semaphore, #tpu.memory_space<semaphore_mem>>) src(%dma_wait3A_283 : memref<16x128xi32, #tpu.memory_space<hbm>>) dst(%arg8 : memref<16x128xi32, #tpu.memory_space<vmem>>)
        tpu.yield
      }) : () -> ()
      %dma_start3A = arith.constant 0 : i32
      %dma_start3A_33 = arith.constant 0 : i32
      %dma_start3A_34 = tpu.memref_slice %arg7[%dma_start3A, %dma_start3A_33] : memref<16x128xi32, #tpu.memory_space<vmem>> -> memref<1x128xi32, #tpu.memory_space<vmem>>
      %dma_start3A_35 = tpu.memref_squeeze %dma_start3A_34 : memref<1x128xi32, #tpu.memory_space<vmem>> -> memref<128xi32, #tpu.memory_space<vmem>>
      %dma_start3A_36 = arith.constant 0 : i32
      %dma_start3A_37 = arith.constant 0 : i32
      %dma_start3A_38 = tpu.memref_slice %arg2[%dma_start3A_36, %dma_start3A_37] : memref<10240x128xf32, #tpu.memory_space<hbm>> -> memref<10240x128xf32, #tpu.memory_space<hbm>>
      tpu.enqueue_indirect_dma source(%dma_start3A_38 : memref<10240x128xf32, #tpu.memory_space<hbm>>) target(%arg9 : memref<128x128xf32, #tpu.memory_space<vmem>>) offsets(%dma_start3A_35 : memref<128xi32, #tpu.memory_space<vmem>>) semaphore(%arg12 : memref<!tpu.dma_semaphore, #tpu.memory_space<semaphore_mem>>)
      %dma_start3A_39 = arith.constant 1 : i32
      %dma_start3A_40 = arith.constant 0 : i32
      %dma_start3A_41 = tpu.memref_slice %arg7[%dma_start3A_39, %dma_start3A_40] : memref<16x128xi32, #tpu.memory_space<vmem>> -> memref<1x128xi32, #tpu.memory_space<vmem>>
      %dma_start3A_42 = tpu.memref_squeeze %dma_start3A_41 : memref<1x128xi32, #tpu.memory_space<vmem>> -> memref<128xi32, #tpu.memory_space<vmem>>
      %dma_start3A_43 = arith.constant 0 : i32
      %dma_start3A_44 = arith.constant 0 : i32
      %dma_start3A_45 = tpu.memref_slice %arg2[%dma_start3A_43, %dma_start3A_44] : memref<10240x128xf32, #tpu.memory_space<hbm>> -> memref<10240x128xf32, #tpu.memory_space<hbm>>
      tpu.enqueue_indirect_dma source(%dma_start3A_45 : memref<10240x128xf32, #tpu.memory_space<hbm>>) target(%arg10 : memref<128x128xf32, #tpu.memory_space<vmem>>) offsets(%dma_start3A_42 : memref<128xi32, #tpu.memory_space<vmem>>) semaphore(%arg13 : memref<!tpu.dma_semaphore, #tpu.memory_space<semaphore_mem>>)
      %dma_wait3A = arith.constant 0 : i32
      %dma_wait3A_46 = arith.constant 0 : i32
      %dma_wait3A_47 = tpu.memref_slice %arg7[%dma_wait3A, %dma_wait3A_46] : memref<16x128xi32, #tpu.memory_space<vmem>> -> memref<1x128xi32, #tpu.memory_space<vmem>>
      %dma_wait3A_48 = tpu.memref_squeeze %dma_wait3A_47 : memref<1x128xi32, #tpu.memory_space<vmem>> -> memref<128xi32, #tpu.memory_space<vmem>>
      %dma_wait3A_49 = arith.constant 0 : i32
      %dma_wait3A_50 = arith.constant 0 : i32
      %dma_wait3A_51 = tpu.memref_slice %arg2[%dma_wait3A_49, %dma_wait3A_50] : memref<10240x128xf32, #tpu.memory_space<hbm>> -> memref<10240x128xf32, #tpu.memory_space<hbm>>
      tpu.wait_indirect_dma semaphore(%arg12 : memref<!tpu.dma_semaphore, #tpu.memory_space<semaphore_mem>>) src(%dma_wait3A_51 : memref<10240x128xf32, #tpu.memory_space<hbm>>) dst(%arg9 : memref<128x128xf32, #tpu.memory_space<vmem>>)
      %run_scoped3A = arith.constant 0 : i32
      "tpu.region"() ({
        %run_scoped3A_271 = tpu.sem_alloc : memref<!tpu.dma_semaphore, #tpu.memory_space<semaphore_mem>>
        %dma_start3A_272 = arith.constant 0 : i32
        %dma_start3A_273 = tpu.memref_slice %arg8[%run_scoped3A, %dma_start3A_272] : memref<16x128xi32, #tpu.memory_space<vmem>> -> memref<1x128xi32, #tpu.memory_space<vmem>>
        %dma_start3A_274 = tpu.memref_squeeze %dma_start3A_273 : memref<1x128xi32, #tpu.memory_space<vmem>> -> memref<128xi32, #tpu.memory_space<vmem>>
        %dma_start3A_275 = arith.constant 0 : i32
        %dma_start3A_276 = arith.constant 0 : i32
        %dma_start3A_277 = tpu.memref_slice %arg11[%dma_start3A_275, %dma_start3A_276] : memref<10240x128xf32, #tpu.memory_space<vmem_shared>> -> memref<10240x128xf32, #tpu.memory_space<vmem_shared>>
        tpu.enqueue_indirect_dma source(%arg9 : memref<128x128xf32, #tpu.memory_space<vmem>>) target(%dma_start3A_277 : memref<10240x128xf32, #tpu.memory_space<vmem_shared>>) offsets(%dma_start3A_274 : memref<128xi32, #tpu.memory_space<vmem>>) semaphore(%run_scoped3A_271 : memref<!tpu.dma_semaphore, #tpu.memory_space<semaphore_mem>>) {add = true}
        %dma_wait3A_278 = arith.constant 0 : i32
        %dma_wait3A_279 = tpu.memref_slice %arg8[%run_scoped3A, %dma_wait3A_278] : memref<16x128xi32, #tpu.memory_space<vmem>> -> memref<1x128xi32, #tpu.memory_space<vmem>>
        %dma_wait3A_280 = tpu.memref_squeeze %dma_wait3A_279 : memref<1x128xi32, #tpu.memory_space<vmem>> -> memref<128xi32, #tpu.memory_space<vmem>>
        %dma_wait3A_281 = arith.constant 0 : i32
        %dma_wait3A_282 = arith.constant 0 : i32
        %dma_wait3A_283 = tpu.memref_slice %arg11[%dma_wait3A_281, %dma_wait3A_282] : memref<10240x128xf32, #tpu.memory_space<vmem_shared>> -> memref<10240x128xf32, #tpu.memory_space<vmem_shared>>
        tpu.wait_indirect_dma semaphore(%run_scoped3A_271 : memref<!tpu.dma_semaphore, #tpu.memory_space<semaphore_mem>>) src(%arg9 : memref<128x128xf32, #tpu.memory_space<vmem>>) dst(%dma_wait3A_283 : memref<10240x128xf32, #tpu.memory_space<vmem_shared>>)
        tpu.yield
      }) : () -> ()
      %dma_start3A_52 = arith.constant 2 : i32
      %dma_start3A_53 = arith.constant 0 : i32
      %dma_start3A_54 = tpu.memref_slice %arg7[%dma_start3A_52, %dma_start3A_53] : memref<16x128xi32, #tpu.memory_space<vmem>> -> memref<1x128xi32, #tpu.memory_space<vmem>>
      %dma_start3A_55 = tpu.memref_squeeze %dma_start3A_54 : memref<1x128xi32, #tpu.memory_space<vmem>> -> memref<128xi32, #tpu.memory_space<vmem>>
      %dma_start3A_56 = arith.constant 0 : i32
      %dma_start3A_57 = arith.constant 0 : i32
      %dma_start3A_58 = tpu.memref_slice %arg2[%dma_start3A_56, %dma_start3A_57] : memref<10240x128xf32, #tpu.memory_space<hbm>> -> memref<10240x128xf32, #tpu.memory_space<hbm>>
      tpu.enqueue_indirect_dma source(%dma_start3A_58 : memref<10240x128xf32, #tpu.memory_space<hbm>>) target(%arg9 : memref<128x128xf32, #tpu.memory_space<vmem>>) offsets(%dma_start3A_55 : memref<128xi32, #tpu.memory_space<vmem>>) semaphore(%arg12 : memref<!tpu.dma_semaphore, #tpu.memory_space<semaphore_mem>>)
      %dma_wait3A_59 = arith.constant 1 : i32
      %dma_wait3A_60 = arith.constant 0 : i32
      %dma_wait3A_61 = tpu.memref_slice %arg7[%dma_wait3A_59, %dma_wait3A_60] : memref<16x128xi32, #tpu.memory_space<vmem>> -> memref<1x128xi32, #tpu.memory_space<vmem>>
      %dma_wait3A_62 = tpu.memref_squeeze %dma_wait3A_61 : memref<1x128xi32, #tpu.memory_space<vmem>> -> memref<128xi32, #tpu.memory_space<vmem>>
      %dma_wait3A_63 = arith.constant 0 : i32
      %dma_wait3A_64 = arith.constant 0 : i32
      %dma_wait3A_65 = tpu.memref_slice %arg2[%dma_wait3A_63, %dma_wait3A_64] : memref<10240x128xf32, #tpu.memory_space<hbm>> -> memref<10240x128xf32, #tpu.memory_space<hbm>>
      tpu.wait_indirect_dma semaphore(%arg13 : memref<!tpu.dma_semaphore, #tpu.memory_space<semaphore_mem>>) src(%dma_wait3A_65 : memref<10240x128xf32, #tpu.memory_space<hbm>>) dst(%arg10 : memref<128x128xf32, #tpu.memory_space<vmem>>)
      %run_scoped3A_66 = arith.constant 1 : i32
      "tpu.region"() ({
        %run_scoped3A_271 = tpu.sem_alloc : memref<!tpu.dma_semaphore, #tpu.memory_space<semaphore_mem>>
        %dma_start3A_272 = arith.constant 0 : i32
        %dma_start3A_273 = tpu.memref_slice %arg8[%run_scoped3A_66, %dma_start3A_272] : memref<16x128xi32, #tpu.memory_space<vmem>> -> memref<1x128xi32, #tpu.memory_space<vmem>>
        %dma_start3A_274 = tpu.memref_squeeze %dma_start3A_273 : memref<1x128xi32, #tpu.memory_space<vmem>> -> memref<128xi32, #tpu.memory_space<vmem>>
        %dma_start3A_275 = arith.constant 0 : i32
        %dma_start3A_276 = arith.constant 0 : i32
        %dma_start3A_277 = tpu.memref_slice %arg11[%dma_start3A_275, %dma_start3A_276] : memref<10240x128xf32, #tpu.memory_space<vmem_shared>> -> memref<10240x128xf32, #tpu.memory_space<vmem_shared>>
        tpu.enqueue_indirect_dma source(%arg10 : memref<128x128xf32, #tpu.memory_space<vmem>>) target(%dma_start3A_277 : memref<10240x128xf32, #tpu.memory_space<vmem_shared>>) offsets(%dma_start3A_274 : memref<128xi32, #tpu.memory_space<vmem>>) semaphore(%run_scoped3A_271 : memref<!tpu.dma_semaphore, #tpu.memory_space<semaphore_mem>>) {add = true}
        %dma_wait3A_278 = arith.constant 0 : i32
        %dma_wait3A_279 = tpu.memref_slice %arg8[%run_scoped3A_66, %dma_wait3A_278] : memref<16x128xi32, #tpu.memory_space<vmem>> -> memref<1x128xi32, #tpu.memory_space<vmem>>
        %dma_wait3A_280 = tpu.memref_squeeze %dma_wait3A_279 : memref<1x128xi32, #tpu.memory_space<vmem>> -> memref<128xi32, #tpu.memory_space<vmem>>
        %dma_wait3A_281 = arith.constant 0 : i32
        %dma_wait3A_282 = arith.constant 0 : i32
        %dma_wait3A_283 = tpu.memref_slice %arg11[%dma_wait3A_281, %dma_wait3A_282] : memref<10240x128xf32, #tpu.memory_space<vmem_shared>> -> memref<10240x128xf32, #tpu.memory_space<vmem_shared>>
        tpu.wait_indirect_dma semaphore(%run_scoped3A_271 : memref<!tpu.dma_semaphore, #tpu.memory_space<semaphore_mem>>) src(%arg10 : memref<128x128xf32, #tpu.memory_space<vmem>>) dst(%dma_wait3A_283 : memref<10240x128xf32, #tpu.memory_space<vmem_shared>>)
        tpu.yield
      }) : () -> ()
      %dma_start3A_67 = arith.constant 3 : i32
      %dma_start3A_68 = arith.constant 0 : i32
      %dma_start3A_69 = tpu.memref_slice %arg7[%dma_start3A_67, %dma_start3A_68] : memref<16x128xi32, #tpu.memory_space<vmem>> -> memref<1x128xi32, #tpu.memory_space<vmem>>
      %dma_start3A_70 = tpu.memref_squeeze %dma_start3A_69 : memref<1x128xi32, #tpu.memory_space<vmem>> -> memref<128xi32, #tpu.memory_space<vmem>>
      %dma_start3A_71 = arith.constant 0 : i32
      %dma_start3A_72 = arith.constant 0 : i32
      %dma_start3A_73 = tpu.memref_slice %arg2[%dma_start3A_71, %dma_start3A_72] : memref<10240x128xf32, #tpu.memory_space<hbm>> -> memref<10240x128xf32, #tpu.memory_space<hbm>>
      tpu.enqueue_indirect_dma source(%dma_start3A_73 : memref<10240x128xf32, #tpu.memory_space<hbm>>) target(%arg10 : memref<128x128xf32, #tpu.memory_space<vmem>>) offsets(%dma_start3A_70 : memref<128xi32, #tpu.memory_space<vmem>>) semaphore(%arg13 : memref<!tpu.dma_semaphore, #tpu.memory_space<semaphore_mem>>)
      %dma_wait3A_74 = arith.constant 2 : i32
      %dma_wait3A_75 = arith.constant 0 : i32
      %dma_wait3A_76 = tpu.memref_slice %arg7[%dma_wait3A_74, %dma_wait3A_75] : memref<16x128xi32, #tpu.memory_space<vmem>> -> memref<1x128xi32, #tpu.memory_space<vmem>>
      %dma_wait3A_77 = tpu.memref_squeeze %dma_wait3A_76 : memref<1x128xi32, #tpu.memory_space<vmem>> -> memref<128xi32, #tpu.memory_space<vmem>>
      %dma_wait3A_78 = arith.constant 0 : i32
      %dma_wait3A_79 = arith.constant 0 : i32
      %dma_wait3A_80 = tpu.memref_slice %arg2[%dma_wait3A_78, %dma_wait3A_79] : memref<10240x128xf32, #tpu.memory_space<hbm>> -> memref<10240x128xf32, #tpu.memory_space<hbm>>
      tpu.wait_indirect_dma semaphore(%arg12 : memref<!tpu.dma_semaphore, #tpu.memory_space<semaphore_mem>>) src(%dma_wait3A_80 : memref<10240x128xf32, #tpu.memory_space<hbm>>) dst(%arg9 : memref<128x128xf32, #tpu.memory_space<vmem>>)
      %run_scoped3A_81 = arith.constant 2 : i32
      "tpu.region"() ({
        %run_scoped3A_271 = tpu.sem_alloc : memref<!tpu.dma_semaphore, #tpu.memory_space<semaphore_mem>>
        %dma_start3A_272 = arith.constant 0 : i32
        %dma_start3A_273 = tpu.memref_slice %arg8[%run_scoped3A_81, %dma_start3A_272] : memref<16x128xi32, #tpu.memory_space<vmem>> -> memref<1x128xi32, #tpu.memory_space<vmem>>
        %dma_start3A_274 = tpu.memref_squeeze %dma_start3A_273 : memref<1x128xi32, #tpu.memory_space<vmem>> -> memref<128xi32, #tpu.memory_space<vmem>>
        %dma_start3A_275 = arith.constant 0 : i32
        %dma_start3A_276 = arith.constant 0 : i32
        %dma_start3A_277 = tpu.memref_slice %arg11[%dma_start3A_275, %dma_start3A_276] : memref<10240x128xf32, #tpu.memory_space<vmem_shared>> -> memref<10240x128xf32, #tpu.memory_space<vmem_shared>>
        tpu.enqueue_indirect_dma source(%arg9 : memref<128x128xf32, #tpu.memory_space<vmem>>) target(%dma_start3A_277 : memref<10240x128xf32, #tpu.memory_space<vmem_shared>>) offsets(%dma_start3A_274 : memref<128xi32, #tpu.memory_space<vmem>>) semaphore(%run_scoped3A_271 : memref<!tpu.dma_semaphore, #tpu.memory_space<semaphore_mem>>) {add = true}
        %dma_wait3A_278 = arith.constant 0 : i32
        %dma_wait3A_279 = tpu.memref_slice %arg8[%run_scoped3A_81, %dma_wait3A_278] : memref<16x128xi32, #tpu.memory_space<vmem>> -> memref<1x128xi32, #tpu.memory_space<vmem>>
        %dma_wait3A_280 = tpu.memref_squeeze %dma_wait3A_279 : memref<1x128xi32, #tpu.memory_space<vmem>> -> memref<128xi32, #tpu.memory_space<vmem>>
        %dma_wait3A_281 = arith.constant 0 : i32
        %dma_wait3A_282 = arith.constant 0 : i32
        %dma_wait3A_283 = tpu.memref_slice %arg11[%dma_wait3A_281, %dma_wait3A_282] : memref<10240x128xf32, #tpu.memory_space<vmem_shared>> -> memref<10240x128xf32, #tpu.memory_space<vmem_shared>>
        tpu.wait_indirect_dma semaphore(%run_scoped3A_271 : memref<!tpu.dma_semaphore, #tpu.memory_space<semaphore_mem>>) src(%arg9 : memref<128x128xf32, #tpu.memory_space<vmem>>) dst(%dma_wait3A_283 : memref<10240x128xf32, #tpu.memory_space<vmem_shared>>)
        tpu.yield
      }) : () -> ()
      %dma_start3A_82 = arith.constant 4 : i32
      %dma_start3A_83 = arith.constant 0 : i32
      %dma_start3A_84 = tpu.memref_slice %arg7[%dma_start3A_82, %dma_start3A_83] : memref<16x128xi32, #tpu.memory_space<vmem>> -> memref<1x128xi32, #tpu.memory_space<vmem>>
      %dma_start3A_85 = tpu.memref_squeeze %dma_start3A_84 : memref<1x128xi32, #tpu.memory_space<vmem>> -> memref<128xi32, #tpu.memory_space<vmem>>
      %dma_start3A_86 = arith.constant 0 : i32
      %dma_start3A_87 = arith.constant 0 : i32
      %dma_start3A_88 = tpu.memref_slice %arg2[%dma_start3A_86, %dma_start3A_87] : memref<10240x128xf32, #tpu.memory_space<hbm>> -> memref<10240x128xf32, #tpu.memory_space<hbm>>
      tpu.enqueue_indirect_dma source(%dma_start3A_88 : memref<10240x128xf32, #tpu.memory_space<hbm>>) target(%arg9 : memref<128x128xf32, #tpu.memory_space<vmem>>) offsets(%dma_start3A_85 : memref<128xi32, #tpu.memory_space<vmem>>) semaphore(%arg12 : memref<!tpu.dma_semaphore, #tpu.memory_space<semaphore_mem>>)
      %dma_wait3A_89 = arith.constant 3 : i32
      %dma_wait3A_90 = arith.constant 0 : i32
      %dma_wait3A_91 = tpu.memref_slice %arg7[%dma_wait3A_89, %dma_wait3A_90] : memref<16x128xi32, #tpu.memory_space<vmem>> -> memref<1x128xi32, #tpu.memory_space<vmem>>
      %dma_wait3A_92 = tpu.memref_squeeze %dma_wait3A_91 : memref<1x128xi32, #tpu.memory_space<vmem>> -> memref<128xi32, #tpu.memory_space<vmem>>
      %dma_wait3A_93 = arith.constant 0 : i32
      %dma_wait3A_94 = arith.constant 0 : i32
      %dma_wait3A_95 = tpu.memref_slice %arg2[%dma_wait3A_93, %dma_wait3A_94] : memref<10240x128xf32, #tpu.memory_space<hbm>> -> memref<10240x128xf32, #tpu.memory_space<hbm>>
      tpu.wait_indirect_dma semaphore(%arg13 : memref<!tpu.dma_semaphore, #tpu.memory_space<semaphore_mem>>) src(%dma_wait3A_95 : memref<10240x128xf32, #tpu.memory_space<hbm>>) dst(%arg10 : memref<128x128xf32, #tpu.memory_space<vmem>>)
      %run_scoped3A_96 = arith.constant 3 : i32
      "tpu.region"() ({
        %run_scoped3A_271 = tpu.sem_alloc : memref<!tpu.dma_semaphore, #tpu.memory_space<semaphore_mem>>
        %dma_start3A_272 = arith.constant 0 : i32
        %dma_start3A_273 = tpu.memref_slice %arg8[%run_scoped3A_96, %dma_start3A_272] : memref<16x128xi32, #tpu.memory_space<vmem>> -> memref<1x128xi32, #tpu.memory_space<vmem>>
        %dma_start3A_274 = tpu.memref_squeeze %dma_start3A_273 : memref<1x128xi32, #tpu.memory_space<vmem>> -> memref<128xi32, #tpu.memory_space<vmem>>
        %dma_start3A_275 = arith.constant 0 : i32
        %dma_start3A_276 = arith.constant 0 : i32
        %dma_start3A_277 = tpu.memref_slice %arg11[%dma_start3A_275, %dma_start3A_276] : memref<10240x128xf32, #tpu.memory_space<vmem_shared>> -> memref<10240x128xf32, #tpu.memory_space<vmem_shared>>
        tpu.enqueue_indirect_dma source(%arg10 : memref<128x128xf32, #tpu.memory_space<vmem>>) target(%dma_start3A_277 : memref<10240x128xf32, #tpu.memory_space<vmem_shared>>) offsets(%dma_start3A_274 : memref<128xi32, #tpu.memory_space<vmem>>) semaphore(%run_scoped3A_271 : memref<!tpu.dma_semaphore, #tpu.memory_space<semaphore_mem>>) {add = true}
        %dma_wait3A_278 = arith.constant 0 : i32
        %dma_wait3A_279 = tpu.memref_slice %arg8[%run_scoped3A_96, %dma_wait3A_278] : memref<16x128xi32, #tpu.memory_space<vmem>> -> memref<1x128xi32, #tpu.memory_space<vmem>>
        %dma_wait3A_280 = tpu.memref_squeeze %dma_wait3A_279 : memref<1x128xi32, #tpu.memory_space<vmem>> -> memref<128xi32, #tpu.memory_space<vmem>>
        %dma_wait3A_281 = arith.constant 0 : i32
        %dma_wait3A_282 = arith.constant 0 : i32
        %dma_wait3A_283 = tpu.memref_slice %arg11[%dma_wait3A_281, %dma_wait3A_282] : memref<10240x128xf32, #tpu.memory_space<vmem_shared>> -> memref<10240x128xf32, #tpu.memory_space<vmem_shared>>
        tpu.wait_indirect_dma semaphore(%run_scoped3A_271 : memref<!tpu.dma_semaphore, #tpu.memory_space<semaphore_mem>>) src(%arg10 : memref<128x128xf32, #tpu.memory_space<vmem>>) dst(%dma_wait3A_283 : memref<10240x128xf32, #tpu.memory_space<vmem_shared>>)
        tpu.yield
      }) : () -> ()
      %dma_start3A_97 = arith.constant 5 : i32
      %dma_start3A_98 = arith.constant 0 : i32
      %dma_start3A_99 = tpu.memref_slice %arg7[%dma_start3A_97, %dma_start3A_98] : memref<16x128xi32, #tpu.memory_space<vmem>> -> memref<1x128xi32, #tpu.memory_space<vmem>>
      %dma_start3A_100 = tpu.memref_squeeze %dma_start3A_99 : memref<1x128xi32, #tpu.memory_space<vmem>> -> memref<128xi32, #tpu.memory_space<vmem>>
      %dma_start3A_101 = arith.constant 0 : i32
      %dma_start3A_102 = arith.constant 0 : i32
      %dma_start3A_103 = tpu.memref_slice %arg2[%dma_start3A_101, %dma_start3A_102] : memref<10240x128xf32, #tpu.memory_space<hbm>> -> memref<10240x128xf32, #tpu.memory_space<hbm>>
      tpu.enqueue_indirect_dma source(%dma_start3A_103 : memref<10240x128xf32, #tpu.memory_space<hbm>>) target(%arg10 : memref<128x128xf32, #tpu.memory_space<vmem>>) offsets(%dma_start3A_100 : memref<128xi32, #tpu.memory_space<vmem>>) semaphore(%arg13 : memref<!tpu.dma_semaphore, #tpu.memory_space<semaphore_mem>>)
      %dma_wait3A_104 = arith.constant 4 : i32
      %dma_wait3A_105 = arith.constant 0 : i32
      %dma_wait3A_106 = tpu.memref_slice %arg7[%dma_wait3A_104, %dma_wait3A_105] : memref<16x128xi32, #tpu.memory_space<vmem>> -> memref<1x128xi32, #tpu.memory_space<vmem>>
      %dma_wait3A_107 = tpu.memref_squeeze %dma_wait3A_106 : memref<1x128xi32, #tpu.memory_space<vmem>> -> memref<128xi32, #tpu.memory_space<vmem>>
      %dma_wait3A_108 = arith.constant 0 : i32
      %dma_wait3A_109 = arith.constant 0 : i32
      %dma_wait3A_110 = tpu.memref_slice %arg2[%dma_wait3A_108, %dma_wait3A_109] : memref<10240x128xf32, #tpu.memory_space<hbm>> -> memref<10240x128xf32, #tpu.memory_space<hbm>>
      tpu.wait_indirect_dma semaphore(%arg12 : memref<!tpu.dma_semaphore, #tpu.memory_space<semaphore_mem>>) src(%dma_wait3A_110 : memref<10240x128xf32, #tpu.memory_space<hbm>>) dst(%arg9 : memref<128x128xf32, #tpu.memory_space<vmem>>)
      %run_scoped3A_111 = arith.constant 4 : i32
      "tpu.region"() ({
        %run_scoped3A_271 = tpu.sem_alloc : memref<!tpu.dma_semaphore, #tpu.memory_space<semaphore_mem>>
        %dma_start3A_272 = arith.constant 0 : i32
        %dma_start3A_273 = tpu.memref_slice %arg8[%run_scoped3A_111, %dma_start3A_272] : memref<16x128xi32, #tpu.memory_space<vmem>> -> memref<1x128xi32, #tpu.memory_space<vmem>>
        %dma_start3A_274 = tpu.memref_squeeze %dma_start3A_273 : memref<1x128xi32, #tpu.memory_space<vmem>> -> memref<128xi32, #tpu.memory_space<vmem>>
        %dma_start3A_275 = arith.constant 0 : i32
        %dma_start3A_276 = arith.constant 0 : i32
        %dma_start3A_277 = tpu.memref_slice %arg11[%dma_start3A_275, %dma_start3A_276] : memref<10240x128xf32, #tpu.memory_space<vmem_shared>> -> memref<10240x128xf32, #tpu.memory_space<vmem_shared>>
        tpu.enqueue_indirect_dma source(%arg9 : memref<128x128xf32, #tpu.memory_space<vmem>>) target(%dma_start3A_277 : memref<10240x128xf32, #tpu.memory_space<vmem_shared>>) offsets(%dma_start3A_274 : memref<128xi32, #tpu.memory_space<vmem>>) semaphore(%run_scoped3A_271 : memref<!tpu.dma_semaphore, #tpu.memory_space<semaphore_mem>>) {add = true}
        %dma_wait3A_278 = arith.constant 0 : i32
        %dma_wait3A_279 = tpu.memref_slice %arg8[%run_scoped3A_111, %dma_wait3A_278] : memref<16x128xi32, #tpu.memory_space<vmem>> -> memref<1x128xi32, #tpu.memory_space<vmem>>
        %dma_wait3A_280 = tpu.memref_squeeze %dma_wait3A_279 : memref<1x128xi32, #tpu.memory_space<vmem>> -> memref<128xi32, #tpu.memory_space<vmem>>
        %dma_wait3A_281 = arith.constant 0 : i32
        %dma_wait3A_282 = arith.constant 0 : i32
        %dma_wait3A_283 = tpu.memref_slice %arg11[%dma_wait3A_281, %dma_wait3A_282] : memref<10240x128xf32, #tpu.memory_space<vmem_shared>> -> memref<10240x128xf32, #tpu.memory_space<vmem_shared>>
        tpu.wait_indirect_dma semaphore(%run_scoped3A_271 : memref<!tpu.dma_semaphore, #tpu.memory_space<semaphore_mem>>) src(%arg9 : memref<128x128xf32, #tpu.memory_space<vmem>>) dst(%dma_wait3A_283 : memref<10240x128xf32, #tpu.memory_space<vmem_shared>>)
        tpu.yield
      }) : () -> ()
      %dma_start3A_112 = arith.constant 6 : i32
      %dma_start3A_113 = arith.constant 0 : i32
      %dma_start3A_114 = tpu.memref_slice %arg7[%dma_start3A_112, %dma_start3A_113] : memref<16x128xi32, #tpu.memory_space<vmem>> -> memref<1x128xi32, #tpu.memory_space<vmem>>
      %dma_start3A_115 = tpu.memref_squeeze %dma_start3A_114 : memref<1x128xi32, #tpu.memory_space<vmem>> -> memref<128xi32, #tpu.memory_space<vmem>>
      %dma_start3A_116 = arith.constant 0 : i32
      %dma_start3A_117 = arith.constant 0 : i32
      %dma_start3A_118 = tpu.memref_slice %arg2[%dma_start3A_116, %dma_start3A_117] : memref<10240x128xf32, #tpu.memory_space<hbm>> -> memref<10240x128xf32, #tpu.memory_space<hbm>>
      tpu.enqueue_indirect_dma source(%dma_start3A_118 : memref<10240x128xf32, #tpu.memory_space<hbm>>) target(%arg9 : memref<128x128xf32, #tpu.memory_space<vmem>>) offsets(%dma_start3A_115 : memref<128xi32, #tpu.memory_space<vmem>>) semaphore(%arg12 : memref<!tpu.dma_semaphore, #tpu.memory_space<semaphore_mem>>)
      %dma_wait3A_119 = arith.constant 5 : i32
      %dma_wait3A_120 = arith.constant 0 : i32
      %dma_wait3A_121 = tpu.memref_slice %arg7[%dma_wait3A_119, %dma_wait3A_120] : memref<16x128xi32, #tpu.memory_space<vmem>> -> memref<1x128xi32, #tpu.memory_space<vmem>>
      %dma_wait3A_122 = tpu.memref_squeeze %dma_wait3A_121 : memref<1x128xi32, #tpu.memory_space<vmem>> -> memref<128xi32, #tpu.memory_space<vmem>>
      %dma_wait3A_123 = arith.constant 0 : i32
      %dma_wait3A_124 = arith.constant 0 : i32
      %dma_wait3A_125 = tpu.memref_slice %arg2[%dma_wait3A_123, %dma_wait3A_124] : memref<10240x128xf32, #tpu.memory_space<hbm>> -> memref<10240x128xf32, #tpu.memory_space<hbm>>
      tpu.wait_indirect_dma semaphore(%arg13 : memref<!tpu.dma_semaphore, #tpu.memory_space<semaphore_mem>>) src(%dma_wait3A_125 : memref<10240x128xf32, #tpu.memory_space<hbm>>) dst(%arg10 : memref<128x128xf32, #tpu.memory_space<vmem>>)
      %run_scoped3A_126 = arith.constant 5 : i32
      "tpu.region"() ({
        %run_scoped3A_271 = tpu.sem_alloc : memref<!tpu.dma_semaphore, #tpu.memory_space<semaphore_mem>>
        %dma_start3A_272 = arith.constant 0 : i32
        %dma_start3A_273 = tpu.memref_slice %arg8[%run_scoped3A_126, %dma_start3A_272] : memref<16x128xi32, #tpu.memory_space<vmem>> -> memref<1x128xi32, #tpu.memory_space<vmem>>
        %dma_start3A_274 = tpu.memref_squeeze %dma_start3A_273 : memref<1x128xi32, #tpu.memory_space<vmem>> -> memref<128xi32, #tpu.memory_space<vmem>>
        %dma_start3A_275 = arith.constant 0 : i32
        %dma_start3A_276 = arith.constant 0 : i32
        %dma_start3A_277 = tpu.memref_slice %arg11[%dma_start3A_275, %dma_start3A_276] : memref<10240x128xf32, #tpu.memory_space<vmem_shared>> -> memref<10240x128xf32, #tpu.memory_space<vmem_shared>>
        tpu.enqueue_indirect_dma source(%arg10 : memref<128x128xf32, #tpu.memory_space<vmem>>) target(%dma_start3A_277 : memref<10240x128xf32, #tpu.memory_space<vmem_shared>>) offsets(%dma_start3A_274 : memref<128xi32, #tpu.memory_space<vmem>>) semaphore(%run_scoped3A_271 : memref<!tpu.dma_semaphore, #tpu.memory_space<semaphore_mem>>) {add = true}
        %dma_wait3A_278 = arith.constant 0 : i32
        %dma_wait3A_279 = tpu.memref_slice %arg8[%run_scoped3A_126, %dma_wait3A_278] : memref<16x128xi32, #tpu.memory_space<vmem>> -> memref<1x128xi32, #tpu.memory_space<vmem>>
        %dma_wait3A_280 = tpu.memref_squeeze %dma_wait3A_279 : memref<1x128xi32, #tpu.memory_space<vmem>> -> memref<128xi32, #tpu.memory_space<vmem>>
        %dma_wait3A_281 = arith.constant 0 : i32
        %dma_wait3A_282 = arith.constant 0 : i32
        %dma_wait3A_283 = tpu.memref_slice %arg11[%dma_wait3A_281, %dma_wait3A_282] : memref<10240x128xf32, #tpu.memory_space<vmem_shared>> -> memref<10240x128xf32, #tpu.memory_space<vmem_shared>>
        tpu.wait_indirect_dma semaphore(%run_scoped3A_271 : memref<!tpu.dma_semaphore, #tpu.memory_space<semaphore_mem>>) src(%arg10 : memref<128x128xf32, #tpu.memory_space<vmem>>) dst(%dma_wait3A_283 : memref<10240x128xf32, #tpu.memory_space<vmem_shared>>)
        tpu.yield
      }) : () -> ()
      %dma_start3A_127 = arith.constant 7 : i32
      %dma_start3A_128 = arith.constant 0 : i32
      %dma_start3A_129 = tpu.memref_slice %arg7[%dma_start3A_127, %dma_start3A_128] : memref<16x128xi32, #tpu.memory_space<vmem>> -> memref<1x128xi32, #tpu.memory_space<vmem>>
      %dma_start3A_130 = tpu.memref_squeeze %dma_start3A_129 : memref<1x128xi32, #tpu.memory_space<vmem>> -> memref<128xi32, #tpu.memory_space<vmem>>
      %dma_start3A_131 = arith.constant 0 : i32
      %dma_start3A_132 = arith.constant 0 : i32
      %dma_start3A_133 = tpu.memref_slice %arg2[%dma_start3A_131, %dma_start3A_132] : memref<10240x128xf32, #tpu.memory_space<hbm>> -> memref<10240x128xf32, #tpu.memory_space<hbm>>
      tpu.enqueue_indirect_dma source(%dma_start3A_133 : memref<10240x128xf32, #tpu.memory_space<hbm>>) target(%arg10 : memref<128x128xf32, #tpu.memory_space<vmem>>) offsets(%dma_start3A_130 : memref<128xi32, #tpu.memory_space<vmem>>) semaphore(%arg13 : memref<!tpu.dma_semaphore, #tpu.memory_space<semaphore_mem>>)
      %dma_wait3A_134 = arith.constant 6 : i32
      %dma_wait3A_135 = arith.constant 0 : i32
      %dma_wait3A_136 = tpu.memref_slice %arg7[%dma_wait3A_134, %dma_wait3A_135] : memref<16x128xi32, #tpu.memory_space<vmem>> -> memref<1x128xi32, #tpu.memory_space<vmem>>
      %dma_wait3A_137 = tpu.memref_squeeze %dma_wait3A_136 : memref<1x128xi32, #tpu.memory_space<vmem>> -> memref<128xi32, #tpu.memory_space<vmem>>
      %dma_wait3A_138 = arith.constant 0 : i32
      %dma_wait3A_139 = arith.constant 0 : i32
      %dma_wait3A_140 = tpu.memref_slice %arg2[%dma_wait3A_138, %dma_wait3A_139] : memref<10240x128xf32, #tpu.memory_space<hbm>> -> memref<10240x128xf32, #tpu.memory_space<hbm>>
      tpu.wait_indirect_dma semaphore(%arg12 : memref<!tpu.dma_semaphore, #tpu.memory_space<semaphore_mem>>) src(%dma_wait3A_140 : memref<10240x128xf32, #tpu.memory_space<hbm>>) dst(%arg9 : memref<128x128xf32, #tpu.memory_space<vmem>>)
      %run_scoped3A_141 = arith.constant 6 : i32
      "tpu.region"() ({
        %run_scoped3A_271 = tpu.sem_alloc : memref<!tpu.dma_semaphore, #tpu.memory_space<semaphore_mem>>
        %dma_start3A_272 = arith.constant 0 : i32
        %dma_start3A_273 = tpu.memref_slice %arg8[%run_scoped3A_141, %dma_start3A_272] : memref<16x128xi32, #tpu.memory_space<vmem>> -> memref<1x128xi32, #tpu.memory_space<vmem>>
        %dma_start3A_274 = tpu.memref_squeeze %dma_start3A_273 : memref<1x128xi32, #tpu.memory_space<vmem>> -> memref<128xi32, #tpu.memory_space<vmem>>
        %dma_start3A_275 = arith.constant 0 : i32
        %dma_start3A_276 = arith.constant 0 : i32
        %dma_start3A_277 = tpu.memref_slice %arg11[%dma_start3A_275, %dma_start3A_276] : memref<10240x128xf32, #tpu.memory_space<vmem_shared>> -> memref<10240x128xf32, #tpu.memory_space<vmem_shared>>
        tpu.enqueue_indirect_dma source(%arg9 : memref<128x128xf32, #tpu.memory_space<vmem>>) target(%dma_start3A_277 : memref<10240x128xf32, #tpu.memory_space<vmem_shared>>) offsets(%dma_start3A_274 : memref<128xi32, #tpu.memory_space<vmem>>) semaphore(%run_scoped3A_271 : memref<!tpu.dma_semaphore, #tpu.memory_space<semaphore_mem>>) {add = true}
        %dma_wait3A_278 = arith.constant 0 : i32
        %dma_wait3A_279 = tpu.memref_slice %arg8[%run_scoped3A_141, %dma_wait3A_278] : memref<16x128xi32, #tpu.memory_space<vmem>> -> memref<1x128xi32, #tpu.memory_space<vmem>>
        %dma_wait3A_280 = tpu.memref_squeeze %dma_wait3A_279 : memref<1x128xi32, #tpu.memory_space<vmem>> -> memref<128xi32, #tpu.memory_space<vmem>>
        %dma_wait3A_281 = arith.constant 0 : i32
        %dma_wait3A_282 = arith.constant 0 : i32
        %dma_wait3A_283 = tpu.memref_slice %arg11[%dma_wait3A_281, %dma_wait3A_282] : memref<10240x128xf32, #tpu.memory_space<vmem_shared>> -> memref<10240x128xf32, #tpu.memory_space<vmem_shared>>
        tpu.wait_indirect_dma semaphore(%run_scoped3A_271 : memref<!tpu.dma_semaphore, #tpu.memory_space<semaphore_mem>>) src(%arg9 : memref<128x128xf32, #tpu.memory_space<vmem>>) dst(%dma_wait3A_283 : memref<10240x128xf32, #tpu.memory_space<vmem_shared>>)
        tpu.yield
      }) : () -> ()
      %dma_start3A_142 = arith.constant 8 : i32
      %dma_start3A_143 = arith.constant 0 : i32
      %dma_start3A_144 = tpu.memref_slice %arg7[%dma_start3A_142, %dma_start3A_143] : memref<16x128xi32, #tpu.memory_space<vmem>> -> memref<1x128xi32, #tpu.memory_space<vmem>>
      %dma_start3A_145 = tpu.memref_squeeze %dma_start3A_144 : memref<1x128xi32, #tpu.memory_space<vmem>> -> memref<128xi32, #tpu.memory_space<vmem>>
      %dma_start3A_146 = arith.constant 0 : i32
      %dma_start3A_147 = arith.constant 0 : i32
      %dma_start3A_148 = tpu.memref_slice %arg2[%dma_start3A_146, %dma_start3A_147] : memref<10240x128xf32, #tpu.memory_space<hbm>> -> memref<10240x128xf32, #tpu.memory_space<hbm>>
      tpu.enqueue_indirect_dma source(%dma_start3A_148 : memref<10240x128xf32, #tpu.memory_space<hbm>>) target(%arg9 : memref<128x128xf32, #tpu.memory_space<vmem>>) offsets(%dma_start3A_145 : memref<128xi32, #tpu.memory_space<vmem>>) semaphore(%arg12 : memref<!tpu.dma_semaphore, #tpu.memory_space<semaphore_mem>>)
      %dma_wait3A_149 = arith.constant 7 : i32
      %dma_wait3A_150 = arith.constant 0 : i32
      %dma_wait3A_151 = tpu.memref_slice %arg7[%dma_wait3A_149, %dma_wait3A_150] : memref<16x128xi32, #tpu.memory_space<vmem>> -> memref<1x128xi32, #tpu.memory_space<vmem>>
      %dma_wait3A_152 = tpu.memref_squeeze %dma_wait3A_151 : memref<1x128xi32, #tpu.memory_space<vmem>> -> memref<128xi32, #tpu.memory_space<vmem>>
      %dma_wait3A_153 = arith.constant 0 : i32
      %dma_wait3A_154 = arith.constant 0 : i32
      %dma_wait3A_155 = tpu.memref_slice %arg2[%dma_wait3A_153, %dma_wait3A_154] : memref<10240x128xf32, #tpu.memory_space<hbm>> -> memref<10240x128xf32, #tpu.memory_space<hbm>>
      tpu.wait_indirect_dma semaphore(%arg13 : memref<!tpu.dma_semaphore, #tpu.memory_space<semaphore_mem>>) src(%dma_wait3A_155 : memref<10240x128xf32, #tpu.memory_space<hbm>>) dst(%arg10 : memref<128x128xf32, #tpu.memory_space<vmem>>)
      %run_scoped3A_156 = arith.constant 7 : i32
      "tpu.region"() ({
        %run_scoped3A_271 = tpu.sem_alloc : memref<!tpu.dma_semaphore, #tpu.memory_space<semaphore_mem>>
        %dma_start3A_272 = arith.constant 0 : i32
        %dma_start3A_273 = tpu.memref_slice %arg8[%run_scoped3A_156, %dma_start3A_272] : memref<16x128xi32, #tpu.memory_space<vmem>> -> memref<1x128xi32, #tpu.memory_space<vmem>>
        %dma_start3A_274 = tpu.memref_squeeze %dma_start3A_273 : memref<1x128xi32, #tpu.memory_space<vmem>> -> memref<128xi32, #tpu.memory_space<vmem>>
        %dma_start3A_275 = arith.constant 0 : i32
        %dma_start3A_276 = arith.constant 0 : i32
        %dma_start3A_277 = tpu.memref_slice %arg11[%dma_start3A_275, %dma_start3A_276] : memref<10240x128xf32, #tpu.memory_space<vmem_shared>> -> memref<10240x128xf32, #tpu.memory_space<vmem_shared>>
        tpu.enqueue_indirect_dma source(%arg10 : memref<128x128xf32, #tpu.memory_space<vmem>>) target(%dma_start3A_277 : memref<10240x128xf32, #tpu.memory_space<vmem_shared>>) offsets(%dma_start3A_274 : memref<128xi32, #tpu.memory_space<vmem>>) semaphore(%run_scoped3A_271 : memref<!tpu.dma_semaphore, #tpu.memory_space<semaphore_mem>>) {add = true}
        %dma_wait3A_278 = arith.constant 0 : i32
        %dma_wait3A_279 = tpu.memref_slice %arg8[%run_scoped3A_156, %dma_wait3A_278] : memref<16x128xi32, #tpu.memory_space<vmem>> -> memref<1x128xi32, #tpu.memory_space<vmem>>
        %dma_wait3A_280 = tpu.memref_squeeze %dma_wait3A_279 : memref<1x128xi32, #tpu.memory_space<vmem>> -> memref<128xi32, #tpu.memory_space<vmem>>
        %dma_wait3A_281 = arith.constant 0 : i32
        %dma_wait3A_282 = arith.constant 0 : i32
        %dma_wait3A_283 = tpu.memref_slice %arg11[%dma_wait3A_281, %dma_wait3A_282] : memref<10240x128xf32, #tpu.memory_space<vmem_shared>> -> memref<10240x128xf32, #tpu.memory_space<vmem_shared>>
        tpu.wait_indirect_dma semaphore(%run_scoped3A_271 : memref<!tpu.dma_semaphore, #tpu.memory_space<semaphore_mem>>) src(%arg10 : memref<128x128xf32, #tpu.memory_space<vmem>>) dst(%dma_wait3A_283 : memref<10240x128xf32, #tpu.memory_space<vmem_shared>>)
        tpu.yield
      }) : () -> ()
      %dma_start3A_157 = arith.constant 9 : i32
      %dma_start3A_158 = arith.constant 0 : i32
      %dma_start3A_159 = tpu.memref_slice %arg7[%dma_start3A_157, %dma_start3A_158] : memref<16x128xi32, #tpu.memory_space<vmem>> -> memref<1x128xi32, #tpu.memory_space<vmem>>
      %dma_start3A_160 = tpu.memref_squeeze %dma_start3A_159 : memref<1x128xi32, #tpu.memory_space<vmem>> -> memref<128xi32, #tpu.memory_space<vmem>>
      %dma_start3A_161 = arith.constant 0 : i32
      %dma_start3A_162 = arith.constant 0 : i32
      %dma_start3A_163 = tpu.memref_slice %arg2[%dma_start3A_161, %dma_start3A_162] : memref<10240x128xf32, #tpu.memory_space<hbm>> -> memref<10240x128xf32, #tpu.memory_space<hbm>>
      tpu.enqueue_indirect_dma source(%dma_start3A_163 : memref<10240x128xf32, #tpu.memory_space<hbm>>) target(%arg10 : memref<128x128xf32, #tpu.memory_space<vmem>>) offsets(%dma_start3A_160 : memref<128xi32, #tpu.memory_space<vmem>>) semaphore(%arg13 : memref<!tpu.dma_semaphore, #tpu.memory_space<semaphore_mem>>)
      %dma_wait3A_164 = arith.constant 8 : i32
      %dma_wait3A_165 = arith.constant 0 : i32
      %dma_wait3A_166 = tpu.memref_slice %arg7[%dma_wait3A_164, %dma_wait3A_165] : memref<16x128xi32, #tpu.memory_space<vmem>> -> memref<1x128xi32, #tpu.memory_space<vmem>>
      %dma_wait3A_167 = tpu.memref_squeeze %dma_wait3A_166 : memref<1x128xi32, #tpu.memory_space<vmem>> -> memref<128xi32, #tpu.memory_space<vmem>>
      %dma_wait3A_168 = arith.constant 0 : i32
      %dma_wait3A_169 = arith.constant 0 : i32
      %dma_wait3A_170 = tpu.memref_slice %arg2[%dma_wait3A_168, %dma_wait3A_169] : memref<10240x128xf32, #tpu.memory_space<hbm>> -> memref<10240x128xf32, #tpu.memory_space<hbm>>
      tpu.wait_indirect_dma semaphore(%arg12 : memref<!tpu.dma_semaphore, #tpu.memory_space<semaphore_mem>>) src(%dma_wait3A_170 : memref<10240x128xf32, #tpu.memory_space<hbm>>) dst(%arg9 : memref<128x128xf32, #tpu.memory_space<vmem>>)
      %run_scoped3A_171 = arith.constant 8 : i32
      "tpu.region"() ({
        %run_scoped3A_271 = tpu.sem_alloc : memref<!tpu.dma_semaphore, #tpu.memory_space<semaphore_mem>>
        %dma_start3A_272 = arith.constant 0 : i32
        %dma_start3A_273 = tpu.memref_slice %arg8[%run_scoped3A_171, %dma_start3A_272] : memref<16x128xi32, #tpu.memory_space<vmem>> -> memref<1x128xi32, #tpu.memory_space<vmem>>
        %dma_start3A_274 = tpu.memref_squeeze %dma_start3A_273 : memref<1x128xi32, #tpu.memory_space<vmem>> -> memref<128xi32, #tpu.memory_space<vmem>>
        %dma_start3A_275 = arith.constant 0 : i32
        %dma_start3A_276 = arith.constant 0 : i32
        %dma_start3A_277 = tpu.memref_slice %arg11[%dma_start3A_275, %dma_start3A_276] : memref<10240x128xf32, #tpu.memory_space<vmem_shared>> -> memref<10240x128xf32, #tpu.memory_space<vmem_shared>>
        tpu.enqueue_indirect_dma source(%arg9 : memref<128x128xf32, #tpu.memory_space<vmem>>) target(%dma_start3A_277 : memref<10240x128xf32, #tpu.memory_space<vmem_shared>>) offsets(%dma_start3A_274 : memref<128xi32, #tpu.memory_space<vmem>>) semaphore(%run_scoped3A_271 : memref<!tpu.dma_semaphore, #tpu.memory_space<semaphore_mem>>) {add = true}
        %dma_wait3A_278 = arith.constant 0 : i32
        %dma_wait3A_279 = tpu.memref_slice %arg8[%run_scoped3A_171, %dma_wait3A_278] : memref<16x128xi32, #tpu.memory_space<vmem>> -> memref<1x128xi32, #tpu.memory_space<vmem>>
        %dma_wait3A_280 = tpu.memref_squeeze %dma_wait3A_279 : memref<1x128xi32, #tpu.memory_space<vmem>> -> memref<128xi32, #tpu.memory_space<vmem>>
        %dma_wait3A_281 = arith.constant 0 : i32
        %dma_wait3A_282 = arith.constant 0 : i32
        %dma_wait3A_283 = tpu.memref_slice %arg11[%dma_wait3A_281, %dma_wait3A_282] : memref<10240x128xf32, #tpu.memory_space<vmem_shared>> -> memref<10240x128xf32, #tpu.memory_space<vmem_shared>>
        tpu.wait_indirect_dma semaphore(%run_scoped3A_271 : memref<!tpu.dma_semaphore, #tpu.memory_space<semaphore_mem>>) src(%arg9 : memref<128x128xf32, #tpu.memory_space<vmem>>) dst(%dma_wait3A_283 : memref<10240x128xf32, #tpu.memory_space<vmem_shared>>)
        tpu.yield
      }) : () -> ()
      %dma_start3A_172 = arith.constant 10 : i32
      %dma_start3A_173 = arith.constant 0 : i32
      %dma_start3A_174 = tpu.memref_slice %arg7[%dma_start3A_172, %dma_start3A_173] : memref<16x128xi32, #tpu.memory_space<vmem>> -> memref<1x128xi32, #tpu.memory_space<vmem>>
      %dma_start3A_175 = tpu.memref_squeeze %dma_start3A_174 : memref<1x128xi32, #tpu.memory_space<vmem>> -> memref<128xi32, #tpu.memory_space<vmem>>
      %dma_start3A_176 = arith.constant 0 : i32
      %dma_start3A_177 = arith.constant 0 : i32
      %dma_start3A_178 = tpu.memref_slice %arg2[%dma_start3A_176, %dma_start3A_177] : memref<10240x128xf32, #tpu.memory_space<hbm>> -> memref<10240x128xf32, #tpu.memory_space<hbm>>
      tpu.enqueue_indirect_dma source(%dma_start3A_178 : memref<10240x128xf32, #tpu.memory_space<hbm>>) target(%arg9 : memref<128x128xf32, #tpu.memory_space<vmem>>) offsets(%dma_start3A_175 : memref<128xi32, #tpu.memory_space<vmem>>) semaphore(%arg12 : memref<!tpu.dma_semaphore, #tpu.memory_space<semaphore_mem>>)
      %dma_wait3A_179 = arith.constant 9 : i32
      %dma_wait3A_180 = arith.constant 0 : i32
      %dma_wait3A_181 = tpu.memref_slice %arg7[%dma_wait3A_179, %dma_wait3A_180] : memref<16x128xi32, #tpu.memory_space<vmem>> -> memref<1x128xi32, #tpu.memory_space<vmem>>
      %dma_wait3A_182 = tpu.memref_squeeze %dma_wait3A_181 : memref<1x128xi32, #tpu.memory_space<vmem>> -> memref<128xi32, #tpu.memory_space<vmem>>
      %dma_wait3A_183 = arith.constant 0 : i32
      %dma_wait3A_184 = arith.constant 0 : i32
      %dma_wait3A_185 = tpu.memref_slice %arg2[%dma_wait3A_183, %dma_wait3A_184] : memref<10240x128xf32, #tpu.memory_space<hbm>> -> memref<10240x128xf32, #tpu.memory_space<hbm>>
      tpu.wait_indirect_dma semaphore(%arg13 : memref<!tpu.dma_semaphore, #tpu.memory_space<semaphore_mem>>) src(%dma_wait3A_185 : memref<10240x128xf32, #tpu.memory_space<hbm>>) dst(%arg10 : memref<128x128xf32, #tpu.memory_space<vmem>>)
      %run_scoped3A_186 = arith.constant 9 : i32
      "tpu.region"() ({
        %run_scoped3A_271 = tpu.sem_alloc : memref<!tpu.dma_semaphore, #tpu.memory_space<semaphore_mem>>
        %dma_start3A_272 = arith.constant 0 : i32
        %dma_start3A_273 = tpu.memref_slice %arg8[%run_scoped3A_186, %dma_start3A_272] : memref<16x128xi32, #tpu.memory_space<vmem>> -> memref<1x128xi32, #tpu.memory_space<vmem>>
        %dma_start3A_274 = tpu.memref_squeeze %dma_start3A_273 : memref<1x128xi32, #tpu.memory_space<vmem>> -> memref<128xi32, #tpu.memory_space<vmem>>
        %dma_start3A_275 = arith.constant 0 : i32
        %dma_start3A_276 = arith.constant 0 : i32
        %dma_start3A_277 = tpu.memref_slice %arg11[%dma_start3A_275, %dma_start3A_276] : memref<10240x128xf32, #tpu.memory_space<vmem_shared>> -> memref<10240x128xf32, #tpu.memory_space<vmem_shared>>
        tpu.enqueue_indirect_dma source(%arg10 : memref<128x128xf32, #tpu.memory_space<vmem>>) target(%dma_start3A_277 : memref<10240x128xf32, #tpu.memory_space<vmem_shared>>) offsets(%dma_start3A_274 : memref<128xi32, #tpu.memory_space<vmem>>) semaphore(%run_scoped3A_271 : memref<!tpu.dma_semaphore, #tpu.memory_space<semaphore_mem>>) {add = true}
        %dma_wait3A_278 = arith.constant 0 : i32
        %dma_wait3A_279 = tpu.memref_slice %arg8[%run_scoped3A_186, %dma_wait3A_278] : memref<16x128xi32, #tpu.memory_space<vmem>> -> memref<1x128xi32, #tpu.memory_space<vmem>>
        %dma_wait3A_280 = tpu.memref_squeeze %dma_wait3A_279 : memref<1x128xi32, #tpu.memory_space<vmem>> -> memref<128xi32, #tpu.memory_space<vmem>>
        %dma_wait3A_281 = arith.constant 0 : i32
        %dma_wait3A_282 = arith.constant 0 : i32
        %dma_wait3A_283 = tpu.memref_slice %arg11[%dma_wait3A_281, %dma_wait3A_282] : memref<10240x128xf32, #tpu.memory_space<vmem_shared>> -> memref<10240x128xf32, #tpu.memory_space<vmem_shared>>
        tpu.wait_indirect_dma semaphore(%run_scoped3A_271 : memref<!tpu.dma_semaphore, #tpu.memory_space<semaphore_mem>>) src(%arg10 : memref<128x128xf32, #tpu.memory_space<vmem>>) dst(%dma_wait3A_283 : memref<10240x128xf32, #tpu.memory_space<vmem_shared>>)
        tpu.yield
      }) : () -> ()
      %dma_start3A_187 = arith.constant 11 : i32
      %dma_start3A_188 = arith.constant 0 : i32
      %dma_start3A_189 = tpu.memref_slice %arg7[%dma_start3A_187, %dma_start3A_188] : memref<16x128xi32, #tpu.memory_space<vmem>> -> memref<1x128xi32, #tpu.memory_space<vmem>>
      %dma_start3A_190 = tpu.memref_squeeze %dma_start3A_189 : memref<1x128xi32, #tpu.memory_space<vmem>> -> memref<128xi32, #tpu.memory_space<vmem>>
      %dma_start3A_191 = arith.constant 0 : i32
      %dma_start3A_192 = arith.constant 0 : i32
      %dma_start3A_193 = tpu.memref_slice %arg2[%dma_start3A_191, %dma_start3A_192] : memref<10240x128xf32, #tpu.memory_space<hbm>> -> memref<10240x128xf32, #tpu.memory_space<hbm>>
      tpu.enqueue_indirect_dma source(%dma_start3A_193 : memref<10240x128xf32, #tpu.memory_space<hbm>>) target(%arg10 : memref<128x128xf32, #tpu.memory_space<vmem>>) offsets(%dma_start3A_190 : memref<128xi32, #tpu.memory_space<vmem>>) semaphore(%arg13 : memref<!tpu.dma_semaphore, #tpu.memory_space<semaphore_mem>>)
      %dma_wait3A_194 = arith.constant 10 : i32
      %dma_wait3A_195 = arith.constant 0 : i32
      %dma_wait3A_196 = tpu.memref_slice %arg7[%dma_wait3A_194, %dma_wait3A_195] : memref<16x128xi32, #tpu.memory_space<vmem>> -> memref<1x128xi32, #tpu.memory_space<vmem>>
      %dma_wait3A_197 = tpu.memref_squeeze %dma_wait3A_196 : memref<1x128xi32, #tpu.memory_space<vmem>> -> memref<128xi32, #tpu.memory_space<vmem>>
      %dma_wait3A_198 = arith.constant 0 : i32
      %dma_wait3A_199 = arith.constant 0 : i32
      %dma_wait3A_200 = tpu.memref_slice %arg2[%dma_wait3A_198, %dma_wait3A_199] : memref<10240x128xf32, #tpu.memory_space<hbm>> -> memref<10240x128xf32, #tpu.memory_space<hbm>>
      tpu.wait_indirect_dma semaphore(%arg12 : memref<!tpu.dma_semaphore, #tpu.memory_space<semaphore_mem>>) src(%dma_wait3A_200 : memref<10240x128xf32, #tpu.memory_space<hbm>>) dst(%arg9 : memref<128x128xf32, #tpu.memory_space<vmem>>)
      %run_scoped3A_201 = arith.constant 10 : i32
      "tpu.region"() ({
        %run_scoped3A_271 = tpu.sem_alloc : memref<!tpu.dma_semaphore, #tpu.memory_space<semaphore_mem>>
        %dma_start3A_272 = arith.constant 0 : i32
        %dma_start3A_273 = tpu.memref_slice %arg8[%run_scoped3A_201, %dma_start3A_272] : memref<16x128xi32, #tpu.memory_space<vmem>> -> memref<1x128xi32, #tpu.memory_space<vmem>>
        %dma_start3A_274 = tpu.memref_squeeze %dma_start3A_273 : memref<1x128xi32, #tpu.memory_space<vmem>> -> memref<128xi32, #tpu.memory_space<vmem>>
        %dma_start3A_275 = arith.constant 0 : i32
        %dma_start3A_276 = arith.constant 0 : i32
        %dma_start3A_277 = tpu.memref_slice %arg11[%dma_start3A_275, %dma_start3A_276] : memref<10240x128xf32, #tpu.memory_space<vmem_shared>> -> memref<10240x128xf32, #tpu.memory_space<vmem_shared>>
        tpu.enqueue_indirect_dma source(%arg9 : memref<128x128xf32, #tpu.memory_space<vmem>>) target(%dma_start3A_277 : memref<10240x128xf32, #tpu.memory_space<vmem_shared>>) offsets(%dma_start3A_274 : memref<128xi32, #tpu.memory_space<vmem>>) semaphore(%run_scoped3A_271 : memref<!tpu.dma_semaphore, #tpu.memory_space<semaphore_mem>>) {add = true}
        %dma_wait3A_278 = arith.constant 0 : i32
        %dma_wait3A_279 = tpu.memref_slice %arg8[%run_scoped3A_201, %dma_wait3A_278] : memref<16x128xi32, #tpu.memory_space<vmem>> -> memref<1x128xi32, #tpu.memory_space<vmem>>
        %dma_wait3A_280 = tpu.memref_squeeze %dma_wait3A_279 : memref<1x128xi32, #tpu.memory_space<vmem>> -> memref<128xi32, #tpu.memory_space<vmem>>
        %dma_wait3A_281 = arith.constant 0 : i32
        %dma_wait3A_282 = arith.constant 0 : i32
        %dma_wait3A_283 = tpu.memref_slice %arg11[%dma_wait3A_281, %dma_wait3A_282] : memref<10240x128xf32, #tpu.memory_space<vmem_shared>> -> memref<10240x128xf32, #tpu.memory_space<vmem_shared>>
        tpu.wait_indirect_dma semaphore(%run_scoped3A_271 : memref<!tpu.dma_semaphore, #tpu.memory_space<semaphore_mem>>) src(%arg9 : memref<128x128xf32, #tpu.memory_space<vmem>>) dst(%dma_wait3A_283 : memref<10240x128xf32, #tpu.memory_space<vmem_shared>>)
        tpu.yield
      }) : () -> ()
      %dma_start3A_202 = arith.constant 12 : i32
      %dma_start3A_203 = arith.constant 0 : i32
      %dma_start3A_204 = tpu.memref_slice %arg7[%dma_start3A_202, %dma_start3A_203] : memref<16x128xi32, #tpu.memory_space<vmem>> -> memref<1x128xi32, #tpu.memory_space<vmem>>
      %dma_start3A_205 = tpu.memref_squeeze %dma_start3A_204 : memref<1x128xi32, #tpu.memory_space<vmem>> -> memref<128xi32, #tpu.memory_space<vmem>>
      %dma_start3A_206 = arith.constant 0 : i32
      %dma_start3A_207 = arith.constant 0 : i32
      %dma_start3A_208 = tpu.memref_slice %arg2[%dma_start3A_206, %dma_start3A_207] : memref<10240x128xf32, #tpu.memory_space<hbm>> -> memref<10240x128xf32, #tpu.memory_space<hbm>>
      tpu.enqueue_indirect_dma source(%dma_start3A_208 : memref<10240x128xf32, #tpu.memory_space<hbm>>) target(%arg9 : memref<128x128xf32, #tpu.memory_space<vmem>>) offsets(%dma_start3A_205 : memref<128xi32, #tpu.memory_space<vmem>>) semaphore(%arg12 : memref<!tpu.dma_semaphore, #tpu.memory_space<semaphore_mem>>)
      %dma_wait3A_209 = arith.constant 11 : i32
      %dma_wait3A_210 = arith.constant 0 : i32
      %dma_wait3A_211 = tpu.memref_slice %arg7[%dma_wait3A_209, %dma_wait3A_210] : memref<16x128xi32, #tpu.memory_space<vmem>> -> memref<1x128xi32, #tpu.memory_space<vmem>>
      %dma_wait3A_212 = tpu.memref_squeeze %dma_wait3A_211 : memref<1x128xi32, #tpu.memory_space<vmem>> -> memref<128xi32, #tpu.memory_space<vmem>>
      %dma_wait3A_213 = arith.constant 0 : i32
      %dma_wait3A_214 = arith.constant 0 : i32
      %dma_wait3A_215 = tpu.memref_slice %arg2[%dma_wait3A_213, %dma_wait3A_214] : memref<10240x128xf32, #tpu.memory_space<hbm>> -> memref<10240x128xf32, #tpu.memory_space<hbm>>
      tpu.wait_indirect_dma semaphore(%arg13 : memref<!tpu.dma_semaphore, #tpu.memory_space<semaphore_mem>>) src(%dma_wait3A_215 : memref<10240x128xf32, #tpu.memory_space<hbm>>) dst(%arg10 : memref<128x128xf32, #tpu.memory_space<vmem>>)
      %run_scoped3A_216 = arith.constant 11 : i32
      "tpu.region"() ({
        %run_scoped3A_271 = tpu.sem_alloc : memref<!tpu.dma_semaphore, #tpu.memory_space<semaphore_mem>>
        %dma_start3A_272 = arith.constant 0 : i32
        %dma_start3A_273 = tpu.memref_slice %arg8[%run_scoped3A_216, %dma_start3A_272] : memref<16x128xi32, #tpu.memory_space<vmem>> -> memref<1x128xi32, #tpu.memory_space<vmem>>
        %dma_start3A_274 = tpu.memref_squeeze %dma_start3A_273 : memref<1x128xi32, #tpu.memory_space<vmem>> -> memref<128xi32, #tpu.memory_space<vmem>>
        %dma_start3A_275 = arith.constant 0 : i32
        %dma_start3A_276 = arith.constant 0 : i32
        %dma_start3A_277 = tpu.memref_slice %arg11[%dma_start3A_275, %dma_start3A_276] : memref<10240x128xf32, #tpu.memory_space<vmem_shared>> -> memref<10240x128xf32, #tpu.memory_space<vmem_shared>>
        tpu.enqueue_indirect_dma source(%arg10 : memref<128x128xf32, #tpu.memory_space<vmem>>) target(%dma_start3A_277 : memref<10240x128xf32, #tpu.memory_space<vmem_shared>>) offsets(%dma_start3A_274 : memref<128xi32, #tpu.memory_space<vmem>>) semaphore(%run_scoped3A_271 : memref<!tpu.dma_semaphore, #tpu.memory_space<semaphore_mem>>) {add = true}
        %dma_wait3A_278 = arith.constant 0 : i32
        %dma_wait3A_279 = tpu.memref_slice %arg8[%run_scoped3A_216, %dma_wait3A_278] : memref<16x128xi32, #tpu.memory_space<vmem>> -> memref<1x128xi32, #tpu.memory_space<vmem>>
        %dma_wait3A_280 = tpu.memref_squeeze %dma_wait3A_279 : memref<1x128xi32, #tpu.memory_space<vmem>> -> memref<128xi32, #tpu.memory_space<vmem>>
        %dma_wait3A_281 = arith.constant 0 : i32
        %dma_wait3A_282 = arith.constant 0 : i32
        %dma_wait3A_283 = tpu.memref_slice %arg11[%dma_wait3A_281, %dma_wait3A_282] : memref<10240x128xf32, #tpu.memory_space<vmem_shared>> -> memref<10240x128xf32, #tpu.memory_space<vmem_shared>>
        tpu.wait_indirect_dma semaphore(%run_scoped3A_271 : memref<!tpu.dma_semaphore, #tpu.memory_space<semaphore_mem>>) src(%arg10 : memref<128x128xf32, #tpu.memory_space<vmem>>) dst(%dma_wait3A_283 : memref<10240x128xf32, #tpu.memory_space<vmem_shared>>)
        tpu.yield
      }) : () -> ()
      %dma_start3A_217 = arith.constant 13 : i32
      %dma_start3A_218 = arith.constant 0 : i32
      %dma_start3A_219 = tpu.memref_slice %arg7[%dma_start3A_217, %dma_start3A_218] : memref<16x128xi32, #tpu.memory_space<vmem>> -> memref<1x128xi32, #tpu.memory_space<vmem>>
      %dma_start3A_220 = tpu.memref_squeeze %dma_start3A_219 : memref<1x128xi32, #tpu.memory_space<vmem>> -> memref<128xi32, #tpu.memory_space<vmem>>
      %dma_start3A_221 = arith.constant 0 : i32
      %dma_start3A_222 = arith.constant 0 : i32
      %dma_start3A_223 = tpu.memref_slice %arg2[%dma_start3A_221, %dma_start3A_222] : memref<10240x128xf32, #tpu.memory_space<hbm>> -> memref<10240x128xf32, #tpu.memory_space<hbm>>
      tpu.enqueue_indirect_dma source(%dma_start3A_223 : memref<10240x128xf32, #tpu.memory_space<hbm>>) target(%arg10 : memref<128x128xf32, #tpu.memory_space<vmem>>) offsets(%dma_start3A_220 : memref<128xi32, #tpu.memory_space<vmem>>) semaphore(%arg13 : memref<!tpu.dma_semaphore, #tpu.memory_space<semaphore_mem>>)
      %dma_wait3A_224 = arith.constant 12 : i32
      %dma_wait3A_225 = arith.constant 0 : i32
      %dma_wait3A_226 = tpu.memref_slice %arg7[%dma_wait3A_224, %dma_wait3A_225] : memref<16x128xi32, #tpu.memory_space<vmem>> -> memref<1x128xi32, #tpu.memory_space<vmem>>
      %dma_wait3A_227 = tpu.memref_squeeze %dma_wait3A_226 : memref<1x128xi32, #tpu.memory_space<vmem>> -> memref<128xi32, #tpu.memory_space<vmem>>
      %dma_wait3A_228 = arith.constant 0 : i32
      %dma_wait3A_229 = arith.constant 0 : i32
      %dma_wait3A_230 = tpu.memref_slice %arg2[%dma_wait3A_228, %dma_wait3A_229] : memref<10240x128xf32, #tpu.memory_space<hbm>> -> memref<10240x128xf32, #tpu.memory_space<hbm>>
      tpu.wait_indirect_dma semaphore(%arg12 : memref<!tpu.dma_semaphore, #tpu.memory_space<semaphore_mem>>) src(%dma_wait3A_230 : memref<10240x128xf32, #tpu.memory_space<hbm>>) dst(%arg9 : memref<128x128xf32, #tpu.memory_space<vmem>>)
      %run_scoped3A_231 = arith.constant 12 : i32
      "tpu.region"() ({
        %run_scoped3A_271 = tpu.sem_alloc : memref<!tpu.dma_semaphore, #tpu.memory_space<semaphore_mem>>
        %dma_start3A_272 = arith.constant 0 : i32
        %dma_start3A_273 = tpu.memref_slice %arg8[%run_scoped3A_231, %dma_start3A_272] : memref<16x128xi32, #tpu.memory_space<vmem>> -> memref<1x128xi32, #tpu.memory_space<vmem>>
        %dma_start3A_274 = tpu.memref_squeeze %dma_start3A_273 : memref<1x128xi32, #tpu.memory_space<vmem>> -> memref<128xi32, #tpu.memory_space<vmem>>
        %dma_start3A_275 = arith.constant 0 : i32
        %dma_start3A_276 = arith.constant 0 : i32
        %dma_start3A_277 = tpu.memref_slice %arg11[%dma_start3A_275, %dma_start3A_276] : memref<10240x128xf32, #tpu.memory_space<vmem_shared>> -> memref<10240x128xf32, #tpu.memory_space<vmem_shared>>
        tpu.enqueue_indirect_dma source(%arg9 : memref<128x128xf32, #tpu.memory_space<vmem>>) target(%dma_start3A_277 : memref<10240x128xf32, #tpu.memory_space<vmem_shared>>) offsets(%dma_start3A_274 : memref<128xi32, #tpu.memory_space<vmem>>) semaphore(%run_scoped3A_271 : memref<!tpu.dma_semaphore, #tpu.memory_space<semaphore_mem>>) {add = true}
        %dma_wait3A_278 = arith.constant 0 : i32
        %dma_wait3A_279 = tpu.memref_slice %arg8[%run_scoped3A_231, %dma_wait3A_278] : memref<16x128xi32, #tpu.memory_space<vmem>> -> memref<1x128xi32, #tpu.memory_space<vmem>>
        %dma_wait3A_280 = tpu.memref_squeeze %dma_wait3A_279 : memref<1x128xi32, #tpu.memory_space<vmem>> -> memref<128xi32, #tpu.memory_space<vmem>>
        %dma_wait3A_281 = arith.constant 0 : i32
        %dma_wait3A_282 = arith.constant 0 : i32
        %dma_wait3A_283 = tpu.memref_slice %arg11[%dma_wait3A_281, %dma_wait3A_282] : memref<10240x128xf32, #tpu.memory_space<vmem_shared>> -> memref<10240x128xf32, #tpu.memory_space<vmem_shared>>
        tpu.wait_indirect_dma semaphore(%run_scoped3A_271 : memref<!tpu.dma_semaphore, #tpu.memory_space<semaphore_mem>>) src(%arg9 : memref<128x128xf32, #tpu.memory_space<vmem>>) dst(%dma_wait3A_283 : memref<10240x128xf32, #tpu.memory_space<vmem_shared>>)
        tpu.yield
      }) : () -> ()
      %dma_start3A_232 = arith.constant 14 : i32
      %dma_start3A_233 = arith.constant 0 : i32
      %dma_start3A_234 = tpu.memref_slice %arg7[%dma_start3A_232, %dma_start3A_233] : memref<16x128xi32, #tpu.memory_space<vmem>> -> memref<1x128xi32, #tpu.memory_space<vmem>>
      %dma_start3A_235 = tpu.memref_squeeze %dma_start3A_234 : memref<1x128xi32, #tpu.memory_space<vmem>> -> memref<128xi32, #tpu.memory_space<vmem>>
      %dma_start3A_236 = arith.constant 0 : i32
      %dma_start3A_237 = arith.constant 0 : i32
      %dma_start3A_238 = tpu.memref_slice %arg2[%dma_start3A_236, %dma_start3A_237] : memref<10240x128xf32, #tpu.memory_space<hbm>> -> memref<10240x128xf32, #tpu.memory_space<hbm>>
      tpu.enqueue_indirect_dma source(%dma_start3A_238 : memref<10240x128xf32, #tpu.memory_space<hbm>>) target(%arg9 : memref<128x128xf32, #tpu.memory_space<vmem>>) offsets(%dma_start3A_235 : memref<128xi32, #tpu.memory_space<vmem>>) semaphore(%arg12 : memref<!tpu.dma_semaphore, #tpu.memory_space<semaphore_mem>>)
      %dma_wait3A_239 = arith.constant 13 : i32
      %dma_wait3A_240 = arith.constant 0 : i32
      %dma_wait3A_241 = tpu.memref_slice %arg7[%dma_wait3A_239, %dma_wait3A_240] : memref<16x128xi32, #tpu.memory_space<vmem>> -> memref<1x128xi32, #tpu.memory_space<vmem>>
      %dma_wait3A_242 = tpu.memref_squeeze %dma_wait3A_241 : memref<1x128xi32, #tpu.memory_space<vmem>> -> memref<128xi32, #tpu.memory_space<vmem>>
      %dma_wait3A_243 = arith.constant 0 : i32
      %dma_wait3A_244 = arith.constant 0 : i32
      %dma_wait3A_245 = tpu.memref_slice %arg2[%dma_wait3A_243, %dma_wait3A_244] : memref<10240x128xf32, #tpu.memory_space<hbm>> -> memref<10240x128xf32, #tpu.memory_space<hbm>>
      tpu.wait_indirect_dma semaphore(%arg13 : memref<!tpu.dma_semaphore, #tpu.memory_space<semaphore_mem>>) src(%dma_wait3A_245 : memref<10240x128xf32, #tpu.memory_space<hbm>>) dst(%arg10 : memref<128x128xf32, #tpu.memory_space<vmem>>)
      %run_scoped3A_246 = arith.constant 13 : i32
      "tpu.region"() ({
        %run_scoped3A_271 = tpu.sem_alloc : memref<!tpu.dma_semaphore, #tpu.memory_space<semaphore_mem>>
        %dma_start3A_272 = arith.constant 0 : i32
        %dma_start3A_273 = tpu.memref_slice %arg8[%run_scoped3A_246, %dma_start3A_272] : memref<16x128xi32, #tpu.memory_space<vmem>> -> memref<1x128xi32, #tpu.memory_space<vmem>>
        %dma_start3A_274 = tpu.memref_squeeze %dma_start3A_273 : memref<1x128xi32, #tpu.memory_space<vmem>> -> memref<128xi32, #tpu.memory_space<vmem>>
        %dma_start3A_275 = arith.constant 0 : i32
        %dma_start3A_276 = arith.constant 0 : i32
        %dma_start3A_277 = tpu.memref_slice %arg11[%dma_start3A_275, %dma_start3A_276] : memref<10240x128xf32, #tpu.memory_space<vmem_shared>> -> memref<10240x128xf32, #tpu.memory_space<vmem_shared>>
        tpu.enqueue_indirect_dma source(%arg10 : memref<128x128xf32, #tpu.memory_space<vmem>>) target(%dma_start3A_277 : memref<10240x128xf32, #tpu.memory_space<vmem_shared>>) offsets(%dma_start3A_274 : memref<128xi32, #tpu.memory_space<vmem>>) semaphore(%run_scoped3A_271 : memref<!tpu.dma_semaphore, #tpu.memory_space<semaphore_mem>>) {add = true}
        %dma_wait3A_278 = arith.constant 0 : i32
        %dma_wait3A_279 = tpu.memref_slice %arg8[%run_scoped3A_246, %dma_wait3A_278] : memref<16x128xi32, #tpu.memory_space<vmem>> -> memref<1x128xi32, #tpu.memory_space<vmem>>
        %dma_wait3A_280 = tpu.memref_squeeze %dma_wait3A_279 : memref<1x128xi32, #tpu.memory_space<vmem>> -> memref<128xi32, #tpu.memory_space<vmem>>
        %dma_wait3A_281 = arith.constant 0 : i32
        %dma_wait3A_282 = arith.constant 0 : i32
        %dma_wait3A_283 = tpu.memref_slice %arg11[%dma_wait3A_281, %dma_wait3A_282] : memref<10240x128xf32, #tpu.memory_space<vmem_shared>> -> memref<10240x128xf32, #tpu.memory_space<vmem_shared>>
        tpu.wait_indirect_dma semaphore(%run_scoped3A_271 : memref<!tpu.dma_semaphore, #tpu.memory_space<semaphore_mem>>) src(%arg10 : memref<128x128xf32, #tpu.memory_space<vmem>>) dst(%dma_wait3A_283 : memref<10240x128xf32, #tpu.memory_space<vmem_shared>>)
        tpu.yield
      }) : () -> ()
      %dma_start3A_247 = arith.constant 15 : i32
      %dma_start3A_248 = arith.constant 0 : i32
      %dma_start3A_249 = tpu.memref_slice %arg7[%dma_start3A_247, %dma_start3A_248] : memref<16x128xi32, #tpu.memory_space<vmem>> -> memref<1x128xi32, #tpu.memory_space<vmem>>
      %dma_start3A_250 = tpu.memref_squeeze %dma_start3A_249 : memref<1x128xi32, #tpu.memory_space<vmem>> -> memref<128xi32, #tpu.memory_space<vmem>>
      %dma_start3A_251 = arith.constant 0 : i32
      %dma_start3A_252 = arith.constant 0 : i32
      %dma_start3A_253 = tpu.memref_slice %arg2[%dma_start3A_251, %dma_start3A_252] : memref<10240x128xf32, #tpu.memory_space<hbm>> -> memref<10240x128xf32, #tpu.memory_space<hbm>>
      tpu.enqueue_indirect_dma source(%dma_start3A_253 : memref<10240x128xf32, #tpu.memory_space<hbm>>) target(%arg10 : memref<128x128xf32, #tpu.memory_space<vmem>>) offsets(%dma_start3A_250 : memref<128xi32, #tpu.memory_space<vmem>>) semaphore(%arg13 : memref<!tpu.dma_semaphore, #tpu.memory_space<semaphore_mem>>)
      %dma_wait3A_254 = arith.constant 14 : i32
      %dma_wait3A_255 = arith.constant 0 : i32
      %dma_wait3A_256 = tpu.memref_slice %arg7[%dma_wait3A_254, %dma_wait3A_255] : memref<16x128xi32, #tpu.memory_space<vmem>> -> memref<1x128xi32, #tpu.memory_space<vmem>>
      %dma_wait3A_257 = tpu.memref_squeeze %dma_wait3A_256 : memref<1x128xi32, #tpu.memory_space<vmem>> -> memref<128xi32, #tpu.memory_space<vmem>>
      %dma_wait3A_258 = arith.constant 0 : i32
      %dma_wait3A_259 = arith.constant 0 : i32
      %dma_wait3A_260 = tpu.memref_slice %arg2[%dma_wait3A_258, %dma_wait3A_259] : memref<10240x128xf32, #tpu.memory_space<hbm>> -> memref<10240x128xf32, #tpu.memory_space<hbm>>
      tpu.wait_indirect_dma semaphore(%arg12 : memref<!tpu.dma_semaphore, #tpu.memory_space<semaphore_mem>>) src(%dma_wait3A_260 : memref<10240x128xf32, #tpu.memory_space<hbm>>) dst(%arg9 : memref<128x128xf32, #tpu.memory_space<vmem>>)
      %run_scoped3A_261 = arith.constant 14 : i32
      "tpu.region"() ({
        %run_scoped3A_271 = tpu.sem_alloc : memref<!tpu.dma_semaphore, #tpu.memory_space<semaphore_mem>>
        %dma_start3A_272 = arith.constant 0 : i32
        %dma_start3A_273 = tpu.memref_slice %arg8[%run_scoped3A_261, %dma_start3A_272] : memref<16x128xi32, #tpu.memory_space<vmem>> -> memref<1x128xi32, #tpu.memory_space<vmem>>
        %dma_start3A_274 = tpu.memref_squeeze %dma_start3A_273 : memref<1x128xi32, #tpu.memory_space<vmem>> -> memref<128xi32, #tpu.memory_space<vmem>>
        %dma_start3A_275 = arith.constant 0 : i32
        %dma_start3A_276 = arith.constant 0 : i32
        %dma_start3A_277 = tpu.memref_slice %arg11[%dma_start3A_275, %dma_start3A_276] : memref<10240x128xf32, #tpu.memory_space<vmem_shared>> -> memref<10240x128xf32, #tpu.memory_space<vmem_shared>>
        tpu.enqueue_indirect_dma source(%arg9 : memref<128x128xf32, #tpu.memory_space<vmem>>) target(%dma_start3A_277 : memref<10240x128xf32, #tpu.memory_space<vmem_shared>>) offsets(%dma_start3A_274 : memref<128xi32, #tpu.memory_space<vmem>>) semaphore(%run_scoped3A_271 : memref<!tpu.dma_semaphore, #tpu.memory_space<semaphore_mem>>) {add = true}
        %dma_wait3A_278 = arith.constant 0 : i32
        %dma_wait3A_279 = tpu.memref_slice %arg8[%run_scoped3A_261, %dma_wait3A_278] : memref<16x128xi32, #tpu.memory_space<vmem>> -> memref<1x128xi32, #tpu.memory_space<vmem>>
        %dma_wait3A_280 = tpu.memref_squeeze %dma_wait3A_279 : memref<1x128xi32, #tpu.memory_space<vmem>> -> memref<128xi32, #tpu.memory_space<vmem>>
        %dma_wait3A_281 = arith.constant 0 : i32
        %dma_wait3A_282 = arith.constant 0 : i32
        %dma_wait3A_283 = tpu.memref_slice %arg11[%dma_wait3A_281, %dma_wait3A_282] : memref<10240x128xf32, #tpu.memory_space<vmem_shared>> -> memref<10240x128xf32, #tpu.memory_space<vmem_shared>>
        tpu.wait_indirect_dma semaphore(%run_scoped3A_271 : memref<!tpu.dma_semaphore, #tpu.memory_space<semaphore_mem>>) src(%arg9 : memref<128x128xf32, #tpu.memory_space<vmem>>) dst(%dma_wait3A_283 : memref<10240x128xf32, #tpu.memory_space<vmem_shared>>)
        tpu.yield
      }) : () -> ()
      %dma_wait3A_262 = arith.constant 15 : i32
      %dma_wait3A_263 = arith.constant 0 : i32
      %dma_wait3A_264 = tpu.memref_slice %arg7[%dma_wait3A_262, %dma_wait3A_263] : memref<16x128xi32, #tpu.memory_space<vmem>> -> memref<1x128xi32, #tpu.memory_space<vmem>>
      %dma_wait3A_265 = tpu.memref_squeeze %dma_wait3A_264 : memref<1x128xi32, #tpu.memory_space<vmem>> -> memref<128xi32, #tpu.memory_space<vmem>>
      %dma_wait3A_266 = arith.constant 0 : i32
      %dma_wait3A_267 = arith.constant 0 : i32
      %dma_wait3A_268 = tpu.memref_slice %arg2[%dma_wait3A_266, %dma_wait3A_267] : memref<10240x128xf32, #tpu.memory_space<hbm>> -> memref<10240x128xf32, #tpu.memory_space<hbm>>
      tpu.wait_indirect_dma semaphore(%arg13 : memref<!tpu.dma_semaphore, #tpu.memory_space<semaphore_mem>>) src(%dma_wait3A_268 : memref<10240x128xf32, #tpu.memory_space<hbm>>) dst(%arg10 : memref<128x128xf32, #tpu.memory_space<vmem>>)
      %run_scoped3A_269 = arith.constant 15 : i32
      "tpu.region"() ({
        %run_scoped3A_271 = tpu.sem_alloc : memref<!tpu.dma_semaphore, #tpu.memory_space<semaphore_mem>>
        %dma_start3A_272 = arith.constant 0 : i32
        %dma_start3A_273 = tpu.memref_slice %arg8[%run_scoped3A_269, %dma_start3A_272] : memref<16x128xi32, #tpu.memory_space<vmem>> -> memref<1x128xi32, #tpu.memory_space<vmem>>
        %dma_start3A_274 = tpu.memref_squeeze %dma_start3A_273 : memref<1x128xi32, #tpu.memory_space<vmem>> -> memref<128xi32, #tpu.memory_space<vmem>>
        %dma_start3A_275 = arith.constant 0 : i32
        %dma_start3A_276 = arith.constant 0 : i32
        %dma_start3A_277 = tpu.memref_slice %arg11[%dma_start3A_275, %dma_start3A_276] : memref<10240x128xf32, #tpu.memory_space<vmem_shared>> -> memref<10240x128xf32, #tpu.memory_space<vmem_shared>>
        tpu.enqueue_indirect_dma source(%arg10 : memref<128x128xf32, #tpu.memory_space<vmem>>) target(%dma_start3A_277 : memref<10240x128xf32, #tpu.memory_space<vmem_shared>>) offsets(%dma_start3A_274 : memref<128xi32, #tpu.memory_space<vmem>>) semaphore(%run_scoped3A_271 : memref<!tpu.dma_semaphore, #tpu.memory_space<semaphore_mem>>) {add = true}
        %dma_wait3A_278 = arith.constant 0 : i32
        %dma_wait3A_279 = tpu.memref_slice %arg8[%run_scoped3A_269, %dma_wait3A_278] : memref<16x128xi32, #tpu.memory_space<vmem>> -> memref<1x128xi32, #tpu.memory_space<vmem>>
        %dma_wait3A_280 = tpu.memref_squeeze %dma_wait3A_279 : memref<1x128xi32, #tpu.memory_space<vmem>> -> memref<128xi32, #tpu.memory_space<vmem>>
        %dma_wait3A_281 = arith.constant 0 : i32
        %dma_wait3A_282 = arith.constant 0 : i32
        %dma_wait3A_283 = tpu.memref_slice %arg11[%dma_wait3A_281, %dma_wait3A_282] : memref<10240x128xf32, #tpu.memory_space<vmem_shared>> -> memref<10240x128xf32, #tpu.memory_space<vmem_shared>>
        tpu.wait_indirect_dma semaphore(%run_scoped3A_271 : memref<!tpu.dma_semaphore, #tpu.memory_space<semaphore_mem>>) src(%arg10 : memref<128x128xf32, #tpu.memory_space<vmem>>) dst(%dma_wait3A_283 : memref<10240x128xf32, #tpu.memory_space<vmem_shared>>)
        tpu.yield
      }) : () -> ()
      %scan3A_270 = arith.constant 0 : i32
      scf.yield %scan3A_270 : i32
    }
    %scan3A_18 = arith.constant 5 : i32
    %barrier3A_19 = arith.constant 0 : index
    tpu.barrier barrier_id(%barrier3A_19)
    %scan3A_20 = arith.constant 0 : i32
    %scan3A_21 = arith.constant 0 : i32
    %scan3A_22 = arith.constant 5 : i32
    %scan3A_23 = arith.addi %scan3A_21, %scan3A_22 : i32
    %scan3A_24 = arith.constant 1 : i32
    %scan3A_25 = scf.for %scan3A_27 = %scan3A_21 to %scan3A_23 step %scan3A_24 iter_args(%scan3A_28 = %scan3A_20) -> (i32)  : i32 {
      %mul3A_29 = arith.constant 128 : i32
      %mul3A_30 = arith.muli %scan3A_27, %mul3A_29 : i32
      %add3A_31 = arith.addi %mul3A_2, %mul3A_30 : i32
      "tpu.region"() ({
        %run_scoped3A = tpu.sem_alloc : memref<!tpu.dma_semaphore, #tpu.memory_space<semaphore_mem>>
        %dma_start3A = arith.constant 0 : i32
        %dma_start3A_33 = tpu.memref_slice %arg11[%add3A_31, %dma_start3A] : memref<10240x128xf32, #tpu.memory_space<vmem_shared>> -> memref<128x128xf32, #tpu.memory_space<vmem_shared>>
        %dma_start3A_34 = arith.constant 0 : i32
        %dma_start3A_35 = tpu.memref_slice %arg11[%add3A_31, %dma_start3A_34] : memref<10240x128xf32, #tpu.memory_space<vmem_shared>> -> memref<128x128xf32, #tpu.memory_space<vmem_shared>>
        tpu.enqueue_dma source(%dma_start3A_35 : memref<128x128xf32, #tpu.memory_space<vmem_shared>>) target(%arg9 : memref<128x128xf32, #tpu.memory_space<vmem>>) target_semaphore(%run_scoped3A : memref<!tpu.dma_semaphore, #tpu.memory_space<semaphore_mem>>)
        %dma_wait3A = arith.constant 0 : i32
        %dma_wait3A_36 = tpu.memref_slice %arg11[%add3A_31, %dma_wait3A] : memref<10240x128xf32, #tpu.memory_space<vmem_shared>> -> memref<128x128xf32, #tpu.memory_space<vmem_shared>>
        %dma_wait3A_37 = arith.constant 0 : i32
        %dma_wait3A_38 = tpu.memref_slice %arg11[%add3A_31, %dma_wait3A_37] : memref<10240x128xf32, #tpu.memory_space<vmem_shared>> -> memref<128x128xf32, #tpu.memory_space<vmem_shared>>
        tpu.wait_dma2 semaphore(%run_scoped3A : memref<!tpu.dma_semaphore, #tpu.memory_space<semaphore_mem>>) src(%dma_wait3A_38 : memref<128x128xf32, #tpu.memory_space<vmem_shared>>) dst(%arg9 : memref<128x128xf32, #tpu.memory_space<vmem>>)
        tpu.yield
      }) : () -> ()
      "tpu.region"() ({
        %run_scoped3A = tpu.sem_alloc : memref<!tpu.dma_semaphore, #tpu.memory_space<semaphore_mem>>
        %dma_start3A = arith.constant 0 : i32
        %dma_start3A_33 = tpu.memref_slice %arg6[%arg0, %add3A_31, %dma_start3A] : memref<2x10240x128xf32, #tpu.memory_space<hbm>> -> memref<1x128x128xf32, #tpu.memory_space<hbm>>
        %dma_start3A_34 = tpu.memref_squeeze %dma_start3A_33 : memref<1x128x128xf32, #tpu.memory_space<hbm>> -> memref<128x128xf32, #tpu.memory_space<hbm>>
        %dma_start3A_35 = arith.constant 0 : i32
        %dma_start3A_36 = tpu.memref_slice %arg6[%arg0, %add3A_31, %dma_start3A_35] : memref<2x10240x128xf32, #tpu.memory_space<hbm>> -> memref<1x128x128xf32, #tpu.memory_space<hbm>>
        %dma_start3A_37 = tpu.memref_squeeze %dma_start3A_36 : memref<1x128x128xf32, #tpu.memory_space<hbm>> -> memref<128x128xf32, #tpu.memory_space<hbm>>
        tpu.enqueue_dma source(%arg9 : memref<128x128xf32, #tpu.memory_space<vmem>>) target(%dma_start3A_37 : memref<128x128xf32, #tpu.memory_space<hbm>>) target_semaphore(%run_scoped3A : memref<!tpu.dma_semaphore, #tpu.memory_space<semaphore_mem>>)
        %dma_wait3A = arith.constant 0 : i32
        %dma_wait3A_38 = tpu.memref_slice %arg6[%arg0, %add3A_31, %dma_wait3A] : memref<2x10240x128xf32, #tpu.memory_space<hbm>> -> memref<1x128x128xf32, #tpu.memory_space<hbm>>
        %dma_wait3A_39 = tpu.memref_squeeze %dma_wait3A_38 : memref<1x128x128xf32, #tpu.memory_space<hbm>> -> memref<128x128xf32, #tpu.memory_space<hbm>>
        %dma_wait3A_40 = arith.constant 0 : i32
        %dma_wait3A_41 = tpu.memref_slice %arg6[%arg0, %add3A_31, %dma_wait3A_40] : memref<2x10240x128xf32, #tpu.memory_space<hbm>> -> memref<1x128x128xf32, #tpu.memory_space<hbm>>
        %dma_wait3A_42 = tpu.memref_squeeze %dma_wait3A_41 : memref<1x128x128xf32, #tpu.memory_space<hbm>> -> memref<128x128xf32, #tpu.memory_space<hbm>>
        tpu.wait_dma2 semaphore(%run_scoped3A : memref<!tpu.dma_semaphore, #tpu.memory_space<semaphore_mem>>) src(%arg9 : memref<128x128xf32, #tpu.memory_space<vmem>>) dst(%dma_wait3A_42 : memref<128x128xf32, #tpu.memory_space<hbm>>)
        tpu.yield
      }) : () -> ()
      %scan3A_32 = arith.constant 0 : i32
      scf.yield %scan3A_32 : i32
    }
    %scan3A_26 = arith.constant 5 : i32
    return
  }
}

#map = affine_map<(d0, d1) -> (0, 0)>
#map1 = affine_map<(d0, d1) -> (0, 0, 0)>
module attributes {stable_mosaic.version = 14 : i64} {
  func.func @_agg_kernel(%arg0: i32, %arg1: i32, %arg2: memref<10240x128xf32, #tpu.memory_space<hbm>>, %arg3: memref<32x80x128xi32, #tpu.memory_space<hbm>>, %arg4: memref<32x80x128xi32, #tpu.memory_space<hbm>>, %arg5: memref<128x128xf32, #tpu.memory_space<hbm>>, %arg6: memref<2x10240x128xf32, #tpu.memory_space<hbm>>, %arg7: memref<16x128xi32, #tpu.memory_space<vmem>>, %arg8: memref<16x128xi32, #tpu.memory_space<vmem>>, %arg9: memref<128x128xf32, #tpu.memory_space<vmem>>, %arg10: memref<128x128xf32, #tpu.memory_space<vmem>>, %arg11: memref<10240x128xf32, #tpu.memory_space<vmem_shared>>, %arg12: memref<!tpu.dma_semaphore, #tpu.memory_space<semaphore_mem>>, %arg13: memref<!tpu.dma_semaphore, #tpu.memory_space<semaphore_mem>>) attributes {dimension_semantics = [#tpu.dimension_semantics<core_parallel>, #tpu.dimension_semantics<subcore_parallel>], iteration_bounds = array<i64: 2, 16>, scalar_prefetch = 0 : i64, scratch_operands = 7 : i64, tpu.core_type = #tpu.core_type<sc_vector_subcore>, window_params = [{transform_indices = #map}, {transform_indices = #map1}, {transform_indices = #map1}, {transform_indices = #map}, {transform_indices = #map1}]} {
    %mul3A = arith.constant 16 : i32
    %mul3A_0 = arith.muli %arg0, %mul3A : i32
    %add3A = arith.addi %mul3A_0, %arg1 : i32
    "tpu.region"() ({
      %run_scoped3A = tpu.sem_alloc : memref<!tpu.dma_semaphore, #tpu.memory_space<semaphore_mem>>
      tpu.enqueue_dma source(%arg5 : memref<128x128xf32, #tpu.memory_space<hbm>>) target(%arg9 : memref<128x128xf32, #tpu.memory_space<vmem>>) target_semaphore(%run_scoped3A : memref<!tpu.dma_semaphore, #tpu.memory_space<semaphore_mem>>)
      tpu.wait_dma2 semaphore(%run_scoped3A : memref<!tpu.dma_semaphore, #tpu.memory_space<semaphore_mem>>) src(%arg5 : memref<128x128xf32, #tpu.memory_space<hbm>>) dst(%arg9 : memref<128x128xf32, #tpu.memory_space<vmem>>)
      tpu.yield
    }) : () -> ()
    %mul3A_1 = arith.constant 640 : i32
    %mul3A_2 = arith.muli %arg1, %mul3A_1 : i32
    %add3A_3 = arith.constant 0 : i32
    %add3A_4 = arith.addi %mul3A_2, %add3A_3 : i32
    "tpu.region"() ({
      %run_scoped3A = tpu.sem_alloc : memref<!tpu.dma_semaphore, #tpu.memory_space<semaphore_mem>>
      %dma_start3A = arith.constant 0 : i32
      %dma_start3A_27 = tpu.memref_slice %arg11[%add3A_4, %dma_start3A] : memref<10240x128xf32, #tpu.memory_space<vmem_shared>> -> memref<128x128xf32, #tpu.memory_space<vmem_shared>>
      %dma_start3A_28 = arith.constant 0 : i32
      %dma_start3A_29 = tpu.memref_slice %arg11[%add3A_4, %dma_start3A_28] : memref<10240x128xf32, #tpu.memory_space<vmem_shared>> -> memref<128x128xf32, #tpu.memory_space<vmem_shared>>
      tpu.enqueue_dma source(%arg9 : memref<128x128xf32, #tpu.memory_space<vmem>>) target(%dma_start3A_29 : memref<128x128xf32, #tpu.memory_space<vmem_shared>>) target_semaphore(%run_scoped3A : memref<!tpu.dma_semaphore, #tpu.memory_space<semaphore_mem>>)
      %dma_wait3A = arith.constant 0 : i32
      %dma_wait3A_30 = tpu.memref_slice %arg11[%add3A_4, %dma_wait3A] : memref<10240x128xf32, #tpu.memory_space<vmem_shared>> -> memref<128x128xf32, #tpu.memory_space<vmem_shared>>
      %dma_wait3A_31 = arith.constant 0 : i32
      %dma_wait3A_32 = tpu.memref_slice %arg11[%add3A_4, %dma_wait3A_31] : memref<10240x128xf32, #tpu.memory_space<vmem_shared>> -> memref<128x128xf32, #tpu.memory_space<vmem_shared>>
      tpu.wait_dma2 semaphore(%run_scoped3A : memref<!tpu.dma_semaphore, #tpu.memory_space<semaphore_mem>>) src(%arg9 : memref<128x128xf32, #tpu.memory_space<vmem>>) dst(%dma_wait3A_32 : memref<128x128xf32, #tpu.memory_space<vmem_shared>>)
      tpu.yield
    }) : () -> ()
    %add3A_5 = arith.constant 128 : i32
    %add3A_6 = arith.addi %mul3A_2, %add3A_5 : i32
    "tpu.region"() ({
      %run_scoped3A = tpu.sem_alloc : memref<!tpu.dma_semaphore, #tpu.memory_space<semaphore_mem>>
      %dma_start3A = arith.constant 0 : i32
      %dma_start3A_27 = tpu.memref_slice %arg11[%add3A_6, %dma_start3A] : memref<10240x128xf32, #tpu.memory_space<vmem_shared>> -> memref<128x128xf32, #tpu.memory_space<vmem_shared>>
      %dma_start3A_28 = arith.constant 0 : i32
      %dma_start3A_29 = tpu.memref_slice %arg11[%add3A_6, %dma_start3A_28] : memref<10240x128xf32, #tpu.memory_space<vmem_shared>> -> memref<128x128xf32, #tpu.memory_space<vmem_shared>>
      tpu.enqueue_dma source(%arg9 : memref<128x128xf32, #tpu.memory_space<vmem>>) target(%dma_start3A_29 : memref<128x128xf32, #tpu.memory_space<vmem_shared>>) target_semaphore(%run_scoped3A : memref<!tpu.dma_semaphore, #tpu.memory_space<semaphore_mem>>)
      %dma_wait3A = arith.constant 0 : i32
      %dma_wait3A_30 = tpu.memref_slice %arg11[%add3A_6, %dma_wait3A] : memref<10240x128xf32, #tpu.memory_space<vmem_shared>> -> memref<128x128xf32, #tpu.memory_space<vmem_shared>>
      %dma_wait3A_31 = arith.constant 0 : i32
      %dma_wait3A_32 = tpu.memref_slice %arg11[%add3A_6, %dma_wait3A_31] : memref<10240x128xf32, #tpu.memory_space<vmem_shared>> -> memref<128x128xf32, #tpu.memory_space<vmem_shared>>
      tpu.wait_dma2 semaphore(%run_scoped3A : memref<!tpu.dma_semaphore, #tpu.memory_space<semaphore_mem>>) src(%arg9 : memref<128x128xf32, #tpu.memory_space<vmem>>) dst(%dma_wait3A_32 : memref<128x128xf32, #tpu.memory_space<vmem_shared>>)
      tpu.yield
    }) : () -> ()
    %add3A_7 = arith.constant 256 : i32
    %add3A_8 = arith.addi %mul3A_2, %add3A_7 : i32
    "tpu.region"() ({
      %run_scoped3A = tpu.sem_alloc : memref<!tpu.dma_semaphore, #tpu.memory_space<semaphore_mem>>
      %dma_start3A = arith.constant 0 : i32
      %dma_start3A_27 = tpu.memref_slice %arg11[%add3A_8, %dma_start3A] : memref<10240x128xf32, #tpu.memory_space<vmem_shared>> -> memref<128x128xf32, #tpu.memory_space<vmem_shared>>
      %dma_start3A_28 = arith.constant 0 : i32
      %dma_start3A_29 = tpu.memref_slice %arg11[%add3A_8, %dma_start3A_28] : memref<10240x128xf32, #tpu.memory_space<vmem_shared>> -> memref<128x128xf32, #tpu.memory_space<vmem_shared>>
      tpu.enqueue_dma source(%arg9 : memref<128x128xf32, #tpu.memory_space<vmem>>) target(%dma_start3A_29 : memref<128x128xf32, #tpu.memory_space<vmem_shared>>) target_semaphore(%run_scoped3A : memref<!tpu.dma_semaphore, #tpu.memory_space<semaphore_mem>>)
      %dma_wait3A = arith.constant 0 : i32
      %dma_wait3A_30 = tpu.memref_slice %arg11[%add3A_8, %dma_wait3A] : memref<10240x128xf32, #tpu.memory_space<vmem_shared>> -> memref<128x128xf32, #tpu.memory_space<vmem_shared>>
      %dma_wait3A_31 = arith.constant 0 : i32
      %dma_wait3A_32 = tpu.memref_slice %arg11[%add3A_8, %dma_wait3A_31] : memref<10240x128xf32, #tpu.memory_space<vmem_shared>> -> memref<128x128xf32, #tpu.memory_space<vmem_shared>>
      tpu.wait_dma2 semaphore(%run_scoped3A : memref<!tpu.dma_semaphore, #tpu.memory_space<semaphore_mem>>) src(%arg9 : memref<128x128xf32, #tpu.memory_space<vmem>>) dst(%dma_wait3A_32 : memref<128x128xf32, #tpu.memory_space<vmem_shared>>)
      tpu.yield
    }) : () -> ()
    %add3A_9 = arith.constant 384 : i32
    %add3A_10 = arith.addi %mul3A_2, %add3A_9 : i32
    "tpu.region"() ({
      %run_scoped3A = tpu.sem_alloc : memref<!tpu.dma_semaphore, #tpu.memory_space<semaphore_mem>>
      %dma_start3A = arith.constant 0 : i32
      %dma_start3A_27 = tpu.memref_slice %arg11[%add3A_10, %dma_start3A] : memref<10240x128xf32, #tpu.memory_space<vmem_shared>> -> memref<128x128xf32, #tpu.memory_space<vmem_shared>>
      %dma_start3A_28 = arith.constant 0 : i32
      %dma_start3A_29 = tpu.memref_slice %arg11[%add3A_10, %dma_start3A_28] : memref<10240x128xf32, #tpu.memory_space<vmem_shared>> -> memref<128x128xf32, #tpu.memory_space<vmem_shared>>
      tpu.enqueue_dma source(%arg9 : memref<128x128xf32, #tpu.memory_space<vmem>>) target(%dma_start3A_29 : memref<128x128xf32, #tpu.memory_space<vmem_shared>>) target_semaphore(%run_scoped3A : memref<!tpu.dma_semaphore, #tpu.memory_space<semaphore_mem>>)
      %dma_wait3A = arith.constant 0 : i32
      %dma_wait3A_30 = tpu.memref_slice %arg11[%add3A_10, %dma_wait3A] : memref<10240x128xf32, #tpu.memory_space<vmem_shared>> -> memref<128x128xf32, #tpu.memory_space<vmem_shared>>
      %dma_wait3A_31 = arith.constant 0 : i32
      %dma_wait3A_32 = tpu.memref_slice %arg11[%add3A_10, %dma_wait3A_31] : memref<10240x128xf32, #tpu.memory_space<vmem_shared>> -> memref<128x128xf32, #tpu.memory_space<vmem_shared>>
      tpu.wait_dma2 semaphore(%run_scoped3A : memref<!tpu.dma_semaphore, #tpu.memory_space<semaphore_mem>>) src(%arg9 : memref<128x128xf32, #tpu.memory_space<vmem>>) dst(%dma_wait3A_32 : memref<128x128xf32, #tpu.memory_space<vmem_shared>>)
      tpu.yield
    }) : () -> ()
    %add3A_11 = arith.constant 512 : i32
    %add3A_12 = arith.addi %mul3A_2, %add3A_11 : i32
    "tpu.region"() ({
      %run_scoped3A = tpu.sem_alloc : memref<!tpu.dma_semaphore, #tpu.memory_space<semaphore_mem>>
      %dma_start3A = arith.constant 0 : i32
      %dma_start3A_27 = tpu.memref_slice %arg11[%add3A_12, %dma_start3A] : memref<10240x128xf32, #tpu.memory_space<vmem_shared>> -> memref<128x128xf32, #tpu.memory_space<vmem_shared>>
      %dma_start3A_28 = arith.constant 0 : i32
      %dma_start3A_29 = tpu.memref_slice %arg11[%add3A_12, %dma_start3A_28] : memref<10240x128xf32, #tpu.memory_space<vmem_shared>> -> memref<128x128xf32, #tpu.memory_space<vmem_shared>>
      tpu.enqueue_dma source(%arg9 : memref<128x128xf32, #tpu.memory_space<vmem>>) target(%dma_start3A_29 : memref<128x128xf32, #tpu.memory_space<vmem_shared>>) target_semaphore(%run_scoped3A : memref<!tpu.dma_semaphore, #tpu.memory_space<semaphore_mem>>)
      %dma_wait3A = arith.constant 0 : i32
      %dma_wait3A_30 = tpu.memref_slice %arg11[%add3A_12, %dma_wait3A] : memref<10240x128xf32, #tpu.memory_space<vmem_shared>> -> memref<128x128xf32, #tpu.memory_space<vmem_shared>>
      %dma_wait3A_31 = arith.constant 0 : i32
      %dma_wait3A_32 = tpu.memref_slice %arg11[%add3A_12, %dma_wait3A_31] : memref<10240x128xf32, #tpu.memory_space<vmem_shared>> -> memref<128x128xf32, #tpu.memory_space<vmem_shared>>
      tpu.wait_dma2 semaphore(%run_scoped3A : memref<!tpu.dma_semaphore, #tpu.memory_space<semaphore_mem>>) src(%arg9 : memref<128x128xf32, #tpu.memory_space<vmem>>) dst(%dma_wait3A_32 : memref<128x128xf32, #tpu.memory_space<vmem_shared>>)
      tpu.yield
    }) : () -> ()
    %barrier3A = arith.constant 0 : index
    tpu.barrier barrier_id(%barrier3A)
    %scan3A = arith.constant 0 : i32
    %scan3A_13 = arith.constant 0 : i32
    %scan3A_14 = arith.constant 5 : i32
    %scan3A_15 = arith.addi %scan3A_13, %scan3A_14 : i32
    %scan3A_16 = arith.constant 1 : i32
    %scan3A_17 = scf.for %scan3A_27 = %scan3A_13 to %scan3A_15 step %scan3A_16 iter_args(%scan3A_28 = %scan3A) -> (i32)  : i32 {
      %mul3A_29 = arith.constant 16 : i32
      %mul3A_30 = arith.muli %scan3A_27, %mul3A_29 : i32
      "tpu.region"() ({
        %run_scoped3A_271 = tpu.sem_alloc : memref<!tpu.dma_semaphore, #tpu.memory_space<semaphore_mem>>
        %dma_start3A_272 = arith.constant 0 : i32
        %dma_start3A_273 = tpu.memref_slice %arg3[%add3A, %mul3A_30, %dma_start3A_272] : memref<32x80x128xi32, #tpu.memory_space<hbm>> -> memref<1x16x128xi32, #tpu.memory_space<hbm>>
        %dma_start3A_274 = tpu.memref_squeeze %dma_start3A_273 : memref<1x16x128xi32, #tpu.memory_space<hbm>> -> memref<16x128xi32, #tpu.memory_space<hbm>>
        %dma_start3A_275 = arith.constant 0 : i32
        %dma_start3A_276 = tpu.memref_slice %arg3[%add3A, %mul3A_30, %dma_start3A_275] : memref<32x80x128xi32, #tpu.memory_space<hbm>> -> memref<1x16x128xi32, #tpu.memory_space<hbm>>
        %dma_start3A_277 = tpu.memref_squeeze %dma_start3A_276 : memref<1x16x128xi32, #tpu.memory_space<hbm>> -> memref<16x128xi32, #tpu.memory_space<hbm>>
        tpu.enqueue_dma source(%dma_start3A_277 : memref<16x128xi32, #tpu.memory_space<hbm>>) target(%arg7 : memref<16x128xi32, #tpu.memory_space<vmem>>) target_semaphore(%run_scoped3A_271 : memref<!tpu.dma_semaphore, #tpu.memory_space<semaphore_mem>>)
        %dma_wait3A_278 = arith.constant 0 : i32
        %dma_wait3A_279 = tpu.memref_slice %arg3[%add3A, %mul3A_30, %dma_wait3A_278] : memref<32x80x128xi32, #tpu.memory_space<hbm>> -> memref<1x16x128xi32, #tpu.memory_space<hbm>>
        %dma_wait3A_280 = tpu.memref_squeeze %dma_wait3A_279 : memref<1x16x128xi32, #tpu.memory_space<hbm>> -> memref<16x128xi32, #tpu.memory_space<hbm>>
        %dma_wait3A_281 = arith.constant 0 : i32
        %dma_wait3A_282 = tpu.memref_slice %arg3[%add3A, %mul3A_30, %dma_wait3A_281] : memref<32x80x128xi32, #tpu.memory_space<hbm>> -> memref<1x16x128xi32, #tpu.memory_space<hbm>>
        %dma_wait3A_283 = tpu.memref_squeeze %dma_wait3A_282 : memref<1x16x128xi32, #tpu.memory_space<hbm>> -> memref<16x128xi32, #tpu.memory_space<hbm>>
        tpu.wait_dma2 semaphore(%run_scoped3A_271 : memref<!tpu.dma_semaphore, #tpu.memory_space<semaphore_mem>>) src(%dma_wait3A_283 : memref<16x128xi32, #tpu.memory_space<hbm>>) dst(%arg7 : memref<16x128xi32, #tpu.memory_space<vmem>>)
        tpu.yield
      }) : () -> ()
      %mul3A_31 = arith.constant 16 : i32
      %mul3A_32 = arith.muli %scan3A_27, %mul3A_31 : i32
      "tpu.region"() ({
        %run_scoped3A_271 = tpu.sem_alloc : memref<!tpu.dma_semaphore, #tpu.memory_space<semaphore_mem>>
        %dma_start3A_272 = arith.constant 0 : i32
        %dma_start3A_273 = tpu.memref_slice %arg4[%add3A, %mul3A_32, %dma_start3A_272] : memref<32x80x128xi32, #tpu.memory_space<hbm>> -> memref<1x16x128xi32, #tpu.memory_space<hbm>>
        %dma_start3A_274 = tpu.memref_squeeze %dma_start3A_273 : memref<1x16x128xi32, #tpu.memory_space<hbm>> -> memref<16x128xi32, #tpu.memory_space<hbm>>
        %dma_start3A_275 = arith.constant 0 : i32
        %dma_start3A_276 = tpu.memref_slice %arg4[%add3A, %mul3A_32, %dma_start3A_275] : memref<32x80x128xi32, #tpu.memory_space<hbm>> -> memref<1x16x128xi32, #tpu.memory_space<hbm>>
        %dma_start3A_277 = tpu.memref_squeeze %dma_start3A_276 : memref<1x16x128xi32, #tpu.memory_space<hbm>> -> memref<16x128xi32, #tpu.memory_space<hbm>>
        tpu.enqueue_dma source(%dma_start3A_277 : memref<16x128xi32, #tpu.memory_space<hbm>>) target(%arg8 : memref<16x128xi32, #tpu.memory_space<vmem>>) target_semaphore(%run_scoped3A_271 : memref<!tpu.dma_semaphore, #tpu.memory_space<semaphore_mem>>)
        %dma_wait3A_278 = arith.constant 0 : i32
        %dma_wait3A_279 = tpu.memref_slice %arg4[%add3A, %mul3A_32, %dma_wait3A_278] : memref<32x80x128xi32, #tpu.memory_space<hbm>> -> memref<1x16x128xi32, #tpu.memory_space<hbm>>
        %dma_wait3A_280 = tpu.memref_squeeze %dma_wait3A_279 : memref<1x16x128xi32, #tpu.memory_space<hbm>> -> memref<16x128xi32, #tpu.memory_space<hbm>>
        %dma_wait3A_281 = arith.constant 0 : i32
        %dma_wait3A_282 = tpu.memref_slice %arg4[%add3A, %mul3A_32, %dma_wait3A_281] : memref<32x80x128xi32, #tpu.memory_space<hbm>> -> memref<1x16x128xi32, #tpu.memory_space<hbm>>
        %dma_wait3A_283 = tpu.memref_squeeze %dma_wait3A_282 : memref<1x16x128xi32, #tpu.memory_space<hbm>> -> memref<16x128xi32, #tpu.memory_space<hbm>>
        tpu.wait_dma2 semaphore(%run_scoped3A_271 : memref<!tpu.dma_semaphore, #tpu.memory_space<semaphore_mem>>) src(%dma_wait3A_283 : memref<16x128xi32, #tpu.memory_space<hbm>>) dst(%arg8 : memref<16x128xi32, #tpu.memory_space<vmem>>)
        tpu.yield
      }) : () -> ()
      %dma_start3A = arith.constant 0 : i32
      %dma_start3A_33 = arith.constant 0 : i32
      %dma_start3A_34 = tpu.memref_slice %arg7[%dma_start3A, %dma_start3A_33] : memref<16x128xi32, #tpu.memory_space<vmem>> -> memref<1x128xi32, #tpu.memory_space<vmem>>
      %dma_start3A_35 = tpu.memref_squeeze %dma_start3A_34 : memref<1x128xi32, #tpu.memory_space<vmem>> -> memref<128xi32, #tpu.memory_space<vmem>>
      %dma_start3A_36 = arith.constant 0 : i32
      %dma_start3A_37 = arith.constant 0 : i32
      %dma_start3A_38 = tpu.memref_slice %arg2[%dma_start3A_36, %dma_start3A_37] : memref<10240x128xf32, #tpu.memory_space<hbm>> -> memref<10240x128xf32, #tpu.memory_space<hbm>>
      tpu.enqueue_indirect_dma source(%dma_start3A_38 : memref<10240x128xf32, #tpu.memory_space<hbm>>) target(%arg9 : memref<128x128xf32, #tpu.memory_space<vmem>>) offsets(%dma_start3A_35 : memref<128xi32, #tpu.memory_space<vmem>>) semaphore(%arg12 : memref<!tpu.dma_semaphore, #tpu.memory_space<semaphore_mem>>)
      %dma_start3A_39 = arith.constant 1 : i32
      %dma_start3A_40 = arith.constant 0 : i32
      %dma_start3A_41 = tpu.memref_slice %arg7[%dma_start3A_39, %dma_start3A_40] : memref<16x128xi32, #tpu.memory_space<vmem>> -> memref<1x128xi32, #tpu.memory_space<vmem>>
      %dma_start3A_42 = tpu.memref_squeeze %dma_start3A_41 : memref<1x128xi32, #tpu.memory_space<vmem>> -> memref<128xi32, #tpu.memory_space<vmem>>
      %dma_start3A_43 = arith.constant 0 : i32
      %dma_start3A_44 = arith.constant 0 : i32
      %dma_start3A_45 = tpu.memref_slice %arg2[%dma_start3A_43, %dma_start3A_44] : memref<10240x128xf32, #tpu.memory_space<hbm>> -> memref<10240x128xf32, #tpu.memory_space<hbm>>
      tpu.enqueue_indirect_dma source(%dma_start3A_45 : memref<10240x128xf32, #tpu.memory_space<hbm>>) target(%arg10 : memref<128x128xf32, #tpu.memory_space<vmem>>) offsets(%dma_start3A_42 : memref<128xi32, #tpu.memory_space<vmem>>) semaphore(%arg13 : memref<!tpu.dma_semaphore, #tpu.memory_space<semaphore_mem>>)
      %dma_wait3A = arith.constant 0 : i32
      %dma_wait3A_46 = arith.constant 0 : i32
      %dma_wait3A_47 = tpu.memref_slice %arg7[%dma_wait3A, %dma_wait3A_46] : memref<16x128xi32, #tpu.memory_space<vmem>> -> memref<1x128xi32, #tpu.memory_space<vmem>>
      %dma_wait3A_48 = tpu.memref_squeeze %dma_wait3A_47 : memref<1x128xi32, #tpu.memory_space<vmem>> -> memref<128xi32, #tpu.memory_space<vmem>>
      %dma_wait3A_49 = arith.constant 0 : i32
      %dma_wait3A_50 = arith.constant 0 : i32
      %dma_wait3A_51 = tpu.memref_slice %arg2[%dma_wait3A_49, %dma_wait3A_50] : memref<10240x128xf32, #tpu.memory_space<hbm>> -> memref<10240x128xf32, #tpu.memory_space<hbm>>
      tpu.wait_indirect_dma semaphore(%arg12 : memref<!tpu.dma_semaphore, #tpu.memory_space<semaphore_mem>>) src(%dma_wait3A_51 : memref<10240x128xf32, #tpu.memory_space<hbm>>) dst(%arg9 : memref<128x128xf32, #tpu.memory_space<vmem>>)
      %run_scoped3A = arith.constant 0 : i32
      "tpu.region"() ({
        %run_scoped3A_271 = tpu.sem_alloc : memref<!tpu.dma_semaphore, #tpu.memory_space<semaphore_mem>>
        %dma_start3A_272 = arith.constant 0 : i32
        %dma_start3A_273 = tpu.memref_slice %arg8[%run_scoped3A, %dma_start3A_272] : memref<16x128xi32, #tpu.memory_space<vmem>> -> memref<1x128xi32, #tpu.memory_space<vmem>>
        %dma_start3A_274 = tpu.memref_squeeze %dma_start3A_273 : memref<1x128xi32, #tpu.memory_space<vmem>> -> memref<128xi32, #tpu.memory_space<vmem>>
        %dma_start3A_275 = arith.constant 0 : i32
        %dma_start3A_276 = arith.constant 0 : i32
        %dma_start3A_277 = tpu.memref_slice %arg11[%dma_start3A_275, %dma_start3A_276] : memref<10240x128xf32, #tpu.memory_space<vmem_shared>> -> memref<10240x128xf32, #tpu.memory_space<vmem_shared>>
        tpu.enqueue_indirect_dma source(%arg9 : memref<128x128xf32, #tpu.memory_space<vmem>>) target(%dma_start3A_277 : memref<10240x128xf32, #tpu.memory_space<vmem_shared>>) offsets(%dma_start3A_274 : memref<128xi32, #tpu.memory_space<vmem>>) semaphore(%run_scoped3A_271 : memref<!tpu.dma_semaphore, #tpu.memory_space<semaphore_mem>>) {add = true}
        %dma_wait3A_278 = arith.constant 0 : i32
        %dma_wait3A_279 = tpu.memref_slice %arg8[%run_scoped3A, %dma_wait3A_278] : memref<16x128xi32, #tpu.memory_space<vmem>> -> memref<1x128xi32, #tpu.memory_space<vmem>>
        %dma_wait3A_280 = tpu.memref_squeeze %dma_wait3A_279 : memref<1x128xi32, #tpu.memory_space<vmem>> -> memref<128xi32, #tpu.memory_space<vmem>>
        %dma_wait3A_281 = arith.constant 0 : i32
        %dma_wait3A_282 = arith.constant 0 : i32
        %dma_wait3A_283 = tpu.memref_slice %arg11[%dma_wait3A_281, %dma_wait3A_282] : memref<10240x128xf32, #tpu.memory_space<vmem_shared>> -> memref<10240x128xf32, #tpu.memory_space<vmem_shared>>
        tpu.wait_indirect_dma semaphore(%run_scoped3A_271 : memref<!tpu.dma_semaphore, #tpu.memory_space<semaphore_mem>>) src(%arg9 : memref<128x128xf32, #tpu.memory_space<vmem>>) dst(%dma_wait3A_283 : memref<10240x128xf32, #tpu.memory_space<vmem_shared>>)
        tpu.yield
      }) : () -> ()
      %dma_start3A_52 = arith.constant 2 : i32
      %dma_start3A_53 = arith.constant 0 : i32
      %dma_start3A_54 = tpu.memref_slice %arg7[%dma_start3A_52, %dma_start3A_53] : memref<16x128xi32, #tpu.memory_space<vmem>> -> memref<1x128xi32, #tpu.memory_space<vmem>>
      %dma_start3A_55 = tpu.memref_squeeze %dma_start3A_54 : memref<1x128xi32, #tpu.memory_space<vmem>> -> memref<128xi32, #tpu.memory_space<vmem>>
      %dma_start3A_56 = arith.constant 0 : i32
      %dma_start3A_57 = arith.constant 0 : i32
      %dma_start3A_58 = tpu.memref_slice %arg2[%dma_start3A_56, %dma_start3A_57] : memref<10240x128xf32, #tpu.memory_space<hbm>> -> memref<10240x128xf32, #tpu.memory_space<hbm>>
      tpu.enqueue_indirect_dma source(%dma_start3A_58 : memref<10240x128xf32, #tpu.memory_space<hbm>>) target(%arg9 : memref<128x128xf32, #tpu.memory_space<vmem>>) offsets(%dma_start3A_55 : memref<128xi32, #tpu.memory_space<vmem>>) semaphore(%arg12 : memref<!tpu.dma_semaphore, #tpu.memory_space<semaphore_mem>>)
      %dma_wait3A_59 = arith.constant 1 : i32
      %dma_wait3A_60 = arith.constant 0 : i32
      %dma_wait3A_61 = tpu.memref_slice %arg7[%dma_wait3A_59, %dma_wait3A_60] : memref<16x128xi32, #tpu.memory_space<vmem>> -> memref<1x128xi32, #tpu.memory_space<vmem>>
      %dma_wait3A_62 = tpu.memref_squeeze %dma_wait3A_61 : memref<1x128xi32, #tpu.memory_space<vmem>> -> memref<128xi32, #tpu.memory_space<vmem>>
      %dma_wait3A_63 = arith.constant 0 : i32
      %dma_wait3A_64 = arith.constant 0 : i32
      %dma_wait3A_65 = tpu.memref_slice %arg2[%dma_wait3A_63, %dma_wait3A_64] : memref<10240x128xf32, #tpu.memory_space<hbm>> -> memref<10240x128xf32, #tpu.memory_space<hbm>>
      tpu.wait_indirect_dma semaphore(%arg13 : memref<!tpu.dma_semaphore, #tpu.memory_space<semaphore_mem>>) src(%dma_wait3A_65 : memref<10240x128xf32, #tpu.memory_space<hbm>>) dst(%arg10 : memref<128x128xf32, #tpu.memory_space<vmem>>)
      %run_scoped3A_66 = arith.constant 1 : i32
      "tpu.region"() ({
        %run_scoped3A_271 = tpu.sem_alloc : memref<!tpu.dma_semaphore, #tpu.memory_space<semaphore_mem>>
        %dma_start3A_272 = arith.constant 0 : i32
        %dma_start3A_273 = tpu.memref_slice %arg8[%run_scoped3A_66, %dma_start3A_272] : memref<16x128xi32, #tpu.memory_space<vmem>> -> memref<1x128xi32, #tpu.memory_space<vmem>>
        %dma_start3A_274 = tpu.memref_squeeze %dma_start3A_273 : memref<1x128xi32, #tpu.memory_space<vmem>> -> memref<128xi32, #tpu.memory_space<vmem>>
        %dma_start3A_275 = arith.constant 0 : i32
        %dma_start3A_276 = arith.constant 0 : i32
        %dma_start3A_277 = tpu.memref_slice %arg11[%dma_start3A_275, %dma_start3A_276] : memref<10240x128xf32, #tpu.memory_space<vmem_shared>> -> memref<10240x128xf32, #tpu.memory_space<vmem_shared>>
        tpu.enqueue_indirect_dma source(%arg10 : memref<128x128xf32, #tpu.memory_space<vmem>>) target(%dma_start3A_277 : memref<10240x128xf32, #tpu.memory_space<vmem_shared>>) offsets(%dma_start3A_274 : memref<128xi32, #tpu.memory_space<vmem>>) semaphore(%run_scoped3A_271 : memref<!tpu.dma_semaphore, #tpu.memory_space<semaphore_mem>>) {add = true}
        %dma_wait3A_278 = arith.constant 0 : i32
        %dma_wait3A_279 = tpu.memref_slice %arg8[%run_scoped3A_66, %dma_wait3A_278] : memref<16x128xi32, #tpu.memory_space<vmem>> -> memref<1x128xi32, #tpu.memory_space<vmem>>
        %dma_wait3A_280 = tpu.memref_squeeze %dma_wait3A_279 : memref<1x128xi32, #tpu.memory_space<vmem>> -> memref<128xi32, #tpu.memory_space<vmem>>
        %dma_wait3A_281 = arith.constant 0 : i32
        %dma_wait3A_282 = arith.constant 0 : i32
        %dma_wait3A_283 = tpu.memref_slice %arg11[%dma_wait3A_281, %dma_wait3A_282] : memref<10240x128xf32, #tpu.memory_space<vmem_shared>> -> memref<10240x128xf32, #tpu.memory_space<vmem_shared>>
        tpu.wait_indirect_dma semaphore(%run_scoped3A_271 : memref<!tpu.dma_semaphore, #tpu.memory_space<semaphore_mem>>) src(%arg10 : memref<128x128xf32, #tpu.memory_space<vmem>>) dst(%dma_wait3A_283 : memref<10240x128xf32, #tpu.memory_space<vmem_shared>>)
        tpu.yield
      }) : () -> ()
      %dma_start3A_67 = arith.constant 3 : i32
      %dma_start3A_68 = arith.constant 0 : i32
      %dma_start3A_69 = tpu.memref_slice %arg7[%dma_start3A_67, %dma_start3A_68] : memref<16x128xi32, #tpu.memory_space<vmem>> -> memref<1x128xi32, #tpu.memory_space<vmem>>
      %dma_start3A_70 = tpu.memref_squeeze %dma_start3A_69 : memref<1x128xi32, #tpu.memory_space<vmem>> -> memref<128xi32, #tpu.memory_space<vmem>>
      %dma_start3A_71 = arith.constant 0 : i32
      %dma_start3A_72 = arith.constant 0 : i32
      %dma_start3A_73 = tpu.memref_slice %arg2[%dma_start3A_71, %dma_start3A_72] : memref<10240x128xf32, #tpu.memory_space<hbm>> -> memref<10240x128xf32, #tpu.memory_space<hbm>>
      tpu.enqueue_indirect_dma source(%dma_start3A_73 : memref<10240x128xf32, #tpu.memory_space<hbm>>) target(%arg10 : memref<128x128xf32, #tpu.memory_space<vmem>>) offsets(%dma_start3A_70 : memref<128xi32, #tpu.memory_space<vmem>>) semaphore(%arg13 : memref<!tpu.dma_semaphore, #tpu.memory_space<semaphore_mem>>)
      %dma_wait3A_74 = arith.constant 2 : i32
      %dma_wait3A_75 = arith.constant 0 : i32
      %dma_wait3A_76 = tpu.memref_slice %arg7[%dma_wait3A_74, %dma_wait3A_75] : memref<16x128xi32, #tpu.memory_space<vmem>> -> memref<1x128xi32, #tpu.memory_space<vmem>>
      %dma_wait3A_77 = tpu.memref_squeeze %dma_wait3A_76 : memref<1x128xi32, #tpu.memory_space<vmem>> -> memref<128xi32, #tpu.memory_space<vmem>>
      %dma_wait3A_78 = arith.constant 0 : i32
      %dma_wait3A_79 = arith.constant 0 : i32
      %dma_wait3A_80 = tpu.memref_slice %arg2[%dma_wait3A_78, %dma_wait3A_79] : memref<10240x128xf32, #tpu.memory_space<hbm>> -> memref<10240x128xf32, #tpu.memory_space<hbm>>
      tpu.wait_indirect_dma semaphore(%arg12 : memref<!tpu.dma_semaphore, #tpu.memory_space<semaphore_mem>>) src(%dma_wait3A_80 : memref<10240x128xf32, #tpu.memory_space<hbm>>) dst(%arg9 : memref<128x128xf32, #tpu.memory_space<vmem>>)
      %run_scoped3A_81 = arith.constant 2 : i32
      "tpu.region"() ({
        %run_scoped3A_271 = tpu.sem_alloc : memref<!tpu.dma_semaphore, #tpu.memory_space<semaphore_mem>>
        %dma_start3A_272 = arith.constant 0 : i32
        %dma_start3A_273 = tpu.memref_slice %arg8[%run_scoped3A_81, %dma_start3A_272] : memref<16x128xi32, #tpu.memory_space<vmem>> -> memref<1x128xi32, #tpu.memory_space<vmem>>
        %dma_start3A_274 = tpu.memref_squeeze %dma_start3A_273 : memref<1x128xi32, #tpu.memory_space<vmem>> -> memref<128xi32, #tpu.memory_space<vmem>>
        %dma_start3A_275 = arith.constant 0 : i32
        %dma_start3A_276 = arith.constant 0 : i32
        %dma_start3A_277 = tpu.memref_slice %arg11[%dma_start3A_275, %dma_start3A_276] : memref<10240x128xf32, #tpu.memory_space<vmem_shared>> -> memref<10240x128xf32, #tpu.memory_space<vmem_shared>>
        tpu.enqueue_indirect_dma source(%arg9 : memref<128x128xf32, #tpu.memory_space<vmem>>) target(%dma_start3A_277 : memref<10240x128xf32, #tpu.memory_space<vmem_shared>>) offsets(%dma_start3A_274 : memref<128xi32, #tpu.memory_space<vmem>>) semaphore(%run_scoped3A_271 : memref<!tpu.dma_semaphore, #tpu.memory_space<semaphore_mem>>) {add = true}
        %dma_wait3A_278 = arith.constant 0 : i32
        %dma_wait3A_279 = tpu.memref_slice %arg8[%run_scoped3A_81, %dma_wait3A_278] : memref<16x128xi32, #tpu.memory_space<vmem>> -> memref<1x128xi32, #tpu.memory_space<vmem>>
        %dma_wait3A_280 = tpu.memref_squeeze %dma_wait3A_279 : memref<1x128xi32, #tpu.memory_space<vmem>> -> memref<128xi32, #tpu.memory_space<vmem>>
        %dma_wait3A_281 = arith.constant 0 : i32
        %dma_wait3A_282 = arith.constant 0 : i32
        %dma_wait3A_283 = tpu.memref_slice %arg11[%dma_wait3A_281, %dma_wait3A_282] : memref<10240x128xf32, #tpu.memory_space<vmem_shared>> -> memref<10240x128xf32, #tpu.memory_space<vmem_shared>>
        tpu.wait_indirect_dma semaphore(%run_scoped3A_271 : memref<!tpu.dma_semaphore, #tpu.memory_space<semaphore_mem>>) src(%arg9 : memref<128x128xf32, #tpu.memory_space<vmem>>) dst(%dma_wait3A_283 : memref<10240x128xf32, #tpu.memory_space<vmem_shared>>)
        tpu.yield
      }) : () -> ()
      %dma_start3A_82 = arith.constant 4 : i32
      %dma_start3A_83 = arith.constant 0 : i32
      %dma_start3A_84 = tpu.memref_slice %arg7[%dma_start3A_82, %dma_start3A_83] : memref<16x128xi32, #tpu.memory_space<vmem>> -> memref<1x128xi32, #tpu.memory_space<vmem>>
      %dma_start3A_85 = tpu.memref_squeeze %dma_start3A_84 : memref<1x128xi32, #tpu.memory_space<vmem>> -> memref<128xi32, #tpu.memory_space<vmem>>
      %dma_start3A_86 = arith.constant 0 : i32
      %dma_start3A_87 = arith.constant 0 : i32
      %dma_start3A_88 = tpu.memref_slice %arg2[%dma_start3A_86, %dma_start3A_87] : memref<10240x128xf32, #tpu.memory_space<hbm>> -> memref<10240x128xf32, #tpu.memory_space<hbm>>
      tpu.enqueue_indirect_dma source(%dma_start3A_88 : memref<10240x128xf32, #tpu.memory_space<hbm>>) target(%arg9 : memref<128x128xf32, #tpu.memory_space<vmem>>) offsets(%dma_start3A_85 : memref<128xi32, #tpu.memory_space<vmem>>) semaphore(%arg12 : memref<!tpu.dma_semaphore, #tpu.memory_space<semaphore_mem>>)
      %dma_wait3A_89 = arith.constant 3 : i32
      %dma_wait3A_90 = arith.constant 0 : i32
      %dma_wait3A_91 = tpu.memref_slice %arg7[%dma_wait3A_89, %dma_wait3A_90] : memref<16x128xi32, #tpu.memory_space<vmem>> -> memref<1x128xi32, #tpu.memory_space<vmem>>
      %dma_wait3A_92 = tpu.memref_squeeze %dma_wait3A_91 : memref<1x128xi32, #tpu.memory_space<vmem>> -> memref<128xi32, #tpu.memory_space<vmem>>
      %dma_wait3A_93 = arith.constant 0 : i32
      %dma_wait3A_94 = arith.constant 0 : i32
      %dma_wait3A_95 = tpu.memref_slice %arg2[%dma_wait3A_93, %dma_wait3A_94] : memref<10240x128xf32, #tpu.memory_space<hbm>> -> memref<10240x128xf32, #tpu.memory_space<hbm>>
      tpu.wait_indirect_dma semaphore(%arg13 : memref<!tpu.dma_semaphore, #tpu.memory_space<semaphore_mem>>) src(%dma_wait3A_95 : memref<10240x128xf32, #tpu.memory_space<hbm>>) dst(%arg10 : memref<128x128xf32, #tpu.memory_space<vmem>>)
      %run_scoped3A_96 = arith.constant 3 : i32
      "tpu.region"() ({
        %run_scoped3A_271 = tpu.sem_alloc : memref<!tpu.dma_semaphore, #tpu.memory_space<semaphore_mem>>
        %dma_start3A_272 = arith.constant 0 : i32
        %dma_start3A_273 = tpu.memref_slice %arg8[%run_scoped3A_96, %dma_start3A_272] : memref<16x128xi32, #tpu.memory_space<vmem>> -> memref<1x128xi32, #tpu.memory_space<vmem>>
        %dma_start3A_274 = tpu.memref_squeeze %dma_start3A_273 : memref<1x128xi32, #tpu.memory_space<vmem>> -> memref<128xi32, #tpu.memory_space<vmem>>
        %dma_start3A_275 = arith.constant 0 : i32
        %dma_start3A_276 = arith.constant 0 : i32
        %dma_start3A_277 = tpu.memref_slice %arg11[%dma_start3A_275, %dma_start3A_276] : memref<10240x128xf32, #tpu.memory_space<vmem_shared>> -> memref<10240x128xf32, #tpu.memory_space<vmem_shared>>
        tpu.enqueue_indirect_dma source(%arg10 : memref<128x128xf32, #tpu.memory_space<vmem>>) target(%dma_start3A_277 : memref<10240x128xf32, #tpu.memory_space<vmem_shared>>) offsets(%dma_start3A_274 : memref<128xi32, #tpu.memory_space<vmem>>) semaphore(%run_scoped3A_271 : memref<!tpu.dma_semaphore, #tpu.memory_space<semaphore_mem>>) {add = true}
        %dma_wait3A_278 = arith.constant 0 : i32
        %dma_wait3A_279 = tpu.memref_slice %arg8[%run_scoped3A_96, %dma_wait3A_278] : memref<16x128xi32, #tpu.memory_space<vmem>> -> memref<1x128xi32, #tpu.memory_space<vmem>>
        %dma_wait3A_280 = tpu.memref_squeeze %dma_wait3A_279 : memref<1x128xi32, #tpu.memory_space<vmem>> -> memref<128xi32, #tpu.memory_space<vmem>>
        %dma_wait3A_281 = arith.constant 0 : i32
        %dma_wait3A_282 = arith.constant 0 : i32
        %dma_wait3A_283 = tpu.memref_slice %arg11[%dma_wait3A_281, %dma_wait3A_282] : memref<10240x128xf32, #tpu.memory_space<vmem_shared>> -> memref<10240x128xf32, #tpu.memory_space<vmem_shared>>
        tpu.wait_indirect_dma semaphore(%run_scoped3A_271 : memref<!tpu.dma_semaphore, #tpu.memory_space<semaphore_mem>>) src(%arg10 : memref<128x128xf32, #tpu.memory_space<vmem>>) dst(%dma_wait3A_283 : memref<10240x128xf32, #tpu.memory_space<vmem_shared>>)
        tpu.yield
      }) : () -> ()
      %dma_start3A_97 = arith.constant 5 : i32
      %dma_start3A_98 = arith.constant 0 : i32
      %dma_start3A_99 = tpu.memref_slice %arg7[%dma_start3A_97, %dma_start3A_98] : memref<16x128xi32, #tpu.memory_space<vmem>> -> memref<1x128xi32, #tpu.memory_space<vmem>>
      %dma_start3A_100 = tpu.memref_squeeze %dma_start3A_99 : memref<1x128xi32, #tpu.memory_space<vmem>> -> memref<128xi32, #tpu.memory_space<vmem>>
      %dma_start3A_101 = arith.constant 0 : i32
      %dma_start3A_102 = arith.constant 0 : i32
      %dma_start3A_103 = tpu.memref_slice %arg2[%dma_start3A_101, %dma_start3A_102] : memref<10240x128xf32, #tpu.memory_space<hbm>> -> memref<10240x128xf32, #tpu.memory_space<hbm>>
      tpu.enqueue_indirect_dma source(%dma_start3A_103 : memref<10240x128xf32, #tpu.memory_space<hbm>>) target(%arg10 : memref<128x128xf32, #tpu.memory_space<vmem>>) offsets(%dma_start3A_100 : memref<128xi32, #tpu.memory_space<vmem>>) semaphore(%arg13 : memref<!tpu.dma_semaphore, #tpu.memory_space<semaphore_mem>>)
      %dma_wait3A_104 = arith.constant 4 : i32
      %dma_wait3A_105 = arith.constant 0 : i32
      %dma_wait3A_106 = tpu.memref_slice %arg7[%dma_wait3A_104, %dma_wait3A_105] : memref<16x128xi32, #tpu.memory_space<vmem>> -> memref<1x128xi32, #tpu.memory_space<vmem>>
      %dma_wait3A_107 = tpu.memref_squeeze %dma_wait3A_106 : memref<1x128xi32, #tpu.memory_space<vmem>> -> memref<128xi32, #tpu.memory_space<vmem>>
      %dma_wait3A_108 = arith.constant 0 : i32
      %dma_wait3A_109 = arith.constant 0 : i32
      %dma_wait3A_110 = tpu.memref_slice %arg2[%dma_wait3A_108, %dma_wait3A_109] : memref<10240x128xf32, #tpu.memory_space<hbm>> -> memref<10240x128xf32, #tpu.memory_space<hbm>>
      tpu.wait_indirect_dma semaphore(%arg12 : memref<!tpu.dma_semaphore, #tpu.memory_space<semaphore_mem>>) src(%dma_wait3A_110 : memref<10240x128xf32, #tpu.memory_space<hbm>>) dst(%arg9 : memref<128x128xf32, #tpu.memory_space<vmem>>)
      %run_scoped3A_111 = arith.constant 4 : i32
      "tpu.region"() ({
        %run_scoped3A_271 = tpu.sem_alloc : memref<!tpu.dma_semaphore, #tpu.memory_space<semaphore_mem>>
        %dma_start3A_272 = arith.constant 0 : i32
        %dma_start3A_273 = tpu.memref_slice %arg8[%run_scoped3A_111, %dma_start3A_272] : memref<16x128xi32, #tpu.memory_space<vmem>> -> memref<1x128xi32, #tpu.memory_space<vmem>>
        %dma_start3A_274 = tpu.memref_squeeze %dma_start3A_273 : memref<1x128xi32, #tpu.memory_space<vmem>> -> memref<128xi32, #tpu.memory_space<vmem>>
        %dma_start3A_275 = arith.constant 0 : i32
        %dma_start3A_276 = arith.constant 0 : i32
        %dma_start3A_277 = tpu.memref_slice %arg11[%dma_start3A_275, %dma_start3A_276] : memref<10240x128xf32, #tpu.memory_space<vmem_shared>> -> memref<10240x128xf32, #tpu.memory_space<vmem_shared>>
        tpu.enqueue_indirect_dma source(%arg9 : memref<128x128xf32, #tpu.memory_space<vmem>>) target(%dma_start3A_277 : memref<10240x128xf32, #tpu.memory_space<vmem_shared>>) offsets(%dma_start3A_274 : memref<128xi32, #tpu.memory_space<vmem>>) semaphore(%run_scoped3A_271 : memref<!tpu.dma_semaphore, #tpu.memory_space<semaphore_mem>>) {add = true}
        %dma_wait3A_278 = arith.constant 0 : i32
        %dma_wait3A_279 = tpu.memref_slice %arg8[%run_scoped3A_111, %dma_wait3A_278] : memref<16x128xi32, #tpu.memory_space<vmem>> -> memref<1x128xi32, #tpu.memory_space<vmem>>
        %dma_wait3A_280 = tpu.memref_squeeze %dma_wait3A_279 : memref<1x128xi32, #tpu.memory_space<vmem>> -> memref<128xi32, #tpu.memory_space<vmem>>
        %dma_wait3A_281 = arith.constant 0 : i32
        %dma_wait3A_282 = arith.constant 0 : i32
        %dma_wait3A_283 = tpu.memref_slice %arg11[%dma_wait3A_281, %dma_wait3A_282] : memref<10240x128xf32, #tpu.memory_space<vmem_shared>> -> memref<10240x128xf32, #tpu.memory_space<vmem_shared>>
        tpu.wait_indirect_dma semaphore(%run_scoped3A_271 : memref<!tpu.dma_semaphore, #tpu.memory_space<semaphore_mem>>) src(%arg9 : memref<128x128xf32, #tpu.memory_space<vmem>>) dst(%dma_wait3A_283 : memref<10240x128xf32, #tpu.memory_space<vmem_shared>>)
        tpu.yield
      }) : () -> ()
      %dma_start3A_112 = arith.constant 6 : i32
      %dma_start3A_113 = arith.constant 0 : i32
      %dma_start3A_114 = tpu.memref_slice %arg7[%dma_start3A_112, %dma_start3A_113] : memref<16x128xi32, #tpu.memory_space<vmem>> -> memref<1x128xi32, #tpu.memory_space<vmem>>
      %dma_start3A_115 = tpu.memref_squeeze %dma_start3A_114 : memref<1x128xi32, #tpu.memory_space<vmem>> -> memref<128xi32, #tpu.memory_space<vmem>>
      %dma_start3A_116 = arith.constant 0 : i32
      %dma_start3A_117 = arith.constant 0 : i32
      %dma_start3A_118 = tpu.memref_slice %arg2[%dma_start3A_116, %dma_start3A_117] : memref<10240x128xf32, #tpu.memory_space<hbm>> -> memref<10240x128xf32, #tpu.memory_space<hbm>>
      tpu.enqueue_indirect_dma source(%dma_start3A_118 : memref<10240x128xf32, #tpu.memory_space<hbm>>) target(%arg9 : memref<128x128xf32, #tpu.memory_space<vmem>>) offsets(%dma_start3A_115 : memref<128xi32, #tpu.memory_space<vmem>>) semaphore(%arg12 : memref<!tpu.dma_semaphore, #tpu.memory_space<semaphore_mem>>)
      %dma_wait3A_119 = arith.constant 5 : i32
      %dma_wait3A_120 = arith.constant 0 : i32
      %dma_wait3A_121 = tpu.memref_slice %arg7[%dma_wait3A_119, %dma_wait3A_120] : memref<16x128xi32, #tpu.memory_space<vmem>> -> memref<1x128xi32, #tpu.memory_space<vmem>>
      %dma_wait3A_122 = tpu.memref_squeeze %dma_wait3A_121 : memref<1x128xi32, #tpu.memory_space<vmem>> -> memref<128xi32, #tpu.memory_space<vmem>>
      %dma_wait3A_123 = arith.constant 0 : i32
      %dma_wait3A_124 = arith.constant 0 : i32
      %dma_wait3A_125 = tpu.memref_slice %arg2[%dma_wait3A_123, %dma_wait3A_124] : memref<10240x128xf32, #tpu.memory_space<hbm>> -> memref<10240x128xf32, #tpu.memory_space<hbm>>
      tpu.wait_indirect_dma semaphore(%arg13 : memref<!tpu.dma_semaphore, #tpu.memory_space<semaphore_mem>>) src(%dma_wait3A_125 : memref<10240x128xf32, #tpu.memory_space<hbm>>) dst(%arg10 : memref<128x128xf32, #tpu.memory_space<vmem>>)
      %run_scoped3A_126 = arith.constant 5 : i32
      "tpu.region"() ({
        %run_scoped3A_271 = tpu.sem_alloc : memref<!tpu.dma_semaphore, #tpu.memory_space<semaphore_mem>>
        %dma_start3A_272 = arith.constant 0 : i32
        %dma_start3A_273 = tpu.memref_slice %arg8[%run_scoped3A_126, %dma_start3A_272] : memref<16x128xi32, #tpu.memory_space<vmem>> -> memref<1x128xi32, #tpu.memory_space<vmem>>
        %dma_start3A_274 = tpu.memref_squeeze %dma_start3A_273 : memref<1x128xi32, #tpu.memory_space<vmem>> -> memref<128xi32, #tpu.memory_space<vmem>>
        %dma_start3A_275 = arith.constant 0 : i32
        %dma_start3A_276 = arith.constant 0 : i32
        %dma_start3A_277 = tpu.memref_slice %arg11[%dma_start3A_275, %dma_start3A_276] : memref<10240x128xf32, #tpu.memory_space<vmem_shared>> -> memref<10240x128xf32, #tpu.memory_space<vmem_shared>>
        tpu.enqueue_indirect_dma source(%arg10 : memref<128x128xf32, #tpu.memory_space<vmem>>) target(%dma_start3A_277 : memref<10240x128xf32, #tpu.memory_space<vmem_shared>>) offsets(%dma_start3A_274 : memref<128xi32, #tpu.memory_space<vmem>>) semaphore(%run_scoped3A_271 : memref<!tpu.dma_semaphore, #tpu.memory_space<semaphore_mem>>) {add = true}
        %dma_wait3A_278 = arith.constant 0 : i32
        %dma_wait3A_279 = tpu.memref_slice %arg8[%run_scoped3A_126, %dma_wait3A_278] : memref<16x128xi32, #tpu.memory_space<vmem>> -> memref<1x128xi32, #tpu.memory_space<vmem>>
        %dma_wait3A_280 = tpu.memref_squeeze %dma_wait3A_279 : memref<1x128xi32, #tpu.memory_space<vmem>> -> memref<128xi32, #tpu.memory_space<vmem>>
        %dma_wait3A_281 = arith.constant 0 : i32
        %dma_wait3A_282 = arith.constant 0 : i32
        %dma_wait3A_283 = tpu.memref_slice %arg11[%dma_wait3A_281, %dma_wait3A_282] : memref<10240x128xf32, #tpu.memory_space<vmem_shared>> -> memref<10240x128xf32, #tpu.memory_space<vmem_shared>>
        tpu.wait_indirect_dma semaphore(%run_scoped3A_271 : memref<!tpu.dma_semaphore, #tpu.memory_space<semaphore_mem>>) src(%arg10 : memref<128x128xf32, #tpu.memory_space<vmem>>) dst(%dma_wait3A_283 : memref<10240x128xf32, #tpu.memory_space<vmem_shared>>)
        tpu.yield
      }) : () -> ()
      %dma_start3A_127 = arith.constant 7 : i32
      %dma_start3A_128 = arith.constant 0 : i32
      %dma_start3A_129 = tpu.memref_slice %arg7[%dma_start3A_127, %dma_start3A_128] : memref<16x128xi32, #tpu.memory_space<vmem>> -> memref<1x128xi32, #tpu.memory_space<vmem>>
      %dma_start3A_130 = tpu.memref_squeeze %dma_start3A_129 : memref<1x128xi32, #tpu.memory_space<vmem>> -> memref<128xi32, #tpu.memory_space<vmem>>
      %dma_start3A_131 = arith.constant 0 : i32
      %dma_start3A_132 = arith.constant 0 : i32
      %dma_start3A_133 = tpu.memref_slice %arg2[%dma_start3A_131, %dma_start3A_132] : memref<10240x128xf32, #tpu.memory_space<hbm>> -> memref<10240x128xf32, #tpu.memory_space<hbm>>
      tpu.enqueue_indirect_dma source(%dma_start3A_133 : memref<10240x128xf32, #tpu.memory_space<hbm>>) target(%arg10 : memref<128x128xf32, #tpu.memory_space<vmem>>) offsets(%dma_start3A_130 : memref<128xi32, #tpu.memory_space<vmem>>) semaphore(%arg13 : memref<!tpu.dma_semaphore, #tpu.memory_space<semaphore_mem>>)
      %dma_wait3A_134 = arith.constant 6 : i32
      %dma_wait3A_135 = arith.constant 0 : i32
      %dma_wait3A_136 = tpu.memref_slice %arg7[%dma_wait3A_134, %dma_wait3A_135] : memref<16x128xi32, #tpu.memory_space<vmem>> -> memref<1x128xi32, #tpu.memory_space<vmem>>
      %dma_wait3A_137 = tpu.memref_squeeze %dma_wait3A_136 : memref<1x128xi32, #tpu.memory_space<vmem>> -> memref<128xi32, #tpu.memory_space<vmem>>
      %dma_wait3A_138 = arith.constant 0 : i32
      %dma_wait3A_139 = arith.constant 0 : i32
      %dma_wait3A_140 = tpu.memref_slice %arg2[%dma_wait3A_138, %dma_wait3A_139] : memref<10240x128xf32, #tpu.memory_space<hbm>> -> memref<10240x128xf32, #tpu.memory_space<hbm>>
      tpu.wait_indirect_dma semaphore(%arg12 : memref<!tpu.dma_semaphore, #tpu.memory_space<semaphore_mem>>) src(%dma_wait3A_140 : memref<10240x128xf32, #tpu.memory_space<hbm>>) dst(%arg9 : memref<128x128xf32, #tpu.memory_space<vmem>>)
      %run_scoped3A_141 = arith.constant 6 : i32
      "tpu.region"() ({
        %run_scoped3A_271 = tpu.sem_alloc : memref<!tpu.dma_semaphore, #tpu.memory_space<semaphore_mem>>
        %dma_start3A_272 = arith.constant 0 : i32
        %dma_start3A_273 = tpu.memref_slice %arg8[%run_scoped3A_141, %dma_start3A_272] : memref<16x128xi32, #tpu.memory_space<vmem>> -> memref<1x128xi32, #tpu.memory_space<vmem>>
        %dma_start3A_274 = tpu.memref_squeeze %dma_start3A_273 : memref<1x128xi32, #tpu.memory_space<vmem>> -> memref<128xi32, #tpu.memory_space<vmem>>
        %dma_start3A_275 = arith.constant 0 : i32
        %dma_start3A_276 = arith.constant 0 : i32
        %dma_start3A_277 = tpu.memref_slice %arg11[%dma_start3A_275, %dma_start3A_276] : memref<10240x128xf32, #tpu.memory_space<vmem_shared>> -> memref<10240x128xf32, #tpu.memory_space<vmem_shared>>
        tpu.enqueue_indirect_dma source(%arg9 : memref<128x128xf32, #tpu.memory_space<vmem>>) target(%dma_start3A_277 : memref<10240x128xf32, #tpu.memory_space<vmem_shared>>) offsets(%dma_start3A_274 : memref<128xi32, #tpu.memory_space<vmem>>) semaphore(%run_scoped3A_271 : memref<!tpu.dma_semaphore, #tpu.memory_space<semaphore_mem>>) {add = true}
        %dma_wait3A_278 = arith.constant 0 : i32
        %dma_wait3A_279 = tpu.memref_slice %arg8[%run_scoped3A_141, %dma_wait3A_278] : memref<16x128xi32, #tpu.memory_space<vmem>> -> memref<1x128xi32, #tpu.memory_space<vmem>>
        %dma_wait3A_280 = tpu.memref_squeeze %dma_wait3A_279 : memref<1x128xi32, #tpu.memory_space<vmem>> -> memref<128xi32, #tpu.memory_space<vmem>>
        %dma_wait3A_281 = arith.constant 0 : i32
        %dma_wait3A_282 = arith.constant 0 : i32
        %dma_wait3A_283 = tpu.memref_slice %arg11[%dma_wait3A_281, %dma_wait3A_282] : memref<10240x128xf32, #tpu.memory_space<vmem_shared>> -> memref<10240x128xf32, #tpu.memory_space<vmem_shared>>
        tpu.wait_indirect_dma semaphore(%run_scoped3A_271 : memref<!tpu.dma_semaphore, #tpu.memory_space<semaphore_mem>>) src(%arg9 : memref<128x128xf32, #tpu.memory_space<vmem>>) dst(%dma_wait3A_283 : memref<10240x128xf32, #tpu.memory_space<vmem_shared>>)
        tpu.yield
      }) : () -> ()
      %dma_start3A_142 = arith.constant 8 : i32
      %dma_start3A_143 = arith.constant 0 : i32
      %dma_start3A_144 = tpu.memref_slice %arg7[%dma_start3A_142, %dma_start3A_143] : memref<16x128xi32, #tpu.memory_space<vmem>> -> memref<1x128xi32, #tpu.memory_space<vmem>>
      %dma_start3A_145 = tpu.memref_squeeze %dma_start3A_144 : memref<1x128xi32, #tpu.memory_space<vmem>> -> memref<128xi32, #tpu.memory_space<vmem>>
      %dma_start3A_146 = arith.constant 0 : i32
      %dma_start3A_147 = arith.constant 0 : i32
      %dma_start3A_148 = tpu.memref_slice %arg2[%dma_start3A_146, %dma_start3A_147] : memref<10240x128xf32, #tpu.memory_space<hbm>> -> memref<10240x128xf32, #tpu.memory_space<hbm>>
      tpu.enqueue_indirect_dma source(%dma_start3A_148 : memref<10240x128xf32, #tpu.memory_space<hbm>>) target(%arg9 : memref<128x128xf32, #tpu.memory_space<vmem>>) offsets(%dma_start3A_145 : memref<128xi32, #tpu.memory_space<vmem>>) semaphore(%arg12 : memref<!tpu.dma_semaphore, #tpu.memory_space<semaphore_mem>>)
      %dma_wait3A_149 = arith.constant 7 : i32
      %dma_wait3A_150 = arith.constant 0 : i32
      %dma_wait3A_151 = tpu.memref_slice %arg7[%dma_wait3A_149, %dma_wait3A_150] : memref<16x128xi32, #tpu.memory_space<vmem>> -> memref<1x128xi32, #tpu.memory_space<vmem>>
      %dma_wait3A_152 = tpu.memref_squeeze %dma_wait3A_151 : memref<1x128xi32, #tpu.memory_space<vmem>> -> memref<128xi32, #tpu.memory_space<vmem>>
      %dma_wait3A_153 = arith.constant 0 : i32
      %dma_wait3A_154 = arith.constant 0 : i32
      %dma_wait3A_155 = tpu.memref_slice %arg2[%dma_wait3A_153, %dma_wait3A_154] : memref<10240x128xf32, #tpu.memory_space<hbm>> -> memref<10240x128xf32, #tpu.memory_space<hbm>>
      tpu.wait_indirect_dma semaphore(%arg13 : memref<!tpu.dma_semaphore, #tpu.memory_space<semaphore_mem>>) src(%dma_wait3A_155 : memref<10240x128xf32, #tpu.memory_space<hbm>>) dst(%arg10 : memref<128x128xf32, #tpu.memory_space<vmem>>)
      %run_scoped3A_156 = arith.constant 7 : i32
      "tpu.region"() ({
        %run_scoped3A_271 = tpu.sem_alloc : memref<!tpu.dma_semaphore, #tpu.memory_space<semaphore_mem>>
        %dma_start3A_272 = arith.constant 0 : i32
        %dma_start3A_273 = tpu.memref_slice %arg8[%run_scoped3A_156, %dma_start3A_272] : memref<16x128xi32, #tpu.memory_space<vmem>> -> memref<1x128xi32, #tpu.memory_space<vmem>>
        %dma_start3A_274 = tpu.memref_squeeze %dma_start3A_273 : memref<1x128xi32, #tpu.memory_space<vmem>> -> memref<128xi32, #tpu.memory_space<vmem>>
        %dma_start3A_275 = arith.constant 0 : i32
        %dma_start3A_276 = arith.constant 0 : i32
        %dma_start3A_277 = tpu.memref_slice %arg11[%dma_start3A_275, %dma_start3A_276] : memref<10240x128xf32, #tpu.memory_space<vmem_shared>> -> memref<10240x128xf32, #tpu.memory_space<vmem_shared>>
        tpu.enqueue_indirect_dma source(%arg10 : memref<128x128xf32, #tpu.memory_space<vmem>>) target(%dma_start3A_277 : memref<10240x128xf32, #tpu.memory_space<vmem_shared>>) offsets(%dma_start3A_274 : memref<128xi32, #tpu.memory_space<vmem>>) semaphore(%run_scoped3A_271 : memref<!tpu.dma_semaphore, #tpu.memory_space<semaphore_mem>>) {add = true}
        %dma_wait3A_278 = arith.constant 0 : i32
        %dma_wait3A_279 = tpu.memref_slice %arg8[%run_scoped3A_156, %dma_wait3A_278] : memref<16x128xi32, #tpu.memory_space<vmem>> -> memref<1x128xi32, #tpu.memory_space<vmem>>
        %dma_wait3A_280 = tpu.memref_squeeze %dma_wait3A_279 : memref<1x128xi32, #tpu.memory_space<vmem>> -> memref<128xi32, #tpu.memory_space<vmem>>
        %dma_wait3A_281 = arith.constant 0 : i32
        %dma_wait3A_282 = arith.constant 0 : i32
        %dma_wait3A_283 = tpu.memref_slice %arg11[%dma_wait3A_281, %dma_wait3A_282] : memref<10240x128xf32, #tpu.memory_space<vmem_shared>> -> memref<10240x128xf32, #tpu.memory_space<vmem_shared>>
        tpu.wait_indirect_dma semaphore(%run_scoped3A_271 : memref<!tpu.dma_semaphore, #tpu.memory_space<semaphore_mem>>) src(%arg10 : memref<128x128xf32, #tpu.memory_space<vmem>>) dst(%dma_wait3A_283 : memref<10240x128xf32, #tpu.memory_space<vmem_shared>>)
        tpu.yield
      }) : () -> ()
      %dma_start3A_157 = arith.constant 9 : i32
      %dma_start3A_158 = arith.constant 0 : i32
      %dma_start3A_159 = tpu.memref_slice %arg7[%dma_start3A_157, %dma_start3A_158] : memref<16x128xi32, #tpu.memory_space<vmem>> -> memref<1x128xi32, #tpu.memory_space<vmem>>
      %dma_start3A_160 = tpu.memref_squeeze %dma_start3A_159 : memref<1x128xi32, #tpu.memory_space<vmem>> -> memref<128xi32, #tpu.memory_space<vmem>>
      %dma_start3A_161 = arith.constant 0 : i32
      %dma_start3A_162 = arith.constant 0 : i32
      %dma_start3A_163 = tpu.memref_slice %arg2[%dma_start3A_161, %dma_start3A_162] : memref<10240x128xf32, #tpu.memory_space<hbm>> -> memref<10240x128xf32, #tpu.memory_space<hbm>>
      tpu.enqueue_indirect_dma source(%dma_start3A_163 : memref<10240x128xf32, #tpu.memory_space<hbm>>) target(%arg10 : memref<128x128xf32, #tpu.memory_space<vmem>>) offsets(%dma_start3A_160 : memref<128xi32, #tpu.memory_space<vmem>>) semaphore(%arg13 : memref<!tpu.dma_semaphore, #tpu.memory_space<semaphore_mem>>)
      %dma_wait3A_164 = arith.constant 8 : i32
      %dma_wait3A_165 = arith.constant 0 : i32
      %dma_wait3A_166 = tpu.memref_slice %arg7[%dma_wait3A_164, %dma_wait3A_165] : memref<16x128xi32, #tpu.memory_space<vmem>> -> memref<1x128xi32, #tpu.memory_space<vmem>>
      %dma_wait3A_167 = tpu.memref_squeeze %dma_wait3A_166 : memref<1x128xi32, #tpu.memory_space<vmem>> -> memref<128xi32, #tpu.memory_space<vmem>>
      %dma_wait3A_168 = arith.constant 0 : i32
      %dma_wait3A_169 = arith.constant 0 : i32
      %dma_wait3A_170 = tpu.memref_slice %arg2[%dma_wait3A_168, %dma_wait3A_169] : memref<10240x128xf32, #tpu.memory_space<hbm>> -> memref<10240x128xf32, #tpu.memory_space<hbm>>
      tpu.wait_indirect_dma semaphore(%arg12 : memref<!tpu.dma_semaphore, #tpu.memory_space<semaphore_mem>>) src(%dma_wait3A_170 : memref<10240x128xf32, #tpu.memory_space<hbm>>) dst(%arg9 : memref<128x128xf32, #tpu.memory_space<vmem>>)
      %run_scoped3A_171 = arith.constant 8 : i32
      "tpu.region"() ({
        %run_scoped3A_271 = tpu.sem_alloc : memref<!tpu.dma_semaphore, #tpu.memory_space<semaphore_mem>>
        %dma_start3A_272 = arith.constant 0 : i32
        %dma_start3A_273 = tpu.memref_slice %arg8[%run_scoped3A_171, %dma_start3A_272] : memref<16x128xi32, #tpu.memory_space<vmem>> -> memref<1x128xi32, #tpu.memory_space<vmem>>
        %dma_start3A_274 = tpu.memref_squeeze %dma_start3A_273 : memref<1x128xi32, #tpu.memory_space<vmem>> -> memref<128xi32, #tpu.memory_space<vmem>>
        %dma_start3A_275 = arith.constant 0 : i32
        %dma_start3A_276 = arith.constant 0 : i32
        %dma_start3A_277 = tpu.memref_slice %arg11[%dma_start3A_275, %dma_start3A_276] : memref<10240x128xf32, #tpu.memory_space<vmem_shared>> -> memref<10240x128xf32, #tpu.memory_space<vmem_shared>>
        tpu.enqueue_indirect_dma source(%arg9 : memref<128x128xf32, #tpu.memory_space<vmem>>) target(%dma_start3A_277 : memref<10240x128xf32, #tpu.memory_space<vmem_shared>>) offsets(%dma_start3A_274 : memref<128xi32, #tpu.memory_space<vmem>>) semaphore(%run_scoped3A_271 : memref<!tpu.dma_semaphore, #tpu.memory_space<semaphore_mem>>) {add = true}
        %dma_wait3A_278 = arith.constant 0 : i32
        %dma_wait3A_279 = tpu.memref_slice %arg8[%run_scoped3A_171, %dma_wait3A_278] : memref<16x128xi32, #tpu.memory_space<vmem>> -> memref<1x128xi32, #tpu.memory_space<vmem>>
        %dma_wait3A_280 = tpu.memref_squeeze %dma_wait3A_279 : memref<1x128xi32, #tpu.memory_space<vmem>> -> memref<128xi32, #tpu.memory_space<vmem>>
        %dma_wait3A_281 = arith.constant 0 : i32
        %dma_wait3A_282 = arith.constant 0 : i32
        %dma_wait3A_283 = tpu.memref_slice %arg11[%dma_wait3A_281, %dma_wait3A_282] : memref<10240x128xf32, #tpu.memory_space<vmem_shared>> -> memref<10240x128xf32, #tpu.memory_space<vmem_shared>>
        tpu.wait_indirect_dma semaphore(%run_scoped3A_271 : memref<!tpu.dma_semaphore, #tpu.memory_space<semaphore_mem>>) src(%arg9 : memref<128x128xf32, #tpu.memory_space<vmem>>) dst(%dma_wait3A_283 : memref<10240x128xf32, #tpu.memory_space<vmem_shared>>)
        tpu.yield
      }) : () -> ()
      %dma_start3A_172 = arith.constant 10 : i32
      %dma_start3A_173 = arith.constant 0 : i32
      %dma_start3A_174 = tpu.memref_slice %arg7[%dma_start3A_172, %dma_start3A_173] : memref<16x128xi32, #tpu.memory_space<vmem>> -> memref<1x128xi32, #tpu.memory_space<vmem>>
      %dma_start3A_175 = tpu.memref_squeeze %dma_start3A_174 : memref<1x128xi32, #tpu.memory_space<vmem>> -> memref<128xi32, #tpu.memory_space<vmem>>
      %dma_start3A_176 = arith.constant 0 : i32
      %dma_start3A_177 = arith.constant 0 : i32
      %dma_start3A_178 = tpu.memref_slice %arg2[%dma_start3A_176, %dma_start3A_177] : memref<10240x128xf32, #tpu.memory_space<hbm>> -> memref<10240x128xf32, #tpu.memory_space<hbm>>
      tpu.enqueue_indirect_dma source(%dma_start3A_178 : memref<10240x128xf32, #tpu.memory_space<hbm>>) target(%arg9 : memref<128x128xf32, #tpu.memory_space<vmem>>) offsets(%dma_start3A_175 : memref<128xi32, #tpu.memory_space<vmem>>) semaphore(%arg12 : memref<!tpu.dma_semaphore, #tpu.memory_space<semaphore_mem>>)
      %dma_wait3A_179 = arith.constant 9 : i32
      %dma_wait3A_180 = arith.constant 0 : i32
      %dma_wait3A_181 = tpu.memref_slice %arg7[%dma_wait3A_179, %dma_wait3A_180] : memref<16x128xi32, #tpu.memory_space<vmem>> -> memref<1x128xi32, #tpu.memory_space<vmem>>
      %dma_wait3A_182 = tpu.memref_squeeze %dma_wait3A_181 : memref<1x128xi32, #tpu.memory_space<vmem>> -> memref<128xi32, #tpu.memory_space<vmem>>
      %dma_wait3A_183 = arith.constant 0 : i32
      %dma_wait3A_184 = arith.constant 0 : i32
      %dma_wait3A_185 = tpu.memref_slice %arg2[%dma_wait3A_183, %dma_wait3A_184] : memref<10240x128xf32, #tpu.memory_space<hbm>> -> memref<10240x128xf32, #tpu.memory_space<hbm>>
      tpu.wait_indirect_dma semaphore(%arg13 : memref<!tpu.dma_semaphore, #tpu.memory_space<semaphore_mem>>) src(%dma_wait3A_185 : memref<10240x128xf32, #tpu.memory_space<hbm>>) dst(%arg10 : memref<128x128xf32, #tpu.memory_space<vmem>>)
      %run_scoped3A_186 = arith.constant 9 : i32
      "tpu.region"() ({
        %run_scoped3A_271 = tpu.sem_alloc : memref<!tpu.dma_semaphore, #tpu.memory_space<semaphore_mem>>
        %dma_start3A_272 = arith.constant 0 : i32
        %dma_start3A_273 = tpu.memref_slice %arg8[%run_scoped3A_186, %dma_start3A_272] : memref<16x128xi32, #tpu.memory_space<vmem>> -> memref<1x128xi32, #tpu.memory_space<vmem>>
        %dma_start3A_274 = tpu.memref_squeeze %dma_start3A_273 : memref<1x128xi32, #tpu.memory_space<vmem>> -> memref<128xi32, #tpu.memory_space<vmem>>
        %dma_start3A_275 = arith.constant 0 : i32
        %dma_start3A_276 = arith.constant 0 : i32
        %dma_start3A_277 = tpu.memref_slice %arg11[%dma_start3A_275, %dma_start3A_276] : memref<10240x128xf32, #tpu.memory_space<vmem_shared>> -> memref<10240x128xf32, #tpu.memory_space<vmem_shared>>
        tpu.enqueue_indirect_dma source(%arg10 : memref<128x128xf32, #tpu.memory_space<vmem>>) target(%dma_start3A_277 : memref<10240x128xf32, #tpu.memory_space<vmem_shared>>) offsets(%dma_start3A_274 : memref<128xi32, #tpu.memory_space<vmem>>) semaphore(%run_scoped3A_271 : memref<!tpu.dma_semaphore, #tpu.memory_space<semaphore_mem>>) {add = true}
        %dma_wait3A_278 = arith.constant 0 : i32
        %dma_wait3A_279 = tpu.memref_slice %arg8[%run_scoped3A_186, %dma_wait3A_278] : memref<16x128xi32, #tpu.memory_space<vmem>> -> memref<1x128xi32, #tpu.memory_space<vmem>>
        %dma_wait3A_280 = tpu.memref_squeeze %dma_wait3A_279 : memref<1x128xi32, #tpu.memory_space<vmem>> -> memref<128xi32, #tpu.memory_space<vmem>>
        %dma_wait3A_281 = arith.constant 0 : i32
        %dma_wait3A_282 = arith.constant 0 : i32
        %dma_wait3A_283 = tpu.memref_slice %arg11[%dma_wait3A_281, %dma_wait3A_282] : memref<10240x128xf32, #tpu.memory_space<vmem_shared>> -> memref<10240x128xf32, #tpu.memory_space<vmem_shared>>
        tpu.wait_indirect_dma semaphore(%run_scoped3A_271 : memref<!tpu.dma_semaphore, #tpu.memory_space<semaphore_mem>>) src(%arg10 : memref<128x128xf32, #tpu.memory_space<vmem>>) dst(%dma_wait3A_283 : memref<10240x128xf32, #tpu.memory_space<vmem_shared>>)
        tpu.yield
      }) : () -> ()
      %dma_start3A_187 = arith.constant 11 : i32
      %dma_start3A_188 = arith.constant 0 : i32
      %dma_start3A_189 = tpu.memref_slice %arg7[%dma_start3A_187, %dma_start3A_188] : memref<16x128xi32, #tpu.memory_space<vmem>> -> memref<1x128xi32, #tpu.memory_space<vmem>>
      %dma_start3A_190 = tpu.memref_squeeze %dma_start3A_189 : memref<1x128xi32, #tpu.memory_space<vmem>> -> memref<128xi32, #tpu.memory_space<vmem>>
      %dma_start3A_191 = arith.constant 0 : i32
      %dma_start3A_192 = arith.constant 0 : i32
      %dma_start3A_193 = tpu.memref_slice %arg2[%dma_start3A_191, %dma_start3A_192] : memref<10240x128xf32, #tpu.memory_space<hbm>> -> memref<10240x128xf32, #tpu.memory_space<hbm>>
      tpu.enqueue_indirect_dma source(%dma_start3A_193 : memref<10240x128xf32, #tpu.memory_space<hbm>>) target(%arg10 : memref<128x128xf32, #tpu.memory_space<vmem>>) offsets(%dma_start3A_190 : memref<128xi32, #tpu.memory_space<vmem>>) semaphore(%arg13 : memref<!tpu.dma_semaphore, #tpu.memory_space<semaphore_mem>>)
      %dma_wait3A_194 = arith.constant 10 : i32
      %dma_wait3A_195 = arith.constant 0 : i32
      %dma_wait3A_196 = tpu.memref_slice %arg7[%dma_wait3A_194, %dma_wait3A_195] : memref<16x128xi32, #tpu.memory_space<vmem>> -> memref<1x128xi32, #tpu.memory_space<vmem>>
      %dma_wait3A_197 = tpu.memref_squeeze %dma_wait3A_196 : memref<1x128xi32, #tpu.memory_space<vmem>> -> memref<128xi32, #tpu.memory_space<vmem>>
      %dma_wait3A_198 = arith.constant 0 : i32
      %dma_wait3A_199 = arith.constant 0 : i32
      %dma_wait3A_200 = tpu.memref_slice %arg2[%dma_wait3A_198, %dma_wait3A_199] : memref<10240x128xf32, #tpu.memory_space<hbm>> -> memref<10240x128xf32, #tpu.memory_space<hbm>>
      tpu.wait_indirect_dma semaphore(%arg12 : memref<!tpu.dma_semaphore, #tpu.memory_space<semaphore_mem>>) src(%dma_wait3A_200 : memref<10240x128xf32, #tpu.memory_space<hbm>>) dst(%arg9 : memref<128x128xf32, #tpu.memory_space<vmem>>)
      %run_scoped3A_201 = arith.constant 10 : i32
      "tpu.region"() ({
        %run_scoped3A_271 = tpu.sem_alloc : memref<!tpu.dma_semaphore, #tpu.memory_space<semaphore_mem>>
        %dma_start3A_272 = arith.constant 0 : i32
        %dma_start3A_273 = tpu.memref_slice %arg8[%run_scoped3A_201, %dma_start3A_272] : memref<16x128xi32, #tpu.memory_space<vmem>> -> memref<1x128xi32, #tpu.memory_space<vmem>>
        %dma_start3A_274 = tpu.memref_squeeze %dma_start3A_273 : memref<1x128xi32, #tpu.memory_space<vmem>> -> memref<128xi32, #tpu.memory_space<vmem>>
        %dma_start3A_275 = arith.constant 0 : i32
        %dma_start3A_276 = arith.constant 0 : i32
        %dma_start3A_277 = tpu.memref_slice %arg11[%dma_start3A_275, %dma_start3A_276] : memref<10240x128xf32, #tpu.memory_space<vmem_shared>> -> memref<10240x128xf32, #tpu.memory_space<vmem_shared>>
        tpu.enqueue_indirect_dma source(%arg9 : memref<128x128xf32, #tpu.memory_space<vmem>>) target(%dma_start3A_277 : memref<10240x128xf32, #tpu.memory_space<vmem_shared>>) offsets(%dma_start3A_274 : memref<128xi32, #tpu.memory_space<vmem>>) semaphore(%run_scoped3A_271 : memref<!tpu.dma_semaphore, #tpu.memory_space<semaphore_mem>>) {add = true}
        %dma_wait3A_278 = arith.constant 0 : i32
        %dma_wait3A_279 = tpu.memref_slice %arg8[%run_scoped3A_201, %dma_wait3A_278] : memref<16x128xi32, #tpu.memory_space<vmem>> -> memref<1x128xi32, #tpu.memory_space<vmem>>
        %dma_wait3A_280 = tpu.memref_squeeze %dma_wait3A_279 : memref<1x128xi32, #tpu.memory_space<vmem>> -> memref<128xi32, #tpu.memory_space<vmem>>
        %dma_wait3A_281 = arith.constant 0 : i32
        %dma_wait3A_282 = arith.constant 0 : i32
        %dma_wait3A_283 = tpu.memref_slice %arg11[%dma_wait3A_281, %dma_wait3A_282] : memref<10240x128xf32, #tpu.memory_space<vmem_shared>> -> memref<10240x128xf32, #tpu.memory_space<vmem_shared>>
        tpu.wait_indirect_dma semaphore(%run_scoped3A_271 : memref<!tpu.dma_semaphore, #tpu.memory_space<semaphore_mem>>) src(%arg9 : memref<128x128xf32, #tpu.memory_space<vmem>>) dst(%dma_wait3A_283 : memref<10240x128xf32, #tpu.memory_space<vmem_shared>>)
        tpu.yield
      }) : () -> ()
      %dma_start3A_202 = arith.constant 12 : i32
      %dma_start3A_203 = arith.constant 0 : i32
      %dma_start3A_204 = tpu.memref_slice %arg7[%dma_start3A_202, %dma_start3A_203] : memref<16x128xi32, #tpu.memory_space<vmem>> -> memref<1x128xi32, #tpu.memory_space<vmem>>
      %dma_start3A_205 = tpu.memref_squeeze %dma_start3A_204 : memref<1x128xi32, #tpu.memory_space<vmem>> -> memref<128xi32, #tpu.memory_space<vmem>>
      %dma_start3A_206 = arith.constant 0 : i32
      %dma_start3A_207 = arith.constant 0 : i32
      %dma_start3A_208 = tpu.memref_slice %arg2[%dma_start3A_206, %dma_start3A_207] : memref<10240x128xf32, #tpu.memory_space<hbm>> -> memref<10240x128xf32, #tpu.memory_space<hbm>>
      tpu.enqueue_indirect_dma source(%dma_start3A_208 : memref<10240x128xf32, #tpu.memory_space<hbm>>) target(%arg9 : memref<128x128xf32, #tpu.memory_space<vmem>>) offsets(%dma_start3A_205 : memref<128xi32, #tpu.memory_space<vmem>>) semaphore(%arg12 : memref<!tpu.dma_semaphore, #tpu.memory_space<semaphore_mem>>)
      %dma_wait3A_209 = arith.constant 11 : i32
      %dma_wait3A_210 = arith.constant 0 : i32
      %dma_wait3A_211 = tpu.memref_slice %arg7[%dma_wait3A_209, %dma_wait3A_210] : memref<16x128xi32, #tpu.memory_space<vmem>> -> memref<1x128xi32, #tpu.memory_space<vmem>>
      %dma_wait3A_212 = tpu.memref_squeeze %dma_wait3A_211 : memref<1x128xi32, #tpu.memory_space<vmem>> -> memref<128xi32, #tpu.memory_space<vmem>>
      %dma_wait3A_213 = arith.constant 0 : i32
      %dma_wait3A_214 = arith.constant 0 : i32
      %dma_wait3A_215 = tpu.memref_slice %arg2[%dma_wait3A_213, %dma_wait3A_214] : memref<10240x128xf32, #tpu.memory_space<hbm>> -> memref<10240x128xf32, #tpu.memory_space<hbm>>
      tpu.wait_indirect_dma semaphore(%arg13 : memref<!tpu.dma_semaphore, #tpu.memory_space<semaphore_mem>>) src(%dma_wait3A_215 : memref<10240x128xf32, #tpu.memory_space<hbm>>) dst(%arg10 : memref<128x128xf32, #tpu.memory_space<vmem>>)
      %run_scoped3A_216 = arith.constant 11 : i32
      "tpu.region"() ({
        %run_scoped3A_271 = tpu.sem_alloc : memref<!tpu.dma_semaphore, #tpu.memory_space<semaphore_mem>>
        %dma_start3A_272 = arith.constant 0 : i32
        %dma_start3A_273 = tpu.memref_slice %arg8[%run_scoped3A_216, %dma_start3A_272] : memref<16x128xi32, #tpu.memory_space<vmem>> -> memref<1x128xi32, #tpu.memory_space<vmem>>
        %dma_start3A_274 = tpu.memref_squeeze %dma_start3A_273 : memref<1x128xi32, #tpu.memory_space<vmem>> -> memref<128xi32, #tpu.memory_space<vmem>>
        %dma_start3A_275 = arith.constant 0 : i32
        %dma_start3A_276 = arith.constant 0 : i32
        %dma_start3A_277 = tpu.memref_slice %arg11[%dma_start3A_275, %dma_start3A_276] : memref<10240x128xf32, #tpu.memory_space<vmem_shared>> -> memref<10240x128xf32, #tpu.memory_space<vmem_shared>>
        tpu.enqueue_indirect_dma source(%arg10 : memref<128x128xf32, #tpu.memory_space<vmem>>) target(%dma_start3A_277 : memref<10240x128xf32, #tpu.memory_space<vmem_shared>>) offsets(%dma_start3A_274 : memref<128xi32, #tpu.memory_space<vmem>>) semaphore(%run_scoped3A_271 : memref<!tpu.dma_semaphore, #tpu.memory_space<semaphore_mem>>) {add = true}
        %dma_wait3A_278 = arith.constant 0 : i32
        %dma_wait3A_279 = tpu.memref_slice %arg8[%run_scoped3A_216, %dma_wait3A_278] : memref<16x128xi32, #tpu.memory_space<vmem>> -> memref<1x128xi32, #tpu.memory_space<vmem>>
        %dma_wait3A_280 = tpu.memref_squeeze %dma_wait3A_279 : memref<1x128xi32, #tpu.memory_space<vmem>> -> memref<128xi32, #tpu.memory_space<vmem>>
        %dma_wait3A_281 = arith.constant 0 : i32
        %dma_wait3A_282 = arith.constant 0 : i32
        %dma_wait3A_283 = tpu.memref_slice %arg11[%dma_wait3A_281, %dma_wait3A_282] : memref<10240x128xf32, #tpu.memory_space<vmem_shared>> -> memref<10240x128xf32, #tpu.memory_space<vmem_shared>>
        tpu.wait_indirect_dma semaphore(%run_scoped3A_271 : memref<!tpu.dma_semaphore, #tpu.memory_space<semaphore_mem>>) src(%arg10 : memref<128x128xf32, #tpu.memory_space<vmem>>) dst(%dma_wait3A_283 : memref<10240x128xf32, #tpu.memory_space<vmem_shared>>)
        tpu.yield
      }) : () -> ()
      %dma_start3A_217 = arith.constant 13 : i32
      %dma_start3A_218 = arith.constant 0 : i32
      %dma_start3A_219 = tpu.memref_slice %arg7[%dma_start3A_217, %dma_start3A_218] : memref<16x128xi32, #tpu.memory_space<vmem>> -> memref<1x128xi32, #tpu.memory_space<vmem>>
      %dma_start3A_220 = tpu.memref_squeeze %dma_start3A_219 : memref<1x128xi32, #tpu.memory_space<vmem>> -> memref<128xi32, #tpu.memory_space<vmem>>
      %dma_start3A_221 = arith.constant 0 : i32
      %dma_start3A_222 = arith.constant 0 : i32
      %dma_start3A_223 = tpu.memref_slice %arg2[%dma_start3A_221, %dma_start3A_222] : memref<10240x128xf32, #tpu.memory_space<hbm>> -> memref<10240x128xf32, #tpu.memory_space<hbm>>
      tpu.enqueue_indirect_dma source(%dma_start3A_223 : memref<10240x128xf32, #tpu.memory_space<hbm>>) target(%arg10 : memref<128x128xf32, #tpu.memory_space<vmem>>) offsets(%dma_start3A_220 : memref<128xi32, #tpu.memory_space<vmem>>) semaphore(%arg13 : memref<!tpu.dma_semaphore, #tpu.memory_space<semaphore_mem>>)
      %dma_wait3A_224 = arith.constant 12 : i32
      %dma_wait3A_225 = arith.constant 0 : i32
      %dma_wait3A_226 = tpu.memref_slice %arg7[%dma_wait3A_224, %dma_wait3A_225] : memref<16x128xi32, #tpu.memory_space<vmem>> -> memref<1x128xi32, #tpu.memory_space<vmem>>
      %dma_wait3A_227 = tpu.memref_squeeze %dma_wait3A_226 : memref<1x128xi32, #tpu.memory_space<vmem>> -> memref<128xi32, #tpu.memory_space<vmem>>
      %dma_wait3A_228 = arith.constant 0 : i32
      %dma_wait3A_229 = arith.constant 0 : i32
      %dma_wait3A_230 = tpu.memref_slice %arg2[%dma_wait3A_228, %dma_wait3A_229] : memref<10240x128xf32, #tpu.memory_space<hbm>> -> memref<10240x128xf32, #tpu.memory_space<hbm>>
      tpu.wait_indirect_dma semaphore(%arg12 : memref<!tpu.dma_semaphore, #tpu.memory_space<semaphore_mem>>) src(%dma_wait3A_230 : memref<10240x128xf32, #tpu.memory_space<hbm>>) dst(%arg9 : memref<128x128xf32, #tpu.memory_space<vmem>>)
      %run_scoped3A_231 = arith.constant 12 : i32
      "tpu.region"() ({
        %run_scoped3A_271 = tpu.sem_alloc : memref<!tpu.dma_semaphore, #tpu.memory_space<semaphore_mem>>
        %dma_start3A_272 = arith.constant 0 : i32
        %dma_start3A_273 = tpu.memref_slice %arg8[%run_scoped3A_231, %dma_start3A_272] : memref<16x128xi32, #tpu.memory_space<vmem>> -> memref<1x128xi32, #tpu.memory_space<vmem>>
        %dma_start3A_274 = tpu.memref_squeeze %dma_start3A_273 : memref<1x128xi32, #tpu.memory_space<vmem>> -> memref<128xi32, #tpu.memory_space<vmem>>
        %dma_start3A_275 = arith.constant 0 : i32
        %dma_start3A_276 = arith.constant 0 : i32
        %dma_start3A_277 = tpu.memref_slice %arg11[%dma_start3A_275, %dma_start3A_276] : memref<10240x128xf32, #tpu.memory_space<vmem_shared>> -> memref<10240x128xf32, #tpu.memory_space<vmem_shared>>
        tpu.enqueue_indirect_dma source(%arg9 : memref<128x128xf32, #tpu.memory_space<vmem>>) target(%dma_start3A_277 : memref<10240x128xf32, #tpu.memory_space<vmem_shared>>) offsets(%dma_start3A_274 : memref<128xi32, #tpu.memory_space<vmem>>) semaphore(%run_scoped3A_271 : memref<!tpu.dma_semaphore, #tpu.memory_space<semaphore_mem>>) {add = true}
        %dma_wait3A_278 = arith.constant 0 : i32
        %dma_wait3A_279 = tpu.memref_slice %arg8[%run_scoped3A_231, %dma_wait3A_278] : memref<16x128xi32, #tpu.memory_space<vmem>> -> memref<1x128xi32, #tpu.memory_space<vmem>>
        %dma_wait3A_280 = tpu.memref_squeeze %dma_wait3A_279 : memref<1x128xi32, #tpu.memory_space<vmem>> -> memref<128xi32, #tpu.memory_space<vmem>>
        %dma_wait3A_281 = arith.constant 0 : i32
        %dma_wait3A_282 = arith.constant 0 : i32
        %dma_wait3A_283 = tpu.memref_slice %arg11[%dma_wait3A_281, %dma_wait3A_282] : memref<10240x128xf32, #tpu.memory_space<vmem_shared>> -> memref<10240x128xf32, #tpu.memory_space<vmem_shared>>
        tpu.wait_indirect_dma semaphore(%run_scoped3A_271 : memref<!tpu.dma_semaphore, #tpu.memory_space<semaphore_mem>>) src(%arg9 : memref<128x128xf32, #tpu.memory_space<vmem>>) dst(%dma_wait3A_283 : memref<10240x128xf32, #tpu.memory_space<vmem_shared>>)
        tpu.yield
      }) : () -> ()
      %dma_start3A_232 = arith.constant 14 : i32
      %dma_start3A_233 = arith.constant 0 : i32
      %dma_start3A_234 = tpu.memref_slice %arg7[%dma_start3A_232, %dma_start3A_233] : memref<16x128xi32, #tpu.memory_space<vmem>> -> memref<1x128xi32, #tpu.memory_space<vmem>>
      %dma_start3A_235 = tpu.memref_squeeze %dma_start3A_234 : memref<1x128xi32, #tpu.memory_space<vmem>> -> memref<128xi32, #tpu.memory_space<vmem>>
      %dma_start3A_236 = arith.constant 0 : i32
      %dma_start3A_237 = arith.constant 0 : i32
      %dma_start3A_238 = tpu.memref_slice %arg2[%dma_start3A_236, %dma_start3A_237] : memref<10240x128xf32, #tpu.memory_space<hbm>> -> memref<10240x128xf32, #tpu.memory_space<hbm>>
      tpu.enqueue_indirect_dma source(%dma_start3A_238 : memref<10240x128xf32, #tpu.memory_space<hbm>>) target(%arg9 : memref<128x128xf32, #tpu.memory_space<vmem>>) offsets(%dma_start3A_235 : memref<128xi32, #tpu.memory_space<vmem>>) semaphore(%arg12 : memref<!tpu.dma_semaphore, #tpu.memory_space<semaphore_mem>>)
      %dma_wait3A_239 = arith.constant 13 : i32
      %dma_wait3A_240 = arith.constant 0 : i32
      %dma_wait3A_241 = tpu.memref_slice %arg7[%dma_wait3A_239, %dma_wait3A_240] : memref<16x128xi32, #tpu.memory_space<vmem>> -> memref<1x128xi32, #tpu.memory_space<vmem>>
      %dma_wait3A_242 = tpu.memref_squeeze %dma_wait3A_241 : memref<1x128xi32, #tpu.memory_space<vmem>> -> memref<128xi32, #tpu.memory_space<vmem>>
      %dma_wait3A_243 = arith.constant 0 : i32
      %dma_wait3A_244 = arith.constant 0 : i32
      %dma_wait3A_245 = tpu.memref_slice %arg2[%dma_wait3A_243, %dma_wait3A_244] : memref<10240x128xf32, #tpu.memory_space<hbm>> -> memref<10240x128xf32, #tpu.memory_space<hbm>>
      tpu.wait_indirect_dma semaphore(%arg13 : memref<!tpu.dma_semaphore, #tpu.memory_space<semaphore_mem>>) src(%dma_wait3A_245 : memref<10240x128xf32, #tpu.memory_space<hbm>>) dst(%arg10 : memref<128x128xf32, #tpu.memory_space<vmem>>)
      %run_scoped3A_246 = arith.constant 13 : i32
      "tpu.region"() ({
        %run_scoped3A_271 = tpu.sem_alloc : memref<!tpu.dma_semaphore, #tpu.memory_space<semaphore_mem>>
        %dma_start3A_272 = arith.constant 0 : i32
        %dma_start3A_273 = tpu.memref_slice %arg8[%run_scoped3A_246, %dma_start3A_272] : memref<16x128xi32, #tpu.memory_space<vmem>> -> memref<1x128xi32, #tpu.memory_space<vmem>>
        %dma_start3A_274 = tpu.memref_squeeze %dma_start3A_273 : memref<1x128xi32, #tpu.memory_space<vmem>> -> memref<128xi32, #tpu.memory_space<vmem>>
        %dma_start3A_275 = arith.constant 0 : i32
        %dma_start3A_276 = arith.constant 0 : i32
        %dma_start3A_277 = tpu.memref_slice %arg11[%dma_start3A_275, %dma_start3A_276] : memref<10240x128xf32, #tpu.memory_space<vmem_shared>> -> memref<10240x128xf32, #tpu.memory_space<vmem_shared>>
        tpu.enqueue_indirect_dma source(%arg10 : memref<128x128xf32, #tpu.memory_space<vmem>>) target(%dma_start3A_277 : memref<10240x128xf32, #tpu.memory_space<vmem_shared>>) offsets(%dma_start3A_274 : memref<128xi32, #tpu.memory_space<vmem>>) semaphore(%run_scoped3A_271 : memref<!tpu.dma_semaphore, #tpu.memory_space<semaphore_mem>>) {add = true}
        %dma_wait3A_278 = arith.constant 0 : i32
        %dma_wait3A_279 = tpu.memref_slice %arg8[%run_scoped3A_246, %dma_wait3A_278] : memref<16x128xi32, #tpu.memory_space<vmem>> -> memref<1x128xi32, #tpu.memory_space<vmem>>
        %dma_wait3A_280 = tpu.memref_squeeze %dma_wait3A_279 : memref<1x128xi32, #tpu.memory_space<vmem>> -> memref<128xi32, #tpu.memory_space<vmem>>
        %dma_wait3A_281 = arith.constant 0 : i32
        %dma_wait3A_282 = arith.constant 0 : i32
        %dma_wait3A_283 = tpu.memref_slice %arg11[%dma_wait3A_281, %dma_wait3A_282] : memref<10240x128xf32, #tpu.memory_space<vmem_shared>> -> memref<10240x128xf32, #tpu.memory_space<vmem_shared>>
        tpu.wait_indirect_dma semaphore(%run_scoped3A_271 : memref<!tpu.dma_semaphore, #tpu.memory_space<semaphore_mem>>) src(%arg10 : memref<128x128xf32, #tpu.memory_space<vmem>>) dst(%dma_wait3A_283 : memref<10240x128xf32, #tpu.memory_space<vmem_shared>>)
        tpu.yield
      }) : () -> ()
      %dma_start3A_247 = arith.constant 15 : i32
      %dma_start3A_248 = arith.constant 0 : i32
      %dma_start3A_249 = tpu.memref_slice %arg7[%dma_start3A_247, %dma_start3A_248] : memref<16x128xi32, #tpu.memory_space<vmem>> -> memref<1x128xi32, #tpu.memory_space<vmem>>
      %dma_start3A_250 = tpu.memref_squeeze %dma_start3A_249 : memref<1x128xi32, #tpu.memory_space<vmem>> -> memref<128xi32, #tpu.memory_space<vmem>>
      %dma_start3A_251 = arith.constant 0 : i32
      %dma_start3A_252 = arith.constant 0 : i32
      %dma_start3A_253 = tpu.memref_slice %arg2[%dma_start3A_251, %dma_start3A_252] : memref<10240x128xf32, #tpu.memory_space<hbm>> -> memref<10240x128xf32, #tpu.memory_space<hbm>>
      tpu.enqueue_indirect_dma source(%dma_start3A_253 : memref<10240x128xf32, #tpu.memory_space<hbm>>) target(%arg10 : memref<128x128xf32, #tpu.memory_space<vmem>>) offsets(%dma_start3A_250 : memref<128xi32, #tpu.memory_space<vmem>>) semaphore(%arg13 : memref<!tpu.dma_semaphore, #tpu.memory_space<semaphore_mem>>)
      %dma_wait3A_254 = arith.constant 14 : i32
      %dma_wait3A_255 = arith.constant 0 : i32
      %dma_wait3A_256 = tpu.memref_slice %arg7[%dma_wait3A_254, %dma_wait3A_255] : memref<16x128xi32, #tpu.memory_space<vmem>> -> memref<1x128xi32, #tpu.memory_space<vmem>>
      %dma_wait3A_257 = tpu.memref_squeeze %dma_wait3A_256 : memref<1x128xi32, #tpu.memory_space<vmem>> -> memref<128xi32, #tpu.memory_space<vmem>>
      %dma_wait3A_258 = arith.constant 0 : i32
      %dma_wait3A_259 = arith.constant 0 : i32
      %dma_wait3A_260 = tpu.memref_slice %arg2[%dma_wait3A_258, %dma_wait3A_259] : memref<10240x128xf32, #tpu.memory_space<hbm>> -> memref<10240x128xf32, #tpu.memory_space<hbm>>
      tpu.wait_indirect_dma semaphore(%arg12 : memref<!tpu.dma_semaphore, #tpu.memory_space<semaphore_mem>>) src(%dma_wait3A_260 : memref<10240x128xf32, #tpu.memory_space<hbm>>) dst(%arg9 : memref<128x128xf32, #tpu.memory_space<vmem>>)
      %run_scoped3A_261 = arith.constant 14 : i32
      "tpu.region"() ({
        %run_scoped3A_271 = tpu.sem_alloc : memref<!tpu.dma_semaphore, #tpu.memory_space<semaphore_mem>>
        %dma_start3A_272 = arith.constant 0 : i32
        %dma_start3A_273 = tpu.memref_slice %arg8[%run_scoped3A_261, %dma_start3A_272] : memref<16x128xi32, #tpu.memory_space<vmem>> -> memref<1x128xi32, #tpu.memory_space<vmem>>
        %dma_start3A_274 = tpu.memref_squeeze %dma_start3A_273 : memref<1x128xi32, #tpu.memory_space<vmem>> -> memref<128xi32, #tpu.memory_space<vmem>>
        %dma_start3A_275 = arith.constant 0 : i32
        %dma_start3A_276 = arith.constant 0 : i32
        %dma_start3A_277 = tpu.memref_slice %arg11[%dma_start3A_275, %dma_start3A_276] : memref<10240x128xf32, #tpu.memory_space<vmem_shared>> -> memref<10240x128xf32, #tpu.memory_space<vmem_shared>>
        tpu.enqueue_indirect_dma source(%arg9 : memref<128x128xf32, #tpu.memory_space<vmem>>) target(%dma_start3A_277 : memref<10240x128xf32, #tpu.memory_space<vmem_shared>>) offsets(%dma_start3A_274 : memref<128xi32, #tpu.memory_space<vmem>>) semaphore(%run_scoped3A_271 : memref<!tpu.dma_semaphore, #tpu.memory_space<semaphore_mem>>) {add = true}
        %dma_wait3A_278 = arith.constant 0 : i32
        %dma_wait3A_279 = tpu.memref_slice %arg8[%run_scoped3A_261, %dma_wait3A_278] : memref<16x128xi32, #tpu.memory_space<vmem>> -> memref<1x128xi32, #tpu.memory_space<vmem>>
        %dma_wait3A_280 = tpu.memref_squeeze %dma_wait3A_279 : memref<1x128xi32, #tpu.memory_space<vmem>> -> memref<128xi32, #tpu.memory_space<vmem>>
        %dma_wait3A_281 = arith.constant 0 : i32
        %dma_wait3A_282 = arith.constant 0 : i32
        %dma_wait3A_283 = tpu.memref_slice %arg11[%dma_wait3A_281, %dma_wait3A_282] : memref<10240x128xf32, #tpu.memory_space<vmem_shared>> -> memref<10240x128xf32, #tpu.memory_space<vmem_shared>>
        tpu.wait_indirect_dma semaphore(%run_scoped3A_271 : memref<!tpu.dma_semaphore, #tpu.memory_space<semaphore_mem>>) src(%arg9 : memref<128x128xf32, #tpu.memory_space<vmem>>) dst(%dma_wait3A_283 : memref<10240x128xf32, #tpu.memory_space<vmem_shared>>)
        tpu.yield
      }) : () -> ()
      %dma_wait3A_262 = arith.constant 15 : i32
      %dma_wait3A_263 = arith.constant 0 : i32
      %dma_wait3A_264 = tpu.memref_slice %arg7[%dma_wait3A_262, %dma_wait3A_263] : memref<16x128xi32, #tpu.memory_space<vmem>> -> memref<1x128xi32, #tpu.memory_space<vmem>>
      %dma_wait3A_265 = tpu.memref_squeeze %dma_wait3A_264 : memref<1x128xi32, #tpu.memory_space<vmem>> -> memref<128xi32, #tpu.memory_space<vmem>>
      %dma_wait3A_266 = arith.constant 0 : i32
      %dma_wait3A_267 = arith.constant 0 : i32
      %dma_wait3A_268 = tpu.memref_slice %arg2[%dma_wait3A_266, %dma_wait3A_267] : memref<10240x128xf32, #tpu.memory_space<hbm>> -> memref<10240x128xf32, #tpu.memory_space<hbm>>
      tpu.wait_indirect_dma semaphore(%arg13 : memref<!tpu.dma_semaphore, #tpu.memory_space<semaphore_mem>>) src(%dma_wait3A_268 : memref<10240x128xf32, #tpu.memory_space<hbm>>) dst(%arg10 : memref<128x128xf32, #tpu.memory_space<vmem>>)
      %run_scoped3A_269 = arith.constant 15 : i32
      "tpu.region"() ({
        %run_scoped3A_271 = tpu.sem_alloc : memref<!tpu.dma_semaphore, #tpu.memory_space<semaphore_mem>>
        %dma_start3A_272 = arith.constant 0 : i32
        %dma_start3A_273 = tpu.memref_slice %arg8[%run_scoped3A_269, %dma_start3A_272] : memref<16x128xi32, #tpu.memory_space<vmem>> -> memref<1x128xi32, #tpu.memory_space<vmem>>
        %dma_start3A_274 = tpu.memref_squeeze %dma_start3A_273 : memref<1x128xi32, #tpu.memory_space<vmem>> -> memref<128xi32, #tpu.memory_space<vmem>>
        %dma_start3A_275 = arith.constant 0 : i32
        %dma_start3A_276 = arith.constant 0 : i32
        %dma_start3A_277 = tpu.memref_slice %arg11[%dma_start3A_275, %dma_start3A_276] : memref<10240x128xf32, #tpu.memory_space<vmem_shared>> -> memref<10240x128xf32, #tpu.memory_space<vmem_shared>>
        tpu.enqueue_indirect_dma source(%arg10 : memref<128x128xf32, #tpu.memory_space<vmem>>) target(%dma_start3A_277 : memref<10240x128xf32, #tpu.memory_space<vmem_shared>>) offsets(%dma_start3A_274 : memref<128xi32, #tpu.memory_space<vmem>>) semaphore(%run_scoped3A_271 : memref<!tpu.dma_semaphore, #tpu.memory_space<semaphore_mem>>) {add = true}
        %dma_wait3A_278 = arith.constant 0 : i32
        %dma_wait3A_279 = tpu.memref_slice %arg8[%run_scoped3A_269, %dma_wait3A_278] : memref<16x128xi32, #tpu.memory_space<vmem>> -> memref<1x128xi32, #tpu.memory_space<vmem>>
        %dma_wait3A_280 = tpu.memref_squeeze %dma_wait3A_279 : memref<1x128xi32, #tpu.memory_space<vmem>> -> memref<128xi32, #tpu.memory_space<vmem>>
        %dma_wait3A_281 = arith.constant 0 : i32
        %dma_wait3A_282 = arith.constant 0 : i32
        %dma_wait3A_283 = tpu.memref_slice %arg11[%dma_wait3A_281, %dma_wait3A_282] : memref<10240x128xf32, #tpu.memory_space<vmem_shared>> -> memref<10240x128xf32, #tpu.memory_space<vmem_shared>>
        tpu.wait_indirect_dma semaphore(%run_scoped3A_271 : memref<!tpu.dma_semaphore, #tpu.memory_space<semaphore_mem>>) src(%arg10 : memref<128x128xf32, #tpu.memory_space<vmem>>) dst(%dma_wait3A_283 : memref<10240x128xf32, #tpu.memory_space<vmem_shared>>)
        tpu.yield
      }) : () -> ()
      %scan3A_270 = arith.constant 0 : i32
      scf.yield %scan3A_270 : i32
    }
    %scan3A_18 = arith.constant 5 : i32
    %barrier3A_19 = arith.constant 0 : index
    tpu.barrier barrier_id(%barrier3A_19)
    %scan3A_20 = arith.constant 0 : i32
    %scan3A_21 = arith.constant 0 : i32
    %scan3A_22 = arith.constant 5 : i32
    %scan3A_23 = arith.addi %scan3A_21, %scan3A_22 : i32
    %scan3A_24 = arith.constant 1 : i32
    %scan3A_25 = scf.for %scan3A_27 = %scan3A_21 to %scan3A_23 step %scan3A_24 iter_args(%scan3A_28 = %scan3A_20) -> (i32)  : i32 {
      %mul3A_29 = arith.constant 128 : i32
      %mul3A_30 = arith.muli %scan3A_27, %mul3A_29 : i32
      %add3A_31 = arith.addi %mul3A_2, %mul3A_30 : i32
      "tpu.region"() ({
        %run_scoped3A = tpu.sem_alloc : memref<!tpu.dma_semaphore, #tpu.memory_space<semaphore_mem>>
        %dma_start3A = arith.constant 0 : i32
        %dma_start3A_33 = tpu.memref_slice %arg11[%add3A_31, %dma_start3A] : memref<10240x128xf32, #tpu.memory_space<vmem_shared>> -> memref<128x128xf32, #tpu.memory_space<vmem_shared>>
        %dma_start3A_34 = arith.constant 0 : i32
        %dma_start3A_35 = tpu.memref_slice %arg11[%add3A_31, %dma_start3A_34] : memref<10240x128xf32, #tpu.memory_space<vmem_shared>> -> memref<128x128xf32, #tpu.memory_space<vmem_shared>>
        tpu.enqueue_dma source(%dma_start3A_35 : memref<128x128xf32, #tpu.memory_space<vmem_shared>>) target(%arg9 : memref<128x128xf32, #tpu.memory_space<vmem>>) target_semaphore(%run_scoped3A : memref<!tpu.dma_semaphore, #tpu.memory_space<semaphore_mem>>)
        %dma_wait3A = arith.constant 0 : i32
        %dma_wait3A_36 = tpu.memref_slice %arg11[%add3A_31, %dma_wait3A] : memref<10240x128xf32, #tpu.memory_space<vmem_shared>> -> memref<128x128xf32, #tpu.memory_space<vmem_shared>>
        %dma_wait3A_37 = arith.constant 0 : i32
        %dma_wait3A_38 = tpu.memref_slice %arg11[%add3A_31, %dma_wait3A_37] : memref<10240x128xf32, #tpu.memory_space<vmem_shared>> -> memref<128x128xf32, #tpu.memory_space<vmem_shared>>
        tpu.wait_dma2 semaphore(%run_scoped3A : memref<!tpu.dma_semaphore, #tpu.memory_space<semaphore_mem>>) src(%dma_wait3A_38 : memref<128x128xf32, #tpu.memory_space<vmem_shared>>) dst(%arg9 : memref<128x128xf32, #tpu.memory_space<vmem>>)
        tpu.yield
      }) : () -> ()
      "tpu.region"() ({
        %run_scoped3A = tpu.sem_alloc : memref<!tpu.dma_semaphore, #tpu.memory_space<semaphore_mem>>
        %dma_start3A = arith.constant 0 : i32
        %dma_start3A_33 = tpu.memref_slice %arg6[%arg0, %add3A_31, %dma_start3A] : memref<2x10240x128xf32, #tpu.memory_space<hbm>> -> memref<1x128x128xf32, #tpu.memory_space<hbm>>
        %dma_start3A_34 = tpu.memref_squeeze %dma_start3A_33 : memref<1x128x128xf32, #tpu.memory_space<hbm>> -> memref<128x128xf32, #tpu.memory_space<hbm>>
        %dma_start3A_35 = arith.constant 0 : i32
        %dma_start3A_36 = tpu.memref_slice %arg6[%arg0, %add3A_31, %dma_start3A_35] : memref<2x10240x128xf32, #tpu.memory_space<hbm>> -> memref<1x128x128xf32, #tpu.memory_space<hbm>>
        %dma_start3A_37 = tpu.memref_squeeze %dma_start3A_36 : memref<1x128x128xf32, #tpu.memory_space<hbm>> -> memref<128x128xf32, #tpu.memory_space<hbm>>
        tpu.enqueue_dma source(%arg9 : memref<128x128xf32, #tpu.memory_space<vmem>>) target(%dma_start3A_37 : memref<128x128xf32, #tpu.memory_space<hbm>>) target_semaphore(%run_scoped3A : memref<!tpu.dma_semaphore, #tpu.memory_space<semaphore_mem>>)
        %dma_wait3A = arith.constant 0 : i32
        %dma_wait3A_38 = tpu.memref_slice %arg6[%arg0, %add3A_31, %dma_wait3A] : memref<2x10240x128xf32, #tpu.memory_space<hbm>> -> memref<1x128x128xf32, #tpu.memory_space<hbm>>
        %dma_wait3A_39 = tpu.memref_squeeze %dma_wait3A_38 : memref<1x128x128xf32, #tpu.memory_space<hbm>> -> memref<128x128xf32, #tpu.memory_space<hbm>>
        %dma_wait3A_40 = arith.constant 0 : i32
        %dma_wait3A_41 = tpu.memref_slice %arg6[%arg0, %add3A_31, %dma_wait3A_40] : memref<2x10240x128xf32, #tpu.memory_space<hbm>> -> memref<1x128x128xf32, #tpu.memory_space<hbm>>
        %dma_wait3A_42 = tpu.memref_squeeze %dma_wait3A_41 : memref<1x128x128xf32, #tpu.memory_space<hbm>> -> memref<128x128xf32, #tpu.memory_space<hbm>>
        tpu.wait_dma2 semaphore(%run_scoped3A : memref<!tpu.dma_semaphore, #tpu.memory_space<semaphore_mem>>) src(%arg9 : memref<128x128xf32, #tpu.memory_space<vmem>>) dst(%dma_wait3A_42 : memref<128x128xf32, #tpu.memory_space<hbm>>)
        tpu.yield
      }) : () -> ()
      %scan3A_32 = arith.constant 0 : i32
      scf.yield %scan3A_32 : i32
    }
    %scan3A_26 = arith.constant 5 : i32
    return
  }
}

#map = affine_map<(d0, d1) -> (0, 0, 0)>
#map1 = affine_map<(d0, d1) -> (0, 0)>
module attributes {stable_mosaic.version = 14 : i64} {
  func.func @_deg_kernel(%arg0: i32, %arg1: i32, %arg2: memref<32x80x128xi32, #tpu.memory_space<hbm>>, %arg3: memref<128x128xf32, #tpu.memory_space<hbm>>, %arg4: memref<128x128xf32, #tpu.memory_space<hbm>>, %arg5: memref<2x10240x128xf32, #tpu.memory_space<hbm>>, %arg6: memref<16x128xi32, #tpu.memory_space<vmem>>, %arg7: memref<128x128xf32, #tpu.memory_space<vmem>>, %arg8: memref<128x128xf32, #tpu.memory_space<vmem>>, %arg9: memref<10240x128xf32, #tpu.memory_space<vmem_shared>>) attributes {dimension_semantics = [#tpu.dimension_semantics<core_parallel>, #tpu.dimension_semantics<subcore_parallel>], iteration_bounds = array<i64: 2, 16>, scalar_prefetch = 0 : i64, scratch_operands = 4 : i64, tpu.core_type = #tpu.core_type<sc_vector_subcore>, window_params = [{transform_indices = #map}, {transform_indices = #map1}, {transform_indices = #map1}, {transform_indices = #map}]} {
    %mul3A = arith.constant 16 : i32
    %mul3A_0 = arith.muli %arg0, %mul3A : i32
    %add3A = arith.addi %mul3A_0, %arg1 : i32
    "tpu.region"() ({
      %run_scoped3A = tpu.sem_alloc : memref<!tpu.dma_semaphore, #tpu.memory_space<semaphore_mem>>
      tpu.enqueue_dma source(%arg3 : memref<128x128xf32, #tpu.memory_space<hbm>>) target(%arg7 : memref<128x128xf32, #tpu.memory_space<vmem>>) target_semaphore(%run_scoped3A : memref<!tpu.dma_semaphore, #tpu.memory_space<semaphore_mem>>)
      tpu.wait_dma2 semaphore(%run_scoped3A : memref<!tpu.dma_semaphore, #tpu.memory_space<semaphore_mem>>) src(%arg3 : memref<128x128xf32, #tpu.memory_space<hbm>>) dst(%arg7 : memref<128x128xf32, #tpu.memory_space<vmem>>)
      tpu.yield
    }) : () -> ()
    "tpu.region"() ({
      %run_scoped3A = tpu.sem_alloc : memref<!tpu.dma_semaphore, #tpu.memory_space<semaphore_mem>>
      tpu.enqueue_dma source(%arg4 : memref<128x128xf32, #tpu.memory_space<hbm>>) target(%arg8 : memref<128x128xf32, #tpu.memory_space<vmem>>) target_semaphore(%run_scoped3A : memref<!tpu.dma_semaphore, #tpu.memory_space<semaphore_mem>>)
      tpu.wait_dma2 semaphore(%run_scoped3A : memref<!tpu.dma_semaphore, #tpu.memory_space<semaphore_mem>>) src(%arg4 : memref<128x128xf32, #tpu.memory_space<hbm>>) dst(%arg8 : memref<128x128xf32, #tpu.memory_space<vmem>>)
      tpu.yield
    }) : () -> ()
    %mul3A_1 = arith.constant 640 : i32
    %mul3A_2 = arith.muli %arg1, %mul3A_1 : i32
    %add3A_3 = arith.constant 0 : i32
    %add3A_4 = arith.addi %mul3A_2, %add3A_3 : i32
    "tpu.region"() ({
      %run_scoped3A = tpu.sem_alloc : memref<!tpu.dma_semaphore, #tpu.memory_space<semaphore_mem>>
      %dma_start3A = arith.constant 0 : i32
      %dma_start3A_27 = tpu.memref_slice %arg9[%add3A_4, %dma_start3A] : memref<10240x128xf32, #tpu.memory_space<vmem_shared>> -> memref<128x128xf32, #tpu.memory_space<vmem_shared>>
      %dma_start3A_28 = arith.constant 0 : i32
      %dma_start3A_29 = tpu.memref_slice %arg9[%add3A_4, %dma_start3A_28] : memref<10240x128xf32, #tpu.memory_space<vmem_shared>> -> memref<128x128xf32, #tpu.memory_space<vmem_shared>>
      tpu.enqueue_dma source(%arg8 : memref<128x128xf32, #tpu.memory_space<vmem>>) target(%dma_start3A_29 : memref<128x128xf32, #tpu.memory_space<vmem_shared>>) target_semaphore(%run_scoped3A : memref<!tpu.dma_semaphore, #tpu.memory_space<semaphore_mem>>)
      %dma_wait3A = arith.constant 0 : i32
      %dma_wait3A_30 = tpu.memref_slice %arg9[%add3A_4, %dma_wait3A] : memref<10240x128xf32, #tpu.memory_space<vmem_shared>> -> memref<128x128xf32, #tpu.memory_space<vmem_shared>>
      %dma_wait3A_31 = arith.constant 0 : i32
      %dma_wait3A_32 = tpu.memref_slice %arg9[%add3A_4, %dma_wait3A_31] : memref<10240x128xf32, #tpu.memory_space<vmem_shared>> -> memref<128x128xf32, #tpu.memory_space<vmem_shared>>
      tpu.wait_dma2 semaphore(%run_scoped3A : memref<!tpu.dma_semaphore, #tpu.memory_space<semaphore_mem>>) src(%arg8 : memref<128x128xf32, #tpu.memory_space<vmem>>) dst(%dma_wait3A_32 : memref<128x128xf32, #tpu.memory_space<vmem_shared>>)
      tpu.yield
    }) : () -> ()
    %add3A_5 = arith.constant 128 : i32
    %add3A_6 = arith.addi %mul3A_2, %add3A_5 : i32
    "tpu.region"() ({
      %run_scoped3A = tpu.sem_alloc : memref<!tpu.dma_semaphore, #tpu.memory_space<semaphore_mem>>
      %dma_start3A = arith.constant 0 : i32
      %dma_start3A_27 = tpu.memref_slice %arg9[%add3A_6, %dma_start3A] : memref<10240x128xf32, #tpu.memory_space<vmem_shared>> -> memref<128x128xf32, #tpu.memory_space<vmem_shared>>
      %dma_start3A_28 = arith.constant 0 : i32
      %dma_start3A_29 = tpu.memref_slice %arg9[%add3A_6, %dma_start3A_28] : memref<10240x128xf32, #tpu.memory_space<vmem_shared>> -> memref<128x128xf32, #tpu.memory_space<vmem_shared>>
      tpu.enqueue_dma source(%arg8 : memref<128x128xf32, #tpu.memory_space<vmem>>) target(%dma_start3A_29 : memref<128x128xf32, #tpu.memory_space<vmem_shared>>) target_semaphore(%run_scoped3A : memref<!tpu.dma_semaphore, #tpu.memory_space<semaphore_mem>>)
      %dma_wait3A = arith.constant 0 : i32
      %dma_wait3A_30 = tpu.memref_slice %arg9[%add3A_6, %dma_wait3A] : memref<10240x128xf32, #tpu.memory_space<vmem_shared>> -> memref<128x128xf32, #tpu.memory_space<vmem_shared>>
      %dma_wait3A_31 = arith.constant 0 : i32
      %dma_wait3A_32 = tpu.memref_slice %arg9[%add3A_6, %dma_wait3A_31] : memref<10240x128xf32, #tpu.memory_space<vmem_shared>> -> memref<128x128xf32, #tpu.memory_space<vmem_shared>>
      tpu.wait_dma2 semaphore(%run_scoped3A : memref<!tpu.dma_semaphore, #tpu.memory_space<semaphore_mem>>) src(%arg8 : memref<128x128xf32, #tpu.memory_space<vmem>>) dst(%dma_wait3A_32 : memref<128x128xf32, #tpu.memory_space<vmem_shared>>)
      tpu.yield
    }) : () -> ()
    %add3A_7 = arith.constant 256 : i32
    %add3A_8 = arith.addi %mul3A_2, %add3A_7 : i32
    "tpu.region"() ({
      %run_scoped3A = tpu.sem_alloc : memref<!tpu.dma_semaphore, #tpu.memory_space<semaphore_mem>>
      %dma_start3A = arith.constant 0 : i32
      %dma_start3A_27 = tpu.memref_slice %arg9[%add3A_8, %dma_start3A] : memref<10240x128xf32, #tpu.memory_space<vmem_shared>> -> memref<128x128xf32, #tpu.memory_space<vmem_shared>>
      %dma_start3A_28 = arith.constant 0 : i32
      %dma_start3A_29 = tpu.memref_slice %arg9[%add3A_8, %dma_start3A_28] : memref<10240x128xf32, #tpu.memory_space<vmem_shared>> -> memref<128x128xf32, #tpu.memory_space<vmem_shared>>
      tpu.enqueue_dma source(%arg8 : memref<128x128xf32, #tpu.memory_space<vmem>>) target(%dma_start3A_29 : memref<128x128xf32, #tpu.memory_space<vmem_shared>>) target_semaphore(%run_scoped3A : memref<!tpu.dma_semaphore, #tpu.memory_space<semaphore_mem>>)
      %dma_wait3A = arith.constant 0 : i32
      %dma_wait3A_30 = tpu.memref_slice %arg9[%add3A_8, %dma_wait3A] : memref<10240x128xf32, #tpu.memory_space<vmem_shared>> -> memref<128x128xf32, #tpu.memory_space<vmem_shared>>
      %dma_wait3A_31 = arith.constant 0 : i32
      %dma_wait3A_32 = tpu.memref_slice %arg9[%add3A_8, %dma_wait3A_31] : memref<10240x128xf32, #tpu.memory_space<vmem_shared>> -> memref<128x128xf32, #tpu.memory_space<vmem_shared>>
      tpu.wait_dma2 semaphore(%run_scoped3A : memref<!tpu.dma_semaphore, #tpu.memory_space<semaphore_mem>>) src(%arg8 : memref<128x128xf32, #tpu.memory_space<vmem>>) dst(%dma_wait3A_32 : memref<128x128xf32, #tpu.memory_space<vmem_shared>>)
      tpu.yield
    }) : () -> ()
    %add3A_9 = arith.constant 384 : i32
    %add3A_10 = arith.addi %mul3A_2, %add3A_9 : i32
    "tpu.region"() ({
      %run_scoped3A = tpu.sem_alloc : memref<!tpu.dma_semaphore, #tpu.memory_space<semaphore_mem>>
      %dma_start3A = arith.constant 0 : i32
      %dma_start3A_27 = tpu.memref_slice %arg9[%add3A_10, %dma_start3A] : memref<10240x128xf32, #tpu.memory_space<vmem_shared>> -> memref<128x128xf32, #tpu.memory_space<vmem_shared>>
      %dma_start3A_28 = arith.constant 0 : i32
      %dma_start3A_29 = tpu.memref_slice %arg9[%add3A_10, %dma_start3A_28] : memref<10240x128xf32, #tpu.memory_space<vmem_shared>> -> memref<128x128xf32, #tpu.memory_space<vmem_shared>>
      tpu.enqueue_dma source(%arg8 : memref<128x128xf32, #tpu.memory_space<vmem>>) target(%dma_start3A_29 : memref<128x128xf32, #tpu.memory_space<vmem_shared>>) target_semaphore(%run_scoped3A : memref<!tpu.dma_semaphore, #tpu.memory_space<semaphore_mem>>)
      %dma_wait3A = arith.constant 0 : i32
      %dma_wait3A_30 = tpu.memref_slice %arg9[%add3A_10, %dma_wait3A] : memref<10240x128xf32, #tpu.memory_space<vmem_shared>> -> memref<128x128xf32, #tpu.memory_space<vmem_shared>>
      %dma_wait3A_31 = arith.constant 0 : i32
      %dma_wait3A_32 = tpu.memref_slice %arg9[%add3A_10, %dma_wait3A_31] : memref<10240x128xf32, #tpu.memory_space<vmem_shared>> -> memref<128x128xf32, #tpu.memory_space<vmem_shared>>
      tpu.wait_dma2 semaphore(%run_scoped3A : memref<!tpu.dma_semaphore, #tpu.memory_space<semaphore_mem>>) src(%arg8 : memref<128x128xf32, #tpu.memory_space<vmem>>) dst(%dma_wait3A_32 : memref<128x128xf32, #tpu.memory_space<vmem_shared>>)
      tpu.yield
    }) : () -> ()
    %add3A_11 = arith.constant 512 : i32
    %add3A_12 = arith.addi %mul3A_2, %add3A_11 : i32
    "tpu.region"() ({
      %run_scoped3A = tpu.sem_alloc : memref<!tpu.dma_semaphore, #tpu.memory_space<semaphore_mem>>
      %dma_start3A = arith.constant 0 : i32
      %dma_start3A_27 = tpu.memref_slice %arg9[%add3A_12, %dma_start3A] : memref<10240x128xf32, #tpu.memory_space<vmem_shared>> -> memref<128x128xf32, #tpu.memory_space<vmem_shared>>
      %dma_start3A_28 = arith.constant 0 : i32
      %dma_start3A_29 = tpu.memref_slice %arg9[%add3A_12, %dma_start3A_28] : memref<10240x128xf32, #tpu.memory_space<vmem_shared>> -> memref<128x128xf32, #tpu.memory_space<vmem_shared>>
      tpu.enqueue_dma source(%arg8 : memref<128x128xf32, #tpu.memory_space<vmem>>) target(%dma_start3A_29 : memref<128x128xf32, #tpu.memory_space<vmem_shared>>) target_semaphore(%run_scoped3A : memref<!tpu.dma_semaphore, #tpu.memory_space<semaphore_mem>>)
      %dma_wait3A = arith.constant 0 : i32
      %dma_wait3A_30 = tpu.memref_slice %arg9[%add3A_12, %dma_wait3A] : memref<10240x128xf32, #tpu.memory_space<vmem_shared>> -> memref<128x128xf32, #tpu.memory_space<vmem_shared>>
      %dma_wait3A_31 = arith.constant 0 : i32
      %dma_wait3A_32 = tpu.memref_slice %arg9[%add3A_12, %dma_wait3A_31] : memref<10240x128xf32, #tpu.memory_space<vmem_shared>> -> memref<128x128xf32, #tpu.memory_space<vmem_shared>>
      tpu.wait_dma2 semaphore(%run_scoped3A : memref<!tpu.dma_semaphore, #tpu.memory_space<semaphore_mem>>) src(%arg8 : memref<128x128xf32, #tpu.memory_space<vmem>>) dst(%dma_wait3A_32 : memref<128x128xf32, #tpu.memory_space<vmem_shared>>)
      tpu.yield
    }) : () -> ()
    %barrier3A = arith.constant 0 : index
    tpu.barrier barrier_id(%barrier3A)
    %scan3A = arith.constant 0 : i32
    %scan3A_13 = arith.constant 0 : i32
    %scan3A_14 = arith.constant 5 : i32
    %scan3A_15 = arith.addi %scan3A_13, %scan3A_14 : i32
    %scan3A_16 = arith.constant 1 : i32
    %scan3A_17 = scf.for %scan3A_27 = %scan3A_13 to %scan3A_15 step %scan3A_16 iter_args(%scan3A_28 = %scan3A) -> (i32)  : i32 {
      %mul3A_29 = arith.constant 16 : i32
      %mul3A_30 = arith.muli %scan3A_27, %mul3A_29 : i32
      "tpu.region"() ({
        %run_scoped3A = tpu.sem_alloc : memref<!tpu.dma_semaphore, #tpu.memory_space<semaphore_mem>>
        %dma_start3A = arith.constant 0 : i32
        %dma_start3A_39 = tpu.memref_slice %arg2[%add3A, %mul3A_30, %dma_start3A] : memref<32x80x128xi32, #tpu.memory_space<hbm>> -> memref<1x16x128xi32, #tpu.memory_space<hbm>>
        %dma_start3A_40 = tpu.memref_squeeze %dma_start3A_39 : memref<1x16x128xi32, #tpu.memory_space<hbm>> -> memref<16x128xi32, #tpu.memory_space<hbm>>
        %dma_start3A_41 = arith.constant 0 : i32
        %dma_start3A_42 = tpu.memref_slice %arg2[%add3A, %mul3A_30, %dma_start3A_41] : memref<32x80x128xi32, #tpu.memory_space<hbm>> -> memref<1x16x128xi32, #tpu.memory_space<hbm>>
        %dma_start3A_43 = tpu.memref_squeeze %dma_start3A_42 : memref<1x16x128xi32, #tpu.memory_space<hbm>> -> memref<16x128xi32, #tpu.memory_space<hbm>>
        tpu.enqueue_dma source(%dma_start3A_43 : memref<16x128xi32, #tpu.memory_space<hbm>>) target(%arg6 : memref<16x128xi32, #tpu.memory_space<vmem>>) target_semaphore(%run_scoped3A : memref<!tpu.dma_semaphore, #tpu.memory_space<semaphore_mem>>)
        %dma_wait3A = arith.constant 0 : i32
        %dma_wait3A_44 = tpu.memref_slice %arg2[%add3A, %mul3A_30, %dma_wait3A] : memref<32x80x128xi32, #tpu.memory_space<hbm>> -> memref<1x16x128xi32, #tpu.memory_space<hbm>>
        %dma_wait3A_45 = tpu.memref_squeeze %dma_wait3A_44 : memref<1x16x128xi32, #tpu.memory_space<hbm>> -> memref<16x128xi32, #tpu.memory_space<hbm>>
        %dma_wait3A_46 = arith.constant 0 : i32
        %dma_wait3A_47 = tpu.memref_slice %arg2[%add3A, %mul3A_30, %dma_wait3A_46] : memref<32x80x128xi32, #tpu.memory_space<hbm>> -> memref<1x16x128xi32, #tpu.memory_space<hbm>>
        %dma_wait3A_48 = tpu.memref_squeeze %dma_wait3A_47 : memref<1x16x128xi32, #tpu.memory_space<hbm>> -> memref<16x128xi32, #tpu.memory_space<hbm>>
        tpu.wait_dma2 semaphore(%run_scoped3A : memref<!tpu.dma_semaphore, #tpu.memory_space<semaphore_mem>>) src(%dma_wait3A_48 : memref<16x128xi32, #tpu.memory_space<hbm>>) dst(%arg6 : memref<16x128xi32, #tpu.memory_space<vmem>>)
        tpu.yield
      }) : () -> ()
      %scan3A_31 = arith.constant 0 : i32
      %scan3A_32 = arith.constant 0 : i32
      %scan3A_33 = arith.constant 16 : i32
      %scan3A_34 = arith.addi %scan3A_32, %scan3A_33 : i32
      %scan3A_35 = arith.constant 1 : i32
      %scan3A_36 = scf.for %scan3A_39 = %scan3A_32 to %scan3A_34 step %scan3A_35 iter_args(%scan3A_40 = %scan3A_31) -> (i32)  : i32 {
        "tpu.region"() ({
          %run_scoped3A = tpu.sem_alloc : memref<!tpu.dma_semaphore, #tpu.memory_space<semaphore_mem>>
          %dma_start3A = arith.constant 0 : i32
          %dma_start3A_42 = tpu.memref_slice %arg6[%scan3A_39, %dma_start3A] : memref<16x128xi32, #tpu.memory_space<vmem>> -> memref<1x128xi32, #tpu.memory_space<vmem>>
          %dma_start3A_43 = tpu.memref_squeeze %dma_start3A_42 : memref<1x128xi32, #tpu.memory_space<vmem>> -> memref<128xi32, #tpu.memory_space<vmem>>
          %dma_start3A_44 = arith.constant 0 : i32
          %dma_start3A_45 = arith.constant 0 : i32
          %dma_start3A_46 = tpu.memref_slice %arg9[%dma_start3A_44, %dma_start3A_45] : memref<10240x128xf32, #tpu.memory_space<vmem_shared>> -> memref<10240x128xf32, #tpu.memory_space<vmem_shared>>
          tpu.enqueue_indirect_dma source(%arg7 : memref<128x128xf32, #tpu.memory_space<vmem>>) target(%dma_start3A_46 : memref<10240x128xf32, #tpu.memory_space<vmem_shared>>) offsets(%dma_start3A_43 : memref<128xi32, #tpu.memory_space<vmem>>) semaphore(%run_scoped3A : memref<!tpu.dma_semaphore, #tpu.memory_space<semaphore_mem>>) {add = true}
          %dma_wait3A = arith.constant 0 : i32
          %dma_wait3A_47 = tpu.memref_slice %arg6[%scan3A_39, %dma_wait3A] : memref<16x128xi32, #tpu.memory_space<vmem>> -> memref<1x128xi32, #tpu.memory_space<vmem>>
          %dma_wait3A_48 = tpu.memref_squeeze %dma_wait3A_47 : memref<1x128xi32, #tpu.memory_space<vmem>> -> memref<128xi32, #tpu.memory_space<vmem>>
          %dma_wait3A_49 = arith.constant 0 : i32
          %dma_wait3A_50 = arith.constant 0 : i32
          %dma_wait3A_51 = tpu.memref_slice %arg9[%dma_wait3A_49, %dma_wait3A_50] : memref<10240x128xf32, #tpu.memory_space<vmem_shared>> -> memref<10240x128xf32, #tpu.memory_space<vmem_shared>>
          tpu.wait_indirect_dma semaphore(%run_scoped3A : memref<!tpu.dma_semaphore, #tpu.memory_space<semaphore_mem>>) src(%arg7 : memref<128x128xf32, #tpu.memory_space<vmem>>) dst(%dma_wait3A_51 : memref<10240x128xf32, #tpu.memory_space<vmem_shared>>)
          tpu.yield
        }) : () -> ()
        %scan3A_41 = arith.constant 0 : i32
        scf.yield %scan3A_41 : i32
      }
      %scan3A_37 = arith.constant 16 : i32
      %scan3A_38 = arith.constant 0 : i32
      scf.yield %scan3A_38 : i32
    }
    %scan3A_18 = arith.constant 5 : i32
    %barrier3A_19 = arith.constant 0 : index
    tpu.barrier barrier_id(%barrier3A_19)
    %scan3A_20 = arith.constant 0 : i32
    %scan3A_21 = arith.constant 0 : i32
    %scan3A_22 = arith.constant 5 : i32
    %scan3A_23 = arith.addi %scan3A_21, %scan3A_22 : i32
    %scan3A_24 = arith.constant 1 : i32
    %scan3A_25 = scf.for %scan3A_27 = %scan3A_21 to %scan3A_23 step %scan3A_24 iter_args(%scan3A_28 = %scan3A_20) -> (i32)  : i32 {
      %mul3A_29 = arith.constant 128 : i32
      %mul3A_30 = arith.muli %scan3A_27, %mul3A_29 : i32
      %add3A_31 = arith.addi %mul3A_2, %mul3A_30 : i32
      "tpu.region"() ({
        %run_scoped3A = tpu.sem_alloc : memref<!tpu.dma_semaphore, #tpu.memory_space<semaphore_mem>>
        %dma_start3A = arith.constant 0 : i32
        %dma_start3A_33 = tpu.memref_slice %arg9[%add3A_31, %dma_start3A] : memref<10240x128xf32, #tpu.memory_space<vmem_shared>> -> memref<128x128xf32, #tpu.memory_space<vmem_shared>>
        %dma_start3A_34 = arith.constant 0 : i32
        %dma_start3A_35 = tpu.memref_slice %arg9[%add3A_31, %dma_start3A_34] : memref<10240x128xf32, #tpu.memory_space<vmem_shared>> -> memref<128x128xf32, #tpu.memory_space<vmem_shared>>
        tpu.enqueue_dma source(%dma_start3A_35 : memref<128x128xf32, #tpu.memory_space<vmem_shared>>) target(%arg8 : memref<128x128xf32, #tpu.memory_space<vmem>>) target_semaphore(%run_scoped3A : memref<!tpu.dma_semaphore, #tpu.memory_space<semaphore_mem>>)
        %dma_wait3A = arith.constant 0 : i32
        %dma_wait3A_36 = tpu.memref_slice %arg9[%add3A_31, %dma_wait3A] : memref<10240x128xf32, #tpu.memory_space<vmem_shared>> -> memref<128x128xf32, #tpu.memory_space<vmem_shared>>
        %dma_wait3A_37 = arith.constant 0 : i32
        %dma_wait3A_38 = tpu.memref_slice %arg9[%add3A_31, %dma_wait3A_37] : memref<10240x128xf32, #tpu.memory_space<vmem_shared>> -> memref<128x128xf32, #tpu.memory_space<vmem_shared>>
        tpu.wait_dma2 semaphore(%run_scoped3A : memref<!tpu.dma_semaphore, #tpu.memory_space<semaphore_mem>>) src(%dma_wait3A_38 : memref<128x128xf32, #tpu.memory_space<vmem_shared>>) dst(%arg8 : memref<128x128xf32, #tpu.memory_space<vmem>>)
        tpu.yield
      }) : () -> ()
      "tpu.region"() ({
        %run_scoped3A = tpu.sem_alloc : memref<!tpu.dma_semaphore, #tpu.memory_space<semaphore_mem>>
        %dma_start3A = arith.constant 0 : i32
        %dma_start3A_33 = tpu.memref_slice %arg5[%arg0, %add3A_31, %dma_start3A] : memref<2x10240x128xf32, #tpu.memory_space<hbm>> -> memref<1x128x128xf32, #tpu.memory_space<hbm>>
        %dma_start3A_34 = tpu.memref_squeeze %dma_start3A_33 : memref<1x128x128xf32, #tpu.memory_space<hbm>> -> memref<128x128xf32, #tpu.memory_space<hbm>>
        %dma_start3A_35 = arith.constant 0 : i32
        %dma_start3A_36 = tpu.memref_slice %arg5[%arg0, %add3A_31, %dma_start3A_35] : memref<2x10240x128xf32, #tpu.memory_space<hbm>> -> memref<1x128x128xf32, #tpu.memory_space<hbm>>
        %dma_start3A_37 = tpu.memref_squeeze %dma_start3A_36 : memref<1x128x128xf32, #tpu.memory_space<hbm>> -> memref<128x128xf32, #tpu.memory_space<hbm>>
        tpu.enqueue_dma source(%arg8 : memref<128x128xf32, #tpu.memory_space<vmem>>) target(%dma_start3A_37 : memref<128x128xf32, #tpu.memory_space<hbm>>) target_semaphore(%run_scoped3A : memref<!tpu.dma_semaphore, #tpu.memory_space<semaphore_mem>>)
        %dma_wait3A = arith.constant 0 : i32
        %dma_wait3A_38 = tpu.memref_slice %arg5[%arg0, %add3A_31, %dma_wait3A] : memref<2x10240x128xf32, #tpu.memory_space<hbm>> -> memref<1x128x128xf32, #tpu.memory_space<hbm>>
        %dma_wait3A_39 = tpu.memref_squeeze %dma_wait3A_38 : memref<1x128x128xf32, #tpu.memory_space<hbm>> -> memref<128x128xf32, #tpu.memory_space<hbm>>
        %dma_wait3A_40 = arith.constant 0 : i32
        %dma_wait3A_41 = tpu.memref_slice %arg5[%arg0, %add3A_31, %dma_wait3A_40] : memref<2x10240x128xf32, #tpu.memory_space<hbm>> -> memref<1x128x128xf32, #tpu.memory_space<hbm>>
        %dma_wait3A_42 = tpu.memref_squeeze %dma_wait3A_41 : memref<1x128x128xf32, #tpu.memory_space<hbm>> -> memref<128x128xf32, #tpu.memory_space<hbm>>
        tpu.wait_dma2 semaphore(%run_scoped3A : memref<!tpu.dma_semaphore, #tpu.memory_space<semaphore_mem>>) src(%arg8 : memref<128x128xf32, #tpu.memory_space<vmem>>) dst(%dma_wait3A_42 : memref<128x128xf32, #tpu.memory_space<hbm>>)
        tpu.yield
      }) : () -> ()
      %scan3A_32 = arith.constant 0 : i32
      scf.yield %scan3A_32 : i32
    }
    %scan3A_26 = arith.constant 5 : i32
    return
  }
}

module attributes {stable_mosaic.version = 14 : i64} {
  func.func @_prep_body(%arg0: i32, %arg1: memref<2x1280x128xf32, #tpu.memory_space<vmem>>, %arg2: memref<1280x128xf32, #tpu.memory_space<vmem>>, %arg3: memref<128x128xf32, #tpu.memory_space<vmem>>, %arg4: memref<1280x128xf32, #tpu.memory_space<vmem>>, %arg5: memref<1280x128xf32, #tpu.memory_space<vmem>>) attributes {dimension_semantics = [#tpu.dimension_semantics<arbitrary>], iteration_bounds = array<i64: 8>, scalar_prefetch = 0 : i64, scratch_operands = 0 : i64, tpu.core_type = #tpu.core_type<tc>, window_params = [{transform_indices = @transform_0, window_bounds = array<i64: 2, 1280, 128>}, {transform_indices = @transform_1, window_bounds = array<i64: 1280, 128>}, {pipeline_mode = #tpu.pipeline_mode<synchronous>, transform_indices = @transform_2, window_bounds = array<i64: 128, 128>}, {transform_indices = @transform_3, window_bounds = array<i64: 1280, 128>}, {transform_indices = @transform_4, window_bounds = array<i64: 1280, 128>}]} {
    %get3A = arith.constant 0 : index
    %get3A_0 = arith.constant 0 : index
    %get3A_1 = arith.constant 0 : index
    %get3A_2 = vector.load %arg1[%get3A, %get3A_0, %get3A_1] : memref<2x1280x128xf32, #tpu.memory_space<vmem>>, vector<1x1280x1xf32>
    %get3A_3 = vector.shape_cast %get3A_2 : vector<1x1280x1xf32> to vector<1280x1xf32>
    %get3A_4 = arith.constant 1 : index
    %get3A_5 = arith.constant 0 : index
    %get3A_6 = arith.constant 0 : index
    %get3A_7 = vector.load %arg1[%get3A_4, %get3A_5, %get3A_6] : memref<2x1280x128xf32, #tpu.memory_space<vmem>>, vector<1x1280x1xf32>
    %get3A_8 = vector.shape_cast %get3A_7 : vector<1x1280x1xf32> to vector<1280x1xf32>
    %add3A = arith.addf %get3A_3, %get3A_8 : vector<1280x1xf32>
    %add3A_9 = arith.constant 1.000000e+00 : f32
    %add3A_10 = vector.broadcast %add3A_9 : f32 to vector<1280x1xf32>
    %add3A_11 = arith.addf %add3A, %add3A_10 : vector<1280x1xf32>
    %rsqrt3A = math.rsqrt %add3A_11 : vector<1280x1xf32>
    %broadcast_in_dim3A = vector.shape_cast %rsqrt3A : vector<1280x1xf32> to vector<1280x1xf32>
    %broadcast_in_dim3A_12 = vector.broadcast %broadcast_in_dim3A : vector<1280x1xf32> to vector<1280x128xf32>
    %get3A_13 = arith.constant 0 : index
    %get3A_14 = arith.constant 0 : index
    %get3A_15 = vector.load %arg2[%get3A_13, %get3A_14] : memref<1280x128xf32, #tpu.memory_space<vmem>>, vector<1280x128xf32>
    %get3A_16 = arith.constant 0 : index
    %get3A_17 = arith.constant 0 : index
    %get3A_18 = vector.load %arg3[%get3A_16, %get3A_17] : memref<128x128xf32, #tpu.memory_space<vmem>>, vector<128x128xf32>
    %dot_general3A = arith.constant dense<0.000000e+00> : vector<1280x128xf32>
    %dot_general3A_19 = tpu.matmul %get3A_15, %get3A_18, %dot_general3A {dimension_numbers = #tpu.dot_dimension_numbers<[1], [0], [0], [1], [0, 0, 1, 1], [], []>, transpose_lhs_hint = false} : vector<1280x128xf32>, vector<128x128xf32>, vector<1280x128xf32> -> vector<1280x128xf32>
    %mul3A = arith.mulf %dot_general3A_19, %broadcast_in_dim3A_12 : vector<1280x128xf32>
    %swap3A = arith.constant 0 : index
    %swap3A_20 = arith.constant 0 : index
    %swap3A_21 = vector.load %arg4[%swap3A, %swap3A_20] : memref<1280x128xf32, #tpu.memory_space<vmem>>, vector<1280x128xf32>
    tpu.vector_store %arg4[%swap3A, %swap3A_20], %mul3A {strides = array<i32>} : memref<1280x128xf32, #tpu.memory_space<vmem>>, vector<1280x128xf32>,
    %swap3A_22 = arith.constant 0 : index
    %swap3A_23 = arith.constant 0 : index
    %swap3A_24 = vector.load %arg5[%swap3A_22, %swap3A_23] : memref<1280x128xf32, #tpu.memory_space<vmem>>, vector<1280x128xf32>
    tpu.vector_store %arg5[%swap3A_22, %swap3A_23], %broadcast_in_dim3A_12 {strides = array<i32>} : memref<1280x128xf32, #tpu.memory_space<vmem>>, vector<1280x128xf32>,
    return
  }
  func.func @transform_0(%arg0: i32) -> (i32, i32, i32) {
    %c0_i32 = arith.constant 0 : i32
    %c0_i32_0 = arith.constant 0 : i32
    %c0_i32_1 = arith.constant 0 : i32
    return %c0_i32, %arg0, %c0_i32_0 : i32, i32, i32
  }
  func.func @transform_1(%arg0: i32) -> (i32, i32) {
    %c0_i32 = arith.constant 0 : i32
    %c0_i32_0 = arith.constant 0 : i32
    return %arg0, %c0_i32 : i32, i32
  }
  func.func @transform_2(%arg0: i32) -> (i32, i32) {
    %c0_i32 = arith.constant 0 : i32
    %c0_i32_0 = arith.constant 0 : i32
    %c0_i32_1 = arith.constant 0 : i32
    return %c0_i32, %c0_i32_0 : i32, i32
  }
  func.func @transform_3(%arg0: i32) -> (i32, i32) {
    %c0_i32 = arith.constant 0 : i32
    %c0_i32_0 = arith.constant 0 : i32
    return %arg0, %c0_i32 : i32, i32
  }
  func.func @transform_4(%arg0: i32) -> (i32, i32) {
    %c0_i32 = arith.constant 0 : i32
    %c0_i32_0 = arith.constant 0 : i32
    return %arg0, %c0_i32 : i32, i32
  }
}

module attributes {stable_mosaic.version = 14 : i64} {
  func.func @_mid_body(%arg0: i32, %arg1: memref<2x1280x128xf32, #tpu.memory_space<vmem>>, %arg2: memref<1280x128xf32, #tpu.memory_space<vmem>>, %arg3: memref<1280x128xf32, #tpu.memory_space<vmem>>, %arg4: memref<1x128xf32, #tpu.memory_space<vmem>>, %arg5: memref<128x128xf32, #tpu.memory_space<vmem>>, %arg6: memref<1280x128xf32, #tpu.memory_space<vmem>>) attributes {dimension_semantics = [#tpu.dimension_semantics<arbitrary>], iteration_bounds = array<i64: 8>, scalar_prefetch = 0 : i64, scratch_operands = 0 : i64, tpu.core_type = #tpu.core_type<tc>, window_params = [{transform_indices = @transform_0, window_bounds = array<i64: 2, 1280, 128>}, {transform_indices = @transform_1, window_bounds = array<i64: 1280, 128>}, {transform_indices = @transform_2, window_bounds = array<i64: 1280, 128>}, {pipeline_mode = #tpu.pipeline_mode<synchronous>, transform_indices = @transform_3, window_bounds = array<i64: 1, 128>}, {pipeline_mode = #tpu.pipeline_mode<synchronous>, transform_indices = @transform_4, window_bounds = array<i64: 128, 128>}, {transform_indices = @transform_5, window_bounds = array<i64: 1280, 128>}]} {
    %get3A = arith.constant 0 : index
    %get3A_0 = arith.constant 0 : index
    %get3A_1 = arith.constant 0 : index
    %get3A_2 = vector.load %arg1[%get3A, %get3A_0, %get3A_1] : memref<2x1280x128xf32, #tpu.memory_space<vmem>>, vector<1x1280x128xf32>
    %get3A_3 = vector.shape_cast %get3A_2 : vector<1x1280x128xf32> to vector<1280x128xf32>
    %get3A_4 = arith.constant 1 : index
    %get3A_5 = arith.constant 0 : index
    %get3A_6 = arith.constant 0 : index
    %get3A_7 = vector.load %arg1[%get3A_4, %get3A_5, %get3A_6] : memref<2x1280x128xf32, #tpu.memory_space<vmem>>, vector<1x1280x128xf32>
    %get3A_8 = vector.shape_cast %get3A_7 : vector<1x1280x128xf32> to vector<1280x128xf32>
    %add3A = arith.addf %get3A_3, %get3A_8 : vector<1280x128xf32>
    %get3A_9 = arith.constant 0 : index
    %get3A_10 = arith.constant 0 : index
    %get3A_11 = vector.load %arg2[%get3A_9, %get3A_10] : memref<1280x128xf32, #tpu.memory_space<vmem>>, vector<1280x128xf32>
    %add3A_12 = arith.addf %add3A, %get3A_11 : vector<1280x128xf32>
    %get3A_13 = arith.constant 0 : index
    %get3A_14 = arith.constant 0 : index
    %get3A_15 = vector.load %arg3[%get3A_13, %get3A_14] : memref<1280x128xf32, #tpu.memory_space<vmem>>, vector<1280x128xf32>
    %mul3A = arith.mulf %get3A_15, %add3A_12 : vector<1280x128xf32>
    %get3A_16 = arith.constant 0 : index
    %get3A_17 = arith.constant 0 : index
    %get3A_18 = vector.load %arg4[%get3A_16, %get3A_17] : memref<1x128xf32, #tpu.memory_space<vmem>>, vector<1x128xf32>
    %add3A_19 = vector.broadcast %get3A_18 : vector<1x128xf32> to vector<1280x128xf32>
    %add3A_20 = arith.addf %mul3A, %add3A_19 : vector<1280x128xf32>
    %max3A = arith.constant 0.000000e+00 : f32
    %max3A_21 = vector.broadcast %max3A : f32 to vector<1280x128xf32>
    %max3A_22 = arith.maximumf %add3A_20, %max3A_21 : vector<1280x128xf32>
    %get3A_23 = arith.constant 0 : index
    %get3A_24 = arith.constant 0 : index
    %get3A_25 = vector.load %arg5[%get3A_23, %get3A_24] : memref<128x128xf32, #tpu.memory_space<vmem>>, vector<128x128xf32>
    %dot_general3A = arith.constant dense<0.000000e+00> : vector<1280x128xf32>
    %dot_general3A_26 = tpu.matmul %max3A_22, %get3A_25, %dot_general3A {dimension_numbers = #tpu.dot_dimension_numbers<[1], [0], [0], [1], [0, 0, 1, 1], [], []>, transpose_lhs_hint = false} : vector<1280x128xf32>, vector<128x128xf32>, vector<1280x128xf32> -> vector<1280x128xf32>
    %get3A_27 = arith.constant 0 : index
    %get3A_28 = arith.constant 0 : index
    %get3A_29 = vector.load %arg3[%get3A_27, %get3A_28] : memref<1280x128xf32, #tpu.memory_space<vmem>>, vector<1280x128xf32>
    %mul3A_30 = arith.mulf %dot_general3A_26, %get3A_29 : vector<1280x128xf32>
    %swap3A = arith.constant 0 : index
    %swap3A_31 = arith.constant 0 : index
    %swap3A_32 = vector.load %arg6[%swap3A, %swap3A_31] : memref<1280x128xf32, #tpu.memory_space<vmem>>, vector<1280x128xf32>
    tpu.vector_store %arg6[%swap3A, %swap3A_31], %mul3A_30 {strides = array<i32>} : memref<1280x128xf32, #tpu.memory_space<vmem>>, vector<1280x128xf32>,
    return
  }
  func.func @transform_0(%arg0: i32) -> (i32, i32, i32) {
    %c0_i32 = arith.constant 0 : i32
    %c0_i32_0 = arith.constant 0 : i32
    %c0_i32_1 = arith.constant 0 : i32
    return %c0_i32, %arg0, %c0_i32_0 : i32, i32, i32
  }
  func.func @transform_1(%arg0: i32) -> (i32, i32) {
    %c0_i32 = arith.constant 0 : i32
    %c0_i32_0 = arith.constant 0 : i32
    return %arg0, %c0_i32 : i32, i32
  }
  func.func @transform_2(%arg0: i32) -> (i32, i32) {
    %c0_i32 = arith.constant 0 : i32
    %c0_i32_0 = arith.constant 0 : i32
    return %arg0, %c0_i32 : i32, i32
  }
  func.func @transform_3(%arg0: i32) -> (i32, i32) {
    %c0_i32 = arith.constant 0 : i32
    %c0_i32_0 = arith.constant 0 : i32
    %c0_i32_1 = arith.constant 0 : i32
    return %c0_i32, %c0_i32_0 : i32, i32
  }
  func.func @transform_4(%arg0: i32) -> (i32, i32) {
    %c0_i32 = arith.constant 0 : i32
    %c0_i32_0 = arith.constant 0 : i32
    %c0_i32_1 = arith.constant 0 : i32
    return %c0_i32, %c0_i32_0 : i32, i32
  }
  func.func @transform_5(%arg0: i32) -> (i32, i32) {
    %c0_i32 = arith.constant 0 : i32
    %c0_i32_0 = arith.constant 0 : i32
    return %arg0, %c0_i32 : i32, i32
  }
}

module attributes {stable_mosaic.version = 14 : i64} {
  func.func @_final_body(%arg0: i32, %arg1: memref<2x1280x128xf32, #tpu.memory_space<vmem>>, %arg2: memref<1280x128xf32, #tpu.memory_space<vmem>>, %arg3: memref<1280x128xf32, #tpu.memory_space<vmem>>, %arg4: memref<1x128xf32, #tpu.memory_space<vmem>>, %arg5: memref<1280x128xf32, #tpu.memory_space<vmem>>) attributes {dimension_semantics = [#tpu.dimension_semantics<arbitrary>], iteration_bounds = array<i64: 8>, scalar_prefetch = 0 : i64, scratch_operands = 0 : i64, tpu.core_type = #tpu.core_type<tc>, window_params = [{transform_indices = @transform_0, window_bounds = array<i64: 2, 1280, 128>}, {transform_indices = @transform_1, window_bounds = array<i64: 1280, 128>}, {transform_indices = @transform_2, window_bounds = array<i64: 1280, 128>}, {pipeline_mode = #tpu.pipeline_mode<synchronous>, transform_indices = @transform_3, window_bounds = array<i64: 1, 128>}, {transform_indices = @transform_4, window_bounds = array<i64: 1280, 128>}]} {
    %get3A = arith.constant 0 : index
    %get3A_0 = arith.constant 0 : index
    %get3A_1 = arith.constant 0 : index
    %get3A_2 = vector.load %arg1[%get3A, %get3A_0, %get3A_1] : memref<2x1280x128xf32, #tpu.memory_space<vmem>>, vector<1x1280x128xf32>
    %get3A_3 = vector.shape_cast %get3A_2 : vector<1x1280x128xf32> to vector<1280x128xf32>
    %get3A_4 = arith.constant 1 : index
    %get3A_5 = arith.constant 0 : index
    %get3A_6 = arith.constant 0 : index
    %get3A_7 = vector.load %arg1[%get3A_4, %get3A_5, %get3A_6] : memref<2x1280x128xf32, #tpu.memory_space<vmem>>, vector<1x1280x128xf32>
    %get3A_8 = vector.shape_cast %get3A_7 : vector<1x1280x128xf32> to vector<1280x128xf32>
    %add3A = arith.addf %get3A_3, %get3A_8 : vector<1280x128xf32>
    %get3A_9 = arith.constant 0 : index
    %get3A_10 = arith.constant 0 : index
    %get3A_11 = vector.load %arg2[%get3A_9, %get3A_10] : memref<1280x128xf32, #tpu.memory_space<vmem>>, vector<1280x128xf32>
    %add3A_12 = arith.addf %add3A, %get3A_11 : vector<1280x128xf32>
    %get3A_13 = arith.constant 0 : index
    %get3A_14 = arith.constant 0 : index
    %get3A_15 = vector.load %arg3[%get3A_13, %get3A_14] : memref<1280x128xf32, #tpu.memory_space<vmem>>, vector<1280x128xf32>
    %mul3A = arith.mulf %get3A_15, %add3A_12 : vector<1280x128xf32>
    %get3A_16 = arith.constant 0 : index
    %get3A_17 = arith.constant 0 : index
    %get3A_18 = vector.load %arg4[%get3A_16, %get3A_17] : memref<1x128xf32, #tpu.memory_space<vmem>>, vector<1x128xf32>
    %add3A_19 = vector.broadcast %get3A_18 : vector<1x128xf32> to vector<1280x128xf32>
    %add3A_20 = arith.addf %mul3A, %add3A_19 : vector<1280x128xf32>
    %swap3A = arith.constant 0 : index
    %swap3A_21 = arith.constant 0 : index
    %swap3A_22 = vector.load %arg5[%swap3A, %swap3A_21] : memref<1280x128xf32, #tpu.memory_space<vmem>>, vector<1280x128xf32>
    tpu.vector_store %arg5[%swap3A, %swap3A_21], %add3A_20 {strides = array<i32>} : memref<1280x128xf32, #tpu.memory_space<vmem>>, vector<1280x128xf32>,
    return
  }
  func.func @transform_0(%arg0: i32) -> (i32, i32, i32) {
    %c0_i32 = arith.constant 0 : i32
    %c0_i32_0 = arith.constant 0 : i32
    %c0_i32_1 = arith.constant 0 : i32
    return %c0_i32, %arg0, %c0_i32_0 : i32, i32, i32
  }
  func.func @transform_1(%arg0: i32) -> (i32, i32) {
    %c0_i32 = arith.constant 0 : i32
    %c0_i32_0 = arith.constant 0 : i32
    return %arg0, %c0_i32 : i32, i32
  }
  func.func @transform_2(%arg0: i32) -> (i32, i32) {
    %c0_i32 = arith.constant 0 : i32
    %c0_i32_0 = arith.constant 0 : i32
    return %arg0, %c0_i32 : i32, i32
  }
  func.func @transform_3(%arg0: i32) -> (i32, i32) {
    %c0_i32 = arith.constant 0 : i32
    %c0_i32_0 = arith.constant 0 : i32
    %c0_i32_1 = arith.constant 0 : i32
    return %c0_i32, %c0_i32_0 : i32, i32
  }
  func.func @transform_4(%arg0: i32) -> (i32, i32) {
    %c0_i32 = arith.constant 0 : i32
    %c0_i32_0 = arith.constant 0 : i32
    return %arg0, %c0_i32 : i32, i32
  }
}

</mosaic_0001>

<sc_bundles>
// kernel: kernel.10.cloned.1.call-start
scs
__scs_entry_jumppad:
0x0: {  	(pc) =	sbr.rel $0x88, $3  }
0x1: {  	(tag) =	ssettag $0x0;
	lr =	simm.s32 $0x1  }
0x2: {  	[smem:$0x3F99] =	sst lr;
	_ =	strace $0xD0000000  }
0x3: {  	_ = 	snop  }
0x4: {  	_ = 	snop  }
0x5: {  	_ = 	snop  }
0x6: {  	_ = 	snop  }
0x7: {  	_ = 	snop  }
__scs_overlays_trampoline_lowered:
0x8: {  	[smem:$0x3FA8] =	sst s0  }
0x9: {  	[smem:$0x3FA9] =	sst s1  }
0xa: {  	[smem:$0x3FAA] =	sst s2  }
0xb: {  	[smem:$0x3FAB] =	sst s3  }
0xc: {  	[smem:$0x3FAC] =	sst s4  }
0xd: {  	[smem:$0x3FAD] =	sst s5  }
0xe: {  	[smem:$0x3FAE] =	sst s6  }
0xf: {  	[smem:$0x3FAF] =	sst s7  }
0x10: {  	[smem:$0x3FB0] =	sst s8  }
0x11: {  	[smem:$0x3FB1] =	sst s9;
	s0 =	simm.s32 @!p0 $0x0  }
0x12: {  	s1 =	sld [smem:$0x3F97];
	s0 =	simm.s32 @p0 $0x1  }
0x13: {  	[smem:$0x3FB2] =	sst s0;
	s0 =	simm.s32 @!p1 $0x0  }
0x14: {  	s2 =	sld [smem:$0x3F96];
	s0 =	simm.s32 @p1 $0x1  }
0x15: {  	[smem:$0x3FB3] =	sst s0;
	s0 =	simm.s32 @!p2 $0x0  }
0x16: {  	s3 =	sld [smem:$0x3FDB];
	s0 =	simm.s32 @p2 $0x1  }
0x17: {  	s4 =	simm.s32 $0x1BF5;
	[smem:$0x3FB5] =	sst s0  }
0x18: {  	s0 =	sld [smem:$0x3F98];
	_ =	swait.ge [sflag:s4], $0x0  }
0x19: {  	s7 =	sld [smem:$0x3F99]  }
0x1a: {  	s8 =	sadd.s32 $0xFFFFE003, lr  }
0x1b: {  	s9 =	sadd.s32 $0xFFFFFEF7, lr;
	s5 =	simm.s32 $0xFFFFFFFF;
	p2 =	slt.u32 s8, $0xFFFFF086  }
0x1c: {  	p1 =	slt.u32 s9, $0xF7A;
	s5 =	simm.s32 @!p2 $0x0  }
0x1d: {  	s5 =	simm.s32 @p1 $0x1;
	p0 =	seq.s32 s7, s2  }
0x1e: {  	s7 =	smul.u32 @!p0 $0xF7A, s2;
	p2 =	seq.s32 @!p0 s5, $0x0  }
0x1f: {  	s9 =	smul.u32 $0xF7A, s1;
	s8 =	simm.s32 @!p0 $0x1BF5;
	p2 =	por !p2, p0  }
0x20: {  	[sflag:s8] =	ssyncset.s32 @!p0 $0xFFFFF086;
	s6 =	sadd.s32 @!p0 s3, s7;
	s7 =	simm.s32 @!p0 $0x108  }
0x21: {  	s3 =	sadd.s32 s3, s9;
	s6 =	sadd.s32 @!p0 $0x88, s6;
	s7 =	simm.s32 @p2 $0x1082  }
0x22: {  	[simem:s7], [sflag:s8] =	dma.local @!p0 [hbm:s6], $0xF7A  }
0x23: {  	s9 =	sor.u32 $0xD0000000, s2;
	s6 =	simm.s32 $0x108;
	_ =	swait.ge @!p0 [sflag:s8], $0x0  }
0x24: {  	s3 =	sadd.s32 $0x88, s3;
	s6 =	simm.s32 @!p1 $0x1082;
	[sflag:s4] =	ssyncset.s32 $0xFFFFF086  }
0x25: {  	[simem:s6], [sflag:s4] =	dma.local [hbm:s3], $0xF7A  }
0x26: {  	[smem:$0x3F99] =	sst s1;
	(tag) =	ssettag s2;
	_ =	strace s9  }
0x27: {  	s1 =	sld [smem:$0x3FA9]  }
0x28: {  	s2 =	sld [smem:$0x3FAA]  }
0x29: {  	s4 =	sld [smem:$0x3FAC]  }
0x2a: {  	p0 =	seq.s32 s5, $0x0;
	s5 =	sld [smem:$0x3FAD]  }
0x2b: {  	s6 =	sld [smem:$0x3FAE]  }
0x2c: {  	s7 =	sld [smem:$0x3FAF]  }
0x2d: {  	s3 =	simm.s32 $0x108;
	s8 =	sld [smem:$0x3FB0]  }
0x2e: {  	s3 =	simm.s32 @!p0 $0x1082;
	s9 =	sld [smem:$0x3FB1]  }
0x2f: {  	lr =	sadd.s32 s0, s3;
	s0 =	sld [smem:$0x3FA8]  }
0x30: {  	s3 =	sld [smem:$0x3FAB]  }
0x31: {  	[smem:$0x3FB4] =	sst s10  }
0x32: {  	s10 =	sld [smem:$0x3FB2];
	_ =	sdelay $0x3  }
0x33: {  	p0 =	seq.s32 s10, $0x1;
	s10 =	sld [smem:$0x3FB4];
	_ =	sdelay $0x3  }
0x34: {  	[smem:$0x3FB4] =	sst s10  }
0x35: {  	s10 =	sld [smem:$0x3FB3];
	_ =	sdelay $0x3  }
0x36: {  	p1 =	seq.s32 s10, $0x1;
	s10 =	sld [smem:$0x3FB4];
	_ =	sdelay $0x3  }
0x37: {  	[smem:$0x3FB4] =	sst s10  }
0x38: {  	s10 =	sld [smem:$0x3FB5]  }
0x39: {  	_ = 	snop;
	(pc) =	sbr.ind lr, $3  }
0x3a: {  	_ = 	snop  }
0x3b: {  	_ = 	snop  }
0x3c: {  	p2 =	seq.s32 s10, $0x1;
	s10 =	sld [smem:$0x3FB4]  }
0x3d: {  	_ =	shalt  }
0x3e: {  	_ =	shalt  }
0x3f: {  	_ =	shalt  }
0x40: {  	_ =	shalt  }
0x41: {  	_ =	shalt  }
0x42: {  	_ =	shalt  }
0x43: {  	_ =	shalt  }
0x44: {  	_ =	shalt  }
0x45: {  	_ =	shalt  }
0x46: {  	_ =	shalt  }
0x47: {  	_ =	shalt  }
0x48: {  	_ =	shalt  }
0x49: {  	_ =	shalt  }
0x4a: {  	_ =	shalt  }
0x4b: {  	_ =	shalt  }
0x4c: {  	_ =	shalt  }
0x4d: {  	_ =	shalt  }
0x4e: {  	_ =	shalt  }
0x4f: {  	_ =	shalt  }
0x50: {  	_ =	shalt  }
0x51: {  	_ =	shalt  }
0x52: {  	_ =	shalt  }
0x53: {  	_ =	shalt  }
0x54: {  	_ =	shalt  }
0x55: {  	_ =	shalt  }
0x56: {  	_ =	shalt  }
0x57: {  	_ =	shalt  }
0x58: {  	_ =	shalt  }
0x59: {  	_ =	shalt  }
0x5a: {  	_ =	shalt  }
0x5b: {  	_ =	shalt  }
0x5c: {  	_ =	shalt  }
0x5d: {  	_ =	shalt  }
0x5e: {  	_ =	shalt  }
0x5f: {  	_ =	shalt  }
0x60: {  	_ =	shalt  }
0x61: {  	_ =	shalt  }
0x62: {  	_ =	shalt  }
0x63: {  	_ =	shalt  }
0x64: {  	_ =	shalt  }
0x65: {  	_ =	shalt  }
0x66: {  	_ =	shalt  }
0x67: {  	_ =	shalt  }
0x68: {  	_ =	shalt  }
0x69: {  	_ =	shalt  }
0x6a: {  	_ =	shalt  }
0x6b: {  	_ =	shalt  }
0x6c: {  	_ =	shalt  }
0x6d: {  	_ =	shalt  }
0x6e: {  	_ =	shalt  }
0x6f: {  	_ =	shalt  }
0x70: {  	_ =	shalt  }
0x71: {  	_ =	shalt  }
0x72: {  	_ =	shalt  }
0x73: {  	_ =	shalt  }
0x74: {  	_ =	shalt  }
0x75: {  	_ =	shalt  }
0x76: {  	_ =	shalt  }
0x77: {  	_ =	shalt  }
0x78: {  	_ =	shalt  }
0x79: {  	_ =	shalt  }
0x7a: {  	_ =	shalt  }
0x7b: {  	_ =	shalt  }
0x7c: {  	_ =	shalt  }
0x7d: {  	_ =	shalt  }
0x7e: {  	_ =	shalt  }
0x7f: {  	_ =	shalt  }
0x80: {  	_ =	shalt  }
0x81: {  	_ =	shalt  }
0x82: {  	_ =	shalt  }
0x83: {  	_ =	shalt  }
0x84: {  	_ =	shalt  }
0x85: {  	_ =	shalt  }
0x86: {  	_ =	shalt  }
0x87: {  	_ =	shalt  }
.Lfunc_end0:
.L_simem_size_0:
called_computation_lowered:
.L_overlay_start_0:
0x88: {  	s2 =	sld [smem:$0x3FD9]  }
0x89: {  	s3 =	sld [smem:$0x3FFE];
	_ =	sdelay $0x1  }
0x8a: {  	s1 =	srdreg.scid  }
0x8b: {  	s0 =	sand.u32 $0x1, s1  }
0x8c: {  	s17 =	sshll.u32 s0, $0xA;
	s2 =	sadd.s32 s3, s2  }
0x8d: {  	s2 =	sadd.s32 s2, s17  }
0x8e: {  	[smem:$0x3FC0] =	sst s2  }
0x8f: {  	_ = 	snop  }
0x90: {  	s2 =	sld [smem:$0x3FD0];
	(tm) =	ssettm $0x1  }
0x91: {  	s18 =	sld [smem:$0x3FFB];
	_ =	sdelay $0x3  }
0x92: {  	_ =	strace s18  }
0x93: {  	s3 =	sld [smem:$0x3FFC];
	_ =	sdelay $0x3  }
0x94: {  	_ =	strace s3  }
0x95: {  	s3 =	sld [smem:$0x3FFD];
	_ =	sdelay $0x3  }
0x96: {  	_ =	strace s3  }
0x97: {  	_ =	strace $0x8FFFFFFF  }
0x98: {  	s19 =	sld [smem:$0x3FDB];
	_ =	sdelay $0x1  }
0x99: {  	s4 =	simm.s32 $_scs_section_size  }
0x9a: {  	s5 =	simm.s32 $_size__tile_overlayer_lowered;
	s6 =	simm.s32 $_tile_overlayer_lowered  }
0x9b: {  	s22 =	simm.s32 $0x1BFF;
	s21 =	sshll.u32 s6, $0x1;
	s3 =	sadd.s32 s4, s19  }
0x9c: {  	s7 =	simm.s32 $0x0;
	s20 =	sshll.u32 s5, $0x1;
	s5 =	sadd.s32 s21, s3  }
0x9d: {  	[timem:s7], [sflag:s22] =	dma.local [hbm:s5], s20  }
0x9e: {  	_ =	swait.ge [sflag:s22], s20  }
0x9f: {  	s4 =	ssub.s32 $0x0, s20;
	[sflag:s22] =	ssyncset.done $0x0  }
0xa0: {  	[sflag:s22] =	ssyncadd.s32 s4;
	_ =	sdelay $0x1  }
0xa1: {  	s23 =	simm.s32 $0x1B8B  }
0xa2: {  	_ =	swait.ge [sflag:s23], $0x1  }
0xa3: {  	[sflag:s23] =	ssyncset.done $0x0  }
0xa4: {  	s25 =	simm.s32 $0x1B8E;
	s24 =	sld [smem:$0x3FFE];
	[sflag:s23] =	ssyncadd.s32 $0xFFFFFFFF  }
0xa5: {  	s26 =	simm.s32 $execute0_lowered;
	[smem:$0x3FD2] =	sst s25  }
0xa6: {  	s5 =	sshll.u32 s26, $0x1;
	_ =	strace $0x80000046;
	[dreg:$0x1] =	wrdreg $0xFFFFFFFF  }
0xa7: {  	s28 =	simm.s32 $_size_execute0_lowered;
	s3 =	sadd.s32 s3, s5;
	[dreg:$0x0] =	wrdreg $0x0  }
0xa8: {  	s5 =	sshll.u32 s28, $0x1;
	[dreg:$0x2] =	wrdreg s3  }
0xa9: {  	[dreg:$0x3] =	wrdreg s5  }
0xaa: {  	[dreg:$0x4] =	wrdreg $0xC0  }
0xab: {  	_ =	task [dreg:s7], $0x5FFFF  }
0xac: {  	[dreg:$0x1] =	wrdreg $0xFFFFFFFF  }
0xad: {  	[dreg:$0x0] =	wrdreg $0x60  }
0xae: {  	[dreg:$0x2] =	wrdreg s2  }
0xaf: {  	[dreg:$0x3] =	wrdreg s24  }
0xb0: {  	[dreg:$0x4] =	wrdreg $0x88000  }
0xb1: {  	[dreg:$0x5] =	wrdreg $0x9  }
0xb2: {  	_ =	task.clear_ibuf [dreg:s7], $0x6FFFF;
	_ =	strace $0x90000046  }
0xb3: {  	s29 =	simm.s32 $0x9;
	_ =	strace $0x80000048  }
0xb4: {  	_ =	swait.ge [sflag:s29], $0x1  }
0xb5: {  	[sflag:s29] =	ssyncadd.s32 $0xFFFFFFFF  }
0xb6: {  	_ =	strace $0x90000048  }
0xb7: {  	_ =	sfence  }
0xb8: {  	s30 =	sld [smem:$0x0];
	_ =	sdelay $0x2  }
0xb9: {  	s31 =	sshll.u32 s1, $0xD;
	s1 =	sshrl.u32 s1, $0x2  }
0xba: {  	s3 =	sand.u32 $0x4000, s31;
	s1 =	sadd.s32 s1, s30  }
0xbb: {  	s0 =	sor.u32 s3, s0;
	s1 =	sshll.u32 s1, $0x11  }
0xbc: {  	s0 =	sor.u32 s1, s0  }
0xbd: {  	s0 =	sadd.s32 $0x8F2B, s0  }
0xbe: {  	[sflag:s0] =	ssyncadd.remote.s32 $0x1  }
0xbf: {  	_ =	sfence.sel $0xFFFF  }
0xc0: {  	[dreg:$0x0] =	wrdreg $0xFFFFFFFF;
	(pc) =	sbr.abs _section_cstart, $3  }
0xc1: {  	[dreg:$0x1] =	wrdreg $0xFFFFFFFF  }
0xc2: {  	_ =	task.clear_ibuf [dreg:s7], $0x2FFFF;
	_ =	strace $0x9FFFFFFF  }
0xc3: {  	(tm) =	ssettm $0x7FFFFFFF  }
tec
execute0_lowered:
.L_overlay_start_1:
0x0: {  	(tag) =	ssettag $0x1  }
0x1: {  	s0 =	rddreg [dreg:$0x0]  }
0x2: {  	s1 =	rddreg [dreg:$0x1]  }
0x3: {  	s2 =	rddreg [dreg:$0x2]  }
0x4: {  	s3 =	simm.s32 $0x0;
	s11 =	stileid.u32;
	s4 =	srdreg.scid  }
0x5: {  	s28 =	simm.s32 $0x180;
	s29 =	simm.s32 $0x200;
	s30 =	simm.s32 $0x280  }
0x6: {  	s31 =	simm.s32 $0x300;
	[smem:$0x7FF] =	sst s3;
	s5 =	smul.u32 $0x50000, s11  }
0x7: {  	s6 =	sadd.s32 $0x2600, s1;
	s25 =	sadd.s32 $0x1E00, s1;
	s26 =	smul.u32 $0x14000, s11  }
0x8: {  	s4 =	sand.u32 $0x1, s4;
	s1 =	sadd.s32 $0x2E00, s1;
	s24 =	smul.u32 $0x2800, s11  }
0x9: {  	s11 =	simm.s32 $0x780;
	_ =	strace $0x80000047;
	[dreg:$0x4] =	wrdreg s6  }
0xa: {  	[dreg:$0x5] =	wrdreg s25;
	s7 =	ssub.s32 $0x2, s4;
	s8 =	smul.u32 $0x140000, s4  }
0xb: {  	s4 =	smul.u32 $0x28000, s4;
	s5 =	sshrl.u32 s5, $0x2;
	s9 =	sshrl.u32 s7, $0x1  }
0xc: {  	s15 =	sadd.s32 $0x4000, s26;
	s19 =	sadd.s32 $0x8000, s26;
	s22 =	sadd.s32 $0xC000, s26  }
0xd: {  	s6 =	sadd.s32 s5, s2;
	s7 =	ssub.s32 s7, s9;
	s14 =	sadd.s32 s8, s26  }
0xe: {  	s17 =	sadd.s32 s8, s15;
	s18 =	sadd.s32 s15, s2;
	s20 =	sadd.s32 s19, s2  }
0xf: {  	s21 =	sadd.s32 s8, s19;
	s23 =	sadd.s32 s8, s22;
	s5 =	sadd.s32 $0x10000, s26  }
0x10: {  	s4 =	sadd.s32 s24, s4;
	s24 =	simm.s32 $0x4800;
	s10 =	sadd.s32 $0x4000, s6  }
0x11: {  	s12 =	sadd.s32 $0x8000, s6;
	s13 =	sadd.s32 $0xC000, s6;
	[dreg:$0xc] =	wrdreg s18  }
0x12: {  	s9 =	sshrl.u32 s14, $0x3;
	s7 =	smax.u32 s7, $0x1;
	[dreg:$0xe] =	wrdreg s20  }
0x13: {  	s25 =	sadd.s32 s8, s5;
	s19 =	sadd.s32 s5, s2;
	[dreg:$0x6] =	wrdreg s10  }
0x14: {  	s4 =	sshrl.u32 s4, $0x3;
	s5 =	simm.s32 $0x500;
	[dreg:$0x7] =	wrdreg s12  }
0x15: {  	s8 =	simm.s32 $0x600;
	[dreg:$0x8] =	wrdreg s13;
	s10 =	sadd.s32 $0x10000, s6  }
0x16: {  	[dreg:$0xa] =	wrdreg s7;
	s16 =	sadd.s32 s1, s9;
	s7 =	sshrl.u32 s17, $0x3  }
0x17: {  	s17 =	sadd.s32 s22, s2;
	s26 =	sshrl.u32 s25, $0x3;
	s22 =	simm.s32 $0x800  }
0x18: {  	s25 =	simm.s32 $0x80;
	s9 =	simm.s32 $0x680;
	[dreg:$0x9] =	wrdreg s10  }
0x19: {  	s12 =	simm.s32 $0x0;
	[dreg:$0xb] =	wrdreg s16;
	s7 =	sadd.s32 s1, s7  }
0x1a: {  	s20 =	sadd.s32 s1, s26;
	s26 =	simm.s32 $0x100;
	s10 =	simm.s32 $0x700  }
0x1b: {  	[dreg:$0xd] =	wrdreg s7;
	s7 =	sshrl.u32 s21, $0x3;
	s21 =	sadd.s32 s4, s0  }
0x1c: {  	s0 =	simm.s32 $0x380;
	s4 =	simm.s32 $0x480;
	s7 =	sadd.s32 s1, s7  }
0x1d: {  	[dreg:$0xf] =	wrdreg s7;
	s7 =	sshrl.u32 s23, $0x3;
	s23 =	simm.s32 $0x1  }
0x1e: {  	s18 =	sadd.s32 s1, s7;
	s1 =	simm.s32 $0x400;
	s7 =	simm.s32 $0x580  }
.LBB2_1:
0x1f: {  	s13 =	rddreg [dreg:$0x4]  }
0x20: {  	[tilespmem:s22], [sflag:$0x1] =	stream.linear.gather [hbm4b:s13+s3], $0x4000, $0x38;
	[tilespmem:$0x1C800] =	vst v63  }
0x21: {  	_ =	swait.ge [sflag:s23], $0x4000  }
0x22: {  	[sflag:s23] =	ssyncset.done $0x0  }
0x23: {  	s14 =	rddreg [dreg:$0x5];
	[sflag:s23] =	ssyncadd.s32 $0xFFFFC000  }
0x24: {  	[tilespmem:s24], [sflag:$0x1] =	stream.linear.gather [hbm4b:s14+s3], $0x4000, $0x38;
	[tilespmem:$0x1C800] =	vst v63  }
0x25: {  	_ =	swait.ge [sflag:s23], $0x4000  }
0x26: {  	[sflag:s23] =	ssyncset.done $0x0  }
0x27: {  	[sflag:s23] =	ssyncadd.s32 $0xFFFFC000  }
0x28: {  	[spmem:s6] =	stream.linear.scatter [tilespmem:s24], [sflag:$0x1], $0x4000, $0x38;
	[tilespmem:$0x1C800] =	vst v63  }
0x29: {  	_ =	swait.ge [sflag:s23], $0x4000  }
0x2a: {  	[sflag:s23] =	ssyncset.done $0x0  }
0x2b: {  	s15 =	rddreg [dreg:$0x6];
	[sflag:s23] =	ssyncadd.s32 $0xFFFFC000  }
0x2c: {  	[spmem:s15] =	stream.linear.scatter [tilespmem:s24], [sflag:$0x1], $0x4000, $0x38;
	[tilespmem:$0x1C800] =	vst v63  }
0x2d: {  	_ =	swait.ge [sflag:s23], $0x4000  }
0x2e: {  	[sflag:s23] =	ssyncset.done $0x0  }
0x2f: {  	s16 =	rddreg [dreg:$0x7];
	[sflag:s23] =	ssyncadd.s32 $0xFFFFC000  }
0x30: {  	[spmem:s16] =	stream.linear.scatter [tilespmem:s24], [sflag:$0x1], $0x4000, $0x38;
	[tilespmem:$0x1C800] =	vst v63  }
0x31: {  	_ =	swait.ge [sflag:s23], $0x4000  }
0x32: {  	[sflag:s23] =	ssyncset.done $0x0  }
0x33: {  	s14 =	rddreg [dreg:$0x8];
	[sflag:s23] =	ssyncadd.s32 $0xFFFFC000  }
0x34: {  	[spmem:s14] =	stream.linear.scatter [tilespmem:s24], [sflag:$0x1], $0x4000, $0x38;
	[tilespmem:$0x1C800] =	vst v63  }
0x35: {  	_ =	swait.ge [sflag:s23], $0x4000  }
0x36: {  	[sflag:s23] =	ssyncset.done $0x0  }
0x37: {  	s15 =	rddreg [dreg:$0x9];
	[sflag:s23] =	ssyncadd.s32 $0xFFFFC000  }
0x38: {  	[spmem:s15] =	stream.linear.scatter [tilespmem:s24], [sflag:$0x1], $0x4000, $0x38;
	[tilespmem:$0x1C800] =	vst v63  }
0x39: {  	_ =	swait.ge [sflag:s23], $0x4000  }
0x3a: {  	[sflag:s23] =	ssyncset.done $0x0  }
0x3b: {  	[sflag:s23] =	ssyncadd.s32 $0xFFFFC000  }
0x3c: {  	s16 =	sadd.s32 $0x0, s21;
	[bflag:$0x0] =	sbarrier.arrive $0xFFFF  }
0x3d: {  	[tilespmem:s3], [sflag:$0x1] =	stream.linear.gather [hbm4b:s16+s3], $0x800, $0x38;
	[tilespmem:$0x1C800] =	vst v63  }
0x3e: {  	_ =	swait.ge [sflag:s23], $0x800  }
0x3f: {  	[sflag:s23] =	ssyncset.done $0x0  }
0x40: {  	[sflag:s23] =	ssyncadd.s32 $0xFFFFF800  }
0x41: {  	[spmem:s2] =	stream.indirect.scatter.add.f32 [tilespmem:s22], [sflag:$0x1], $0x80, s3, s25, $0xb8;
	[tilespmem:$0x1C800] =	vst v63  }
0x42: {  	_ =	swait.ge [sflag:s23], $0x4000  }
0x43: {  	[sflag:s23] =	ssyncset.done $0x0  }
0x44: {  	[sflag:s23] =	ssyncadd.s32 $0xFFFFC000  }
0x45: {  	[spmem:s2] =	stream.indirect.scatter.add.f32 [tilespmem:s22], [sflag:$0x1], $0x80, s25, s25, $0xb8;
	[tilespmem:$0x1C800] =	vst v63  }
0x46: {  	_ =	swait.ge [sflag:s23], $0x4000  }
0x47: {  	[sflag:s23] =	ssyncset.done $0x0  }
0x48: {  	[sflag:s23] =	ssyncadd.s32 $0xFFFFC000  }
0x49: {  	[spmem:s2] =	stream.indirect.scatter.add.f32 [tilespmem:s22], [sflag:$0x1], $0x80, s26, s25, $0xb8;
	[tilespmem:$0x1C800] =	vst v63  }
0x4a: {  	_ =	swait.ge [sflag:s23], $0x4000  }
0x4b: {  	[sflag:s23] =	ssyncset.done $0x0  }
0x4c: {  	[sflag:s23] =	ssyncadd.s32 $0xFFFFC000  }
0x4d: {  	[spmem:s2] =	stream.indirect.scatter.add.f32 [tilespmem:s22], [sflag:$0x1], $0x80, s28, s25, $0xb8;
	[tilespmem:$0x1C800] =	vst v63  }
0x4e: {  	_ =	swait.ge [sflag:s23], $0x4000  }
0x4f: {  	[sflag:s23] =	ssyncset.done $0x0  }
0x50: {  	[sflag:s23] =	ssyncadd.s32 $0xFFFFC000  }
0x51: {  	[spmem:s2] =	stream.indirect.scatter.add.f32 [tilespmem:s22], [sflag:$0x1], $0x80, s29, s25, $0xb8;
	[tilespmem:$0x1C800] =	vst v63  }
0x52: {  	_ =	swait.ge [sflag:s23], $0x4000  }
0x53: {  	[sflag:s23] =	ssyncset.done $0x0  }
0x54: {  	[sflag:s23] =	ssyncadd.s32 $0xFFFFC000  }
0x55: {  	[spmem:s2] =	stream.indirect.scatter.add.f32 [tilespmem:s22], [sflag:$0x1], $0x80, s30, s25, $0xb8;
	[tilespmem:$0x1C800] =	vst v63  }
0x56: {  	_ =	swait.ge [sflag:s23], $0x4000  }
0x57: {  	[sflag:s23] =	ssyncset.done $0x0  }
0x58: {  	[sflag:s23] =	ssyncadd.s32 $0xFFFFC000  }
0x59: {  	[spmem:s2] =	stream.indirect.scatter.add.f32 [tilespmem:s22], [sflag:$0x1], $0x80, s31, s25, $0xb8;
	[tilespmem:$0x1C800] =	vst v63  }
0x5a: {  	_ =	swait.ge [sflag:s23], $0x4000  }
0x5b: {  	[sflag:s23] =	ssyncset.done $0x0  }
0x5c: {  	[sflag:s23] =	ssyncadd.s32 $0xFFFFC000  }
0x5d: {  	[spmem:s2] =	stream.indirect.scatter.add.f32 [tilespmem:s22], [sflag:$0x1], $0x80, s0, s25, $0xb8;
	[tilespmem:$0x1C800] =	vst v63  }
0x5e: {  	_ =	swait.ge [sflag:s23], $0x4000  }
0x5f: {  	[sflag:s23] =	ssyncset.done $0x0  }
0x60: {  	[sflag:s23] =	ssyncadd.s32 $0xFFFFC000  }
0x61: {  	[spmem:s2] =	stream.indirect.scatter.add.f32 [tilespmem:s22], [sflag:$0x1], $0x80, s1, s25, $0xb8;
	[tilespmem:$0x1C800] =	vst v63  }
0x62: {  	_ =	swait.ge [sflag:s23], $0x4000  }
0x63: {  	[sflag:s23] =	ssyncset.done $0x0  }
0x64: {  	[sflag:s23] =	ssyncadd.s32 $0xFFFFC000  }
0x65: {  	[spmem:s2] =	stream.indirect.scatter.add.f32 [tilespmem:s22], [sflag:$0x1], $0x80, s4, s25, $0xb8;
	[tilespmem:$0x1C800] =	vst v63  }
0x66: {  	_ =	swait.ge [sflag:s23], $0x4000  }
0x67: {  	[sflag:s23] =	ssyncset.done $0x0  }
0x68: {  	[sflag:s23] =	ssyncadd.s32 $0xFFFFC000  }
0x69: {  	[spmem:s2] =	stream.indirect.scatter.add.f32 [tilespmem:s22], [sflag:$0x1], $0x80, s5, s25, $0xb8;
	[tilespmem:$0x1C800] =	vst v63  }
0x6a: {  	_ =	swait.ge [sflag:s23], $0x4000  }
0x6b: {  	[sflag:s23] =	ssyncset.done $0x0  }
0x6c: {  	[sflag:s23] =	ssyncadd.s32 $0xFFFFC000  }
0x6d: {  	[spmem:s2] =	stream.indirect.scatter.add.f32 [tilespmem:s22], [sflag:$0x1], $0x80, s7, s25, $0xb8;
	[tilespmem:$0x1C800] =	vst v63  }
0x6e: {  	_ =	swait.ge [sflag:s23], $0x4000  }
0x6f: {  	[sflag:s23] =	ssyncset.done $0x0  }
0x70: {  	[sflag:s23] =	ssyncadd.s32 $0xFFFFC000  }
0x71: {  	[spmem:s2] =	stream.indirect.scatter.add.f32 [tilespmem:s22], [sflag:$0x1], $0x80, s8, s25, $0xb8;
	[tilespmem:$0x1C800] =	vst v63  }
0x72: {  	_ =	swait.ge [sflag:s23], $0x4000  }
0x73: {  	[sflag:s23] =	ssyncset.done $0x0  }
0x74: {  	[sflag:s23] =	ssyncadd.s32 $0xFFFFC000  }
0x75: {  	[spmem:s2] =	stream.indirect.scatter.add.f32 [tilespmem:s22], [sflag:$0x1], $0x80, s9, s25, $0xb8;
	[tilespmem:$0x1C800] =	vst v63  }
0x76: {  	_ =	swait.ge [sflag:s23], $0x4000  }
0x77: {  	[sflag:s23] =	ssyncset.done $0x0  }
0x78: {  	[sflag:s23] =	ssyncadd.s32 $0xFFFFC000  }
0x79: {  	[spmem:s2] =	stream.indirect.scatter.add.f32 [tilespmem:s22], [sflag:$0x1], $0x80, s10, s25, $0xb8;
	[tilespmem:$0x1C800] =	vst v63  }
0x7a: {  	_ =	swait.ge [sflag:s23], $0x4000  }
0x7b: {  	[sflag:s23] =	ssyncset.done $0x0  }
0x7c: {  	[sflag:s23] =	ssyncadd.s32 $0xFFFFC000  }
0x7d: {  	[spmem:s2] =	stream.indirect.scatter.add.f32 [tilespmem:s22], [sflag:$0x1], $0x80, s11, s25, $0xb8;
	[tilespmem:$0x1C800] =	vst v63  }
0x7e: {  	_ =	swait.ge [sflag:s23], $0x4000  }
0x7f: {  	s13 =	simm.s32 $0x100;
	s14 =	simm.s32 $0x200;
	[sflag:s23] =	ssyncset.done $0x0  }
.LBB2_2:
0x80: {  	s16 =	sadd.s32 s13, s21  }
0x81: {  	[sflag:s23] =	ssyncadd.s32 $0xFFFFC000;
	s13 =	smov.u32 s14;
	s15 =	sadd.s32 $0x100, s14  }
0x82: {  	[tilespmem:s3], [sflag:$0x1] =	stream.linear.gather [hbm4b:s16+s3], $0x800, $0x38;
	[tilespmem:$0x1C800] =	vst v63  }
0x83: {  	p0 =	sne.s32 s14, $0x400;
	_ =	swait.ge [sflag:s23], $0x800  }
0x84: {  	[sflag:s23] =	ssyncset.done $0x0  }
0x85: {  	[sflag:s23] =	ssyncadd.s32 $0xFFFFF800  }
0x86: {  	[spmem:s2] =	stream.indirect.scatter.add.f32 [tilespmem:s22], [sflag:$0x1], $0x80, s3, s25, $0xb8;
	[tilespmem:$0x1C800] =	vst v63  }
0x87: {  	_ =	swait.ge [sflag:s23], $0x4000  }
0x88: {  	[sflag:s23] =	ssyncset.done $0x0  }
0x89: {  	[sflag:s23] =	ssyncadd.s32 $0xFFFFC000  }
0x8a: {  	[spmem:s2] =	stream.indirect.scatter.add.f32 [tilespmem:s22], [sflag:$0x1], $0x80, s25, s25, $0xb8;
	[tilespmem:$0x1C800] =	vst v63  }
0x8b: {  	_ =	swait.ge [sflag:s23], $0x4000  }
0x8c: {  	[sflag:s23] =	ssyncset.done $0x0  }
0x8d: {  	[sflag:s23] =	ssyncadd.s32 $0xFFFFC000  }
0x8e: {  	[spmem:s2] =	stream.indirect.scatter.add.f32 [tilespmem:s22], [sflag:$0x1], $0x80, s26, s25, $0xb8;
	[tilespmem:$0x1C800] =	vst v63  }
0x8f: {  	_ =	swait.ge [sflag:s23], $0x4000  }
0x90: {  	[sflag:s23] =	ssyncset.done $0x0  }
0x91: {  	[sflag:s23] =	ssyncadd.s32 $0xFFFFC000  }
0x92: {  	[spmem:s2] =	stream.indirect.scatter.add.f32 [tilespmem:s22], [sflag:$0x1], $0x80, s28, s25, $0xb8;
	[tilespmem:$0x1C800] =	vst v63  }
0x93: {  	_ =	swait.ge [sflag:s23], $0x4000  }
0x94: {  	[sflag:s23] =	ssyncset.done $0x0  }
0x95: {  	[sflag:s23] =	ssyncadd.s32 $0xFFFFC000  }
0x96: {  	[spmem:s2] =	stream.indirect.scatter.add.f32 [tilespmem:s22], [sflag:$0x1], $0x80, s29, s25, $0xb8;
	[tilespmem:$0x1C800] =	vst v63  }
0x97: {  	_ =	swait.ge [sflag:s23], $0x4000  }
0x98: {  	[sflag:s23] =	ssyncset.done $0x0  }
0x99: {  	[sflag:s23] =	ssyncadd.s32 $0xFFFFC000  }
0x9a: {  	[spmem:s2] =	stream.indirect.scatter.add.f32 [tilespmem:s22], [sflag:$0x1], $0x80, s30, s25, $0xb8;
	[tilespmem:$0x1C800] =	vst v63  }
0x9b: {  	_ =	swait.ge [sflag:s23], $0x4000  }
0x9c: {  	[sflag:s23] =	ssyncset.done $0x0  }
0x9d: {  	[sflag:s23] =	ssyncadd.s32 $0xFFFFC000  }
0x9e: {  	[spmem:s2] =	stream.indirect.scatter.add.f32 [tilespmem:s22], [sflag:$0x1], $0x80, s31, s25, $0xb8;
	[tilespmem:$0x1C800] =	vst v63  }
0x9f: {  	_ =	swait.ge [sflag:s23], $0x4000  }
0xa0: {  	[sflag:s23] =	ssyncset.done $0x0  }
0xa1: {  	[sflag:s23] =	ssyncadd.s32 $0xFFFFC000  }
0xa2: {  	[spmem:s2] =	stream.indirect.scatter.add.f32 [tilespmem:s22], [sflag:$0x1], $0x80, s0, s25, $0xb8;
	[tilespmem:$0x1C800] =	vst v63  }
0xa3: {  	_ =	swait.ge [sflag:s23], $0x4000  }
0xa4: {  	[sflag:s23] =	ssyncset.done $0x0  }
0xa5: {  	[sflag:s23] =	ssyncadd.s32 $0xFFFFC000  }
0xa6: {  	[spmem:s2] =	stream.indirect.scatter.add.f32 [tilespmem:s22], [sflag:$0x1], $0x80, s1, s25, $0xb8;
	[tilespmem:$0x1C800] =	vst v63  }
0xa7: {  	_ =	swait.ge [sflag:s23], $0x4000  }
0xa8: {  	[sflag:s23] =	ssyncset.done $0x0  }
0xa9: {  	[sflag:s23] =	ssyncadd.s32 $0xFFFFC000  }
0xaa: {  	[spmem:s2] =	stream.indirect.scatter.add.f32 [tilespmem:s22], [sflag:$0x1], $0x80, s4, s25, $0xb8;
	[tilespmem:$0x1C800] =	vst v63  }
0xab: {  	_ =	swait.ge [sflag:s23], $0x4000  }
0xac: {  	[sflag:s23] =	ssyncset.done $0x0  }
0xad: {  	[sflag:s23] =	ssyncadd.s32 $0xFFFFC000  }
0xae: {  	[spmem:s2] =	stream.indirect.scatter.add.f32 [tilespmem:s22], [sflag:$0x1], $0x80, s5, s25, $0xb8;
	[tilespmem:$0x1C800] =	vst v63  }
0xaf: {  	_ =	swait.ge [sflag:s23], $0x4000  }
0xb0: {  	[sflag:s23] =	ssyncset.done $0x0  }
0xb1: {  	[sflag:s23] =	ssyncadd.s32 $0xFFFFC000  }
0xb2: {  	[spmem:s2] =	stream.indirect.scatter.add.f32 [tilespmem:s22], [sflag:$0x1], $0x80, s7, s25, $0xb8;
	[tilespmem:$0x1C800] =	vst v63  }
0xb3: {  	_ =	swait.ge [sflag:s23], $0x4000  }
0xb4: {  	[sflag:s23] =	ssyncset.done $0x0  }
0xb5: {  	[sflag:s23] =	ssyncadd.s32 $0xFFFFC000  }
0xb6: {  	[spmem:s2] =	stream.indirect.scatter.add.f32 [tilespmem:s22], [sflag:$0x1], $0x80, s8, s25, $0xb8;
	[tilespmem:$0x1C800] =	vst v63  }
0xb7: {  	_ =	swait.ge [sflag:s23], $0x4000  }
0xb8: {  	[sflag:s23] =	ssyncset.done $0x0  }
0xb9: {  	[sflag:s23] =	ssyncadd.s32 $0xFFFFC000  }
0xba: {  	[spmem:s2] =	stream.indirect.scatter.add.f32 [tilespmem:s22], [sflag:$0x1], $0x80, s9, s25, $0xb8;
	[tilespmem:$0x1C800] =	vst v63  }
0xbb: {  	_ =	swait.ge [sflag:s23], $0x4000  }
0xbc: {  	[sflag:s23] =	ssyncset.done $0x0  }
0xbd: {  	[sflag:s23] =	ssyncadd.s32 $0xFFFFC000  }
0xbe: {  	[spmem:s2] =	stream.indirect.scatter.add.f32 [tilespmem:s22], [sflag:$0x1], $0x80, s10, s25, $0xb8;
	[tilespmem:$0x1C800] =	vst v63  }
0xbf: {  	_ =	swait.ge [sflag:s23], $0x4000  }
.Ltmp0:
0xc0: {  	[sflag:s23] =	ssyncset.done $0x0;
	(pc) =	sbr.rel @p0 .LBB2_2-.Ltmp0, $4  }
0xc1: {  	[sflag:s23] =	ssyncadd.s32 $0xFFFFC000  }
0xc2: {  	[spmem:s2] =	stream.indirect.scatter.add.f32 [tilespmem:s22], [sflag:$0x1], $0x80, s11, s25, $0xb8;
	[tilespmem:$0x1C800] =	vst v63  }
0xc3: {  	_ =	swait.ge [sflag:s23], $0x4000  }
0xc4: {  	s14 =	smov.u32 s15;
	[sflag:s23] =	ssyncset.done $0x0  }
0xc5: {  	s13 =	sadd.s32 s13, s21;
	[sflag:s23] =	ssyncadd.s32 $0xFFFFC000  }
0xc6: {  	[tilespmem:s3], [sflag:$0x1] =	stream.linear.gather [hbm4b:s13+s3], $0x800, $0x38;
	[tilespmem:$0x1C800] =	vst v63  }
0xc7: {  	_ =	swait.ge [sflag:s23], $0x800  }
0xc8: {  	[sflag:s23] =	ssyncset.done $0x0  }
0xc9: {  	[sflag:s23] =	ssyncadd.s32 $0xFFFFF800  }
0xca: {  	[spmem:s2] =	stream.indirect.scatter.add.f32 [tilespmem:s22], [sflag:$0x1], $0x80, s3, s25, $0xb8;
	[tilespmem:$0x1C800] =	vst v63  }
0xcb: {  	_ =	swait.ge [sflag:s23], $0x4000  }
0xcc: {  	[sflag:s23] =	ssyncset.done $0x0  }
0xcd: {  	[sflag:s23] =	ssyncadd.s32 $0xFFFFC000  }
0xce: {  	[spmem:s2] =	stream.indirect.scatter.add.f32 [tilespmem:s22], [sflag:$0x1], $0x80, s25, s25, $0xb8;
	[tilespmem:$0x1C800] =	vst v63  }
0xcf: {  	_ =	swait.ge [sflag:s23], $0x4000  }
0xd0: {  	[sflag:s23] =	ssyncset.done $0x0  }
0xd1: {  	[sflag:s23] =	ssyncadd.s32 $0xFFFFC000  }
0xd2: {  	[spmem:s2] =	stream.indirect.scatter.add.f32 [tilespmem:s22], [sflag:$0x1], $0x80, s26, s25, $0xb8;
	[tilespmem:$0x1C800] =	vst v63  }
0xd3: {  	_ =	swait.ge [sflag:s23], $0x4000  }
0xd4: {  	[sflag:s23] =	ssyncset.done $0x0  }
0xd5: {  	[sflag:s23] =	ssyncadd.s32 $0xFFFFC000  }
0xd6: {  	[spmem:s2] =	stream.indirect.scatter.add.f32 [tilespmem:s22], [sflag:$0x1], $0x80, s28, s25, $0xb8;
	[tilespmem:$0x1C800] =	vst v63  }
0xd7: {  	_ =	swait.ge [sflag:s23], $0x4000  }
0xd8: {  	[sflag:s23] =	ssyncset.done $0x0  }
0xd9: {  	[sflag:s23] =	ssyncadd.s32 $0xFFFFC000  }
0xda: {  	[spmem:s2] =	stream.indirect.scatter.add.f32 [tilespmem:s22], [sflag:$0x1], $0x80, s29, s25, $0xb8;
	[tilespmem:$0x1C800] =	vst v63  }
0xdb: {  	_ =	swait.ge [sflag:s23], $0x4000  }
0xdc: {  	[sflag:s23] =	ssyncset.done $0x0  }
0xdd: {  	[sflag:s23] =	ssyncadd.s32 $0xFFFFC000  }
0xde: {  	[spmem:s2] =	stream.indirect.scatter.add.f32 [tilespmem:s22], [sflag:$0x1], $0x80, s30, s25, $0xb8;
	[tilespmem:$0x1C800] =	vst v63  }
0xdf: {  	_ =	swait.ge [sflag:s23], $0x4000  }
0xe0: {  	[sflag:s23] =	ssyncset.done $0x0  }
0xe1: {  	[sflag:s23] =	ssyncadd.s32 $0xFFFFC000  }
0xe2: {  	[spmem:s2] =	stream.indirect.scatter.add.f32 [tilespmem:s22], [sflag:$0x1], $0x80, s31, s25, $0xb8;
	[tilespmem:$0x1C800] =	vst v63  }
0xe3: {  	_ =	swait.ge [sflag:s23], $0x4000  }
0xe4: {  	[sflag:s23] =	ssyncset.done $0x0  }
0xe5: {  	[sflag:s23] =	ssyncadd.s32 $0xFFFFC000  }
0xe6: {  	[spmem:s2] =	stream.indirect.scatter.add.f32 [tilespmem:s22], [sflag:$0x1], $0x80, s0, s25, $0xb8;
	[tilespmem:$0x1C800] =	vst v63  }
0xe7: {  	_ =	swait.ge [sflag:s23], $0x4000  }
0xe8: {  	[sflag:s23] =	ssyncset.done $0x0  }
0xe9: {  	[sflag:s23] =	ssyncadd.s32 $0xFFFFC000  }
0xea: {  	[spmem:s2] =	stream.indirect.scatter.add.f32 [tilespmem:s22], [sflag:$0x1], $0x80, s1, s25, $0xb8;
	[tilespmem:$0x1C800] =	vst v63  }
0xeb: {  	_ =	swait.ge [sflag:s23], $0x4000  }
0xec: {  	[sflag:s23] =	ssyncset.done $0x0  }
0xed: {  	[sflag:s23] =	ssyncadd.s32 $0xFFFFC000  }
0xee: {  	[spmem:s2] =	stream.indirect.scatter.add.f32 [tilespmem:s22], [sflag:$0x1], $0x80, s4, s25, $0xb8;
	[tilespmem:$0x1C800] =	vst v63  }
0xef: {  	_ =	swait.ge [sflag:s23], $0x4000  }
0xf0: {  	[sflag:s23] =	ssyncset.done $0x0  }
0xf1: {  	[sflag:s23] =	ssyncadd.s32 $0xFFFFC000  }
0xf2: {  	[spmem:s2] =	stream.indirect.scatter.add.f32 [tilespmem:s22], [sflag:$0x1], $0x80, s5, s25, $0xb8;
	[tilespmem:$0x1C800] =	vst v63  }
0xf3: {  	_ =	swait.ge [sflag:s23], $0x4000  }
0xf4: {  	[sflag:s23] =	ssyncset.done $0x0  }
0xf5: {  	[sflag:s23] =	ssyncadd.s32 $0xFFFFC000  }
0xf6: {  	[spmem:s2] =	stream.indirect.scatter.add.f32 [tilespmem:s22], [sflag:$0x1], $0x80, s7, s25, $0xb8;
	[tilespmem:$0x1C800] =	vst v63  }
0xf7: {  	_ =	swait.ge [sflag:s23], $0x4000  }
0xf8: {  	[sflag:s23] =	ssyncset.done $0x0  }
0xf9: {  	[sflag:s23] =	ssyncadd.s32 $0xFFFFC000  }
0xfa: {  	[spmem:s2] =	stream.indirect.scatter.add.f32 [tilespmem:s22], [sflag:$0x1], $0x80, s8, s25, $0xb8;
	[tilespmem:$0x1C800] =	vst v63  }
0xfb: {  	_ =	swait.ge [sflag:s23], $0x4000  }
0xfc: {  	[sflag:s23] =	ssyncset.done $0x0  }
0xfd: {  	[sflag:s23] =	ssyncadd.s32 $0xFFFFC000  }
0xfe: {  	[spmem:s2] =	stream.indirect.scatter.add.f32 [tilespmem:s22], [sflag:$0x1], $0x80, s9, s25, $0xb8;
	[tilespmem:$0x1C800] =	vst v63  }
0xff: {  	_ =	swait.ge [sflag:s23], $0x4000  }
0x100: {  	[sflag:s23] =	ssyncset.done $0x0  }
0x101: {  	[sflag:s23] =	ssyncadd.s32 $0xFFFFC000  }
0x102: {  	[spmem:s2] =	stream.indirect.scatter.add.f32 [tilespmem:s22], [sflag:$0x1], $0x80, s10, s25, $0xb8;
	[tilespmem:$0x1C800] =	vst v63  }
0x103: {  	_ =	swait.ge [sflag:s23], $0x4000  }
0x104: {  	[sflag:s23] =	ssyncset.done $0x0  }
0x105: {  	[sflag:s23] =	ssyncadd.s32 $0xFFFFC000  }
0x106: {  	[spmem:s2] =	stream.indirect.scatter.add.f32 [tilespmem:s22], [sflag:$0x1], $0x80, s11, s25, $0xb8;
	[tilespmem:$0x1C800] =	vst v63  }
0x107: {  	_ =	swait.ge [sflag:s23], $0x4000  }
0x108: {  	[sflag:s23] =	ssyncset.done $0x0  }
0x109: {  	[sflag:s23] =	ssyncadd.s32 $0xFFFFC000  }
0x10a: {  	[bflag:$0x0] =	sbarrier.arrive $0xFFFF  }
0x10b: {  	[tilespmem:s24], [sflag:$0x1] =	stream.linear.gather [spmem:s6], $0x4000, $0x38;
	[tilespmem:$0x1C800] =	vst v63  }
0x10c: {  	_ =	swait.ge [sflag:s23], $0x4000  }
0x10d: {  	[sflag:s23] =	ssyncset.done $0x0  }
0x10e: {  	s14 =	rddreg [dreg:$0xb];
	[sflag:s23] =	ssyncadd.s32 $0xFFFFC000  }
0x10f: {  	[hbm4b:s14+s3] =	stream.linear.scatter [tilespmem:s24], [sflag:$0x1], $0x4000, $0x38;
	[tilespmem:$0x1C800] =	vst v63  }
0x110: {  	_ =	swait.ge [sflag:s23], $0x4000  }
0x111: {  	[sflag:s23] =	ssyncset.done $0x0  }
0x112: {  	s15 =	rddreg [dreg:$0xc];
	[sflag:s23] =	ssyncadd.s32 $0xFFFFC000  }
0x113: {  	[tilespmem:s24], [sflag:$0x1] =	stream.linear.gather [spmem:s15], $0x4000, $0x38;
	[tilespmem:$0x1C800] =	vst v63  }
0x114: {  	_ =	swait.ge [sflag:s23], $0x4000  }
0x115: {  	[sflag:s23] =	ssyncset.done $0x0  }
0x116: {  	s16 =	rddreg [dreg:$0xd];
	[sflag:s23] =	ssyncadd.s32 $0xFFFFC000  }
0x117: {  	[hbm4b:s16+s3] =	stream.linear.scatter [tilespmem:s24], [sflag:$0x1], $0x4000, $0x38;
	[tilespmem:$0x1C800] =	vst v63  }
0x118: {  	_ =	swait.ge [sflag:s23], $0x4000  }
0x119: {  	[sflag:s23] =	ssyncset.done $0x0  }
0x11a: {  	s14 =	rddreg [dreg:$0xe];
	[sflag:s23] =	ssyncadd.s32 $0xFFFFC000  }
0x11b: {  	[tilespmem:s24], [sflag:$0x1] =	stream.linear.gather [spmem:s14], $0x4000, $0x38;
	[tilespmem:$0x1C800] =	vst v63  }
0x11c: {  	_ =	swait.ge [sflag:s23], $0x4000  }
0x11d: {  	[sflag:s23] =	ssyncset.done $0x0  }
0x11e: {  	s15 =	rddreg [dreg:$0xf];
	[sflag:s23] =	ssyncadd.s32 $0xFFFFC000  }
0x11f: {  	[hbm4b:s15+s3] =	stream.linear.scatter [tilespmem:s24], [sflag:$0x1], $0x4000, $0x38;
	[tilespmem:$0x1C800] =	vst v63  }
0x120: {  	_ =	swait.ge [sflag:s23], $0x4000  }
0x121: {  	[sflag:s23] =	ssyncset.done $0x0  }
0x122: {  	[sflag:s23] =	ssyncadd.s32 $0xFFFFC000  }
0x123: {  	[tilespmem:s24], [sflag:$0x1] =	stream.linear.gather [spmem:s17], $0x4000, $0x38;
	[tilespmem:$0x1C800] =	vst v63  }
0x124: {  	_ =	swait.ge [sflag:s23], $0x4000  }
0x125: {  	[sflag:s23] =	ssyncset.done $0x0  }
0x126: {  	[sflag:s23] =	ssyncadd.s32 $0xFFFFC000  }
0x127: {  	[hbm4b:s18+s3] =	stream.linear.scatter [tilespmem:s24], [sflag:$0x1], $0x4000, $0x38;
	[tilespmem:$0x1C800] =	vst v63  }
0x128: {  	_ =	swait.ge [sflag:s23], $0x4000  }
0x129: {  	[sflag:s23] =	ssyncset.done $0x0  }
0x12a: {  	[sflag:s23] =	ssyncadd.s32 $0xFFFFC000  }
0x12b: {  	[tilespmem:s24], [sflag:$0x1] =	stream.linear.gather [spmem:s19], $0x4000, $0x38;
	[tilespmem:$0x1C800] =	vst v63  }
0x12c: {  	_ =	swait.ge [sflag:s23], $0x4000  }
0x12d: {  	[sflag:s23] =	ssyncset.done $0x0  }
0x12e: {  	[sflag:s23] =	ssyncadd.s32 $0xFFFFC000  }
0x12f: {  	[hbm4b:s20+s3] =	stream.linear.scatter [tilespmem:s24], [sflag:$0x1], $0x4000, $0x38;
	[tilespmem:$0x1C800] =	vst v63  }
0x130: {  	_ =	swait.ge [sflag:s23], $0x4000  }
0x131: {  	s12 =	sadd.s32 $0x1, s12;
	s16 =	rddreg [dreg:$0xa]  }
0x132: {  	p0 =	sne.s32 s12, s16  }
.Ltmp1:
0x133: {  	_ = 	snop;
	(pc) =	sbr.rel @p0 .LBB2_1-.Ltmp1, $3  }
0x134: {  	_ =	sdelay $0x1  }
0x135: {  	[sflag:s23] =	ssyncset.done $0x0  }
0x136: {  	[sflag:s23] =	ssyncadd.s32 $0xFFFFC000  }
0x137: {  	_ =	sfence.sel $0x180000  }
0x138: {  	[bflag:$0x0] =	sbarrier.arrive $0xFFFF  }
0x139: {  	_ =	strace $0x90000047  }
0x13a: {  	s0 =	stileid.u32;
	[bflag:$0x2] =	sbarrier.arrive $0xFFFF  }
0x13b: {  	p0 =	sne.s32 s0, $0x0;
	s0 =	rddreg [dreg:$0x3]  }
0x13c: {  	s0 =	sadd.s32 @!p0 $0x100000, s0  }
0x13d: {  	[sflag:s0] =	ssyncadd.tile.s32 @!p0 $0x1;
	_ =	shalt  }
.Lfunc_end2:
_tile_overlayer_lowered:
.L_overlay_start_2:
0x13e: {  	(tag) =	ssettag $0x2  }
0x13f: {  	s0 =	rddreg [dreg:$0x0];
	s2 =	stileid.u32  }
0x140: {  	s1 =	rddreg [dreg:$0x1];
	p0 =	sne.s32 s2, $0x0  }
0x141: {  	s3 =	rddreg [dreg:$0x2];
	[bflag:$0x3] =	sbarrier.arrive $0xFFFF;
	s2 =	simm.s32 @!p0 $0x1C01  }
0x142: {  	[timem:s3], [sflag:s2] =	dma.local @!p0 [hbm:s0], s1  }
0x143: {  	s0 =	simm.s32 @!p0 $0x1  }
0x144: {  	_ =	swait.ge @!p0 [sflag:s0], s1  }
0x145: {  	s1 =	ssub.s32 @!p0 $0x0, s1;
	[sflag:s0] =	ssyncset.done @!p0 $0x0  }
0x146: {  	[sflag:s0] =	ssyncadd.s32 @!p0 s1  }
0x147: {  	[bflag:$0x3] =	sbarrier.arrive $0xFFFF  }
0x148: {  	_ =	shalt  }

// kernel: kernel.13.cloned.1.call-start
scs
__scs_entry_jumppad:
0x0: {  	(pc) =	sbr.rel $0x88, $3  }
0x1: {  	(tag) =	ssettag $0x0;
	lr =	simm.s32 $0x1  }
0x2: {  	[smem:$0x3F99] =	sst lr;
	_ =	strace $0xD0000000  }
0x3: {  	_ = 	snop  }
0x4: {  	_ = 	snop  }
0x5: {  	_ = 	snop  }
0x6: {  	_ = 	snop  }
0x7: {  	_ = 	snop  }
__scs_overlays_trampoline_lowered:
0x8: {  	[smem:$0x3FA8] =	sst s0  }
0x9: {  	[smem:$0x3FA9] =	sst s1  }
0xa: {  	[smem:$0x3FAA] =	sst s2  }
0xb: {  	[smem:$0x3FAB] =	sst s3  }
0xc: {  	[smem:$0x3FAC] =	sst s4  }
0xd: {  	[smem:$0x3FAD] =	sst s5  }
0xe: {  	[smem:$0x3FAE] =	sst s6  }
0xf: {  	[smem:$0x3FAF] =	sst s7  }
0x10: {  	[smem:$0x3FB0] =	sst s8  }
0x11: {  	[smem:$0x3FB1] =	sst s9;
	s0 =	simm.s32 @!p0 $0x0  }
0x12: {  	s1 =	sld [smem:$0x3F97];
	s0 =	simm.s32 @p0 $0x1  }
0x13: {  	[smem:$0x3FB2] =	sst s0;
	s0 =	simm.s32 @!p1 $0x0  }
0x14: {  	s2 =	sld [smem:$0x3F96];
	s0 =	simm.s32 @p1 $0x1  }
0x15: {  	[smem:$0x3FB3] =	sst s0;
	s0 =	simm.s32 @!p2 $0x0  }
0x16: {  	s3 =	sld [smem:$0x3FDB];
	s0 =	simm.s32 @p2 $0x1  }
0x17: {  	s4 =	simm.s32 $0x1BF5;
	[smem:$0x3FB5] =	sst s0  }
0x18: {  	s0 =	sld [smem:$0x3F98];
	_ =	swait.ge [sflag:s4], $0x0  }
0x19: {  	s7 =	sld [smem:$0x3F99]  }
0x1a: {  	s8 =	sadd.s32 $0xFFFFE003, lr  }
0x1b: {  	s9 =	sadd.s32 $0xFFFFFEF7, lr;
	s5 =	simm.s32 $0xFFFFFFFF;
	p2 =	slt.u32 s8, $0xFFFFF086  }
0x1c: {  	p1 =	slt.u32 s9, $0xF7A;
	s5 =	simm.s32 @!p2 $0x0  }
0x1d: {  	s5 =	simm.s32 @p1 $0x1;
	p0 =	seq.s32 s7, s2  }
0x1e: {  	s7 =	smul.u32 @!p0 $0xF7A, s2;
	p2 =	seq.s32 @!p0 s5, $0x0  }
0x1f: {  	s9 =	smul.u32 $0xF7A, s1;
	s8 =	simm.s32 @!p0 $0x1BF5;
	p2 =	por !p2, p0  }
0x20: {  	[sflag:s8] =	ssyncset.s32 @!p0 $0xFFFFF086;
	s6 =	sadd.s32 @!p0 s3, s7;
	s7 =	simm.s32 @!p0 $0x108  }
0x21: {  	s3 =	sadd.s32 s3, s9;
	s6 =	sadd.s32 @!p0 $0x88, s6;
	s7 =	simm.s32 @p2 $0x1082  }
0x22: {  	[simem:s7], [sflag:s8] =	dma.local @!p0 [hbm:s6], $0xF7A  }
0x23: {  	s9 =	sor.u32 $0xD0000000, s2;
	s6 =	simm.s32 $0x108;
	_ =	swait.ge @!p0 [sflag:s8], $0x0  }
0x24: {  	s3 =	sadd.s32 $0x88, s3;
	s6 =	simm.s32 @!p1 $0x1082;
	[sflag:s4] =	ssyncset.s32 $0xFFFFF086  }
0x25: {  	[simem:s6], [sflag:s4] =	dma.local [hbm:s3], $0xF7A  }
0x26: {  	[smem:$0x3F99] =	sst s1;
	(tag) =	ssettag s2;
	_ =	strace s9  }
0x27: {  	s1 =	sld [smem:$0x3FA9]  }
0x28: {  	s2 =	sld [smem:$0x3FAA]  }
0x29: {  	s4 =	sld [smem:$0x3FAC]  }
0x2a: {  	p0 =	seq.s32 s5, $0x0;
	s5 =	sld [smem:$0x3FAD]  }
0x2b: {  	s6 =	sld [smem:$0x3FAE]  }
0x2c: {  	s7 =	sld [smem:$0x3FAF]  }
0x2d: {  	s3 =	simm.s32 $0x108;
	s8 =	sld [smem:$0x3FB0]  }
0x2e: {  	s3 =	simm.s32 @!p0 $0x1082;
	s9 =	sld [smem:$0x3FB1]  }
0x2f: {  	lr =	sadd.s32 s0, s3;
	s0 =	sld [smem:$0x3FA8]  }
0x30: {  	s3 =	sld [smem:$0x3FAB]  }
0x31: {  	[smem:$0x3FB4] =	sst s10  }
0x32: {  	s10 =	sld [smem:$0x3FB2];
	_ =	sdelay $0x3  }
0x33: {  	p0 =	seq.s32 s10, $0x1;
	s10 =	sld [smem:$0x3FB4];
	_ =	sdelay $0x3  }
0x34: {  	[smem:$0x3FB4] =	sst s10  }
0x35: {  	s10 =	sld [smem:$0x3FB3];
	_ =	sdelay $0x3  }
0x36: {  	p1 =	seq.s32 s10, $0x1;
	s10 =	sld [smem:$0x3FB4];
	_ =	sdelay $0x3  }
0x37: {  	[smem:$0x3FB4] =	sst s10  }
0x38: {  	s10 =	sld [smem:$0x3FB5]  }
0x39: {  	_ = 	snop;
	(pc) =	sbr.ind lr, $3  }
0x3a: {  	_ = 	snop  }
0x3b: {  	_ = 	snop  }
0x3c: {  	p2 =	seq.s32 s10, $0x1;
	s10 =	sld [smem:$0x3FB4]  }
0x3d: {  	_ =	shalt  }
0x3e: {  	_ =	shalt  }
0x3f: {  	_ =	shalt  }
0x40: {  	_ =	shalt  }
0x41: {  	_ =	shalt  }
0x42: {  	_ =	shalt  }
0x43: {  	_ =	shalt  }
0x44: {  	_ =	shalt  }
0x45: {  	_ =	shalt  }
0x46: {  	_ =	shalt  }
0x47: {  	_ =	shalt  }
0x48: {  	_ =	shalt  }
0x49: {  	_ =	shalt  }
0x4a: {  	_ =	shalt  }
0x4b: {  	_ =	shalt  }
0x4c: {  	_ =	shalt  }
0x4d: {  	_ =	shalt  }
0x4e: {  	_ =	shalt  }
0x4f: {  	_ =	shalt  }
0x50: {  	_ =	shalt  }
0x51: {  	_ =	shalt  }
0x52: {  	_ =	shalt  }
0x53: {  	_ =	shalt  }
0x54: {  	_ =	shalt  }
0x55: {  	_ =	shalt  }
0x56: {  	_ =	shalt  }
0x57: {  	_ =	shalt  }
0x58: {  	_ =	shalt  }
0x59: {  	_ =	shalt  }
0x5a: {  	_ =	shalt  }
0x5b: {  	_ =	shalt  }
0x5c: {  	_ =	shalt  }
0x5d: {  	_ =	shalt  }
0x5e: {  	_ =	shalt  }
0x5f: {  	_ =	shalt  }
0x60: {  	_ =	shalt  }
0x61: {  	_ =	shalt  }
0x62: {  	_ =	shalt  }
0x63: {  	_ =	shalt  }
0x64: {  	_ =	shalt  }
0x65: {  	_ =	shalt  }
0x66: {  	_ =	shalt  }
0x67: {  	_ =	shalt  }
0x68: {  	_ =	shalt  }
0x69: {  	_ =	shalt  }
0x6a: {  	_ =	shalt  }
0x6b: {  	_ =	shalt  }
0x6c: {  	_ =	shalt  }
0x6d: {  	_ =	shalt  }
0x6e: {  	_ =	shalt  }
0x6f: {  	_ =	shalt  }
0x70: {  	_ =	shalt  }
0x71: {  	_ =	shalt  }
0x72: {  	_ =	shalt  }
0x73: {  	_ =	shalt  }
0x74: {  	_ =	shalt  }
0x75: {  	_ =	shalt  }
0x76: {  	_ =	shalt  }
0x77: {  	_ =	shalt  }
0x78: {  	_ =	shalt  }
0x79: {  	_ =	shalt  }
0x7a: {  	_ =	shalt  }
0x7b: {  	_ =	shalt  }
0x7c: {  	_ =	shalt  }
0x7d: {  	_ =	shalt  }
0x7e: {  	_ =	shalt  }
0x7f: {  	_ =	shalt  }
0x80: {  	_ =	shalt  }
0x81: {  	_ =	shalt  }
0x82: {  	_ =	shalt  }
0x83: {  	_ =	shalt  }
0x84: {  	_ =	shalt  }
0x85: {  	_ =	shalt  }
0x86: {  	_ =	shalt  }
0x87: {  	_ =	shalt  }
.Lfunc_end0:
.L_simem_size_0:
called_computation.1_lowered:
.L_overlay_start_0:
0x88: {  	s2 =	sld [smem:$0x3FD9]  }
0x89: {  	s3 =	sld [smem:$0x3FFE];
	_ =	sdelay $0x1  }
0x8a: {  	s1 =	srdreg.scid  }
0x8b: {  	s0 =	sand.u32 $0x1, s1  }
0x8c: {  	s16 =	sshll.u32 s0, $0xA;
	s2 =	sadd.s32 s3, s2  }
0x8d: {  	s2 =	sadd.s32 s2, s16  }
0x8e: {  	[smem:$0x3FC0] =	sst s2  }
0x8f: {  	_ = 	snop  }
0x90: {  	(tm) =	ssettm $0x1  }
0x91: {  	s17 =	sld [smem:$0x3FFB];
	_ =	sdelay $0x3  }
0x92: {  	_ =	strace s17  }
0x93: {  	s2 =	sld [smem:$0x3FFC];
	_ =	sdelay $0x3  }
0x94: {  	_ =	strace s2  }
0x95: {  	s2 =	sld [smem:$0x3FFD];
	_ =	sdelay $0x3  }
0x96: {  	_ =	strace s2  }
0x97: {  	_ =	strace $0x8FFFFFFF  }
0x98: {  	s18 =	sld [smem:$0x3FDB];
	_ =	sdelay $0x1  }
0x99: {  	s19 =	simm.s32 $_scs_section_size  }
0x9a: {  	s4 =	simm.s32 $_size__tile_overlayer_lowered;
	s5 =	simm.s32 $_tile_overlayer_lowered  }
0x9b: {  	s22 =	simm.s32 $0x1BFF;
	s21 =	sshll.u32 s5, $0x1;
	s2 =	sadd.s32 s19, s18  }
0x9c: {  	s6 =	simm.s32 $0x0;
	s20 =	sshll.u32 s4, $0x1;
	s4 =	sadd.s32 s21, s2  }
0x9d: {  	[timem:s6], [sflag:s22] =	dma.local [hbm:s4], s20  }
0x9e: {  	_ =	swait.ge [sflag:s22], s20  }
0x9f: {  	s3 =	ssub.s32 $0x0, s20;
	[sflag:s22] =	ssyncset.done $0x0  }
0xa0: {  	[sflag:s22] =	ssyncadd.s32 s3;
	_ =	sdelay $0x1  }
0xa1: {  	s23 =	simm.s32 $0x1B8B  }
0xa2: {  	_ =	swait.ge [sflag:s23], $0x1  }
0xa3: {  	[sflag:s23] =	ssyncset.done $0x0  }
0xa4: {  	s25 =	simm.s32 $0x1B8E;
	s24 =	sld [smem:$0x3FFE];
	[sflag:s23] =	ssyncadd.s32 $0xFFFFFFFF  }
0xa5: {  	s26 =	simm.s32 $execute0_lowered;
	[smem:$0x3FD2] =	sst s25  }
0xa6: {  	s4 =	sshll.u32 s26, $0x1;
	_ =	strace $0x80000049;
	[dreg:$0x1] =	wrdreg $0xFFFFFFFF  }
0xa7: {  	s28 =	simm.s32 $_size_execute0_lowered;
	s2 =	sadd.s32 s2, s4;
	[dreg:$0x0] =	wrdreg $0x0  }
0xa8: {  	s4 =	sshll.u32 s28, $0x1;
	[dreg:$0x2] =	wrdreg s2  }
0xa9: {  	[dreg:$0x3] =	wrdreg s4  }
0xaa: {  	[dreg:$0x4] =	wrdreg $0xC0  }
0xab: {  	_ =	task [dreg:s6], $0x5FFFF  }
0xac: {  	[dreg:$0x1] =	wrdreg $0xFFFFFFFF  }
0xad: {  	[dreg:$0x0] =	wrdreg $0x60  }
0xae: {  	[dreg:$0x2] =	wrdreg s24  }
0xaf: {  	[dreg:$0x3] =	wrdreg $0x90000  }
0xb0: {  	[dreg:$0x4] =	wrdreg $0x9  }
0xb1: {  	_ =	task.clear_ibuf [dreg:s6], $0x5FFFF;
	_ =	strace $0x90000049  }
0xb2: {  	s29 =	simm.s32 $0x9;
	_ =	strace $0x8000004B  }
0xb3: {  	_ =	swait.ge [sflag:s29], $0x1  }
0xb4: {  	[sflag:s29] =	ssyncadd.s32 $0xFFFFFFFF  }
0xb5: {  	_ =	strace $0x9000004B  }
0xb6: {  	_ =	sfence  }
0xb7: {  	s30 =	sld [smem:$0x0];
	_ =	sdelay $0x2  }
0xb8: {  	s31 =	sshll.u32 s1, $0xD;
	s1 =	sshrl.u32 s1, $0x2  }
0xb9: {  	s3 =	sand.u32 $0x4000, s31;
	s1 =	sadd.s32 s1, s30  }
0xba: {  	s0 =	sor.u32 s3, s0;
	s1 =	sshll.u32 s1, $0x11  }
0xbb: {  	s0 =	sor.u32 s1, s0  }
0xbc: {  	s0 =	sadd.s32 $0x8F2B, s0  }
0xbd: {  	[sflag:s0] =	ssyncadd.remote.s32 $0x1  }
0xbe: {  	_ =	sfence.sel $0xFFFF  }
0xbf: {  	[dreg:$0x0] =	wrdreg $0xFFFFFFFF;
	(pc) =	sbr.abs _section_cstart, $3  }
0xc0: {  	[dreg:$0x1] =	wrdreg $0xFFFFFFFF  }
0xc1: {  	_ =	task.clear_ibuf [dreg:s6], $0x2FFFF;
	_ =	strace $0x9FFFFFFF  }
0xc2: {  	(tm) =	ssettm $0x7FFFFFFF  }
0xc3: {  	_ =	shalt  }
tec
execute0_lowered:
.L_overlay_start_1:
0x0: {  	(tag) =	ssettag $0x1  }
0x1: {  	s0 =	srdreg.scid;
	s1 =	rddreg [dreg:$0x0]  }
0x2: {  	s9 =	stileid.u32;
	s2 =	rddreg [dreg:$0x1]  }
0x3: {  	s3 =	simm.s32 $0x0;
	s12 =	simm.s32 $0x100;
	s14 =	simm.s32 $0x880  }
0x4: {  	s15 =	simm.s32 $0x180;
	s28 =	simm.s32 $0x2;
	s29 =	simm.s32 $0x400  }
0x5: {  	s30 =	simm.s32 $0xB80;
	[smem:$0x7FF] =	sst s3;
	s7 =	sadd.s32 $0x1E00, s1  }
0x6: {  	s5 =	smul.u32 $0x2800, s9;
	_ =	strace $0x8000004A;
	[dreg:$0x11] =	wrdreg s7  }
0x7: {  	s0 =	sand.u32 $0x1, s0;
	s6 =	smul.u32 $0x50000, s9;
	[dreg:$0x5] =	wrdreg s12  }
0x8: {  	s31 =	simm.s32 $0x480;
	s4 =	smul.u32 $0x28000, s0;
	[dreg:$0x6] =	wrdreg s14  }
0x9: {  	s16 =	ssub.s32 $0x2, s0;
	s0 =	smul.u32 $0x140000, s0;
	[dreg:$0x7] =	wrdreg s15  }
0xa: {  	s12 =	simm.s32 $0xE00;
	s14 =	simm.s32 $0xE80;
	s15 =	simm.s32 $0x780  }
0xb: {  	s8 =	sshrl.u32 s16, $0x1;
	s6 =	sshrl.u32 s6, $0x2;
	s4 =	sadd.s32 s5, s4  }
0xc: {  	s7 =	ssub.s32 s16, s8;
	s18 =	sadd.s32 s6, s2;
	s16 =	simm.s32 $0x900  }
0xd: {  	s6 =	smul.u32 $0x14000, s9;
	s5 =	sshrl.u32 s4, $0x3;
	[dreg:$0x8] =	wrdreg s16  }
0xe: {  	s4 =	sadd.s32 $0x2600, s1;
	s17 =	sadd.s32 $0x4000, s18;
	[dreg:$0x12] =	wrdreg s18  }
0xf: {  	s19 =	sadd.s32 $0x8000, s18;
	s20 =	sadd.s32 $0xC000, s18;
	[dreg:$0x13] =	wrdreg s17  }
0x10: {  	s21 =	sadd.s32 $0x10000, s18;
	s7 =	smax.u32 s7, $0x1;
	[dreg:$0x14] =	wrdreg s19  }
0x11: {  	s16 =	simm.s32 $0xF00;
	s5 =	sadd.s32 s5, s1;
	[dreg:$0x15] =	wrdreg s20  }
0x12: {  	s1 =	sadd.s32 $0x66E00, s1;
	[dreg:$0x16] =	wrdreg s21;
	s22 =	sadd.s32 s0, s6  }
0x13: {  	s9 =	sadd.s32 $0x4000, s6;
	[dreg:$0x17] =	wrdreg s7;
	s17 =	simm.s32 $0x200  }
0x14: {  	s26 =	sadd.s32 $0x8000, s6;
	s19 =	simm.s32 $0x980;
	[dreg:$0x9] =	wrdreg s17  }
0x15: {  	s11 =	sadd.s32 $0xC000, s6;
	s21 =	simm.s32 $0x280;
	[dreg:$0xa] =	wrdreg s19  }
0x16: {  	s24 =	sadd.s32 s0, s9;
	s9 =	sadd.s32 s9, s2;
	[dreg:$0xb] =	wrdreg s21  }
0x17: {  	s6 =	sadd.s32 $0x10000, s6;
	s8 =	sadd.s32 s26, s2;
	[dreg:$0x19] =	wrdreg s9  }
0x18: {  	s23 =	sshrl.u32 s22, $0x3;
	s10 =	sadd.s32 $0x5CE00, s5;
	[dreg:$0x1b] =	wrdreg s8  }
0x19: {  	s5 =	sadd.s32 $0x52E00, s5;
	s13 =	sadd.s32 s11, s2;
	[dreg:$0x3] =	wrdreg s10  }
0x1a: {  	s20 =	sadd.s32 s6, s2;
	s22 =	simm.s32 $0xA00;
	[dreg:$0x4] =	wrdreg s5  }
0x1b: {  	s21 =	simm.s32 $0x1000;
	s17 =	simm.s32 $0xF80;
	[dreg:$0x1d] =	wrdreg s13  }
0x1c: {  	s19 =	simm.s32 $0x0;
	s7 =	sadd.s32 s1, s23;
	[dreg:$0x1f] =	wrdreg s20  }
0x1d: {  	s25 =	sshrl.u32 s24, $0x3;
	s9 =	sadd.s32 s0, s26;
	[dreg:$0xc] =	wrdreg s22  }
0x1e: {  	s23 =	simm.s32 $0x300;
	s24 =	simm.s32 $0xA80;
	s22 =	simm.s32 $0x3  }
0x1f: {  	s26 =	simm.s32 $0xB00;
	s5 =	simm.s32 $0xC80;
	[dreg:$0x18] =	wrdreg s7  }
0x20: {  	s8 =	simm.s32 $0xD00;
	s10 =	simm.s32 $0xD80;
	[dreg:$0xd] =	wrdreg s23  }
0x21: {  	s13 =	simm.s32 $0x700;
	s7 =	sadd.s32 s1, s25;
	[dreg:$0xe] =	wrdreg s24  }
0x22: {  	s25 =	simm.s32 $0x380;
	s23 =	simm.s32 $0x800;
	[dreg:$0x10] =	wrdreg s26  }
0x23: {  	s24 =	simm.s32 $0x80;
	[dreg:$0x1a] =	wrdreg s7;
	s7 =	sshrl.u32 s9, $0x3  }
0x24: {  	s26 =	simm.s32 $0x1;
	[dreg:$0xf] =	wrdreg s25;
	s7 =	sadd.s32 s1, s7  }
0x25: {  	s25 =	simm.s32 $0x5000;
	[dreg:$0x1c] =	wrdreg s7;
	s7 =	sadd.s32 s0, s11  }
0x26: {  	s9 =	simm.s32 $0x600;
	s0 =	sadd.s32 s0, s6;
	s7 =	sshrl.u32 s7, $0x3  }
0x27: {  	s11 =	simm.s32 $0x680;
	s0 =	sshrl.u32 s0, $0x3;
	s7 =	sadd.s32 s1, s7  }
0x28: {  	s0 =	sadd.s32 s1, s0;
	s1 =	simm.s32 $0xC00;
	[dreg:$0x1e] =	wrdreg s7  }
0x29: {  	[smem:$0x7FD] =	sst s0;
	s0 =	simm.s32 $0x500;
	s7 =	simm.s32 $0x580  }
.LBB2_1:
0x2a: {  	[smem:$0x7FC] =	sst s19  }
0x2b: {  	s6 =	rddreg [dreg:$0x11]  }
0x2c: {  	[tilespmem:s21], [sflag:$0x3] =	stream.linear.gather [hbm4b:s6+s3], $0x4000, $0x38;
	[tilespmem:$0x1D000] =	vst v63  }
0x2d: {  	_ =	swait.ge [sflag:s22], $0x4000  }
0x2e: {  	[sflag:s22] =	ssyncset.done $0x0  }
0x2f: {  	[sflag:s22] =	ssyncadd.s32 $0xFFFFC000  }
0x30: {  	[spmem:s18] =	stream.linear.scatter [tilespmem:s21], [sflag:$0x3], $0x4000, $0x38;
	[tilespmem:$0x1D000] =	vst v63  }
0x31: {  	_ =	swait.ge [sflag:s22], $0x4000  }
0x32: {  	[sflag:s22] =	ssyncset.done $0x0  }
0x33: {  	s18 =	rddreg [dreg:$0x13];
	[sflag:s22] =	ssyncadd.s32 $0xFFFFC000  }
0x34: {  	[spmem:s18] =	stream.linear.scatter [tilespmem:s21], [sflag:$0x3], $0x4000, $0x38;
	[tilespmem:$0x1D000] =	vst v63  }
0x35: {  	_ =	swait.ge [sflag:s22], $0x4000  }
0x36: {  	[sflag:s22] =	ssyncset.done $0x0  }
0x37: {  	s19 =	rddreg [dreg:$0x14];
	[sflag:s22] =	ssyncadd.s32 $0xFFFFC000  }
0x38: {  	[spmem:s19] =	stream.linear.scatter [tilespmem:s21], [sflag:$0x3], $0x4000, $0x38;
	[tilespmem:$0x1D000] =	vst v63  }
0x39: {  	_ =	swait.ge [sflag:s22], $0x4000  }
0x3a: {  	[sflag:s22] =	ssyncset.done $0x0  }
0x3b: {  	s20 =	rddreg [dreg:$0x15];
	[sflag:s22] =	ssyncadd.s32 $0xFFFFC000  }
0x3c: {  	[spmem:s20] =	stream.linear.scatter [tilespmem:s21], [sflag:$0x3], $0x4000, $0x38;
	[tilespmem:$0x1D000] =	vst v63  }
0x3d: {  	_ =	swait.ge [sflag:s22], $0x4000  }
0x3e: {  	[sflag:s22] =	ssyncset.done $0x0  }
0x3f: {  	s18 =	rddreg [dreg:$0x16];
	[sflag:s22] =	ssyncadd.s32 $0xFFFFC000  }
0x40: {  	[spmem:s18] =	stream.linear.scatter [tilespmem:s21], [sflag:$0x3], $0x4000, $0x38;
	[tilespmem:$0x1D000] =	vst v63  }
0x41: {  	_ =	swait.ge [sflag:s22], $0x4000  }
0x42: {  	[sflag:s22] =	ssyncset.done $0x0  }
0x43: {  	[sflag:s22] =	ssyncadd.s32 $0xFFFFC000  }
0x44: {  	[bflag:$0x0] =	sbarrier.arrive $0xFFFF  }
0x45: {  	s19 =	rddreg [dreg:$0x4]  }
0x46: {  	s6 =	sadd.s32 $0x0, s19  }
0x47: {  	[tilespmem:s3], [sflag:$0x3] =	stream.linear.gather [hbm4b:s6+s3], $0x800, $0x38;
	[tilespmem:$0x1D000] =	vst v63  }
0x48: {  	_ =	swait.ge [sflag:s22], $0x800  }
0x49: {  	s20 =	rddreg [dreg:$0x3];
	[sflag:s22] =	ssyncset.done $0x0  }
0x4a: {  	[sflag:s22] =	ssyncadd.s32 $0xFFFFF800;
	s6 =	sadd.s32 $0x0, s20  }
0x4b: {  	[tilespmem:s23], [sflag:$0x3] =	stream.linear.gather [hbm4b:s6+s3], $0x800, $0x38;
	[tilespmem:$0x1D000] =	vst v63  }
0x4c: {  	_ =	swait.ge [sflag:s22], $0x800  }
0x4d: {  	[sflag:s22] =	ssyncset.done $0x0  }
0x4e: {  	[sflag:s22] =	ssyncadd.s32 $0xFFFFF800  }
0x4f: {  	[tilespmem:s21], [sflag:$0x1] =	stream.indirect.gather [hbm4b:s4+s24], $0x80, s3, s24, $0xb8;
	[tilespmem:$0x1D000] =	vst v63  }
0x50: {  	_ = 	snop  }
0x51: {  	[tilespmem:s25], [sflag:$0x2] =	stream.indirect.gather [hbm4b:s4+s24], $0x80, s24, s24, $0xb8;
	[tilespmem:$0x1D000] =	vst v63  }
0x52: {  	_ =	swait.ge [sflag:s26], $0x4000  }
0x53: {  	[sflag:s26] =	ssyncset.done $0x0  }
0x54: {  	[sflag:s26] =	ssyncadd.s32 $0xFFFFC000  }
0x55: {  	[spmem:s2] =	stream.indirect.scatter.add.f32 [tilespmem:s21], [sflag:$0x3], $0x80, s23, s24, $0xb8;
	[tilespmem:$0x1D000] =	vst v63  }
0x56: {  	_ =	swait.ge [sflag:s22], $0x4000  }
0x57: {  	[sflag:s22] =	ssyncset.done $0x0  }
0x58: {  	s18 =	rddreg [dreg:$0x5];
	[sflag:s22] =	ssyncadd.s32 $0xFFFFC000  }
0x59: {  	[tilespmem:s21], [sflag:$0x1] =	stream.indirect.gather [hbm4b:s4+s24], $0x80, s18, s24, $0xb8;
	[tilespmem:$0x1D000] =	vst v63  }
0x5a: {  	_ =	swait.ge [sflag:s28], $0x4000  }
0x5b: {  	[sflag:s28] =	ssyncset.done $0x0  }
0x5c: {  	s19 =	rddreg [dreg:$0x6];
	[sflag:s28] =	ssyncadd.s32 $0xFFFFC000  }
0x5d: {  	[spmem:s2] =	stream.indirect.scatter.add.f32 [tilespmem:s25], [sflag:$0x3], $0x80, s19, s24, $0xb8;
	[tilespmem:$0x1D000] =	vst v63  }
0x5e: {  	_ =	swait.ge [sflag:s22], $0x4000  }
0x5f: {  	[sflag:s22] =	ssyncset.done $0x0  }
0x60: {  	s20 =	rddreg [dreg:$0x7];
	[sflag:s22] =	ssyncadd.s32 $0xFFFFC000  }
0x61: {  	[tilespmem:s25], [sflag:$0x2] =	stream.indirect.gather [hbm4b:s4+s24], $0x80, s20, s24, $0xb8;
	[tilespmem:$0x1D000] =	vst v63  }
0x62: {  	_ =	swait.ge [sflag:s26], $0x4000  }
0x63: {  	[sflag:s26] =	ssyncset.done $0x0  }
0x64: {  	s18 =	rddreg [dreg:$0x8];
	[sflag:s26] =	ssyncadd.s32 $0xFFFFC000  }
0x65: {  	[spmem:s2] =	stream.indirect.scatter.add.f32 [tilespmem:s21], [sflag:$0x3], $0x80, s18, s24, $0xb8;
	[tilespmem:$0x1D000] =	vst v63  }
0x66: {  	_ =	swait.ge [sflag:s22], $0x4000  }
0x67: {  	[sflag:s22] =	ssyncset.done $0x0  }
0x68: {  	s19 =	rddreg [dreg:$0x9];
	[sflag:s22] =	ssyncadd.s32 $0xFFFFC000  }
0x69: {  	[tilespmem:s21], [sflag:$0x1] =	stream.indirect.gather [hbm4b:s4+s24], $0x80, s19, s24, $0xb8;
	[tilespmem:$0x1D000] =	vst v63  }
0x6a: {  	_ =	swait.ge [sflag:s28], $0x4000  }
0x6b: {  	[sflag:s28] =	ssyncset.done $0x0  }
0x6c: {  	s20 =	rddreg [dreg:$0xa];
	[sflag:s28] =	ssyncadd.s32 $0xFFFFC000  }
0x6d: {  	[spmem:s2] =	stream.indirect.scatter.add.f32 [tilespmem:s25], [sflag:$0x3], $0x80, s20, s24, $0xb8;
	[tilespmem:$0x1D000] =	vst v63  }
0x6e: {  	_ =	swait.ge [sflag:s22], $0x4000  }
0x6f: {  	[sflag:s22] =	ssyncset.done $0x0  }
0x70: {  	s18 =	rddreg [dreg:$0xb];
	[sflag:s22] =	ssyncadd.s32 $0xFFFFC000  }
0x71: {  	[tilespmem:s25], [sflag:$0x2] =	stream.indirect.gather [hbm4b:s4+s24], $0x80, s18, s24, $0xb8;
	[tilespmem:$0x1D000] =	vst v63  }
0x72: {  	_ =	swait.ge [sflag:s26], $0x4000  }
0x73: {  	[sflag:s26] =	ssyncset.done $0x0  }
0x74: {  	s19 =	rddreg [dreg:$0xc];
	[sflag:s26] =	ssyncadd.s32 $0xFFFFC000  }
0x75: {  	[spmem:s2] =	stream.indirect.scatter.add.f32 [tilespmem:s21], [sflag:$0x3], $0x80, s19, s24, $0xb8;
	[tilespmem:$0x1D000] =	vst v63  }
0x76: {  	_ =	swait.ge [sflag:s22], $0x4000  }
0x77: {  	[sflag:s22] =	ssyncset.done $0x0  }
0x78: {  	s20 =	rddreg [dreg:$0xd];
	[sflag:s22] =	ssyncadd.s32 $0xFFFFC000  }
0x79: {  	[tilespmem:s21], [sflag:$0x1] =	stream.indirect.gather [hbm4b:s4+s24], $0x80, s20, s24, $0xb8;
	[tilespmem:$0x1D000] =	vst v63  }
0x7a: {  	_ =	swait.ge [sflag:s28], $0x4000  }
0x7b: {  	[sflag:s28] =	ssyncset.done $0x0  }
0x7c: {  	s18 =	rddreg [dreg:$0xe];
	[sflag:s28] =	ssyncadd.s32 $0xFFFFC000  }
0x7d: {  	[spmem:s2] =	stream.indirect.scatter.add.f32 [tilespmem:s25], [sflag:$0x3], $0x80, s18, s24, $0xb8;
	[tilespmem:$0x1D000] =	vst v63  }
0x7e: {  	_ =	swait.ge [sflag:s22], $0x4000  }
0x7f: {  	[sflag:s22] =	ssyncset.done $0x0  }
0x80: {  	s19 =	rddreg [dreg:$0xf];
	[sflag:s22] =	ssyncadd.s32 $0xFFFFC000  }
0x81: {  	[tilespmem:s25], [sflag:$0x2] =	stream.indirect.gather [hbm4b:s4+s24], $0x80, s19, s24, $0xb8;
	[tilespmem:$0x1D000] =	vst v63  }
0x82: {  	_ =	swait.ge [sflag:s26], $0x4000  }
0x83: {  	[sflag:s26] =	ssyncset.done $0x0  }
0x84: {  	s20 =	rddreg [dreg:$0x10];
	[sflag:s26] =	ssyncadd.s32 $0xFFFFC000  }
0x85: {  	[spmem:s2] =	stream.indirect.scatter.add.f32 [tilespmem:s21], [sflag:$0x3], $0x80, s20, s24, $0xb8;
	[tilespmem:$0x1D000] =	vst v63  }
0x86: {  	_ =	swait.ge [sflag:s22], $0x4000  }
0x87: {  	[sflag:s22] =	ssyncset.done $0x0  }
0x88: {  	[sflag:s22] =	ssyncadd.s32 $0xFFFFC000  }
0x89: {  	[tilespmem:s21], [sflag:$0x1] =	stream.indirect.gather [hbm4b:s4+s24], $0x80, s29, s24, $0xb8;
	[tilespmem:$0x1D000] =	vst v63  }
0x8a: {  	_ =	swait.ge [sflag:s28], $0x4000  }
0x8b: {  	[sflag:s28] =	ssyncset.done $0x0  }
0x8c: {  	[sflag:s28] =	ssyncadd.s32 $0xFFFFC000  }
0x8d: {  	[spmem:s2] =	stream.indirect.scatter.add.f32 [tilespmem:s25], [sflag:$0x3], $0x80, s30, s24, $0xb8;
	[tilespmem:$0x1D000] =	vst v63  }
0x8e: {  	_ =	swait.ge [sflag:s22], $0x4000  }
0x8f: {  	[sflag:s22] =	ssyncset.done $0x0  }
0x90: {  	[sflag:s22] =	ssyncadd.s32 $0xFFFFC000  }
0x91: {  	[tilespmem:s25], [sflag:$0x2] =	stream.indirect.gather [hbm4b:s4+s24], $0x80, s31, s24, $0xb8;
	[tilespmem:$0x1D000] =	vst v63  }
0x92: {  	_ =	swait.ge [sflag:s26], $0x4000  }
0x93: {  	[sflag:s26] =	ssyncset.done $0x0  }
0x94: {  	[sflag:s26] =	ssyncadd.s32 $0xFFFFC000  }
0x95: {  	[spmem:s2] =	stream.indirect.scatter.add.f32 [tilespmem:s21], [sflag:$0x3], $0x80, s1, s24, $0xb8;
	[tilespmem:$0x1D000] =	vst v63  }
0x96: {  	_ =	swait.ge [sflag:s22], $0x4000  }
0x97: {  	[sflag:s22] =	ssyncset.done $0x0  }
0x98: {  	[sflag:s22] =	ssyncadd.s32 $0xFFFFC000  }
0x99: {  	[tilespmem:s21], [sflag:$0x1] =	stream.indirect.gather [hbm4b:s4+s24], $0x80, s0, s24, $0xb8;
	[tilespmem:$0x1D000] =	vst v63  }
0x9a: {  	_ =	swait.ge [sflag:s28], $0x4000  }
0x9b: {  	[sflag:s28] =	ssyncset.done $0x0  }
0x9c: {  	[sflag:s28] =	ssyncadd.s32 $0xFFFFC000  }
0x9d: {  	[spmem:s2] =	stream.indirect.scatter.add.f32 [tilespmem:s25], [sflag:$0x3], $0x80, s5, s24, $0xb8;
	[tilespmem:$0x1D000] =	vst v63  }
0x9e: {  	_ =	swait.ge [sflag:s22], $0x4000  }
0x9f: {  	[sflag:s22] =	ssyncset.done $0x0  }
0xa0: {  	[sflag:s22] =	ssyncadd.s32 $0xFFFFC000  }
0xa1: {  	[tilespmem:s25], [sflag:$0x2] =	stream.indirect.gather [hbm4b:s4+s24], $0x80, s7, s24, $0xb8;
	[tilespmem:$0x1D000] =	vst v63  }
0xa2: {  	_ =	swait.ge [sflag:s26], $0x4000  }
0xa3: {  	[sflag:s26] =	ssyncset.done $0x0  }
0xa4: {  	[sflag:s26] =	ssyncadd.s32 $0xFFFFC000  }
0xa5: {  	[spmem:s2] =	stream.indirect.scatter.add.f32 [tilespmem:s21], [sflag:$0x3], $0x80, s8, s24, $0xb8;
	[tilespmem:$0x1D000] =	vst v63  }
0xa6: {  	_ =	swait.ge [sflag:s22], $0x4000  }
0xa7: {  	[sflag:s22] =	ssyncset.done $0x0  }
0xa8: {  	[sflag:s22] =	ssyncadd.s32 $0xFFFFC000  }
0xa9: {  	[tilespmem:s21], [sflag:$0x1] =	stream.indirect.gather [hbm4b:s4+s24], $0x80, s9, s24, $0xb8;
	[tilespmem:$0x1D000] =	vst v63  }
0xaa: {  	_ =	swait.ge [sflag:s28], $0x4000  }
0xab: {  	[sflag:s28] =	ssyncset.done $0x0  }
0xac: {  	[sflag:s28] =	ssyncadd.s32 $0xFFFFC000  }
0xad: {  	[spmem:s2] =	stream.indirect.scatter.add.f32 [tilespmem:s25], [sflag:$0x3], $0x80, s10, s24, $0xb8;
	[tilespmem:$0x1D000] =	vst v63  }
0xae: {  	_ =	swait.ge [sflag:s22], $0x4000  }
0xaf: {  	[sflag:s22] =	ssyncset.done $0x0  }
0xb0: {  	[sflag:s22] =	ssyncadd.s32 $0xFFFFC000  }
0xb1: {  	[tilespmem:s25], [sflag:$0x2] =	stream.indirect.gather [hbm4b:s4+s24], $0x80, s11, s24, $0xb8;
	[tilespmem:$0x1D000] =	vst v63  }
0xb2: {  	_ =	swait.ge [sflag:s26], $0x4000  }
0xb3: {  	[sflag:s26] =	ssyncset.done $0x0  }
0xb4: {  	[sflag:s26] =	ssyncadd.s32 $0xFFFFC000  }
0xb5: {  	[spmem:s2] =	stream.indirect.scatter.add.f32 [tilespmem:s21], [sflag:$0x3], $0x80, s12, s24, $0xb8;
	[tilespmem:$0x1D000] =	vst v63  }
0xb6: {  	_ =	swait.ge [sflag:s22], $0x4000  }
0xb7: {  	[sflag:s22] =	ssyncset.done $0x0  }
0xb8: {  	[sflag:s22] =	ssyncadd.s32 $0xFFFFC000  }
0xb9: {  	[tilespmem:s21], [sflag:$0x1] =	stream.indirect.gather [hbm4b:s4+s24], $0x80, s13, s24, $0xb8;
	[tilespmem:$0x1D000] =	vst v63  }
0xba: {  	_ =	swait.ge [sflag:s28], $0x4000  }
0xbb: {  	[sflag:s28] =	ssyncset.done $0x0  }
0xbc: {  	[sflag:s28] =	ssyncadd.s32 $0xFFFFC000  }
0xbd: {  	[spmem:s2] =	stream.indirect.scatter.add.f32 [tilespmem:s25], [sflag:$0x3], $0x80, s14, s24, $0xb8;
	[tilespmem:$0x1D000] =	vst v63  }
0xbe: {  	_ =	swait.ge [sflag:s22], $0x4000  }
0xbf: {  	[sflag:s22] =	ssyncset.done $0x0  }
0xc0: {  	[sflag:s22] =	ssyncadd.s32 $0xFFFFC000  }
0xc1: {  	[tilespmem:s25], [sflag:$0x2] =	stream.indirect.gather [hbm4b:s4+s24], $0x80, s15, s24, $0xb8;
	[tilespmem:$0x1D000] =	vst v63  }
0xc2: {  	_ =	swait.ge [sflag:s26], $0x4000  }
0xc3: {  	[sflag:s26] =	ssyncset.done $0x0  }
0xc4: {  	[sflag:s26] =	ssyncadd.s32 $0xFFFFC000  }
0xc5: {  	[spmem:s2] =	stream.indirect.scatter.add.f32 [tilespmem:s21], [sflag:$0x3], $0x80, s16, s24, $0xb8;
	[tilespmem:$0x1D000] =	vst v63  }
0xc6: {  	_ =	swait.ge [sflag:s22], $0x4000  }
0xc7: {  	[sflag:s22] =	ssyncset.done $0x0  }
0xc8: {  	[sflag:s22] =	ssyncadd.s32 $0xFFFFC000  }
0xc9: {  	_ =	swait.ge [sflag:s28], $0x4000  }
0xca: {  	[sflag:s28] =	ssyncset.done $0x0  }
0xcb: {  	[sflag:s28] =	ssyncadd.s32 $0xFFFFC000  }
0xcc: {  	[spmem:s2] =	stream.indirect.scatter.add.f32 [tilespmem:s25], [sflag:$0x3], $0x80, s17, s24, $0xb8;
	[tilespmem:$0x1D000] =	vst v63  }
0xcd: {  	s19 =	simm.s32 $0x100;
	_ =	swait.ge [sflag:s22], $0x4000  }
0xce: {  	s20 =	simm.s32 $0x200;
	s6 =	rddreg [dreg:$0x4];
	[sflag:s22] =	ssyncset.done $0x0  }
.LBB2_2:
0xcf: {  	[sflag:s22] =	ssyncadd.s32 $0xFFFFC000;
	s6 =	sadd.s32 s19, s6  }
0xd0: {  	[tilespmem:s3], [sflag:$0x3] =	stream.linear.gather [hbm4b:s6+s3], $0x800, $0x38;
	[tilespmem:$0x1D000] =	vst v63  }
0xd1: {  	_ =	swait.ge [sflag:s22], $0x800  }
0xd2: {  	s6 =	rddreg [dreg:$0x3];
	[sflag:s22] =	ssyncset.done $0x0  }
0xd3: {  	[sflag:s22] =	ssyncadd.s32 $0xFFFFF800;
	s6 =	sadd.s32 s19, s6  }
0xd4: {  	[tilespmem:s23], [sflag:$0x3] =	stream.linear.gather [hbm4b:s6+s3], $0x800, $0x38;
	[tilespmem:$0x1D000] =	vst v63  }
0xd5: {  	_ =	swait.ge [sflag:s22], $0x800  }
0xd6: {  	[sflag:s22] =	ssyncset.done $0x0  }
0xd7: {  	[sflag:s22] =	ssyncadd.s32 $0xFFFFF800  }
0xd8: {  	[tilespmem:s21], [sflag:$0x1] =	stream.indirect.gather [hbm4b:s4+s24], $0x80, s3, s24, $0xb8;
	[tilespmem:$0x1D000] =	vst v63  }
0xd9: {  	_ = 	snop  }
0xda: {  	[tilespmem:s25], [sflag:$0x2] =	stream.indirect.gather [hbm4b:s4+s24], $0x80, s24, s24, $0xb8;
	[tilespmem:$0x1D000] =	vst v63  }
0xdb: {  	_ =	swait.ge [sflag:s26], $0x4000  }
0xdc: {  	[sflag:s26] =	ssyncset.done $0x0  }
0xdd: {  	[sflag:s26] =	ssyncadd.s32 $0xFFFFC000  }
0xde: {  	[spmem:s2] =	stream.indirect.scatter.add.f32 [tilespmem:s21], [sflag:$0x3], $0x80, s23, s24, $0xb8;
	[tilespmem:$0x1D000] =	vst v63  }
0xdf: {  	_ =	swait.ge [sflag:s22], $0x4000  }
0xe0: {  	s18 =	smov.u32 s20;
	[sflag:s22] =	ssyncset.done $0x0  }
0xe1: {  	s19 =	smov.u32 s18;
	s18 =	rddreg [dreg:$0x5];
	[sflag:s22] =	ssyncadd.s32 $0xFFFFC000  }
0xe2: {  	[tilespmem:s21], [sflag:$0x1] =	stream.indirect.gather [hbm4b:s4+s24], $0x80, s18, s24, $0xb8;
	[tilespmem:$0x1D000] =	vst v63  }
0xe3: {  	_ =	swait.ge [sflag:s28], $0x4000  }
0xe4: {  	[sflag:s28] =	ssyncset.done $0x0  }
0xe5: {  	s18 =	rddreg [dreg:$0x6];
	[sflag:s28] =	ssyncadd.s32 $0xFFFFC000  }
0xe6: {  	[spmem:s2] =	stream.indirect.scatter.add.f32 [tilespmem:s25], [sflag:$0x3], $0x80, s18, s24, $0xb8;
	[tilespmem:$0x1D000] =	vst v63  }
0xe7: {  	_ =	swait.ge [sflag:s22], $0x4000  }
0xe8: {  	[sflag:s22] =	ssyncset.done $0x0  }
0xe9: {  	s18 =	rddreg [dreg:$0x7];
	[sflag:s22] =	ssyncadd.s32 $0xFFFFC000  }
0xea: {  	[tilespmem:s25], [sflag:$0x2] =	stream.indirect.gather [hbm4b:s4+s24], $0x80, s18, s24, $0xb8;
	[tilespmem:$0x1D000] =	vst v63  }
0xeb: {  	_ =	swait.ge [sflag:s26], $0x4000  }
0xec: {  	[sflag:s26] =	ssyncset.done $0x0  }
0xed: {  	s18 =	rddreg [dreg:$0x8];
	[sflag:s26] =	ssyncadd.s32 $0xFFFFC000  }
0xee: {  	[spmem:s2] =	stream.indirect.scatter.add.f32 [tilespmem:s21], [sflag:$0x3], $0x80, s18, s24, $0xb8;
	[tilespmem:$0x1D000] =	vst v63  }
0xef: {  	_ =	swait.ge [sflag:s22], $0x4000  }
0xf0: {  	[sflag:s22] =	ssyncset.done $0x0  }
0xf1: {  	s18 =	rddreg [dreg:$0x9];
	[sflag:s22] =	ssyncadd.s32 $0xFFFFC000  }
0xf2: {  	[tilespmem:s21], [sflag:$0x1] =	stream.indirect.gather [hbm4b:s4+s24], $0x80, s18, s24, $0xb8;
	[tilespmem:$0x1D000] =	vst v63  }
0xf3: {  	_ =	swait.ge [sflag:s28], $0x4000  }
0xf4: {  	[sflag:s28] =	ssyncset.done $0x0  }
0xf5: {  	s18 =	rddreg [dreg:$0xa];
	[sflag:s28] =	ssyncadd.s32 $0xFFFFC000  }
0xf6: {  	[spmem:s2] =	stream.indirect.scatter.add.f32 [tilespmem:s25], [sflag:$0x3], $0x80, s18, s24, $0xb8;
	[tilespmem:$0x1D000] =	vst v63  }
0xf7: {  	_ =	swait.ge [sflag:s22], $0x4000  }
0xf8: {  	[sflag:s22] =	ssyncset.done $0x0  }
0xf9: {  	s18 =	rddreg [dreg:$0xb];
	[sflag:s22] =	ssyncadd.s32 $0xFFFFC000  }
0xfa: {  	[tilespmem:s25], [sflag:$0x2] =	stream.indirect.gather [hbm4b:s4+s24], $0x80, s18, s24, $0xb8;
	[tilespmem:$0x1D000] =	vst v63  }
0xfb: {  	_ =	swait.ge [sflag:s26], $0x4000  }
0xfc: {  	[sflag:s26] =	ssyncset.done $0x0  }
0xfd: {  	s18 =	rddreg [dreg:$0xc];
	[sflag:s26] =	ssyncadd.s32 $0xFFFFC000  }
0xfe: {  	[spmem:s2] =	stream.indirect.scatter.add.f32 [tilespmem:s21], [sflag:$0x3], $0x80, s18, s24, $0xb8;
	[tilespmem:$0x1D000] =	vst v63  }
0xff: {  	_ =	swait.ge [sflag:s22], $0x4000  }
0x100: {  	[sflag:s22] =	ssyncset.done $0x0  }
0x101: {  	s18 =	rddreg [dreg:$0xd];
	[sflag:s22] =	ssyncadd.s32 $0xFFFFC000  }
0x102: {  	[tilespmem:s21], [sflag:$0x1] =	stream.indirect.gather [hbm4b:s4+s24], $0x80, s18, s24, $0xb8;
	[tilespmem:$0x1D000] =	vst v63  }
0x103: {  	_ =	swait.ge [sflag:s28], $0x4000  }
0x104: {  	[sflag:s28] =	ssyncset.done $0x0  }
0x105: {  	s18 =	rddreg [dreg:$0xe];
	[sflag:s28] =	ssyncadd.s32 $0xFFFFC000  }
0x106: {  	[spmem:s2] =	stream.indirect.scatter.add.f32 [tilespmem:s25], [sflag:$0x3], $0x80, s18, s24, $0xb8;
	[tilespmem:$0x1D000] =	vst v63  }
0x107: {  	_ =	swait.ge [sflag:s22], $0x4000  }
0x108: {  	[sflag:s22] =	ssyncset.done $0x0  }
0x109: {  	s18 =	rddreg [dreg:$0xf];
	[sflag:s22] =	ssyncadd.s32 $0xFFFFC000  }
0x10a: {  	[tilespmem:s25], [sflag:$0x2] =	stream.indirect.gather [hbm4b:s4+s24], $0x80, s18, s24, $0xb8;
	[tilespmem:$0x1D000] =	vst v63  }
0x10b: {  	_ =	swait.ge [sflag:s26], $0x4000  }
0x10c: {  	[sflag:s26] =	ssyncset.done $0x0  }
0x10d: {  	s18 =	rddreg [dreg:$0x10];
	[sflag:s26] =	ssyncadd.s32 $0xFFFFC000  }
0x10e: {  	[spmem:s2] =	stream.indirect.scatter.add.f32 [tilespmem:s21], [sflag:$0x3], $0x80, s18, s24, $0xb8;
	[tilespmem:$0x1D000] =	vst v63  }
0x10f: {  	_ =	swait.ge [sflag:s22], $0x4000  }
0x110: {  	[sflag:s22] =	ssyncset.done $0x0  }
0x111: {  	[sflag:s22] =	ssyncadd.s32 $0xFFFFC000  }
0x112: {  	[tilespmem:s21], [sflag:$0x1] =	stream.indirect.gather [hbm4b:s4+s24], $0x80, s29, s24, $0xb8;
	[tilespmem:$0x1D000] =	vst v63  }
0x113: {  	_ =	swait.ge [sflag:s28], $0x4000  }
0x114: {  	[sflag:s28] =	ssyncset.done $0x0  }
0x115: {  	[sflag:s28] =	ssyncadd.s32 $0xFFFFC000  }
0x116: {  	[spmem:s2] =	stream.indirect.scatter.add.f32 [tilespmem:s25], [sflag:$0x3], $0x80, s30, s24, $0xb8;
	[tilespmem:$0x1D000] =	vst v63  }
0x117: {  	_ =	swait.ge [sflag:s22], $0x4000  }
0x118: {  	[sflag:s22] =	ssyncset.done $0x0  }
0x119: {  	[sflag:s22] =	ssyncadd.s32 $0xFFFFC000  }
0x11a: {  	[tilespmem:s25], [sflag:$0x2] =	stream.indirect.gather [hbm4b:s4+s24], $0x80, s31, s24, $0xb8;
	[tilespmem:$0x1D000] =	vst v63  }
0x11b: {  	_ =	swait.ge [sflag:s26], $0x4000  }
0x11c: {  	[sflag:s26] =	ssyncset.done $0x0  }
0x11d: {  	[sflag:s26] =	ssyncadd.s32 $0xFFFFC000  }
0x11e: {  	[spmem:s2] =	stream.indirect.scatter.add.f32 [tilespmem:s21], [sflag:$0x3], $0x80, s1, s24, $0xb8;
	[tilespmem:$0x1D000] =	vst v63  }
0x11f: {  	_ =	swait.ge [sflag:s22], $0x4000  }
0x120: {  	[sflag:s22] =	ssyncset.done $0x0  }
0x121: {  	[sflag:s22] =	ssyncadd.s32 $0xFFFFC000  }
0x122: {  	[tilespmem:s21], [sflag:$0x1] =	stream.indirect.gather [hbm4b:s4+s24], $0x80, s0, s24, $0xb8;
	[tilespmem:$0x1D000] =	vst v63  }
0x123: {  	_ =	swait.ge [sflag:s28], $0x4000  }
0x124: {  	[sflag:s28] =	ssyncset.done $0x0  }
0x125: {  	[sflag:s28] =	ssyncadd.s32 $0xFFFFC000  }
0x126: {  	[spmem:s2] =	stream.indirect.scatter.add.f32 [tilespmem:s25], [sflag:$0x3], $0x80, s5, s24, $0xb8;
	[tilespmem:$0x1D000] =	vst v63  }
0x127: {  	_ =	swait.ge [sflag:s22], $0x4000  }
0x128: {  	[sflag:s22] =	ssyncset.done $0x0  }
0x129: {  	[sflag:s22] =	ssyncadd.s32 $0xFFFFC000  }
0x12a: {  	[tilespmem:s25], [sflag:$0x2] =	stream.indirect.gather [hbm4b:s4+s24], $0x80, s7, s24, $0xb8;
	[tilespmem:$0x1D000] =	vst v63  }
0x12b: {  	_ =	swait.ge [sflag:s26], $0x4000  }
0x12c: {  	[sflag:s26] =	ssyncset.done $0x0  }
0x12d: {  	[sflag:s26] =	ssyncadd.s32 $0xFFFFC000  }
0x12e: {  	[spmem:s2] =	stream.indirect.scatter.add.f32 [tilespmem:s21], [sflag:$0x3], $0x80, s8, s24, $0xb8;
	[tilespmem:$0x1D000] =	vst v63  }
0x12f: {  	_ =	swait.ge [sflag:s22], $0x4000  }
0x130: {  	[sflag:s22] =	ssyncset.done $0x0  }
0x131: {  	[sflag:s22] =	ssyncadd.s32 $0xFFFFC000  }
0x132: {  	[tilespmem:s21], [sflag:$0x1] =	stream.indirect.gather [hbm4b:s4+s24], $0x80, s9, s24, $0xb8;
	[tilespmem:$0x1D000] =	vst v63  }
0x133: {  	_ =	swait.ge [sflag:s28], $0x4000  }
0x134: {  	[sflag:s28] =	ssyncset.done $0x0  }
0x135: {  	[sflag:s28] =	ssyncadd.s32 $0xFFFFC000  }
0x136: {  	[spmem:s2] =	stream.indirect.scatter.add.f32 [tilespmem:s25], [sflag:$0x3], $0x80, s10, s24, $0xb8;
	[tilespmem:$0x1D000] =	vst v63  }
0x137: {  	_ =	swait.ge [sflag:s22], $0x4000  }
0x138: {  	[sflag:s22] =	ssyncset.done $0x0  }
0x139: {  	[sflag:s22] =	ssyncadd.s32 $0xFFFFC000  }
0x13a: {  	[tilespmem:s25], [sflag:$0x2] =	stream.indirect.gather [hbm4b:s4+s24], $0x80, s11, s24, $0xb8;
	[tilespmem:$0x1D000] =	vst v63  }
0x13b: {  	_ =	swait.ge [sflag:s26], $0x4000  }
0x13c: {  	[sflag:s26] =	ssyncset.done $0x0  }
0x13d: {  	[sflag:s26] =	ssyncadd.s32 $0xFFFFC000  }
0x13e: {  	[spmem:s2] =	stream.indirect.scatter.add.f32 [tilespmem:s21], [sflag:$0x3], $0x80, s12, s24, $0xb8;
	[tilespmem:$0x1D000] =	vst v63  }
0x13f: {  	_ =	swait.ge [sflag:s22], $0x4000  }
0x140: {  	[sflag:s22] =	ssyncset.done $0x0  }
0x141: {  	[sflag:s22] =	ssyncadd.s32 $0xFFFFC000  }
0x142: {  	[tilespmem:s21], [sflag:$0x1] =	stream.indirect.gather [hbm4b:s4+s24], $0x80, s13, s24, $0xb8;
	[tilespmem:$0x1D000] =	vst v63  }
0x143: {  	_ =	swait.ge [sflag:s28], $0x4000  }
0x144: {  	[sflag:s28] =	ssyncset.done $0x0  }
0x145: {  	[sflag:s28] =	ssyncadd.s32 $0xFFFFC000  }
0x146: {  	[spmem:s2] =	stream.indirect.scatter.add.f32 [tilespmem:s25], [sflag:$0x3], $0x80, s14, s24, $0xb8;
	[tilespmem:$0x1D000] =	vst v63  }
0x147: {  	_ =	swait.ge [sflag:s22], $0x4000  }
0x148: {  	[sflag:s22] =	ssyncset.done $0x0  }
0x149: {  	[sflag:s22] =	ssyncadd.s32 $0xFFFFC000  }
0x14a: {  	[tilespmem:s25], [sflag:$0x2] =	stream.indirect.gather [hbm4b:s4+s24], $0x80, s15, s24, $0xb8;
	[tilespmem:$0x1D000] =	vst v63  }
0x14b: {  	_ =	swait.ge [sflag:s26], $0x4000  }
0x14c: {  	[sflag:s26] =	ssyncset.done $0x0  }
0x14d: {  	[sflag:s26] =	ssyncadd.s32 $0xFFFFC000  }
0x14e: {  	[spmem:s2] =	stream.indirect.scatter.add.f32 [tilespmem:s21], [sflag:$0x3], $0x80, s16, s24, $0xb8;
	[tilespmem:$0x1D000] =	vst v63  }
0x14f: {  	_ =	swait.ge [sflag:s22], $0x4000  }
0x150: {  	[sflag:s22] =	ssyncset.done $0x0  }
0x151: {  	[sflag:s22] =	ssyncadd.s32 $0xFFFFC000  }
0x152: {  	p0 =	sne.s32 s20, $0x400;
	_ =	swait.ge [sflag:s28], $0x4000  }
.Ltmp0:
0x153: {  	[sflag:s28] =	ssyncset.done $0x0;
	(pc) =	sbr.rel @p0 .LBB2_2-.Ltmp0, $4  }
0x154: {  	[sflag:s28] =	ssyncadd.s32 $0xFFFFC000  }
0x155: {  	[spmem:s2] =	stream.indirect.scatter.add.f32 [tilespmem:s25], [sflag:$0x3], $0x80, s17, s24, $0xb8;
	[tilespmem:$0x1D000] =	vst v63  }
0x156: {  	_ =	swait.ge [sflag:s22], $0x4000  }
0x157: {  	s20 =	sadd.s32 $0x100, s20;
	s6 =	rddreg [dreg:$0x4];
	[sflag:s22] =	ssyncset.done $0x0  }
0x158: {  	[sflag:s22] =	ssyncadd.s32 $0xFFFFC000;
	s6 =	sadd.s32 s19, s6  }
0x159: {  	[tilespmem:s3], [sflag:$0x3] =	stream.linear.gather [hbm4b:s6+s3], $0x800, $0x38;
	[tilespmem:$0x1D000] =	vst v63  }
0x15a: {  	_ =	swait.ge [sflag:s22], $0x800  }
0x15b: {  	s18 =	rddreg [dreg:$0x3];
	[sflag:s22] =	ssyncset.done $0x0  }
0x15c: {  	s6 =	sadd.s32 s19, s18;
	[sflag:s22] =	ssyncadd.s32 $0xFFFFF800  }
0x15d: {  	[tilespmem:s23], [sflag:$0x3] =	stream.linear.gather [hbm4b:s6+s3], $0x800, $0x38;
	[tilespmem:$0x1D000] =	vst v63  }
0x15e: {  	_ =	swait.ge [sflag:s22], $0x800  }
0x15f: {  	[sflag:s22] =	ssyncset.done $0x0  }
0x160: {  	[sflag:s22] =	ssyncadd.s32 $0xFFFFF800  }
0x161: {  	[tilespmem:s21], [sflag:$0x1] =	stream.indirect.gather [hbm4b:s4+s24], $0x80, s3, s24, $0xb8;
	[tilespmem:$0x1D000] =	vst v63  }
0x162: {  	_ = 	snop  }
0x163: {  	[tilespmem:s25], [sflag:$0x2] =	stream.indirect.gather [hbm4b:s4+s24], $0x80, s24, s24, $0xb8;
	[tilespmem:$0x1D000] =	vst v63  }
0x164: {  	_ =	swait.ge [sflag:s26], $0x4000  }
0x165: {  	[sflag:s26] =	ssyncset.done $0x0  }
0x166: {  	[sflag:s26] =	ssyncadd.s32 $0xFFFFC000  }
0x167: {  	[spmem:s2] =	stream.indirect.scatter.add.f32 [tilespmem:s21], [sflag:$0x3], $0x80, s23, s24, $0xb8;
	[tilespmem:$0x1D000] =	vst v63  }
0x168: {  	_ =	swait.ge [sflag:s22], $0x4000  }
0x169: {  	[sflag:s22] =	ssyncset.done $0x0  }
0x16a: {  	s20 =	rddreg [dreg:$0x5];
	[sflag:s22] =	ssyncadd.s32 $0xFFFFC000  }
0x16b: {  	[tilespmem:s21], [sflag:$0x1] =	stream.indirect.gather [hbm4b:s4+s24], $0x80, s20, s24, $0xb8;
	[tilespmem:$0x1D000] =	vst v63  }
0x16c: {  	_ =	swait.ge [sflag:s28], $0x4000  }
0x16d: {  	[sflag:s28] =	ssyncset.done $0x0  }
0x16e: {  	s18 =	rddreg [dreg:$0x6];
	[sflag:s28] =	ssyncadd.s32 $0xFFFFC000  }
0x16f: {  	[spmem:s2] =	stream.indirect.scatter.add.f32 [tilespmem:s25], [sflag:$0x3], $0x80, s18, s24, $0xb8;
	[tilespmem:$0x1D000] =	vst v63  }
0x170: {  	_ =	swait.ge [sflag:s22], $0x4000  }
0x171: {  	[sflag:s22] =	ssyncset.done $0x0  }
0x172: {  	s19 =	rddreg [dreg:$0x7];
	[sflag:s22] =	ssyncadd.s32 $0xFFFFC000  }
0x173: {  	[tilespmem:s25], [sflag:$0x2] =	stream.indirect.gather [hbm4b:s4+s24], $0x80, s19, s24, $0xb8;
	[tilespmem:$0x1D000] =	vst v63  }
0x174: {  	_ =	swait.ge [sflag:s26], $0x4000  }
0x175: {  	[sflag:s26] =	ssyncset.done $0x0  }
0x176: {  	s20 =	rddreg [dreg:$0x8];
	[sflag:s26] =	ssyncadd.s32 $0xFFFFC000  }
0x177: {  	[spmem:s2] =	stream.indirect.scatter.add.f32 [tilespmem:s21], [sflag:$0x3], $0x80, s20, s24, $0xb8;
	[tilespmem:$0x1D000] =	vst v63  }
0x178: {  	_ =	swait.ge [sflag:s22], $0x4000  }
0x179: {  	[sflag:s22] =	ssyncset.done $0x0  }
0x17a: {  	s18 =	rddreg [dreg:$0x9];
	[sflag:s22] =	ssyncadd.s32 $0xFFFFC000  }
0x17b: {  	[tilespmem:s21], [sflag:$0x1] =	stream.indirect.gather [hbm4b:s4+s24], $0x80, s18, s24, $0xb8;
	[tilespmem:$0x1D000] =	vst v63  }
0x17c: {  	_ =	swait.ge [sflag:s28], $0x4000  }
0x17d: {  	[sflag:s28] =	ssyncset.done $0x0  }
0x17e: {  	s19 =	rddreg [dreg:$0xa];
	[sflag:s28] =	ssyncadd.s32 $0xFFFFC000  }
0x17f: {  	[spmem:s2] =	stream.indirect.scatter.add.f32 [tilespmem:s25], [sflag:$0x3], $0x80, s19, s24, $0xb8;
	[tilespmem:$0x1D000] =	vst v63  }
0x180: {  	_ =	swait.ge [sflag:s22], $0x4000  }
0x181: {  	[sflag:s22] =	ssyncset.done $0x0  }
0x182: {  	s20 =	rddreg [dreg:$0xb];
	[sflag:s22] =	ssyncadd.s32 $0xFFFFC000  }
0x183: {  	[tilespmem:s25], [sflag:$0x2] =	stream.indirect.gather [hbm4b:s4+s24], $0x80, s20, s24, $0xb8;
	[tilespmem:$0x1D000] =	vst v63  }
0x184: {  	_ =	swait.ge [sflag:s26], $0x4000  }
0x185: {  	[sflag:s26] =	ssyncset.done $0x0  }
0x186: {  	s18 =	rddreg [dreg:$0xc];
	[sflag:s26] =	ssyncadd.s32 $0xFFFFC000  }
0x187: {  	[spmem:s2] =	stream.indirect.scatter.add.f32 [tilespmem:s21], [sflag:$0x3], $0x80, s18, s24, $0xb8;
	[tilespmem:$0x1D000] =	vst v63  }
0x188: {  	_ =	swait.ge [sflag:s22], $0x4000  }
0x189: {  	[sflag:s22] =	ssyncset.done $0x0  }
0x18a: {  	s19 =	rddreg [dreg:$0xd];
	[sflag:s22] =	ssyncadd.s32 $0xFFFFC000  }
0x18b: {  	[tilespmem:s21], [sflag:$0x1] =	stream.indirect.gather [hbm4b:s4+s24], $0x80, s19, s24, $0xb8;
	[tilespmem:$0x1D000] =	vst v63  }
0x18c: {  	_ =	swait.ge [sflag:s28], $0x4000  }
0x18d: {  	[sflag:s28] =	ssyncset.done $0x0  }
0x18e: {  	s20 =	rddreg [dreg:$0xe];
	[sflag:s28] =	ssyncadd.s32 $0xFFFFC000  }
0x18f: {  	[spmem:s2] =	stream.indirect.scatter.add.f32 [tilespmem:s25], [sflag:$0x3], $0x80, s20, s24, $0xb8;
	[tilespmem:$0x1D000] =	vst v63  }
0x190: {  	_ =	swait.ge [sflag:s22], $0x4000  }
0x191: {  	[sflag:s22] =	ssyncset.done $0x0  }
0x192: {  	s18 =	rddreg [dreg:$0xf];
	[sflag:s22] =	ssyncadd.s32 $0xFFFFC000  }
0x193: {  	[tilespmem:s25], [sflag:$0x2] =	stream.indirect.gather [hbm4b:s4+s24], $0x80, s18, s24, $0xb8;
	[tilespmem:$0x1D000] =	vst v63  }
0x194: {  	_ =	swait.ge [sflag:s26], $0x4000  }
0x195: {  	[sflag:s26] =	ssyncset.done $0x0  }
0x196: {  	s19 =	rddreg [dreg:$0x10];
	[sflag:s26] =	ssyncadd.s32 $0xFFFFC000  }
0x197: {  	[spmem:s2] =	stream.indirect.scatter.add.f32 [tilespmem:s21], [sflag:$0x3], $0x80, s19, s24, $0xb8;
	[tilespmem:$0x1D000] =	vst v63  }
0x198: {  	_ =	swait.ge [sflag:s22], $0x4000  }
0x199: {  	[sflag:s22] =	ssyncset.done $0x0  }
0x19a: {  	[sflag:s22] =	ssyncadd.s32 $0xFFFFC000  }
0x19b: {  	[tilespmem:s21], [sflag:$0x1] =	stream.indirect.gather [hbm4b:s4+s24], $0x80, s29, s24, $0xb8;
	[tilespmem:$0x1D000] =	vst v63  }
0x19c: {  	_ =	swait.ge [sflag:s28], $0x4000  }
0x19d: {  	[sflag:s28] =	ssyncset.done $0x0  }
0x19e: {  	[sflag:s28] =	ssyncadd.s32 $0xFFFFC000  }
0x19f: {  	[spmem:s2] =	stream.indirect.scatter.add.f32 [tilespmem:s25], [sflag:$0x3], $0x80, s30, s24, $0xb8;
	[tilespmem:$0x1D000] =	vst v63  }
0x1a0: {  	_ =	swait.ge [sflag:s22], $0x4000  }
0x1a1: {  	[sflag:s22] =	ssyncset.done $0x0  }
0x1a2: {  	[sflag:s22] =	ssyncadd.s32 $0xFFFFC000  }
0x1a3: {  	[tilespmem:s25], [sflag:$0x2] =	stream.indirect.gather [hbm4b:s4+s24], $0x80, s31, s24, $0xb8;
	[tilespmem:$0x1D000] =	vst v63  }
0x1a4: {  	_ =	swait.ge [sflag:s26], $0x4000  }
0x1a5: {  	[sflag:s26] =	ssyncset.done $0x0  }
0x1a6: {  	[sflag:s26] =	ssyncadd.s32 $0xFFFFC000  }
0x1a7: {  	[spmem:s2] =	stream.indirect.scatter.add.f32 [tilespmem:s21], [sflag:$0x3], $0x80, s1, s24, $0xb8;
	[tilespmem:$0x1D000] =	vst v63  }
0x1a8: {  	_ =	swait.ge [sflag:s22], $0x4000  }
0x1a9: {  	[sflag:s22] =	ssyncset.done $0x0  }
0x1aa: {  	[sflag:s22] =	ssyncadd.s32 $0xFFFFC000  }
0x1ab: {  	[tilespmem:s21], [sflag:$0x1] =	stream.indirect.gather [hbm4b:s4+s24], $0x80, s0, s24, $0xb8;
	[tilespmem:$0x1D000] =	vst v63  }
0x1ac: {  	_ =	swait.ge [sflag:s28], $0x4000  }
0x1ad: {  	[sflag:s28] =	ssyncset.done $0x0  }
0x1ae: {  	[sflag:s28] =	ssyncadd.s32 $0xFFFFC000  }
0x1af: {  	[spmem:s2] =	stream.indirect.scatter.add.f32 [tilespmem:s25], [sflag:$0x3], $0x80, s5, s24, $0xb8;
	[tilespmem:$0x1D000] =	vst v63  }
0x1b0: {  	_ =	swait.ge [sflag:s22], $0x4000  }
0x1b1: {  	[sflag:s22] =	ssyncset.done $0x0  }
0x1b2: {  	[sflag:s22] =	ssyncadd.s32 $0xFFFFC000  }
0x1b3: {  	[tilespmem:s25], [sflag:$0x2] =	stream.indirect.gather [hbm4b:s4+s24], $0x80, s7, s24, $0xb8;
	[tilespmem:$0x1D000] =	vst v63  }
0x1b4: {  	_ =	swait.ge [sflag:s26], $0x4000  }
0x1b5: {  	[sflag:s26] =	ssyncset.done $0x0  }
0x1b6: {  	[sflag:s26] =	ssyncadd.s32 $0xFFFFC000  }
0x1b7: {  	[spmem:s2] =	stream.indirect.scatter.add.f32 [tilespmem:s21], [sflag:$0x3], $0x80, s8, s24, $0xb8;
	[tilespmem:$0x1D000] =	vst v63  }
0x1b8: {  	_ =	swait.ge [sflag:s22], $0x4000  }
0x1b9: {  	[sflag:s22] =	ssyncset.done $0x0  }
0x1ba: {  	[sflag:s22] =	ssyncadd.s32 $0xFFFFC000  }
0x1bb: {  	[tilespmem:s21], [sflag:$0x1] =	stream.indirect.gather [hbm4b:s4+s24], $0x80, s9, s24, $0xb8;
	[tilespmem:$0x1D000] =	vst v63  }
0x1bc: {  	_ =	swait.ge [sflag:s28], $0x4000  }
0x1bd: {  	[sflag:s28] =	ssyncset.done $0x0  }
0x1be: {  	[sflag:s28] =	ssyncadd.s32 $0xFFFFC000  }
0x1bf: {  	[spmem:s2] =	stream.indirect.scatter.add.f32 [tilespmem:s25], [sflag:$0x3], $0x80, s10, s24, $0xb8;
	[tilespmem:$0x1D000] =	vst v63  }
0x1c0: {  	_ =	swait.ge [sflag:s22], $0x4000  }
0x1c1: {  	[sflag:s22] =	ssyncset.done $0x0  }
0x1c2: {  	[sflag:s22] =	ssyncadd.s32 $0xFFFFC000  }
0x1c3: {  	[tilespmem:s25], [sflag:$0x2] =	stream.indirect.gather [hbm4b:s4+s24], $0x80, s11, s24, $0xb8;
	[tilespmem:$0x1D000] =	vst v63  }
0x1c4: {  	_ =	swait.ge [sflag:s26], $0x4000  }
0x1c5: {  	[sflag:s26] =	ssyncset.done $0x0  }
0x1c6: {  	[sflag:s26] =	ssyncadd.s32 $0xFFFFC000  }
0x1c7: {  	[spmem:s2] =	stream.indirect.scatter.add.f32 [tilespmem:s21], [sflag:$0x3], $0x80, s12, s24, $0xb8;
	[tilespmem:$0x1D000] =	vst v63  }
0x1c8: {  	_ =	swait.ge [sflag:s22], $0x4000  }
0x1c9: {  	[sflag:s22] =	ssyncset.done $0x0  }
0x1ca: {  	[sflag:s22] =	ssyncadd.s32 $0xFFFFC000  }
0x1cb: {  	[tilespmem:s21], [sflag:$0x1] =	stream.indirect.gather [hbm4b:s4+s24], $0x80, s13, s24, $0xb8;
	[tilespmem:$0x1D000] =	vst v63  }
0x1cc: {  	_ =	swait.ge [sflag:s28], $0x4000  }
0x1cd: {  	[sflag:s28] =	ssyncset.done $0x0  }
0x1ce: {  	[sflag:s28] =	ssyncadd.s32 $0xFFFFC000  }
0x1cf: {  	[spmem:s2] =	stream.indirect.scatter.add.f32 [tilespmem:s25], [sflag:$0x3], $0x80, s14, s24, $0xb8;
	[tilespmem:$0x1D000] =	vst v63  }
0x1d0: {  	_ =	swait.ge [sflag:s22], $0x4000  }
0x1d1: {  	[sflag:s22] =	ssyncset.done $0x0  }
0x1d2: {  	[sflag:s22] =	ssyncadd.s32 $0xFFFFC000  }
0x1d3: {  	[tilespmem:s25], [sflag:$0x2] =	stream.indirect.gather [hbm4b:s4+s24], $0x80, s15, s24, $0xb8;
	[tilespmem:$0x1D000] =	vst v63  }
0x1d4: {  	_ =	swait.ge [sflag:s26], $0x4000  }
0x1d5: {  	[sflag:s26] =	ssyncset.done $0x0  }
0x1d6: {  	[sflag:s26] =	ssyncadd.s32 $0xFFFFC000  }
0x1d7: {  	[spmem:s2] =	stream.indirect.scatter.add.f32 [tilespmem:s21], [sflag:$0x3], $0x80, s16, s24, $0xb8;
	[tilespmem:$0x1D000] =	vst v63  }
0x1d8: {  	_ =	swait.ge [sflag:s22], $0x4000  }
0x1d9: {  	[sflag:s22] =	ssyncset.done $0x0  }
0x1da: {  	[sflag:s22] =	ssyncadd.s32 $0xFFFFC000  }
0x1db: {  	_ =	swait.ge [sflag:s28], $0x4000  }
0x1dc: {  	[sflag:s28] =	ssyncset.done $0x0  }
0x1dd: {  	[sflag:s28] =	ssyncadd.s32 $0xFFFFC000  }
0x1de: {  	[spmem:s2] =	stream.indirect.scatter.add.f32 [tilespmem:s25], [sflag:$0x3], $0x80, s17, s24, $0xb8;
	[tilespmem:$0x1D000] =	vst v63  }
0x1df: {  	_ =	swait.ge [sflag:s22], $0x4000  }
0x1e0: {  	[sflag:s22] =	ssyncset.done $0x0  }
0x1e1: {  	[sflag:s22] =	ssyncadd.s32 $0xFFFFC000  }
0x1e2: {  	[bflag:$0x0] =	sbarrier.arrive $0xFFFF  }
0x1e3: {  	s18 =	rddreg [dreg:$0x12]  }
0x1e4: {  	[tilespmem:s21], [sflag:$0x3] =	stream.linear.gather [spmem:s18], $0x4000, $0x38;
	[tilespmem:$0x1D000] =	vst v63  }
0x1e5: {  	_ =	swait.ge [sflag:s22], $0x4000  }
0x1e6: {  	[sflag:s22] =	ssyncset.done $0x0  }
0x1e7: {  	s20 =	rddreg [dreg:$0x18];
	[sflag:s22] =	ssyncadd.s32 $0xFFFFC000  }
0x1e8: {  	[hbm4b:s20+s3] =	stream.linear.scatter [tilespmem:s21], [sflag:$0x3], $0x4000, $0x38;
	[tilespmem:$0x1D000] =	vst v63  }
0x1e9: {  	_ =	swait.ge [sflag:s22], $0x4000  }
0x1ea: {  	[sflag:s22] =	ssyncset.done $0x0  }
0x1eb: {  	s19 =	rddreg [dreg:$0x19];
	[sflag:s22] =	ssyncadd.s32 $0xFFFFC000  }
0x1ec: {  	[tilespmem:s21], [sflag:$0x3] =	stream.linear.gather [spmem:s19], $0x4000, $0x38;
	[tilespmem:$0x1D000] =	vst v63  }
0x1ed: {  	_ =	swait.ge [sflag:s22], $0x4000  }
0x1ee: {  	[sflag:s22] =	ssyncset.done $0x0  }
0x1ef: {  	s20 =	rddreg [dreg:$0x1a];
	[sflag:s22] =	ssyncadd.s32 $0xFFFFC000  }
0x1f0: {  	[hbm4b:s20+s3] =	stream.linear.scatter [tilespmem:s21], [sflag:$0x3], $0x4000, $0x38;
	[tilespmem:$0x1D000] =	vst v63  }
0x1f1: {  	_ =	swait.ge [sflag:s22], $0x4000  }
0x1f2: {  	[sflag:s22] =	ssyncset.done $0x0  }
0x1f3: {  	s19 =	rddreg [dreg:$0x1b];
	[sflag:s22] =	ssyncadd.s32 $0xFFFFC000  }
0x1f4: {  	[tilespmem:s21], [sflag:$0x3] =	stream.linear.gather [spmem:s19], $0x4000, $0x38;
	[tilespmem:$0x1D000] =	vst v63  }
0x1f5: {  	_ =	swait.ge [sflag:s22], $0x4000  }
0x1f6: {  	[sflag:s22] =	ssyncset.done $0x0  }
0x1f7: {  	s20 =	rddreg [dreg:$0x1c];
	[sflag:s22] =	ssyncadd.s32 $0xFFFFC000  }
0x1f8: {  	[hbm4b:s20+s3] =	stream.linear.scatter [tilespmem:s21], [sflag:$0x3], $0x4000, $0x38;
	[tilespmem:$0x1D000] =	vst v63  }
0x1f9: {  	_ =	swait.ge [sflag:s22], $0x4000  }
0x1fa: {  	[sflag:s22] =	ssyncset.done $0x0  }
0x1fb: {  	s19 =	rddreg [dreg:$0x1d];
	[sflag:s22] =	ssyncadd.s32 $0xFFFFC000  }
0x1fc: {  	[tilespmem:s21], [sflag:$0x3] =	stream.linear.gather [spmem:s19], $0x4000, $0x38;
	[tilespmem:$0x1D000] =	vst v63  }
0x1fd: {  	_ =	swait.ge [sflag:s22], $0x4000  }
0x1fe: {  	[sflag:s22] =	ssyncset.done $0x0  }
0x1ff: {  	s20 =	rddreg [dreg:$0x1e];
	[sflag:s22] =	ssyncadd.s32 $0xFFFFC000  }
0x200: {  	[hbm4b:s20+s3] =	stream.linear.scatter [tilespmem:s21], [sflag:$0x3], $0x4000, $0x38;
	[tilespmem:$0x1D000] =	vst v63  }
0x201: {  	_ =	swait.ge [sflag:s22], $0x4000  }
0x202: {  	[sflag:s22] =	ssyncset.done $0x0  }
0x203: {  	s19 =	rddreg [dreg:$0x1f];
	[sflag:s22] =	ssyncadd.s32 $0xFFFFC000  }
0x204: {  	[tilespmem:s21], [sflag:$0x3] =	stream.linear.gather [spmem:s19], $0x4000, $0x38;
	[tilespmem:$0x1D000] =	vst v63  }
0x205: {  	_ =	swait.ge [sflag:s22], $0x4000  }
0x206: {  	s20 =	sld [smem:$0x7FD]  }
0x207: {  	[sflag:s22] =	ssyncset.done $0x0  }
0x208: {  	[sflag:s22] =	ssyncadd.s32 $0xFFFFC000  }
0x209: {  	[hbm4b:s20+s3] =	stream.linear.scatter [tilespmem:s21], [sflag:$0x3], $0x4000, $0x38;
	[tilespmem:$0x1D000] =	vst v63  }
0x20a: {  	_ =	swait.ge [sflag:s22], $0x4000  }
0x20b: {  	s6 =	sld [smem:$0x7FC];
	_ =	sdelay $0x2  }
0x20c: {  	s20 =	rddreg [dreg:$0x17];
	s19 =	sadd.s32 $0x1, s6  }
0x20d: {  	p0 =	sne.s32 s19, s20  }
.Ltmp1:
0x20e: {  	_ = 	snop;
	(pc) =	sbr.rel @p0 .LBB2_1-.Ltmp1, $3  }
0x20f: {  	_ =	sdelay $0x1  }
0x210: {  	[sflag:s22] =	ssyncset.done $0x0  }
0x211: {  	[sflag:s22] =	ssyncadd.s32 $0xFFFFC000  }
0x212: {  	_ =	sfence.sel $0x180000  }
0x213: {  	[bflag:$0x0] =	sbarrier.arrive $0xFFFF  }
0x214: {  	_ =	strace $0x9000004A  }
0x215: {  	s0 =	stileid.u32;
	[bflag:$0x2] =	sbarrier.arrive $0xFFFF  }
0x216: {  	p0 =	sne.s32 s0, $0x0;
	s0 =	rddreg [dreg:$0x2]  }
0x217: {  	s0 =	sadd.s32 @!p0 $0x100000, s0  }
0x218: {  	[sflag:s0] =	ssyncadd.tile.s32 @!p0 $0x1;
	_ =	shalt  }
.Lfunc_end2:
_tile_overlayer_lowered:
.L_overlay_start_2:
0x219: {  	(tag) =	ssettag $0x2  }
0x21a: {  	s0 =	rddreg [dreg:$0x0];
	s2 =	stileid.u32  }
0x21b: {  	s1 =	rddreg [dreg:$0x1];
	p0 =	sne.s32 s2, $0x0  }
0x21c: {  	s3 =	rddreg [dreg:$0x2];
	[bflag:$0x3] =	sbarrier.arrive $0xFFFF;
	s2 =	simm.s32 @!p0 $0x1C03  }
0x21d: {  	[timem:s3], [sflag:s2] =	dma.local @!p0 [hbm:s0], s1  }
0x21e: {  	s0 =	simm.s32 @!p0 $0x3  }
0x21f: {  	_ =	swait.ge @!p0 [sflag:s0], s1  }
0x220: {  	s1 =	ssub.s32 @!p0 $0x0, s1;
	[sflag:s0] =	ssyncset.done @!p0 $0x0  }
0x221: {  	[sflag:s0] =	ssyncadd.s32 @!p0 s1  }
0x222: {  	[bflag:$0x3] =	sbarrier.arrive $0xFFFF  }
0x223: {  	_ =	shalt  }

// kernel: kernel.16.cloned.1.call-start
scs
__scs_entry_jumppad:
0x0: {  	(pc) =	sbr.rel $0x88, $3  }
0x1: {  	(tag) =	ssettag $0x0;
	lr =	simm.s32 $0x1  }
0x2: {  	[smem:$0x3F99] =	sst lr;
	_ =	strace $0xD0000000  }
0x3: {  	_ = 	snop  }
0x4: {  	_ = 	snop  }
0x5: {  	_ = 	snop  }
0x6: {  	_ = 	snop  }
0x7: {  	_ = 	snop  }
__scs_overlays_trampoline_lowered:
0x8: {  	[smem:$0x3FA8] =	sst s0  }
0x9: {  	[smem:$0x3FA9] =	sst s1  }
0xa: {  	[smem:$0x3FAA] =	sst s2  }
0xb: {  	[smem:$0x3FAB] =	sst s3  }
0xc: {  	[smem:$0x3FAC] =	sst s4  }
0xd: {  	[smem:$0x3FAD] =	sst s5  }
0xe: {  	[smem:$0x3FAE] =	sst s6  }
0xf: {  	[smem:$0x3FAF] =	sst s7  }
0x10: {  	[smem:$0x3FB0] =	sst s8  }
0x11: {  	[smem:$0x3FB1] =	sst s9;
	s0 =	simm.s32 @!p0 $0x0  }
0x12: {  	s1 =	sld [smem:$0x3F97];
	s0 =	simm.s32 @p0 $0x1  }
0x13: {  	[smem:$0x3FB2] =	sst s0;
	s0 =	simm.s32 @!p1 $0x0  }
0x14: {  	s2 =	sld [smem:$0x3F96];
	s0 =	simm.s32 @p1 $0x1  }
0x15: {  	[smem:$0x3FB3] =	sst s0;
	s0 =	simm.s32 @!p2 $0x0  }
0x16: {  	s3 =	sld [smem:$0x3FDB];
	s0 =	simm.s32 @p2 $0x1  }
0x17: {  	s4 =	simm.s32 $0x1BF5;
	[smem:$0x3FB5] =	sst s0  }
0x18: {  	s0 =	sld [smem:$0x3F98];
	_ =	swait.ge [sflag:s4], $0x0  }
0x19: {  	s7 =	sld [smem:$0x3F99]  }
0x1a: {  	s8 =	sadd.s32 $0xFFFFE003, lr  }
0x1b: {  	s9 =	sadd.s32 $0xFFFFFEF7, lr;
	s5 =	simm.s32 $0xFFFFFFFF;
	p2 =	slt.u32 s8, $0xFFFFF086  }
0x1c: {  	p1 =	slt.u32 s9, $0xF7A;
	s5 =	simm.s32 @!p2 $0x0  }
0x1d: {  	s5 =	simm.s32 @p1 $0x1;
	p0 =	seq.s32 s7, s2  }
0x1e: {  	s7 =	smul.u32 @!p0 $0xF7A, s2;
	p2 =	seq.s32 @!p0 s5, $0x0  }
0x1f: {  	s9 =	smul.u32 $0xF7A, s1;
	s8 =	simm.s32 @!p0 $0x1BF5;
	p2 =	por !p2, p0  }
0x20: {  	[sflag:s8] =	ssyncset.s32 @!p0 $0xFFFFF086;
	s6 =	sadd.s32 @!p0 s3, s7;
	s7 =	simm.s32 @!p0 $0x108  }
0x21: {  	s3 =	sadd.s32 s3, s9;
	s6 =	sadd.s32 @!p0 $0x88, s6;
	s7 =	simm.s32 @p2 $0x1082  }
0x22: {  	[simem:s7], [sflag:s8] =	dma.local @!p0 [hbm:s6], $0xF7A  }
0x23: {  	s9 =	sor.u32 $0xD0000000, s2;
	s6 =	simm.s32 $0x108;
	_ =	swait.ge @!p0 [sflag:s8], $0x0  }
0x24: {  	s3 =	sadd.s32 $0x88, s3;
	s6 =	simm.s32 @!p1 $0x1082;
	[sflag:s4] =	ssyncset.s32 $0xFFFFF086  }
0x25: {  	[simem:s6], [sflag:s4] =	dma.local [hbm:s3], $0xF7A  }
0x26: {  	[smem:$0x3F99] =	sst s1;
	(tag) =	ssettag s2;
	_ =	strace s9  }
0x27: {  	s1 =	sld [smem:$0x3FA9]  }
0x28: {  	s2 =	sld [smem:$0x3FAA]  }
0x29: {  	s4 =	sld [smem:$0x3FAC]  }
0x2a: {  	p0 =	seq.s32 s5, $0x0;
	s5 =	sld [smem:$0x3FAD]  }
0x2b: {  	s6 =	sld [smem:$0x3FAE]  }
0x2c: {  	s7 =	sld [smem:$0x3FAF]  }
0x2d: {  	s3 =	simm.s32 $0x108;
	s8 =	sld [smem:$0x3FB0]  }
0x2e: {  	s3 =	simm.s32 @!p0 $0x1082;
	s9 =	sld [smem:$0x3FB1]  }
0x2f: {  	lr =	sadd.s32 s0, s3;
	s0 =	sld [smem:$0x3FA8]  }
0x30: {  	s3 =	sld [smem:$0x3FAB]  }
0x31: {  	[smem:$0x3FB4] =	sst s10  }
0x32: {  	s10 =	sld [smem:$0x3FB2];
	_ =	sdelay $0x3  }
0x33: {  	p0 =	seq.s32 s10, $0x1;
	s10 =	sld [smem:$0x3FB4];
	_ =	sdelay $0x3  }
0x34: {  	[smem:$0x3FB4] =	sst s10  }
0x35: {  	s10 =	sld [smem:$0x3FB3];
	_ =	sdelay $0x3  }
0x36: {  	p1 =	seq.s32 s10, $0x1;
	s10 =	sld [smem:$0x3FB4];
	_ =	sdelay $0x3  }
0x37: {  	[smem:$0x3FB4] =	sst s10  }
0x38: {  	s10 =	sld [smem:$0x3FB5]  }
0x39: {  	_ = 	snop;
	(pc) =	sbr.ind lr, $3  }
0x3a: {  	_ = 	snop  }
0x3b: {  	_ = 	snop  }
0x3c: {  	p2 =	seq.s32 s10, $0x1;
	s10 =	sld [smem:$0x3FB4]  }
0x3d: {  	_ =	shalt  }
0x3e: {  	_ =	shalt  }
0x3f: {  	_ =	shalt  }
0x40: {  	_ =	shalt  }
0x41: {  	_ =	shalt  }
0x42: {  	_ =	shalt  }
0x43: {  	_ =	shalt  }
0x44: {  	_ =	shalt  }
0x45: {  	_ =	shalt  }
0x46: {  	_ =	shalt  }
0x47: {  	_ =	shalt  }
0x48: {  	_ =	shalt  }
0x49: {  	_ =	shalt  }
0x4a: {  	_ =	shalt  }
0x4b: {  	_ =	shalt  }
0x4c: {  	_ =	shalt  }
0x4d: {  	_ =	shalt  }
0x4e: {  	_ =	shalt  }
0x4f: {  	_ =	shalt  }
0x50: {  	_ =	shalt  }
0x51: {  	_ =	shalt  }
0x52: {  	_ =	shalt  }
0x53: {  	_ =	shalt  }
0x54: {  	_ =	shalt  }
0x55: {  	_ =	shalt  }
0x56: {  	_ =	shalt  }
0x57: {  	_ =	shalt  }
0x58: {  	_ =	shalt  }
0x59: {  	_ =	shalt  }
0x5a: {  	_ =	shalt  }
0x5b: {  	_ =	shalt  }
0x5c: {  	_ =	shalt  }
0x5d: {  	_ =	shalt  }
0x5e: {  	_ =	shalt  }
0x5f: {  	_ =	shalt  }
0x60: {  	_ =	shalt  }
0x61: {  	_ =	shalt  }
0x62: {  	_ =	shalt  }
0x63: {  	_ =	shalt  }
0x64: {  	_ =	shalt  }
0x65: {  	_ =	shalt  }
0x66: {  	_ =	shalt  }
0x67: {  	_ =	shalt  }
0x68: {  	_ =	shalt  }
0x69: {  	_ =	shalt  }
0x6a: {  	_ =	shalt  }
0x6b: {  	_ =	shalt  }
0x6c: {  	_ =	shalt  }
0x6d: {  	_ =	shalt  }
0x6e: {  	_ =	shalt  }
0x6f: {  	_ =	shalt  }
0x70: {  	_ =	shalt  }
0x71: {  	_ =	shalt  }
0x72: {  	_ =	shalt  }
0x73: {  	_ =	shalt  }
0x74: {  	_ =	shalt  }
0x75: {  	_ =	shalt  }
0x76: {  	_ =	shalt  }
0x77: {  	_ =	shalt  }
0x78: {  	_ =	shalt  }
0x79: {  	_ =	shalt  }
0x7a: {  	_ =	shalt  }
0x7b: {  	_ =	shalt  }
0x7c: {  	_ =	shalt  }
0x7d: {  	_ =	shalt  }
0x7e: {  	_ =	shalt  }
0x7f: {  	_ =	shalt  }
0x80: {  	_ =	shalt  }
0x81: {  	_ =	shalt  }
0x82: {  	_ =	shalt  }
0x83: {  	_ =	shalt  }
0x84: {  	_ =	shalt  }
0x85: {  	_ =	shalt  }
0x86: {  	_ =	shalt  }
0x87: {  	_ =	shalt  }
.Lfunc_end0:
.L_simem_size_0:
called_computation.2_lowered:
.L_overlay_start_0:
0x88: {  	s2 =	sld [smem:$0x3FD9]  }
0x89: {  	s3 =	sld [smem:$0x3FFE];
	_ =	sdelay $0x1  }
0x8a: {  	s1 =	srdreg.scid  }
0x8b: {  	s0 =	sand.u32 $0x1, s1  }
0x8c: {  	s16 =	sshll.u32 s0, $0xA;
	s2 =	sadd.s32 s3, s2  }
0x8d: {  	s2 =	sadd.s32 s2, s16  }
0x8e: {  	[smem:$0x3FC0] =	sst s2  }
0x8f: {  	_ = 	snop  }
0x90: {  	(tm) =	ssettm $0x1  }
0x91: {  	s17 =	sld [smem:$0x3FFB];
	_ =	sdelay $0x3  }
0x92: {  	_ =	strace s17  }
0x93: {  	s2 =	sld [smem:$0x3FFC];
	_ =	sdelay $0x3  }
0x94: {  	_ =	strace s2  }
0x95: {  	s2 =	sld [smem:$0x3FFD];
	_ =	sdelay $0x3  }
0x96: {  	_ =	strace s2  }
0x97: {  	_ =	strace $0x8FFFFFFF  }
0x98: {  	s18 =	sld [smem:$0x3FDB];
	_ =	sdelay $0x1  }
0x99: {  	s19 =	simm.s32 $_scs_section_size  }
0x9a: {  	s4 =	simm.s32 $_size__tile_overlayer_lowered;
	s5 =	simm.s32 $_tile_overlayer_lowered  }
0x9b: {  	s22 =	simm.s32 $0x1BFF;
	s21 =	sshll.u32 s5, $0x1;
	s2 =	sadd.s32 s19, s18  }
0x9c: {  	s6 =	simm.s32 $0x0;
	s20 =	sshll.u32 s4, $0x1;
	s4 =	sadd.s32 s21, s2  }
0x9d: {  	[timem:s6], [sflag:s22] =	dma.local [hbm:s4], s20  }
0x9e: {  	_ =	swait.ge [sflag:s22], s20  }
0x9f: {  	s3 =	ssub.s32 $0x0, s20;
	[sflag:s22] =	ssyncset.done $0x0  }
0xa0: {  	[sflag:s22] =	ssyncadd.s32 s3;
	_ =	sdelay $0x1  }
0xa1: {  	s23 =	simm.s32 $0x1B8B  }
0xa2: {  	_ =	swait.ge [sflag:s23], $0x1  }
0xa3: {  	[sflag:s23] =	ssyncset.done $0x0  }
0xa4: {  	s25 =	simm.s32 $0x1B8E;
	s24 =	sld [smem:$0x3FFE];
	[sflag:s23] =	ssyncadd.s32 $0xFFFFFFFF  }
0xa5: {  	s26 =	simm.s32 $execute0_lowered;
	[smem:$0x3FD2] =	sst s25  }
0xa6: {  	s4 =	sshll.u32 s26, $0x1;
	_ =	strace $0x8000004C;
	[dreg:$0x1] =	wrdreg $0xFFFFFFFF  }
0xa7: {  	s28 =	simm.s32 $_size_execute0_lowered;
	s2 =	sadd.s32 s2, s4;
	[dreg:$0x0] =	wrdreg $0x0  }
0xa8: {  	s4 =	sshll.u32 s28, $0x1;
	[dreg:$0x2] =	wrdreg s2  }
0xa9: {  	[dreg:$0x3] =	wrdreg s4  }
0xaa: {  	[dreg:$0x4] =	wrdreg $0xC0  }
0xab: {  	_ =	task [dreg:s6], $0x5FFFF  }
0xac: {  	[dreg:$0x1] =	wrdreg $0xFFFFFFFF  }
0xad: {  	[dreg:$0x0] =	wrdreg $0x60  }
0xae: {  	[dreg:$0x2] =	wrdreg s24  }
0xaf: {  	[dreg:$0x3] =	wrdreg $0x90000  }
0xb0: {  	[dreg:$0x4] =	wrdreg $0x9  }
0xb1: {  	_ =	task.clear_ibuf [dreg:s6], $0x5FFFF;
	_ =	strace $0x9000004C  }
0xb2: {  	s29 =	simm.s32 $0x9;
	_ =	strace $0x8000004E  }
0xb3: {  	_ =	swait.ge [sflag:s29], $0x1  }
0xb4: {  	[sflag:s29] =	ssyncadd.s32 $0xFFFFFFFF  }
0xb5: {  	_ =	strace $0x9000004E  }
0xb6: {  	_ =	sfence  }
0xb7: {  	s30 =	sld [smem:$0x0];
	_ =	sdelay $0x2  }
0xb8: {  	s31 =	sshll.u32 s1, $0xD;
	s1 =	sshrl.u32 s1, $0x2  }
0xb9: {  	s3 =	sand.u32 $0x4000, s31;
	s1 =	sadd.s32 s1, s30  }
0xba: {  	s0 =	sor.u32 s3, s0;
	s1 =	sshll.u32 s1, $0x11  }
0xbb: {  	s0 =	sor.u32 s1, s0  }
0xbc: {  	s0 =	sadd.s32 $0x8F2B, s0  }
0xbd: {  	[sflag:s0] =	ssyncadd.remote.s32 $0x1  }
0xbe: {  	_ =	sfence.sel $0xFFFF  }
0xbf: {  	[dreg:$0x0] =	wrdreg $0xFFFFFFFF;
	(pc) =	sbr.abs _section_cstart, $3  }
0xc0: {  	[dreg:$0x1] =	wrdreg $0xFFFFFFFF  }
0xc1: {  	_ =	task.clear_ibuf [dreg:s6], $0x2FFFF;
	_ =	strace $0x9FFFFFFF  }
0xc2: {  	(tm) =	ssettm $0x7FFFFFFF  }
0xc3: {  	_ =	shalt  }
tec
execute0_lowered:
.L_overlay_start_1:
0x0: {  	(tag) =	ssettag $0x1  }
0x1: {  	s0 =	srdreg.scid;
	s1 =	rddreg [dreg:$0x0]  }
0x2: {  	s9 =	stileid.u32;
	s2 =	rddreg [dreg:$0x1]  }
0x3: {  	s3 =	simm.s32 $0x0;
	s12 =	simm.s32 $0x100;
	s14 =	simm.s32 $0x880  }
0x4: {  	s15 =	simm.s32 $0x180;
	s28 =	simm.s32 $0x2;
	s29 =	simm.s32 $0x400  }
0x5: {  	s30 =	simm.s32 $0xB80;
	[smem:$0x7FF] =	sst s3;
	s7 =	sadd.s32 $0x1E00, s1  }
0x6: {  	s5 =	smul.u32 $0x2800, s9;
	_ =	strace $0x8000004D;
	[dreg:$0x11] =	wrdreg s7  }
0x7: {  	s0 =	sand.u32 $0x1, s0;
	s6 =	smul.u32 $0x50000, s9;
	[dreg:$0x5] =	wrdreg s12  }
0x8: {  	s31 =	simm.s32 $0x480;
	s4 =	smul.u32 $0x28000, s0;
	[dreg:$0x6] =	wrdreg s14  }
0x9: {  	s16 =	ssub.s32 $0x2, s0;
	s0 =	smul.u32 $0x140000, s0;
	[dreg:$0x7] =	wrdreg s15  }
0xa: {  	s12 =	simm.s32 $0xE00;
	s14 =	simm.s32 $0xE80;
	s15 =	simm.s32 $0x780  }
0xb: {  	s8 =	sshrl.u32 s16, $0x1;
	s6 =	sshrl.u32 s6, $0x2;
	s4 =	sadd.s32 s5, s4  }
0xc: {  	s7 =	ssub.s32 s16, s8;
	s18 =	sadd.s32 s6, s2;
	s16 =	simm.s32 $0x900  }
0xd: {  	s6 =	smul.u32 $0x14000, s9;
	s5 =	sshrl.u32 s4, $0x3;
	[dreg:$0x8] =	wrdreg s16  }
0xe: {  	s4 =	sadd.s32 $0x2600, s1;
	s17 =	sadd.s32 $0x4000, s18;
	[dreg:$0x12] =	wrdreg s18  }
0xf: {  	s19 =	sadd.s32 $0x8000, s18;
	s20 =	sadd.s32 $0xC000, s18;
	[dreg:$0x13] =	wrdreg s17  }
0x10: {  	s21 =	sadd.s32 $0x10000, s18;
	s7 =	smax.u32 s7, $0x1;
	[dreg:$0x14] =	wrdreg s19  }
0x11: {  	s16 =	simm.s32 $0xF00;
	s5 =	sadd.s32 s5, s1;
	[dreg:$0x15] =	wrdreg s20  }
0x12: {  	s1 =	sadd.s32 $0x66E00, s1;
	[dreg:$0x16] =	wrdreg s21;
	s22 =	sadd.s32 s0, s6  }
0x13: {  	s9 =	sadd.s32 $0x4000, s6;
	[dreg:$0x17] =	wrdreg s7;
	s17 =	simm.s32 $0x200  }
0x14: {  	s26 =	sadd.s32 $0x8000, s6;
	s19 =	simm.s32 $0x980;
	[dreg:$0x9] =	wrdreg s17  }
0x15: {  	s11 =	sadd.s32 $0xC000, s6;
	s21 =	simm.s32 $0x280;
	[dreg:$0xa] =	wrdreg s19  }
0x16: {  	s24 =	sadd.s32 s0, s9;
	s9 =	sadd.s32 s9, s2;
	[dreg:$0xb] =	wrdreg s21  }
0x17: {  	s6 =	sadd.s32 $0x10000, s6;
	s8 =	sadd.s32 s26, s2;
	[dreg:$0x19] =	wrdreg s9  }
0x18: {  	s23 =	sshrl.u32 s22, $0x3;
	s10 =	sadd.s32 $0x5CE00, s5;
	[dreg:$0x1b] =	wrdreg s8  }
0x19: {  	s5 =	sadd.s32 $0x52E00, s5;
	s13 =	sadd.s32 s11, s2;
	[dreg:$0x3] =	wrdreg s10  }
0x1a: {  	s20 =	sadd.s32 s6, s2;
	s22 =	simm.s32 $0xA00;
	[dreg:$0x4] =	wrdreg s5  }
0x1b: {  	s21 =	simm.s32 $0x1000;
	s17 =	simm.s32 $0xF80;
	[dreg:$0x1d] =	wrdreg s13  }
0x1c: {  	s19 =	simm.s32 $0x0;
	s7 =	sadd.s32 s1, s23;
	[dreg:$0x1f] =	wrdreg s20  }
0x1d: {  	s25 =	sshrl.u32 s24, $0x3;
	s9 =	sadd.s32 s0, s26;
	[dreg:$0xc] =	wrdreg s22  }
0x1e: {  	s23 =	simm.s32 $0x300;
	s24 =	simm.s32 $0xA80;
	s22 =	simm.s32 $0x3  }
0x1f: {  	s26 =	simm.s32 $0xB00;
	s5 =	simm.s32 $0xC80;
	[dreg:$0x18] =	wrdreg s7  }
0x20: {  	s8 =	simm.s32 $0xD00;
	s10 =	simm.s32 $0xD80;
	[dreg:$0xd] =	wrdreg s23  }
0x21: {  	s13 =	simm.s32 $0x700;
	s7 =	sadd.s32 s1, s25;
	[dreg:$0xe] =	wrdreg s24  }
0x22: {  	s25 =	simm.s32 $0x380;
	s23 =	simm.s32 $0x800;
	[dreg:$0x10] =	wrdreg s26  }
0x23: {  	s24 =	simm.s32 $0x80;
	[dreg:$0x1a] =	wrdreg s7;
	s7 =	sshrl.u32 s9, $0x3  }
0x24: {  	s26 =	simm.s32 $0x1;
	[dreg:$0xf] =	wrdreg s25;
	s7 =	sadd.s32 s1, s7  }
0x25: {  	s25 =	simm.s32 $0x5000;
	[dreg:$0x1c] =	wrdreg s7;
	s7 =	sadd.s32 s0, s11  }
0x26: {  	s9 =	simm.s32 $0x600;
	s0 =	sadd.s32 s0, s6;
	s7 =	sshrl.u32 s7, $0x3  }
0x27: {  	s11 =	simm.s32 $0x680;
	s0 =	sshrl.u32 s0, $0x3;
	s7 =	sadd.s32 s1, s7  }
0x28: {  	s0 =	sadd.s32 s1, s0;
	s1 =	simm.s32 $0xC00;
	[dreg:$0x1e] =	wrdreg s7  }
0x29: {  	[smem:$0x7FD] =	sst s0;
	s0 =	simm.s32 $0x500;
	s7 =	simm.s32 $0x580  }
.LBB2_1:
0x2a: {  	[smem:$0x7FC] =	sst s19  }
0x2b: {  	s6 =	rddreg [dreg:$0x11]  }
0x2c: {  	[tilespmem:s21], [sflag:$0x3] =	stream.linear.gather [hbm4b:s6+s3], $0x4000, $0x38;
	[tilespmem:$0x1D000] =	vst v63  }
0x2d: {  	_ =	swait.ge [sflag:s22], $0x4000  }
0x2e: {  	[sflag:s22] =	ssyncset.done $0x0  }
0x2f: {  	[sflag:s22] =	ssyncadd.s32 $0xFFFFC000  }
0x30: {  	[spmem:s18] =	stream.linear.scatter [tilespmem:s21], [sflag:$0x3], $0x4000, $0x38;
	[tilespmem:$0x1D000] =	vst v63  }
0x31: {  	_ =	swait.ge [sflag:s22], $0x4000  }
0x32: {  	[sflag:s22] =	ssyncset.done $0x0  }
0x33: {  	s18 =	rddreg [dreg:$0x13];
	[sflag:s22] =	ssyncadd.s32 $0xFFFFC000  }
0x34: {  	[spmem:s18] =	stream.linear.scatter [tilespmem:s21], [sflag:$0x3], $0x4000, $0x38;
	[tilespmem:$0x1D000] =	vst v63  }
0x35: {  	_ =	swait.ge [sflag:s22], $0x4000  }
0x36: {  	[sflag:s22] =	ssyncset.done $0x0  }
0x37: {  	s19 =	rddreg [dreg:$0x14];
	[sflag:s22] =	ssyncadd.s32 $0xFFFFC000  }
0x38: {  	[spmem:s19] =	stream.linear.scatter [tilespmem:s21], [sflag:$0x3], $0x4000, $0x38;
	[tilespmem:$0x1D000] =	vst v63  }
0x39: {  	_ =	swait.ge [sflag:s22], $0x4000  }
0x3a: {  	[sflag:s22] =	ssyncset.done $0x0  }
0x3b: {  	s20 =	rddreg [dreg:$0x15];
	[sflag:s22] =	ssyncadd.s32 $0xFFFFC000  }
0x3c: {  	[spmem:s20] =	stream.linear.scatter [tilespmem:s21], [sflag:$0x3], $0x4000, $0x38;
	[tilespmem:$0x1D000] =	vst v63  }
0x3d: {  	_ =	swait.ge [sflag:s22], $0x4000  }
0x3e: {  	[sflag:s22] =	ssyncset.done $0x0  }
0x3f: {  	s18 =	rddreg [dreg:$0x16];
	[sflag:s22] =	ssyncadd.s32 $0xFFFFC000  }
0x40: {  	[spmem:s18] =	stream.linear.scatter [tilespmem:s21], [sflag:$0x3], $0x4000, $0x38;
	[tilespmem:$0x1D000] =	vst v63  }
0x41: {  	_ =	swait.ge [sflag:s22], $0x4000  }
0x42: {  	[sflag:s22] =	ssyncset.done $0x0  }
0x43: {  	[sflag:s22] =	ssyncadd.s32 $0xFFFFC000  }
0x44: {  	[bflag:$0x0] =	sbarrier.arrive $0xFFFF  }
0x45: {  	s19 =	rddreg [dreg:$0x4]  }
0x46: {  	s6 =	sadd.s32 $0x0, s19  }
0x47: {  	[tilespmem:s3], [sflag:$0x3] =	stream.linear.gather [hbm4b:s6+s3], $0x800, $0x38;
	[tilespmem:$0x1D000] =	vst v63  }
0x48: {  	_ =	swait.ge [sflag:s22], $0x800  }
0x49: {  	s20 =	rddreg [dreg:$0x3];
	[sflag:s22] =	ssyncset.done $0x0  }
0x4a: {  	[sflag:s22] =	ssyncadd.s32 $0xFFFFF800;
	s6 =	sadd.s32 $0x0, s20  }
0x4b: {  	[tilespmem:s23], [sflag:$0x3] =	stream.linear.gather [hbm4b:s6+s3], $0x800, $0x38;
	[tilespmem:$0x1D000] =	vst v63  }
0x4c: {  	_ =	swait.ge [sflag:s22], $0x800  }
0x4d: {  	[sflag:s22] =	ssyncset.done $0x0  }
0x4e: {  	[sflag:s22] =	ssyncadd.s32 $0xFFFFF800  }
0x4f: {  	[tilespmem:s21], [sflag:$0x1] =	stream.indirect.gather [hbm4b:s4+s24], $0x80, s3, s24, $0xb8;
	[tilespmem:$0x1D000] =	vst v63  }
0x50: {  	_ = 	snop  }
0x51: {  	[tilespmem:s25], [sflag:$0x2] =	stream.indirect.gather [hbm4b:s4+s24], $0x80, s24, s24, $0xb8;
	[tilespmem:$0x1D000] =	vst v63  }
0x52: {  	_ =	swait.ge [sflag:s26], $0x4000  }
0x53: {  	[sflag:s26] =	ssyncset.done $0x0  }
0x54: {  	[sflag:s26] =	ssyncadd.s32 $0xFFFFC000  }
0x55: {  	[spmem:s2] =	stream.indirect.scatter.add.f32 [tilespmem:s21], [sflag:$0x3], $0x80, s23, s24, $0xb8;
	[tilespmem:$0x1D000] =	vst v63  }
0x56: {  	_ =	swait.ge [sflag:s22], $0x4000  }
0x57: {  	[sflag:s22] =	ssyncset.done $0x0  }
0x58: {  	s18 =	rddreg [dreg:$0x5];
	[sflag:s22] =	ssyncadd.s32 $0xFFFFC000  }
0x59: {  	[tilespmem:s21], [sflag:$0x1] =	stream.indirect.gather [hbm4b:s4+s24], $0x80, s18, s24, $0xb8;
	[tilespmem:$0x1D000] =	vst v63  }
0x5a: {  	_ =	swait.ge [sflag:s28], $0x4000  }
0x5b: {  	[sflag:s28] =	ssyncset.done $0x0  }
0x5c: {  	s19 =	rddreg [dreg:$0x6];
	[sflag:s28] =	ssyncadd.s32 $0xFFFFC000  }
0x5d: {  	[spmem:s2] =	stream.indirect.scatter.add.f32 [tilespmem:s25], [sflag:$0x3], $0x80, s19, s24, $0xb8;
	[tilespmem:$0x1D000] =	vst v63  }
0x5e: {  	_ =	swait.ge [sflag:s22], $0x4000  }
0x5f: {  	[sflag:s22] =	ssyncset.done $0x0  }
0x60: {  	s20 =	rddreg [dreg:$0x7];
	[sflag:s22] =	ssyncadd.s32 $0xFFFFC000  }
0x61: {  	[tilespmem:s25], [sflag:$0x2] =	stream.indirect.gather [hbm4b:s4+s24], $0x80, s20, s24, $0xb8;
	[tilespmem:$0x1D000] =	vst v63  }
0x62: {  	_ =	swait.ge [sflag:s26], $0x4000  }
0x63: {  	[sflag:s26] =	ssyncset.done $0x0  }
0x64: {  	s18 =	rddreg [dreg:$0x8];
	[sflag:s26] =	ssyncadd.s32 $0xFFFFC000  }
0x65: {  	[spmem:s2] =	stream.indirect.scatter.add.f32 [tilespmem:s21], [sflag:$0x3], $0x80, s18, s24, $0xb8;
	[tilespmem:$0x1D000] =	vst v63  }
0x66: {  	_ =	swait.ge [sflag:s22], $0x4000  }
0x67: {  	[sflag:s22] =	ssyncset.done $0x0  }
0x68: {  	s19 =	rddreg [dreg:$0x9];
	[sflag:s22] =	ssyncadd.s32 $0xFFFFC000  }
0x69: {  	[tilespmem:s21], [sflag:$0x1] =	stream.indirect.gather [hbm4b:s4+s24], $0x80, s19, s24, $0xb8;
	[tilespmem:$0x1D000] =	vst v63  }
0x6a: {  	_ =	swait.ge [sflag:s28], $0x4000  }
0x6b: {  	[sflag:s28] =	ssyncset.done $0x0  }
0x6c: {  	s20 =	rddreg [dreg:$0xa];
	[sflag:s28] =	ssyncadd.s32 $0xFFFFC000  }
0x6d: {  	[spmem:s2] =	stream.indirect.scatter.add.f32 [tilespmem:s25], [sflag:$0x3], $0x80, s20, s24, $0xb8;
	[tilespmem:$0x1D000] =	vst v63  }
0x6e: {  	_ =	swait.ge [sflag:s22], $0x4000  }
0x6f: {  	[sflag:s22] =	ssyncset.done $0x0  }
0x70: {  	s18 =	rddreg [dreg:$0xb];
	[sflag:s22] =	ssyncadd.s32 $0xFFFFC000  }
0x71: {  	[tilespmem:s25], [sflag:$0x2] =	stream.indirect.gather [hbm4b:s4+s24], $0x80, s18, s24, $0xb8;
	[tilespmem:$0x1D000] =	vst v63  }
0x72: {  	_ =	swait.ge [sflag:s26], $0x4000  }
0x73: {  	[sflag:s26] =	ssyncset.done $0x0  }
0x74: {  	s19 =	rddreg [dreg:$0xc];
	[sflag:s26] =	ssyncadd.s32 $0xFFFFC000  }
0x75: {  	[spmem:s2] =	stream.indirect.scatter.add.f32 [tilespmem:s21], [sflag:$0x3], $0x80, s19, s24, $0xb8;
	[tilespmem:$0x1D000] =	vst v63  }
0x76: {  	_ =	swait.ge [sflag:s22], $0x4000  }
0x77: {  	[sflag:s22] =	ssyncset.done $0x0  }
0x78: {  	s20 =	rddreg [dreg:$0xd];
	[sflag:s22] =	ssyncadd.s32 $0xFFFFC000  }
0x79: {  	[tilespmem:s21], [sflag:$0x1] =	stream.indirect.gather [hbm4b:s4+s24], $0x80, s20, s24, $0xb8;
	[tilespmem:$0x1D000] =	vst v63  }
0x7a: {  	_ =	swait.ge [sflag:s28], $0x4000  }
0x7b: {  	[sflag:s28] =	ssyncset.done $0x0  }
0x7c: {  	s18 =	rddreg [dreg:$0xe];
	[sflag:s28] =	ssyncadd.s32 $0xFFFFC000  }
0x7d: {  	[spmem:s2] =	stream.indirect.scatter.add.f32 [tilespmem:s25], [sflag:$0x3], $0x80, s18, s24, $0xb8;
	[tilespmem:$0x1D000] =	vst v63  }
0x7e: {  	_ =	swait.ge [sflag:s22], $0x4000  }
0x7f: {  	[sflag:s22] =	ssyncset.done $0x0  }
0x80: {  	s19 =	rddreg [dreg:$0xf];
	[sflag:s22] =	ssyncadd.s32 $0xFFFFC000  }
0x81: {  	[tilespmem:s25], [sflag:$0x2] =	stream.indirect.gather [hbm4b:s4+s24], $0x80, s19, s24, $0xb8;
	[tilespmem:$0x1D000] =	vst v63  }
0x82: {  	_ =	swait.ge [sflag:s26], $0x4000  }
0x83: {  	[sflag:s26] =	ssyncset.done $0x0  }
0x84: {  	s20 =	rddreg [dreg:$0x10];
	[sflag:s26] =	ssyncadd.s32 $0xFFFFC000  }
0x85: {  	[spmem:s2] =	stream.indirect.scatter.add.f32 [tilespmem:s21], [sflag:$0x3], $0x80, s20, s24, $0xb8;
	[tilespmem:$0x1D000] =	vst v63  }
0x86: {  	_ =	swait.ge [sflag:s22], $0x4000  }
0x87: {  	[sflag:s22] =	ssyncset.done $0x0  }
0x88: {  	[sflag:s22] =	ssyncadd.s32 $0xFFFFC000  }
0x89: {  	[tilespmem:s21], [sflag:$0x1] =	stream.indirect.gather [hbm4b:s4+s24], $0x80, s29, s24, $0xb8;
	[tilespmem:$0x1D000] =	vst v63  }
0x8a: {  	_ =	swait.ge [sflag:s28], $0x4000  }
0x8b: {  	[sflag:s28] =	ssyncset.done $0x0  }
0x8c: {  	[sflag:s28] =	ssyncadd.s32 $0xFFFFC000  }
0x8d: {  	[spmem:s2] =	stream.indirect.scatter.add.f32 [tilespmem:s25], [sflag:$0x3], $0x80, s30, s24, $0xb8;
	[tilespmem:$0x1D000] =	vst v63  }
0x8e: {  	_ =	swait.ge [sflag:s22], $0x4000  }
0x8f: {  	[sflag:s22] =	ssyncset.done $0x0  }
0x90: {  	[sflag:s22] =	ssyncadd.s32 $0xFFFFC000  }
0x91: {  	[tilespmem:s25], [sflag:$0x2] =	stream.indirect.gather [hbm4b:s4+s24], $0x80, s31, s24, $0xb8;
	[tilespmem:$0x1D000] =	vst v63  }
0x92: {  	_ =	swait.ge [sflag:s26], $0x4000  }
0x93: {  	[sflag:s26] =	ssyncset.done $0x0  }
0x94: {  	[sflag:s26] =	ssyncadd.s32 $0xFFFFC000  }
0x95: {  	[spmem:s2] =	stream.indirect.scatter.add.f32 [tilespmem:s21], [sflag:$0x3], $0x80, s1, s24, $0xb8;
	[tilespmem:$0x1D000] =	vst v63  }
0x96: {  	_ =	swait.ge [sflag:s22], $0x4000  }
0x97: {  	[sflag:s22] =	ssyncset.done $0x0  }
0x98: {  	[sflag:s22] =	ssyncadd.s32 $0xFFFFC000  }
0x99: {  	[tilespmem:s21], [sflag:$0x1] =	stream.indirect.gather [hbm4b:s4+s24], $0x80, s0, s24, $0xb8;
	[tilespmem:$0x1D000] =	vst v63  }
0x9a: {  	_ =	swait.ge [sflag:s28], $0x4000  }
0x9b: {  	[sflag:s28] =	ssyncset.done $0x0  }
0x9c: {  	[sflag:s28] =	ssyncadd.s32 $0xFFFFC000  }
0x9d: {  	[spmem:s2] =	stream.indirect.scatter.add.f32 [tilespmem:s25], [sflag:$0x3], $0x80, s5, s24, $0xb8;
	[tilespmem:$0x1D000] =	vst v63  }
0x9e: {  	_ =	swait.ge [sflag:s22], $0x4000  }
0x9f: {  	[sflag:s22] =	ssyncset.done $0x0  }
0xa0: {  	[sflag:s22] =	ssyncadd.s32 $0xFFFFC000  }
0xa1: {  	[tilespmem:s25], [sflag:$0x2] =	stream.indirect.gather [hbm4b:s4+s24], $0x80, s7, s24, $0xb8;
	[tilespmem:$0x1D000] =	vst v63  }
0xa2: {  	_ =	swait.ge [sflag:s26], $0x4000  }
0xa3: {  	[sflag:s26] =	ssyncset.done $0x0  }
0xa4: {  	[sflag:s26] =	ssyncadd.s32 $0xFFFFC000  }
0xa5: {  	[spmem:s2] =	stream.indirect.scatter.add.f32 [tilespmem:s21], [sflag:$0x3], $0x80, s8, s24, $0xb8;
	[tilespmem:$0x1D000] =	vst v63  }
0xa6: {  	_ =	swait.ge [sflag:s22], $0x4000  }
0xa7: {  	[sflag:s22] =	ssyncset.done $0x0  }
0xa8: {  	[sflag:s22] =	ssyncadd.s32 $0xFFFFC000  }
0xa9: {  	[tilespmem:s21], [sflag:$0x1] =	stream.indirect.gather [hbm4b:s4+s24], $0x80, s9, s24, $0xb8;
	[tilespmem:$0x1D000] =	vst v63  }
0xaa: {  	_ =	swait.ge [sflag:s28], $0x4000  }
0xab: {  	[sflag:s28] =	ssyncset.done $0x0  }
0xac: {  	[sflag:s28] =	ssyncadd.s32 $0xFFFFC000  }
0xad: {  	[spmem:s2] =	stream.indirect.scatter.add.f32 [tilespmem:s25], [sflag:$0x3], $0x80, s10, s24, $0xb8;
	[tilespmem:$0x1D000] =	vst v63  }
0xae: {  	_ =	swait.ge [sflag:s22], $0x4000  }
0xaf: {  	[sflag:s22] =	ssyncset.done $0x0  }
0xb0: {  	[sflag:s22] =	ssyncadd.s32 $0xFFFFC000  }
0xb1: {  	[tilespmem:s25], [sflag:$0x2] =	stream.indirect.gather [hbm4b:s4+s24], $0x80, s11, s24, $0xb8;
	[tilespmem:$0x1D000] =	vst v63  }
0xb2: {  	_ =	swait.ge [sflag:s26], $0x4000  }
0xb3: {  	[sflag:s26] =	ssyncset.done $0x0  }
0xb4: {  	[sflag:s26] =	ssyncadd.s32 $0xFFFFC000  }
0xb5: {  	[spmem:s2] =	stream.indirect.scatter.add.f32 [tilespmem:s21], [sflag:$0x3], $0x80, s12, s24, $0xb8;
	[tilespmem:$0x1D000] =	vst v63  }
0xb6: {  	_ =	swait.ge [sflag:s22], $0x4000  }
0xb7: {  	[sflag:s22] =	ssyncset.done $0x0  }
0xb8: {  	[sflag:s22] =	ssyncadd.s32 $0xFFFFC000  }
0xb9: {  	[tilespmem:s21], [sflag:$0x1] =	stream.indirect.gather [hbm4b:s4+s24], $0x80, s13, s24, $0xb8;
	[tilespmem:$0x1D000] =	vst v63  }
0xba: {  	_ =	swait.ge [sflag:s28], $0x4000  }
0xbb: {  	[sflag:s28] =	ssyncset.done $0x0  }
0xbc: {  	[sflag:s28] =	ssyncadd.s32 $0xFFFFC000  }
0xbd: {  	[spmem:s2] =	stream.indirect.scatter.add.f32 [tilespmem:s25], [sflag:$0x3], $0x80, s14, s24, $0xb8;
	[tilespmem:$0x1D000] =	vst v63  }
0xbe: {  	_ =	swait.ge [sflag:s22], $0x4000  }
0xbf: {  	[sflag:s22] =	ssyncset.done $0x0  }
0xc0: {  	[sflag:s22] =	ssyncadd.s32 $0xFFFFC000  }
0xc1: {  	[tilespmem:s25], [sflag:$0x2] =	stream.indirect.gather [hbm4b:s4+s24], $0x80, s15, s24, $0xb8;
	[tilespmem:$0x1D000] =	vst v63  }
0xc2: {  	_ =	swait.ge [sflag:s26], $0x4000  }
0xc3: {  	[sflag:s26] =	ssyncset.done $0x0  }
0xc4: {  	[sflag:s26] =	ssyncadd.s32 $0xFFFFC000  }
0xc5: {  	[spmem:s2] =	stream.indirect.scatter.add.f32 [tilespmem:s21], [sflag:$0x3], $0x80, s16, s24, $0xb8;
	[tilespmem:$0x1D000] =	vst v63  }
0xc6: {  	_ =	swait.ge [sflag:s22], $0x4000  }
0xc7: {  	[sflag:s22] =	ssyncset.done $0x0  }
0xc8: {  	[sflag:s22] =	ssyncadd.s32 $0xFFFFC000  }
0xc9: {  	_ =	swait.ge [sflag:s28], $0x4000  }
0xca: {  	[sflag:s28] =	ssyncset.done $0x0  }
0xcb: {  	[sflag:s28] =	ssyncadd.s32 $0xFFFFC000  }
0xcc: {  	[spmem:s2] =	stream.indirect.scatter.add.f32 [tilespmem:s25], [sflag:$0x3], $0x80, s17, s24, $0xb8;
	[tilespmem:$0x1D000] =	vst v63  }
0xcd: {  	s19 =	simm.s32 $0x100;
	_ =	swait.ge [sflag:s22], $0x4000  }
0xce: {  	s20 =	simm.s32 $0x200;
	s6 =	rddreg [dreg:$0x4];
	[sflag:s22] =	ssyncset.done $0x0  }
.LBB2_2:
0xcf: {  	[sflag:s22] =	ssyncadd.s32 $0xFFFFC000;
	s6 =	sadd.s32 s19, s6  }
0xd0: {  	[tilespmem:s3], [sflag:$0x3] =	stream.linear.gather [hbm4b:s6+s3], $0x800, $0x38;
	[tilespmem:$0x1D000] =	vst v63  }
0xd1: {  	_ =	swait.ge [sflag:s22], $0x800  }
0xd2: {  	s6 =	rddreg [dreg:$0x3];
	[sflag:s22] =	ssyncset.done $0x0  }
0xd3: {  	[sflag:s22] =	ssyncadd.s32 $0xFFFFF800;
	s6 =	sadd.s32 s19, s6  }
0xd4: {  	[tilespmem:s23], [sflag:$0x3] =	stream.linear.gather [hbm4b:s6+s3], $0x800, $0x38;
	[tilespmem:$0x1D000] =	vst v63  }
0xd5: {  	_ =	swait.ge [sflag:s22], $0x800  }
0xd6: {  	[sflag:s22] =	ssyncset.done $0x0  }
0xd7: {  	[sflag:s22] =	ssyncadd.s32 $0xFFFFF800  }
0xd8: {  	[tilespmem:s21], [sflag:$0x1] =	stream.indirect.gather [hbm4b:s4+s24], $0x80, s3, s24, $0xb8;
	[tilespmem:$0x1D000] =	vst v63  }
0xd9: {  	_ = 	snop  }
0xda: {  	[tilespmem:s25], [sflag:$0x2] =	stream.indirect.gather [hbm4b:s4+s24], $0x80, s24, s24, $0xb8;
	[tilespmem:$0x1D000] =	vst v63  }
0xdb: {  	_ =	swait.ge [sflag:s26], $0x4000  }
0xdc: {  	[sflag:s26] =	ssyncset.done $0x0  }
0xdd: {  	[sflag:s26] =	ssyncadd.s32 $0xFFFFC000  }
0xde: {  	[spmem:s2] =	stream.indirect.scatter.add.f32 [tilespmem:s21], [sflag:$0x3], $0x80, s23, s24, $0xb8;
	[tilespmem:$0x1D000] =	vst v63  }
0xdf: {  	_ =	swait.ge [sflag:s22], $0x4000  }
0xe0: {  	s18 =	smov.u32 s20;
	[sflag:s22] =	ssyncset.done $0x0  }
0xe1: {  	s19 =	smov.u32 s18;
	s18 =	rddreg [dreg:$0x5];
	[sflag:s22] =	ssyncadd.s32 $0xFFFFC000  }
0xe2: {  	[tilespmem:s21], [sflag:$0x1] =	stream.indirect.gather [hbm4b:s4+s24], $0x80, s18, s24, $0xb8;
	[tilespmem:$0x1D000] =	vst v63  }
0xe3: {  	_ =	swait.ge [sflag:s28], $0x4000  }
0xe4: {  	[sflag:s28] =	ssyncset.done $0x0  }
0xe5: {  	s18 =	rddreg [dreg:$0x6];
	[sflag:s28] =	ssyncadd.s32 $0xFFFFC000  }
0xe6: {  	[spmem:s2] =	stream.indirect.scatter.add.f32 [tilespmem:s25], [sflag:$0x3], $0x80, s18, s24, $0xb8;
	[tilespmem:$0x1D000] =	vst v63  }
0xe7: {  	_ =	swait.ge [sflag:s22], $0x4000  }
0xe8: {  	[sflag:s22] =	ssyncset.done $0x0  }
0xe9: {  	s18 =	rddreg [dreg:$0x7];
	[sflag:s22] =	ssyncadd.s32 $0xFFFFC000  }
0xea: {  	[tilespmem:s25], [sflag:$0x2] =	stream.indirect.gather [hbm4b:s4+s24], $0x80, s18, s24, $0xb8;
	[tilespmem:$0x1D000] =	vst v63  }
0xeb: {  	_ =	swait.ge [sflag:s26], $0x4000  }
0xec: {  	[sflag:s26] =	ssyncset.done $0x0  }
0xed: {  	s18 =	rddreg [dreg:$0x8];
	[sflag:s26] =	ssyncadd.s32 $0xFFFFC000  }
0xee: {  	[spmem:s2] =	stream.indirect.scatter.add.f32 [tilespmem:s21], [sflag:$0x3], $0x80, s18, s24, $0xb8;
	[tilespmem:$0x1D000] =	vst v63  }
0xef: {  	_ =	swait.ge [sflag:s22], $0x4000  }
0xf0: {  	[sflag:s22] =	ssyncset.done $0x0  }
0xf1: {  	s18 =	rddreg [dreg:$0x9];
	[sflag:s22] =	ssyncadd.s32 $0xFFFFC000  }
0xf2: {  	[tilespmem:s21], [sflag:$0x1] =	stream.indirect.gather [hbm4b:s4+s24], $0x80, s18, s24, $0xb8;
	[tilespmem:$0x1D000] =	vst v63  }
0xf3: {  	_ =	swait.ge [sflag:s28], $0x4000  }
0xf4: {  	[sflag:s28] =	ssyncset.done $0x0  }
0xf5: {  	s18 =	rddreg [dreg:$0xa];
	[sflag:s28] =	ssyncadd.s32 $0xFFFFC000  }
0xf6: {  	[spmem:s2] =	stream.indirect.scatter.add.f32 [tilespmem:s25], [sflag:$0x3], $0x80, s18, s24, $0xb8;
	[tilespmem:$0x1D000] =	vst v63  }
0xf7: {  	_ =	swait.ge [sflag:s22], $0x4000  }
0xf8: {  	[sflag:s22] =	ssyncset.done $0x0  }
0xf9: {  	s18 =	rddreg [dreg:$0xb];
	[sflag:s22] =	ssyncadd.s32 $0xFFFFC000  }
0xfa: {  	[tilespmem:s25], [sflag:$0x2] =	stream.indirect.gather [hbm4b:s4+s24], $0x80, s18, s24, $0xb8;
	[tilespmem:$0x1D000] =	vst v63  }
0xfb: {  	_ =	swait.ge [sflag:s26], $0x4000  }
0xfc: {  	[sflag:s26] =	ssyncset.done $0x0  }
0xfd: {  	s18 =	rddreg [dreg:$0xc];
	[sflag:s26] =	ssyncadd.s32 $0xFFFFC000  }
0xfe: {  	[spmem:s2] =	stream.indirect.scatter.add.f32 [tilespmem:s21], [sflag:$0x3], $0x80, s18, s24, $0xb8;
	[tilespmem:$0x1D000] =	vst v63  }
0xff: {  	_ =	swait.ge [sflag:s22], $0x4000  }
0x100: {  	[sflag:s22] =	ssyncset.done $0x0  }
0x101: {  	s18 =	rddreg [dreg:$0xd];
	[sflag:s22] =	ssyncadd.s32 $0xFFFFC000  }
0x102: {  	[tilespmem:s21], [sflag:$0x1] =	stream.indirect.gather [hbm4b:s4+s24], $0x80, s18, s24, $0xb8;
	[tilespmem:$0x1D000] =	vst v63  }
0x103: {  	_ =	swait.ge [sflag:s28], $0x4000  }
0x104: {  	[sflag:s28] =	ssyncset.done $0x0  }
0x105: {  	s18 =	rddreg [dreg:$0xe];
	[sflag:s28] =	ssyncadd.s32 $0xFFFFC000  }
0x106: {  	[spmem:s2] =	stream.indirect.scatter.add.f32 [tilespmem:s25], [sflag:$0x3], $0x80, s18, s24, $0xb8;
	[tilespmem:$0x1D000] =	vst v63  }
0x107: {  	_ =	swait.ge [sflag:s22], $0x4000  }
0x108: {  	[sflag:s22] =	ssyncset.done $0x0  }
0x109: {  	s18 =	rddreg [dreg:$0xf];
	[sflag:s22] =	ssyncadd.s32 $0xFFFFC000  }
0x10a: {  	[tilespmem:s25], [sflag:$0x2] =	stream.indirect.gather [hbm4b:s4+s24], $0x80, s18, s24, $0xb8;
	[tilespmem:$0x1D000] =	vst v63  }
0x10b: {  	_ =	swait.ge [sflag:s26], $0x4000  }
0x10c: {  	[sflag:s26] =	ssyncset.done $0x0  }
0x10d: {  	s18 =	rddreg [dreg:$0x10];
	[sflag:s26] =	ssyncadd.s32 $0xFFFFC000  }
0x10e: {  	[spmem:s2] =	stream.indirect.scatter.add.f32 [tilespmem:s21], [sflag:$0x3], $0x80, s18, s24, $0xb8;
	[tilespmem:$0x1D000] =	vst v63  }
0x10f: {  	_ =	swait.ge [sflag:s22], $0x4000  }
0x110: {  	[sflag:s22] =	ssyncset.done $0x0  }
0x111: {  	[sflag:s22] =	ssyncadd.s32 $0xFFFFC000  }
0x112: {  	[tilespmem:s21], [sflag:$0x1] =	stream.indirect.gather [hbm4b:s4+s24], $0x80, s29, s24, $0xb8;
	[tilespmem:$0x1D000] =	vst v63  }
0x113: {  	_ =	swait.ge [sflag:s28], $0x4000  }
0x114: {  	[sflag:s28] =	ssyncset.done $0x0  }
0x115: {  	[sflag:s28] =	ssyncadd.s32 $0xFFFFC000  }
0x116: {  	[spmem:s2] =	stream.indirect.scatter.add.f32 [tilespmem:s25], [sflag:$0x3], $0x80, s30, s24, $0xb8;
	[tilespmem:$0x1D000] =	vst v63  }
0x117: {  	_ =	swait.ge [sflag:s22], $0x4000  }
0x118: {  	[sflag:s22] =	ssyncset.done $0x0  }
0x119: {  	[sflag:s22] =	ssyncadd.s32 $0xFFFFC000  }
0x11a: {  	[tilespmem:s25], [sflag:$0x2] =	stream.indirect.gather [hbm4b:s4+s24], $0x80, s31, s24, $0xb8;
	[tilespmem:$0x1D000] =	vst v63  }
0x11b: {  	_ =	swait.ge [sflag:s26], $0x4000  }
0x11c: {  	[sflag:s26] =	ssyncset.done $0x0  }
0x11d: {  	[sflag:s26] =	ssyncadd.s32 $0xFFFFC000  }
0x11e: {  	[spmem:s2] =	stream.indirect.scatter.add.f32 [tilespmem:s21], [sflag:$0x3], $0x80, s1, s24, $0xb8;
	[tilespmem:$0x1D000] =	vst v63  }
0x11f: {  	_ =	swait.ge [sflag:s22], $0x4000  }
0x120: {  	[sflag:s22] =	ssyncset.done $0x0  }
0x121: {  	[sflag:s22] =	ssyncadd.s32 $0xFFFFC000  }
0x122: {  	[tilespmem:s21], [sflag:$0x1] =	stream.indirect.gather [hbm4b:s4+s24], $0x80, s0, s24, $0xb8;
	[tilespmem:$0x1D000] =	vst v63  }
0x123: {  	_ =	swait.ge [sflag:s28], $0x4000  }
0x124: {  	[sflag:s28] =	ssyncset.done $0x0  }
0x125: {  	[sflag:s28] =	ssyncadd.s32 $0xFFFFC000  }
0x126: {  	[spmem:s2] =	stream.indirect.scatter.add.f32 [tilespmem:s25], [sflag:$0x3], $0x80, s5, s24, $0xb8;
	[tilespmem:$0x1D000] =	vst v63  }
0x127: {  	_ =	swait.ge [sflag:s22], $0x4000  }
0x128: {  	[sflag:s22] =	ssyncset.done $0x0  }
0x129: {  	[sflag:s22] =	ssyncadd.s32 $0xFFFFC000  }
0x12a: {  	[tilespmem:s25], [sflag:$0x2] =	stream.indirect.gather [hbm4b:s4+s24], $0x80, s7, s24, $0xb8;
	[tilespmem:$0x1D000] =	vst v63  }
0x12b: {  	_ =	swait.ge [sflag:s26], $0x4000  }
0x12c: {  	[sflag:s26] =	ssyncset.done $0x0  }
0x12d: {  	[sflag:s26] =	ssyncadd.s32 $0xFFFFC000  }
0x12e: {  	[spmem:s2] =	stream.indirect.scatter.add.f32 [tilespmem:s21], [sflag:$0x3], $0x80, s8, s24, $0xb8;
	[tilespmem:$0x1D000] =	vst v63  }
0x12f: {  	_ =	swait.ge [sflag:s22], $0x4000  }
0x130: {  	[sflag:s22] =	ssyncset.done $0x0  }
0x131: {  	[sflag:s22] =	ssyncadd.s32 $0xFFFFC000  }
0x132: {  	[tilespmem:s21], [sflag:$0x1] =	stream.indirect.gather [hbm4b:s4+s24], $0x80, s9, s24, $0xb8;
	[tilespmem:$0x1D000] =	vst v63  }
0x133: {  	_ =	swait.ge [sflag:s28], $0x4000  }
0x134: {  	[sflag:s28] =	ssyncset.done $0x0  }
0x135: {  	[sflag:s28] =	ssyncadd.s32 $0xFFFFC000  }
0x136: {  	[spmem:s2] =	stream.indirect.scatter.add.f32 [tilespmem:s25], [sflag:$0x3], $0x80, s10, s24, $0xb8;
	[tilespmem:$0x1D000] =	vst v63  }
0x137: {  	_ =	swait.ge [sflag:s22], $0x4000  }
0x138: {  	[sflag:s22] =	ssyncset.done $0x0  }
0x139: {  	[sflag:s22] =	ssyncadd.s32 $0xFFFFC000  }
0x13a: {  	[tilespmem:s25], [sflag:$0x2] =	stream.indirect.gather [hbm4b:s4+s24], $0x80, s11, s24, $0xb8;
	[tilespmem:$0x1D000] =	vst v63  }
0x13b: {  	_ =	swait.ge [sflag:s26], $0x4000  }
0x13c: {  	[sflag:s26] =	ssyncset.done $0x0  }
0x13d: {  	[sflag:s26] =	ssyncadd.s32 $0xFFFFC000  }
0x13e: {  	[spmem:s2] =	stream.indirect.scatter.add.f32 [tilespmem:s21], [sflag:$0x3], $0x80, s12, s24, $0xb8;
	[tilespmem:$0x1D000] =	vst v63  }
0x13f: {  	_ =	swait.ge [sflag:s22], $0x4000  }
0x140: {  	[sflag:s22] =	ssyncset.done $0x0  }
0x141: {  	[sflag:s22] =	ssyncadd.s32 $0xFFFFC000  }
0x142: {  	[tilespmem:s21], [sflag:$0x1] =	stream.indirect.gather [hbm4b:s4+s24], $0x80, s13, s24, $0xb8;
	[tilespmem:$0x1D000] =	vst v63  }
0x143: {  	_ =	swait.ge [sflag:s28], $0x4000  }
0x144: {  	[sflag:s28] =	ssyncset.done $0x0  }
0x145: {  	[sflag:s28] =	ssyncadd.s32 $0xFFFFC000  }
0x146: {  	[spmem:s2] =	stream.indirect.scatter.add.f32 [tilespmem:s25], [sflag:$0x3], $0x80, s14, s24, $0xb8;
	[tilespmem:$0x1D000] =	vst v63  }
0x147: {  	_ =	swait.ge [sflag:s22], $0x4000  }
0x148: {  	[sflag:s22] =	ssyncset.done $0x0  }
0x149: {  	[sflag:s22] =	ssyncadd.s32 $0xFFFFC000  }
0x14a: {  	[tilespmem:s25], [sflag:$0x2] =	stream.indirect.gather [hbm4b:s4+s24], $0x80, s15, s24, $0xb8;
	[tilespmem:$0x1D000] =	vst v63  }
0x14b: {  	_ =	swait.ge [sflag:s26], $0x4000  }
0x14c: {  	[sflag:s26] =	ssyncset.done $0x0  }
0x14d: {  	[sflag:s26] =	ssyncadd.s32 $0xFFFFC000  }
0x14e: {  	[spmem:s2] =	stream.indirect.scatter.add.f32 [tilespmem:s21], [sflag:$0x3], $0x80, s16, s24, $0xb8;
	[tilespmem:$0x1D000] =	vst v63  }
0x14f: {  	_ =	swait.ge [sflag:s22], $0x4000  }
0x150: {  	[sflag:s22] =	ssyncset.done $0x0  }
0x151: {  	[sflag:s22] =	ssyncadd.s32 $0xFFFFC000  }
0x152: {  	p0 =	sne.s32 s20, $0x400;
	_ =	swait.ge [sflag:s28], $0x4000  }
.Ltmp0:
0x153: {  	[sflag:s28] =	ssyncset.done $0x0;
	(pc) =	sbr.rel @p0 .LBB2_2-.Ltmp0, $4  }
0x154: {  	[sflag:s28] =	ssyncadd.s32 $0xFFFFC000  }
0x155: {  	[spmem:s2] =	stream.indirect.scatter.add.f32 [tilespmem:s25], [sflag:$0x3], $0x80, s17, s24, $0xb8;
	[tilespmem:$0x1D000] =	vst v63  }
0x156: {  	_ =	swait.ge [sflag:s22], $0x4000  }
0x157: {  	s20 =	sadd.s32 $0x100, s20;
	s6 =	rddreg [dreg:$0x4];
	[sflag:s22] =	ssyncset.done $0x0  }
0x158: {  	[sflag:s22] =	ssyncadd.s32 $0xFFFFC000;
	s6 =	sadd.s32 s19, s6  }
0x159: {  	[tilespmem:s3], [sflag:$0x3] =	stream.linear.gather [hbm4b:s6+s3], $0x800, $0x38;
	[tilespmem:$0x1D000] =	vst v63  }
0x15a: {  	_ =	swait.ge [sflag:s22], $0x800  }
0x15b: {  	s18 =	rddreg [dreg:$0x3];
	[sflag:s22] =	ssyncset.done $0x0  }
0x15c: {  	s6 =	sadd.s32 s19, s18;
	[sflag:s22] =	ssyncadd.s32 $0xFFFFF800  }
0x15d: {  	[tilespmem:s23], [sflag:$0x3] =	stream.linear.gather [hbm4b:s6+s3], $0x800, $0x38;
	[tilespmem:$0x1D000] =	vst v63  }
0x15e: {  	_ =	swait.ge [sflag:s22], $0x800  }
0x15f: {  	[sflag:s22] =	ssyncset.done $0x0  }
0x160: {  	[sflag:s22] =	ssyncadd.s32 $0xFFFFF800  }
0x161: {  	[tilespmem:s21], [sflag:$0x1] =	stream.indirect.gather [hbm4b:s4+s24], $0x80, s3, s24, $0xb8;
	[tilespmem:$0x1D000] =	vst v63  }
0x162: {  	_ = 	snop  }
0x163: {  	[tilespmem:s25], [sflag:$0x2] =	stream.indirect.gather [hbm4b:s4+s24], $0x80, s24, s24, $0xb8;
	[tilespmem:$0x1D000] =	vst v63  }
0x164: {  	_ =	swait.ge [sflag:s26], $0x4000  }
0x165: {  	[sflag:s26] =	ssyncset.done $0x0  }
0x166: {  	[sflag:s26] =	ssyncadd.s32 $0xFFFFC000  }
0x167: {  	[spmem:s2] =	stream.indirect.scatter.add.f32 [tilespmem:s21], [sflag:$0x3], $0x80, s23, s24, $0xb8;
	[tilespmem:$0x1D000] =	vst v63  }
0x168: {  	_ =	swait.ge [sflag:s22], $0x4000  }
0x169: {  	[sflag:s22] =	ssyncset.done $0x0  }
0x16a: {  	s20 =	rddreg [dreg:$0x5];
	[sflag:s22] =	ssyncadd.s32 $0xFFFFC000  }
0x16b: {  	[tilespmem:s21], [sflag:$0x1] =	stream.indirect.gather [hbm4b:s4+s24], $0x80, s20, s24, $0xb8;
	[tilespmem:$0x1D000] =	vst v63  }
0x16c: {  	_ =	swait.ge [sflag:s28], $0x4000  }
0x16d: {  	[sflag:s28] =	ssyncset.done $0x0  }
0x16e: {  	s18 =	rddreg [dreg:$0x6];
	[sflag:s28] =	ssyncadd.s32 $0xFFFFC000  }
0x16f: {  	[spmem:s2] =	stream.indirect.scatter.add.f32 [tilespmem:s25], [sflag:$0x3], $0x80, s18, s24, $0xb8;
	[tilespmem:$0x1D000] =	vst v63  }
0x170: {  	_ =	swait.ge [sflag:s22], $0x4000  }
0x171: {  	[sflag:s22] =	ssyncset.done $0x0  }
0x172: {  	s19 =	rddreg [dreg:$0x7];
	[sflag:s22] =	ssyncadd.s32 $0xFFFFC000  }
0x173: {  	[tilespmem:s25], [sflag:$0x2] =	stream.indirect.gather [hbm4b:s4+s24], $0x80, s19, s24, $0xb8;
	[tilespmem:$0x1D000] =	vst v63  }
0x174: {  	_ =	swait.ge [sflag:s26], $0x4000  }
0x175: {  	[sflag:s26] =	ssyncset.done $0x0  }
0x176: {  	s20 =	rddreg [dreg:$0x8];
	[sflag:s26] =	ssyncadd.s32 $0xFFFFC000  }
0x177: {  	[spmem:s2] =	stream.indirect.scatter.add.f32 [tilespmem:s21], [sflag:$0x3], $0x80, s20, s24, $0xb8;
	[tilespmem:$0x1D000] =	vst v63  }
0x178: {  	_ =	swait.ge [sflag:s22], $0x4000  }
0x179: {  	[sflag:s22] =	ssyncset.done $0x0  }
0x17a: {  	s18 =	rddreg [dreg:$0x9];
	[sflag:s22] =	ssyncadd.s32 $0xFFFFC000  }
0x17b: {  	[tilespmem:s21], [sflag:$0x1] =	stream.indirect.gather [hbm4b:s4+s24], $0x80, s18, s24, $0xb8;
	[tilespmem:$0x1D000] =	vst v63  }
0x17c: {  	_ =	swait.ge [sflag:s28], $0x4000  }
0x17d: {  	[sflag:s28] =	ssyncset.done $0x0  }
0x17e: {  	s19 =	rddreg [dreg:$0xa];
	[sflag:s28] =	ssyncadd.s32 $0xFFFFC000  }
0x17f: {  	[spmem:s2] =	stream.indirect.scatter.add.f32 [tilespmem:s25], [sflag:$0x3], $0x80, s19, s24, $0xb8;
	[tilespmem:$0x1D000] =	vst v63  }
0x180: {  	_ =	swait.ge [sflag:s22], $0x4000  }
0x181: {  	[sflag:s22] =	ssyncset.done $0x0  }
0x182: {  	s20 =	rddreg [dreg:$0xb];
	[sflag:s22] =	ssyncadd.s32 $0xFFFFC000  }
0x183: {  	[tilespmem:s25], [sflag:$0x2] =	stream.indirect.gather [hbm4b:s4+s24], $0x80, s20, s24, $0xb8;
	[tilespmem:$0x1D000] =	vst v63  }
0x184: {  	_ =	swait.ge [sflag:s26], $0x4000  }
0x185: {  	[sflag:s26] =	ssyncset.done $0x0  }
0x186: {  	s18 =	rddreg [dreg:$0xc];
	[sflag:s26] =	ssyncadd.s32 $0xFFFFC000  }
0x187: {  	[spmem:s2] =	stream.indirect.scatter.add.f32 [tilespmem:s21], [sflag:$0x3], $0x80, s18, s24, $0xb8;
	[tilespmem:$0x1D000] =	vst v63  }
0x188: {  	_ =	swait.ge [sflag:s22], $0x4000  }
0x189: {  	[sflag:s22] =	ssyncset.done $0x0  }
0x18a: {  	s19 =	rddreg [dreg:$0xd];
	[sflag:s22] =	ssyncadd.s32 $0xFFFFC000  }
0x18b: {  	[tilespmem:s21], [sflag:$0x1] =	stream.indirect.gather [hbm4b:s4+s24], $0x80, s19, s24, $0xb8;
	[tilespmem:$0x1D000] =	vst v63  }
0x18c: {  	_ =	swait.ge [sflag:s28], $0x4000  }
0x18d: {  	[sflag:s28] =	ssyncset.done $0x0  }
0x18e: {  	s20 =	rddreg [dreg:$0xe];
	[sflag:s28] =	ssyncadd.s32 $0xFFFFC000  }
0x18f: {  	[spmem:s2] =	stream.indirect.scatter.add.f32 [tilespmem:s25], [sflag:$0x3], $0x80, s20, s24, $0xb8;
	[tilespmem:$0x1D000] =	vst v63  }
0x190: {  	_ =	swait.ge [sflag:s22], $0x4000  }
0x191: {  	[sflag:s22] =	ssyncset.done $0x0  }
0x192: {  	s18 =	rddreg [dreg:$0xf];
	[sflag:s22] =	ssyncadd.s32 $0xFFFFC000  }
0x193: {  	[tilespmem:s25], [sflag:$0x2] =	stream.indirect.gather [hbm4b:s4+s24], $0x80, s18, s24, $0xb8;
	[tilespmem:$0x1D000] =	vst v63  }
0x194: {  	_ =	swait.ge [sflag:s26], $0x4000  }
0x195: {  	[sflag:s26] =	ssyncset.done $0x0  }
0x196: {  	s19 =	rddreg [dreg:$0x10];
	[sflag:s26] =	ssyncadd.s32 $0xFFFFC000  }
0x197: {  	[spmem:s2] =	stream.indirect.scatter.add.f32 [tilespmem:s21], [sflag:$0x3], $0x80, s19, s24, $0xb8;
	[tilespmem:$0x1D000] =	vst v63  }
0x198: {  	_ =	swait.ge [sflag:s22], $0x4000  }
0x199: {  	[sflag:s22] =	ssyncset.done $0x0  }
0x19a: {  	[sflag:s22] =	ssyncadd.s32 $0xFFFFC000  }
0x19b: {  	[tilespmem:s21], [sflag:$0x1] =	stream.indirect.gather [hbm4b:s4+s24], $0x80, s29, s24, $0xb8;
	[tilespmem:$0x1D000] =	vst v63  }
0x19c: {  	_ =	swait.ge [sflag:s28], $0x4000  }
0x19d: {  	[sflag:s28] =	ssyncset.done $0x0  }
0x19e: {  	[sflag:s28] =	ssyncadd.s32 $0xFFFFC000  }
0x19f: {  	[spmem:s2] =	stream.indirect.scatter.add.f32 [tilespmem:s25], [sflag:$0x3], $0x80, s30, s24, $0xb8;
	[tilespmem:$0x1D000] =	vst v63  }
0x1a0: {  	_ =	swait.ge [sflag:s22], $0x4000  }
0x1a1: {  	[sflag:s22] =	ssyncset.done $0x0  }
0x1a2: {  	[sflag:s22] =	ssyncadd.s32 $0xFFFFC000  }
0x1a3: {  	[tilespmem:s25], [sflag:$0x2] =	stream.indirect.gather [hbm4b:s4+s24], $0x80, s31, s24, $0xb8;
	[tilespmem:$0x1D000] =	vst v63  }
0x1a4: {  	_ =	swait.ge [sflag:s26], $0x4000  }
0x1a5: {  	[sflag:s26] =	ssyncset.done $0x0  }
0x1a6: {  	[sflag:s26] =	ssyncadd.s32 $0xFFFFC000  }
0x1a7: {  	[spmem:s2] =	stream.indirect.scatter.add.f32 [tilespmem:s21], [sflag:$0x3], $0x80, s1, s24, $0xb8;
	[tilespmem:$0x1D000] =	vst v63  }
0x1a8: {  	_ =	swait.ge [sflag:s22], $0x4000  }
0x1a9: {  	[sflag:s22] =	ssyncset.done $0x0  }
0x1aa: {  	[sflag:s22] =	ssyncadd.s32 $0xFFFFC000  }
0x1ab: {  	[tilespmem:s21], [sflag:$0x1] =	stream.indirect.gather [hbm4b:s4+s24], $0x80, s0, s24, $0xb8;
	[tilespmem:$0x1D000] =	vst v63  }
0x1ac: {  	_ =	swait.ge [sflag:s28], $0x4000  }
0x1ad: {  	[sflag:s28] =	ssyncset.done $0x0  }
0x1ae: {  	[sflag:s28] =	ssyncadd.s32 $0xFFFFC000  }
0x1af: {  	[spmem:s2] =	stream.indirect.scatter.add.f32 [tilespmem:s25], [sflag:$0x3], $0x80, s5, s24, $0xb8;
	[tilespmem:$0x1D000] =	vst v63  }
0x1b0: {  	_ =	swait.ge [sflag:s22], $0x4000  }
0x1b1: {  	[sflag:s22] =	ssyncset.done $0x0  }
0x1b2: {  	[sflag:s22] =	ssyncadd.s32 $0xFFFFC000  }
0x1b3: {  	[tilespmem:s25], [sflag:$0x2] =	stream.indirect.gather [hbm4b:s4+s24], $0x80, s7, s24, $0xb8;
	[tilespmem:$0x1D000] =	vst v63  }
0x1b4: {  	_ =	swait.ge [sflag:s26], $0x4000  }
0x1b5: {  	[sflag:s26] =	ssyncset.done $0x0  }
0x1b6: {  	[sflag:s26] =	ssyncadd.s32 $0xFFFFC000  }
0x1b7: {  	[spmem:s2] =	stream.indirect.scatter.add.f32 [tilespmem:s21], [sflag:$0x3], $0x80, s8, s24, $0xb8;
	[tilespmem:$0x1D000] =	vst v63  }
0x1b8: {  	_ =	swait.ge [sflag:s22], $0x4000  }
0x1b9: {  	[sflag:s22] =	ssyncset.done $0x0  }
0x1ba: {  	[sflag:s22] =	ssyncadd.s32 $0xFFFFC000  }
0x1bb: {  	[tilespmem:s21], [sflag:$0x1] =	stream.indirect.gather [hbm4b:s4+s24], $0x80, s9, s24, $0xb8;
	[tilespmem:$0x1D000] =	vst v63  }
0x1bc: {  	_ =	swait.ge [sflag:s28], $0x4000  }
0x1bd: {  	[sflag:s28] =	ssyncset.done $0x0  }
0x1be: {  	[sflag:s28] =	ssyncadd.s32 $0xFFFFC000  }
0x1bf: {  	[spmem:s2] =	stream.indirect.scatter.add.f32 [tilespmem:s25], [sflag:$0x3], $0x80, s10, s24, $0xb8;
	[tilespmem:$0x1D000] =	vst v63  }
0x1c0: {  	_ =	swait.ge [sflag:s22], $0x4000  }
0x1c1: {  	[sflag:s22] =	ssyncset.done $0x0  }
0x1c2: {  	[sflag:s22] =	ssyncadd.s32 $0xFFFFC000  }
0x1c3: {  	[tilespmem:s25], [sflag:$0x2] =	stream.indirect.gather [hbm4b:s4+s24], $0x80, s11, s24, $0xb8;
	[tilespmem:$0x1D000] =	vst v63  }
0x1c4: {  	_ =	swait.ge [sflag:s26], $0x4000  }
0x1c5: {  	[sflag:s26] =	ssyncset.done $0x0  }
0x1c6: {  	[sflag:s26] =	ssyncadd.s32 $0xFFFFC000  }
0x1c7: {  	[spmem:s2] =	stream.indirect.scatter.add.f32 [tilespmem:s21], [sflag:$0x3], $0x80, s12, s24, $0xb8;
	[tilespmem:$0x1D000] =	vst v63  }
0x1c8: {  	_ =	swait.ge [sflag:s22], $0x4000  }
0x1c9: {  	[sflag:s22] =	ssyncset.done $0x0  }
0x1ca: {  	[sflag:s22] =	ssyncadd.s32 $0xFFFFC000  }
0x1cb: {  	[tilespmem:s21], [sflag:$0x1] =	stream.indirect.gather [hbm4b:s4+s24], $0x80, s13, s24, $0xb8;
	[tilespmem:$0x1D000] =	vst v63  }
0x1cc: {  	_ =	swait.ge [sflag:s28], $0x4000  }
0x1cd: {  	[sflag:s28] =	ssyncset.done $0x0  }
0x1ce: {  	[sflag:s28] =	ssyncadd.s32 $0xFFFFC000  }
0x1cf: {  	[spmem:s2] =	stream.indirect.scatter.add.f32 [tilespmem:s25], [sflag:$0x3], $0x80, s14, s24, $0xb8;
	[tilespmem:$0x1D000] =	vst v63  }
0x1d0: {  	_ =	swait.ge [sflag:s22], $0x4000  }
0x1d1: {  	[sflag:s22] =	ssyncset.done $0x0  }
0x1d2: {  	[sflag:s22] =	ssyncadd.s32 $0xFFFFC000  }
0x1d3: {  	[tilespmem:s25], [sflag:$0x2] =	stream.indirect.gather [hbm4b:s4+s24], $0x80, s15, s24, $0xb8;
	[tilespmem:$0x1D000] =	vst v63  }
0x1d4: {  	_ =	swait.ge [sflag:s26], $0x4000  }
0x1d5: {  	[sflag:s26] =	ssyncset.done $0x0  }
0x1d6: {  	[sflag:s26] =	ssyncadd.s32 $0xFFFFC000  }
0x1d7: {  	[spmem:s2] =	stream.indirect.scatter.add.f32 [tilespmem:s21], [sflag:$0x3], $0x80, s16, s24, $0xb8;
	[tilespmem:$0x1D000] =	vst v63  }
0x1d8: {  	_ =	swait.ge [sflag:s22], $0x4000  }
0x1d9: {  	[sflag:s22] =	ssyncset.done $0x0  }
0x1da: {  	[sflag:s22] =	ssyncadd.s32 $0xFFFFC000  }
0x1db: {  	_ =	swait.ge [sflag:s28], $0x4000  }
0x1dc: {  	[sflag:s28] =	ssyncset.done $0x0  }
0x1dd: {  	[sflag:s28] =	ssyncadd.s32 $0xFFFFC000  }
0x1de: {  	[spmem:s2] =	stream.indirect.scatter.add.f32 [tilespmem:s25], [sflag:$0x3], $0x80, s17, s24, $0xb8;
	[tilespmem:$0x1D000] =	vst v63  }
0x1df: {  	_ =	swait.ge [sflag:s22], $0x4000  }
0x1e0: {  	[sflag:s22] =	ssyncset.done $0x0  }
0x1e1: {  	[sflag:s22] =	ssyncadd.s32 $0xFFFFC000  }
0x1e2: {  	[bflag:$0x0] =	sbarrier.arrive $0xFFFF  }
0x1e3: {  	s18 =	rddreg [dreg:$0x12]  }
0x1e4: {  	[tilespmem:s21], [sflag:$0x3] =	stream.linear.gather [spmem:s18], $0x4000, $0x38;
	[tilespmem:$0x1D000] =	vst v63  }
0x1e5: {  	_ =	swait.ge [sflag:s22], $0x4000  }
0x1e6: {  	[sflag:s22] =	ssyncset.done $0x0  }
0x1e7: {  	s20 =	rddreg [dreg:$0x18];
	[sflag:s22] =	ssyncadd.s32 $0xFFFFC000  }
0x1e8: {  	[hbm4b:s20+s3] =	stream.linear.scatter [tilespmem:s21], [sflag:$0x3], $0x4000, $0x38;
	[tilespmem:$0x1D000] =	vst v63  }
0x1e9: {  	_ =	swait.ge [sflag:s22], $0x4000  }
0x1ea: {  	[sflag:s22] =	ssyncset.done $0x0  }
0x1eb: {  	s19 =	rddreg [dreg:$0x19];
	[sflag:s22] =	ssyncadd.s32 $0xFFFFC000  }
0x1ec: {  	[tilespmem:s21], [sflag:$0x3] =	stream.linear.gather [spmem:s19], $0x4000, $0x38;
	[tilespmem:$0x1D000] =	vst v63  }
0x1ed: {  	_ =	swait.ge [sflag:s22], $0x4000  }
0x1ee: {  	[sflag:s22] =	ssyncset.done $0x0  }
0x1ef: {  	s20 =	rddreg [dreg:$0x1a];
	[sflag:s22] =	ssyncadd.s32 $0xFFFFC000  }
0x1f0: {  	[hbm4b:s20+s3] =	stream.linear.scatter [tilespmem:s21], [sflag:$0x3], $0x4000, $0x38;
	[tilespmem:$0x1D000] =	vst v63  }
0x1f1: {  	_ =	swait.ge [sflag:s22], $0x4000  }
0x1f2: {  	[sflag:s22] =	ssyncset.done $0x0  }
0x1f3: {  	s19 =	rddreg [dreg:$0x1b];
	[sflag:s22] =	ssyncadd.s32 $0xFFFFC000  }
0x1f4: {  	[tilespmem:s21], [sflag:$0x3] =	stream.linear.gather [spmem:s19], $0x4000, $0x38;
	[tilespmem:$0x1D000] =	vst v63  }
0x1f5: {  	_ =	swait.ge [sflag:s22], $0x4000  }
0x1f6: {  	[sflag:s22] =	ssyncset.done $0x0  }
0x1f7: {  	s20 =	rddreg [dreg:$0x1c];
	[sflag:s22] =	ssyncadd.s32 $0xFFFFC000  }
0x1f8: {  	[hbm4b:s20+s3] =	stream.linear.scatter [tilespmem:s21], [sflag:$0x3], $0x4000, $0x38;
	[tilespmem:$0x1D000] =	vst v63  }
0x1f9: {  	_ =	swait.ge [sflag:s22], $0x4000  }
0x1fa: {  	[sflag:s22] =	ssyncset.done $0x0  }
0x1fb: {  	s19 =	rddreg [dreg:$0x1d];
	[sflag:s22] =	ssyncadd.s32 $0xFFFFC000  }
0x1fc: {  	[tilespmem:s21], [sflag:$0x3] =	stream.linear.gather [spmem:s19], $0x4000, $0x38;
	[tilespmem:$0x1D000] =	vst v63  }
0x1fd: {  	_ =	swait.ge [sflag:s22], $0x4000  }
0x1fe: {  	[sflag:s22] =	ssyncset.done $0x0  }
0x1ff: {  	s20 =	rddreg [dreg:$0x1e];
	[sflag:s22] =	ssyncadd.s32 $0xFFFFC000  }
0x200: {  	[hbm4b:s20+s3] =	stream.linear.scatter [tilespmem:s21], [sflag:$0x3], $0x4000, $0x38;
	[tilespmem:$0x1D000] =	vst v63  }
0x201: {  	_ =	swait.ge [sflag:s22], $0x4000  }
0x202: {  	[sflag:s22] =	ssyncset.done $0x0  }
0x203: {  	s19 =	rddreg [dreg:$0x1f];
	[sflag:s22] =	ssyncadd.s32 $0xFFFFC000  }
0x204: {  	[tilespmem:s21], [sflag:$0x3] =	stream.linear.gather [spmem:s19], $0x4000, $0x38;
	[tilespmem:$0x1D000] =	vst v63  }
0x205: {  	_ =	swait.ge [sflag:s22], $0x4000  }
0x206: {  	s20 =	sld [smem:$0x7FD]  }
0x207: {  	[sflag:s22] =	ssyncset.done $0x0  }
0x208: {  	[sflag:s22] =	ssyncadd.s32 $0xFFFFC000  }
0x209: {  	[hbm4b:s20+s3] =	stream.linear.scatter [tilespmem:s21], [sflag:$0x3], $0x4000, $0x38;
	[tilespmem:$0x1D000] =	vst v63  }
0x20a: {  	_ =	swait.ge [sflag:s22], $0x4000  }
0x20b: {  	s6 =	sld [smem:$0x7FC];
	_ =	sdelay $0x2  }
0x20c: {  	s20 =	rddreg [dreg:$0x17];
	s19 =	sadd.s32 $0x1, s6  }
0x20d: {  	p0 =	sne.s32 s19, s20  }
.Ltmp1:
0x20e: {  	_ = 	snop;
	(pc) =	sbr.rel @p0 .LBB2_1-.Ltmp1, $3  }
0x20f: {  	_ =	sdelay $0x1  }
0x210: {  	[sflag:s22] =	ssyncset.done $0x0  }
0x211: {  	[sflag:s22] =	ssyncadd.s32 $0xFFFFC000  }
0x212: {  	_ =	sfence.sel $0x180000  }
0x213: {  	[bflag:$0x0] =	sbarrier.arrive $0xFFFF  }
0x214: {  	_ =	strace $0x9000004D  }
0x215: {  	s0 =	stileid.u32;
	[bflag:$0x2] =	sbarrier.arrive $0xFFFF  }
0x216: {  	p0 =	sne.s32 s0, $0x0;
	s0 =	rddreg [dreg:$0x2]  }
0x217: {  	s0 =	sadd.s32 @!p0 $0x100000, s0  }
0x218: {  	[sflag:s0] =	ssyncadd.tile.s32 @!p0 $0x1;
	_ =	shalt  }
.Lfunc_end2:
_tile_overlayer_lowered:
.L_overlay_start_2:
0x219: {  	(tag) =	ssettag $0x2  }
0x21a: {  	s0 =	rddreg [dreg:$0x0];
	s2 =	stileid.u32  }
0x21b: {  	s1 =	rddreg [dreg:$0x1];
	p0 =	sne.s32 s2, $0x0  }
0x21c: {  	s3 =	rddreg [dreg:$0x2];
	[bflag:$0x3] =	sbarrier.arrive $0xFFFF;
	s2 =	simm.s32 @!p0 $0x1C03  }
0x21d: {  	[timem:s3], [sflag:s2] =	dma.local @!p0 [hbm:s0], s1  }
0x21e: {  	s0 =	simm.s32 @!p0 $0x3  }
0x21f: {  	_ =	swait.ge @!p0 [sflag:s0], s1  }
0x220: {  	s1 =	ssub.s32 @!p0 $0x0, s1;
	[sflag:s0] =	ssyncset.done @!p0 $0x0  }
0x221: {  	[sflag:s0] =	ssyncadd.s32 @!p0 s1  }
0x222: {  	[bflag:$0x3] =	sbarrier.arrive $0xFFFF  }
0x223: {  	_ =	shalt  }

// kernel: kernel.19.cloned.1.call-start
scs
__scs_entry_jumppad:
0x0: {  	(pc) =	sbr.rel $0x88, $3  }
0x1: {  	(tag) =	ssettag $0x0;
	lr =	simm.s32 $0x1  }
0x2: {  	[smem:$0x3F99] =	sst lr;
	_ =	strace $0xD0000000  }
0x3: {  	_ = 	snop  }
0x4: {  	_ = 	snop  }
0x5: {  	_ = 	snop  }
0x6: {  	_ = 	snop  }
0x7: {  	_ = 	snop  }
__scs_overlays_trampoline_lowered:
0x8: {  	[smem:$0x3FA8] =	sst s0  }
0x9: {  	[smem:$0x3FA9] =	sst s1  }
0xa: {  	[smem:$0x3FAA] =	sst s2  }
0xb: {  	[smem:$0x3FAB] =	sst s3  }
0xc: {  	[smem:$0x3FAC] =	sst s4  }
0xd: {  	[smem:$0x3FAD] =	sst s5  }
0xe: {  	[smem:$0x3FAE] =	sst s6  }
0xf: {  	[smem:$0x3FAF] =	sst s7  }
0x10: {  	[smem:$0x3FB0] =	sst s8  }
0x11: {  	[smem:$0x3FB1] =	sst s9;
	s0 =	simm.s32 @!p0 $0x0  }
0x12: {  	s1 =	sld [smem:$0x3F97];
	s0 =	simm.s32 @p0 $0x1  }
0x13: {  	[smem:$0x3FB2] =	sst s0;
	s0 =	simm.s32 @!p1 $0x0  }
0x14: {  	s2 =	sld [smem:$0x3F96];
	s0 =	simm.s32 @p1 $0x1  }
0x15: {  	[smem:$0x3FB3] =	sst s0;
	s0 =	simm.s32 @!p2 $0x0  }
0x16: {  	s3 =	sld [smem:$0x3FDB];
	s0 =	simm.s32 @p2 $0x1  }
0x17: {  	s4 =	simm.s32 $0x1BF5;
	[smem:$0x3FB5] =	sst s0  }
0x18: {  	s0 =	sld [smem:$0x3F98];
	_ =	swait.ge [sflag:s4], $0x0  }
0x19: {  	s7 =	sld [smem:$0x3F99]  }
0x1a: {  	s8 =	sadd.s32 $0xFFFFE003, lr  }
0x1b: {  	s9 =	sadd.s32 $0xFFFFFEF7, lr;
	s5 =	simm.s32 $0xFFFFFFFF;
	p2 =	slt.u32 s8, $0xFFFFF086  }
0x1c: {  	p1 =	slt.u32 s9, $0xF7A;
	s5 =	simm.s32 @!p2 $0x0  }
0x1d: {  	s5 =	simm.s32 @p1 $0x1;
	p0 =	seq.s32 s7, s2  }
0x1e: {  	s7 =	smul.u32 @!p0 $0xF7A, s2;
	p2 =	seq.s32 @!p0 s5, $0x0  }
0x1f: {  	s9 =	smul.u32 $0xF7A, s1;
	s8 =	simm.s32 @!p0 $0x1BF5;
	p2 =	por !p2, p0  }
0x20: {  	[sflag:s8] =	ssyncset.s32 @!p0 $0xFFFFF086;
	s6 =	sadd.s32 @!p0 s3, s7;
	s7 =	simm.s32 @!p0 $0x108  }
0x21: {  	s3 =	sadd.s32 s3, s9;
	s6 =	sadd.s32 @!p0 $0x88, s6;
	s7 =	simm.s32 @p2 $0x1082  }
0x22: {  	[simem:s7], [sflag:s8] =	dma.local @!p0 [hbm:s6], $0xF7A  }
0x23: {  	s9 =	sor.u32 $0xD0000000, s2;
	s6 =	simm.s32 $0x108;
	_ =	swait.ge @!p0 [sflag:s8], $0x0  }
0x24: {  	s3 =	sadd.s32 $0x88, s3;
	s6 =	simm.s32 @!p1 $0x1082;
	[sflag:s4] =	ssyncset.s32 $0xFFFFF086  }
0x25: {  	[simem:s6], [sflag:s4] =	dma.local [hbm:s3], $0xF7A  }
0x26: {  	[smem:$0x3F99] =	sst s1;
	(tag) =	ssettag s2;
	_ =	strace s9  }
0x27: {  	s1 =	sld [smem:$0x3FA9]  }
0x28: {  	s2 =	sld [smem:$0x3FAA]  }
0x29: {  	s4 =	sld [smem:$0x3FAC]  }
0x2a: {  	p0 =	seq.s32 s5, $0x0;
	s5 =	sld [smem:$0x3FAD]  }
0x2b: {  	s6 =	sld [smem:$0x3FAE]  }
0x2c: {  	s7 =	sld [smem:$0x3FAF]  }
0x2d: {  	s3 =	simm.s32 $0x108;
	s8 =	sld [smem:$0x3FB0]  }
0x2e: {  	s3 =	simm.s32 @!p0 $0x1082;
	s9 =	sld [smem:$0x3FB1]  }
0x2f: {  	lr =	sadd.s32 s0, s3;
	s0 =	sld [smem:$0x3FA8]  }
0x30: {  	s3 =	sld [smem:$0x3FAB]  }
0x31: {  	[smem:$0x3FB4] =	sst s10  }
0x32: {  	s10 =	sld [smem:$0x3FB2];
	_ =	sdelay $0x3  }
0x33: {  	p0 =	seq.s32 s10, $0x1;
	s10 =	sld [smem:$0x3FB4];
	_ =	sdelay $0x3  }
0x34: {  	[smem:$0x3FB4] =	sst s10  }
0x35: {  	s10 =	sld [smem:$0x3FB3];
	_ =	sdelay $0x3  }
0x36: {  	p1 =	seq.s32 s10, $0x1;
	s10 =	sld [smem:$0x3FB4];
	_ =	sdelay $0x3  }
0x37: {  	[smem:$0x3FB4] =	sst s10  }
0x38: {  	s10 =	sld [smem:$0x3FB5]  }
0x39: {  	_ = 	snop;
	(pc) =	sbr.ind lr, $3  }
0x3a: {  	_ = 	snop  }
0x3b: {  	_ = 	snop  }
0x3c: {  	p2 =	seq.s32 s10, $0x1;
	s10 =	sld [smem:$0x3FB4]  }
0x3d: {  	_ =	shalt  }
0x3e: {  	_ =	shalt  }
0x3f: {  	_ =	shalt  }
0x40: {  	_ =	shalt  }
0x41: {  	_ =	shalt  }
0x42: {  	_ =	shalt  }
0x43: {  	_ =	shalt  }
0x44: {  	_ =	shalt  }
0x45: {  	_ =	shalt  }
0x46: {  	_ =	shalt  }
0x47: {  	_ =	shalt  }
0x48: {  	_ =	shalt  }
0x49: {  	_ =	shalt  }
0x4a: {  	_ =	shalt  }
0x4b: {  	_ =	shalt  }
0x4c: {  	_ =	shalt  }
0x4d: {  	_ =	shalt  }
0x4e: {  	_ =	shalt  }
0x4f: {  	_ =	shalt  }
0x50: {  	_ =	shalt  }
0x51: {  	_ =	shalt  }
0x52: {  	_ =	shalt  }
0x53: {  	_ =	shalt  }
0x54: {  	_ =	shalt  }
0x55: {  	_ =	shalt  }
0x56: {  	_ =	shalt  }
0x57: {  	_ =	shalt  }
0x58: {  	_ =	shalt  }
0x59: {  	_ =	shalt  }
0x5a: {  	_ =	shalt  }
0x5b: {  	_ =	shalt  }
0x5c: {  	_ =	shalt  }
0x5d: {  	_ =	shalt  }
0x5e: {  	_ =	shalt  }
0x5f: {  	_ =	shalt  }
0x60: {  	_ =	shalt  }
0x61: {  	_ =	shalt  }
0x62: {  	_ =	shalt  }
0x63: {  	_ =	shalt  }
0x64: {  	_ =	shalt  }
0x65: {  	_ =	shalt  }
0x66: {  	_ =	shalt  }
0x67: {  	_ =	shalt  }
0x68: {  	_ =	shalt  }
0x69: {  	_ =	shalt  }
0x6a: {  	_ =	shalt  }
0x6b: {  	_ =	shalt  }
0x6c: {  	_ =	shalt  }
0x6d: {  	_ =	shalt  }
0x6e: {  	_ =	shalt  }
0x6f: {  	_ =	shalt  }
0x70: {  	_ =	shalt  }
0x71: {  	_ =	shalt  }
0x72: {  	_ =	shalt  }
0x73: {  	_ =	shalt  }
0x74: {  	_ =	shalt  }
0x75: {  	_ =	shalt  }
0x76: {  	_ =	shalt  }
0x77: {  	_ =	shalt  }
0x78: {  	_ =	shalt  }
0x79: {  	_ =	shalt  }
0x7a: {  	_ =	shalt  }
0x7b: {  	_ =	shalt  }
0x7c: {  	_ =	shalt  }
0x7d: {  	_ =	shalt  }
0x7e: {  	_ =	shalt  }
0x7f: {  	_ =	shalt  }
0x80: {  	_ =	shalt  }
0x81: {  	_ =	shalt  }
0x82: {  	_ =	shalt  }
0x83: {  	_ =	shalt  }
0x84: {  	_ =	shalt  }
0x85: {  	_ =	shalt  }
0x86: {  	_ =	shalt  }
0x87: {  	_ =	shalt  }
.Lfunc_end0:
.L_simem_size_0:
called_computation.3_lowered:
.L_overlay_start_0:
0x88: {  	s2 =	sld [smem:$0x3FD9]  }
0x89: {  	s3 =	sld [smem:$0x3FFE];
	_ =	sdelay $0x1  }
0x8a: {  	s1 =	srdreg.scid  }
0x8b: {  	s0 =	sand.u32 $0x1, s1  }
0x8c: {  	s16 =	sshll.u32 s0, $0xA;
	s2 =	sadd.s32 s3, s2  }
0x8d: {  	s2 =	sadd.s32 s2, s16  }
0x8e: {  	[smem:$0x3FC0] =	sst s2  }
0x8f: {  	_ = 	snop  }
0x90: {  	(tm) =	ssettm $0x1  }
0x91: {  	s17 =	sld [smem:$0x3FFB];
	_ =	sdelay $0x3  }
0x92: {  	_ =	strace s17  }
0x93: {  	s2 =	sld [smem:$0x3FFC];
	_ =	sdelay $0x3  }
0x94: {  	_ =	strace s2  }
0x95: {  	s2 =	sld [smem:$0x3FFD];
	_ =	sdelay $0x3  }
0x96: {  	_ =	strace s2  }
0x97: {  	_ =	strace $0x8FFFFFFF  }
0x98: {  	s18 =	sld [smem:$0x3FDB];
	_ =	sdelay $0x1  }
0x99: {  	s19 =	simm.s32 $_scs_section_size  }
0x9a: {  	s4 =	simm.s32 $_size__tile_overlayer_lowered;
	s5 =	simm.s32 $_tile_overlayer_lowered  }
0x9b: {  	s22 =	simm.s32 $0x1BFF;
	s21 =	sshll.u32 s5, $0x1;
	s2 =	sadd.s32 s19, s18  }
0x9c: {  	s6 =	simm.s32 $0x0;
	s20 =	sshll.u32 s4, $0x1;
	s4 =	sadd.s32 s21, s2  }
0x9d: {  	[timem:s6], [sflag:s22] =	dma.local [hbm:s4], s20  }
0x9e: {  	_ =	swait.ge [sflag:s22], s20  }
0x9f: {  	s3 =	ssub.s32 $0x0, s20;
	[sflag:s22] =	ssyncset.done $0x0  }
0xa0: {  	[sflag:s22] =	ssyncadd.s32 s3;
	_ =	sdelay $0x1  }
0xa1: {  	s23 =	simm.s32 $0x1B8B  }
0xa2: {  	_ =	swait.ge [sflag:s23], $0x1  }
0xa3: {  	[sflag:s23] =	ssyncset.done $0x0  }
0xa4: {  	s25 =	simm.s32 $0x1B8E;
	s24 =	sld [smem:$0x3FFE];
	[sflag:s23] =	ssyncadd.s32 $0xFFFFFFFF  }
0xa5: {  	s26 =	simm.s32 $execute0_lowered;
	[smem:$0x3FD2] =	sst s25  }
0xa6: {  	s4 =	sshll.u32 s26, $0x1;
	_ =	strace $0x8000004F;
	[dreg:$0x1] =	wrdreg $0xFFFFFFFF  }
0xa7: {  	s28 =	simm.s32 $_size_execute0_lowered;
	s2 =	sadd.s32 s2, s4;
	[dreg:$0x0] =	wrdreg $0x0  }
0xa8: {  	s4 =	sshll.u32 s28, $0x1;
	[dreg:$0x2] =	wrdreg s2  }
0xa9: {  	[dreg:$0x3] =	wrdreg s4  }
0xaa: {  	[dreg:$0x4] =	wrdreg $0xC0  }
0xab: {  	_ =	task [dreg:s6], $0x5FFFF  }
0xac: {  	[dreg:$0x1] =	wrdreg $0xFFFFFFFF  }
0xad: {  	[dreg:$0x0] =	wrdreg $0x60  }
0xae: {  	[dreg:$0x2] =	wrdreg s24  }
0xaf: {  	[dreg:$0x3] =	wrdreg $0x90000  }
0xb0: {  	[dreg:$0x4] =	wrdreg $0x9  }
0xb1: {  	_ =	task.clear_ibuf [dreg:s6], $0x5FFFF;
	_ =	strace $0x9000004F  }
0xb2: {  	s29 =	simm.s32 $0x9;
	_ =	strace $0x80000051  }
0xb3: {  	_ =	swait.ge [sflag:s29], $0x1  }
0xb4: {  	[sflag:s29] =	ssyncadd.s32 $0xFFFFFFFF  }
0xb5: {  	_ =	strace $0x90000051  }
0xb6: {  	_ =	sfence  }
0xb7: {  	s30 =	sld [smem:$0x0];
	_ =	sdelay $0x2  }
0xb8: {  	s31 =	sshll.u32 s1, $0xD;
	s1 =	sshrl.u32 s1, $0x2  }
0xb9: {  	s3 =	sand.u32 $0x4000, s31;
	s1 =	sadd.s32 s1, s30  }
0xba: {  	s0 =	sor.u32 s3, s0;
	s1 =	sshll.u32 s1, $0x11  }
0xbb: {  	s0 =	sor.u32 s1, s0  }
0xbc: {  	s0 =	sadd.s32 $0x8F2B, s0  }
0xbd: {  	[sflag:s0] =	ssyncadd.remote.s32 $0x1  }
0xbe: {  	_ =	sfence.sel $0xFFFF  }
0xbf: {  	[dreg:$0x0] =	wrdreg $0xFFFFFFFF;
	(pc) =	sbr.abs _section_cstart, $3  }
0xc0: {  	[dreg:$0x1] =	wrdreg $0xFFFFFFFF  }
0xc1: {  	_ =	task.clear_ibuf [dreg:s6], $0x2FFFF;
	_ =	strace $0x9FFFFFFF  }
0xc2: {  	(tm) =	ssettm $0x7FFFFFFF  }
0xc3: {  	_ =	shalt  }
tec
execute0_lowered:
.L_overlay_start_1:
0x0: {  	(tag) =	ssettag $0x1  }
0x1: {  	s0 =	srdreg.scid;
	s1 =	rddreg [dreg:$0x0]  }
0x2: {  	s9 =	stileid.u32;
	s2 =	rddreg [dreg:$0x1]  }
0x3: {  	s3 =	simm.s32 $0x0;
	s12 =	simm.s32 $0x100;
	s14 =	simm.s32 $0x880  }
0x4: {  	s15 =	simm.s32 $0x180;
	s28 =	simm.s32 $0x2;
	s29 =	simm.s32 $0x400  }
0x5: {  	s30 =	simm.s32 $0xB80;
	[smem:$0x7FF] =	sst s3;
	s7 =	sadd.s32 $0x1E00, s1  }
0x6: {  	s5 =	smul.u32 $0x2800, s9;
	_ =	strace $0x80000050;
	[dreg:$0x11] =	wrdreg s7  }
0x7: {  	s0 =	sand.u32 $0x1, s0;
	s6 =	smul.u32 $0x50000, s9;
	[dreg:$0x5] =	wrdreg s12  }
0x8: {  	s31 =	simm.s32 $0x480;
	s4 =	smul.u32 $0x28000, s0;
	[dreg:$0x6] =	wrdreg s14  }
0x9: {  	s16 =	ssub.s32 $0x2, s0;
	s0 =	smul.u32 $0x140000, s0;
	[dreg:$0x7] =	wrdreg s15  }
0xa: {  	s12 =	simm.s32 $0xE00;
	s14 =	simm.s32 $0xE80;
	s15 =	simm.s32 $0x780  }
0xb: {  	s8 =	sshrl.u32 s16, $0x1;
	s6 =	sshrl.u32 s6, $0x2;
	s4 =	sadd.s32 s5, s4  }
0xc: {  	s7 =	ssub.s32 s16, s8;
	s18 =	sadd.s32 s6, s2;
	s16 =	simm.s32 $0x900  }
0xd: {  	s6 =	smul.u32 $0x14000, s9;
	s5 =	sshrl.u32 s4, $0x3;
	[dreg:$0x8] =	wrdreg s16  }
0xe: {  	s4 =	sadd.s32 $0x2600, s1;
	s17 =	sadd.s32 $0x4000, s18;
	[dreg:$0x12] =	wrdreg s18  }
0xf: {  	s19 =	sadd.s32 $0x8000, s18;
	s20 =	sadd.s32 $0xC000, s18;
	[dreg:$0x13] =	wrdreg s17  }
0x10: {  	s21 =	sadd.s32 $0x10000, s18;
	s7 =	smax.u32 s7, $0x1;
	[dreg:$0x14] =	wrdreg s19  }
0x11: {  	s16 =	simm.s32 $0xF00;
	s5 =	sadd.s32 s5, s1;
	[dreg:$0x15] =	wrdreg s20  }
0x12: {  	s1 =	sadd.s32 $0x66E00, s1;
	[dreg:$0x16] =	wrdreg s21;
	s22 =	sadd.s32 s0, s6  }
0x13: {  	s9 =	sadd.s32 $0x4000, s6;
	[dreg:$0x17] =	wrdreg s7;
	s17 =	simm.s32 $0x200  }
0x14: {  	s26 =	sadd.s32 $0x8000, s6;
	s19 =	simm.s32 $0x980;
	[dreg:$0x9] =	wrdreg s17  }
0x15: {  	s11 =	sadd.s32 $0xC000, s6;
	s21 =	simm.s32 $0x280;
	[dreg:$0xa] =	wrdreg s19  }
0x16: {  	s24 =	sadd.s32 s0, s9;
	s9 =	sadd.s32 s9, s2;
	[dreg:$0xb] =	wrdreg s21  }
0x17: {  	s6 =	sadd.s32 $0x10000, s6;
	s8 =	sadd.s32 s26, s2;
	[dreg:$0x19] =	wrdreg s9  }
0x18: {  	s23 =	sshrl.u32 s22, $0x3;
	s10 =	sadd.s32 $0x5CE00, s5;
	[dreg:$0x1b] =	wrdreg s8  }
0x19: {  	s5 =	sadd.s32 $0x52E00, s5;
	s13 =	sadd.s32 s11, s2;
	[dreg:$0x3] =	wrdreg s10  }
0x1a: {  	s20 =	sadd.s32 s6, s2;
	s22 =	simm.s32 $0xA00;
	[dreg:$0x4] =	wrdreg s5  }
0x1b: {  	s21 =	simm.s32 $0x1000;
	s17 =	simm.s32 $0xF80;
	[dreg:$0x1d] =	wrdreg s13  }
0x1c: {  	s19 =	simm.s32 $0x0;
	s7 =	sadd.s32 s1, s23;
	[dreg:$0x1f] =	wrdreg s20  }
0x1d: {  	s25 =	sshrl.u32 s24, $0x3;
	s9 =	sadd.s32 s0, s26;
	[dreg:$0xc] =	wrdreg s22  }
0x1e: {  	s23 =	simm.s32 $0x300;
	s24 =	simm.s32 $0xA80;
	s22 =	simm.s32 $0x3  }
0x1f: {  	s26 =	simm.s32 $0xB00;
	s5 =	simm.s32 $0xC80;
	[dreg:$0x18] =	wrdreg s7  }
0x20: {  	s8 =	simm.s32 $0xD00;
	s10 =	simm.s32 $0xD80;
	[dreg:$0xd] =	wrdreg s23  }
0x21: {  	s13 =	simm.s32 $0x700;
	s7 =	sadd.s32 s1, s25;
	[dreg:$0xe] =	wrdreg s24  }
0x22: {  	s25 =	simm.s32 $0x380;
	s23 =	simm.s32 $0x800;
	[dreg:$0x10] =	wrdreg s26  }
0x23: {  	s24 =	simm.s32 $0x80;
	[dreg:$0x1a] =	wrdreg s7;
	s7 =	sshrl.u32 s9, $0x3  }
0x24: {  	s26 =	simm.s32 $0x1;
	[dreg:$0xf] =	wrdreg s25;
	s7 =	sadd.s32 s1, s7  }
0x25: {  	s25 =	simm.s32 $0x5000;
	[dreg:$0x1c] =	wrdreg s7;
	s7 =	sadd.s32 s0, s11  }
0x26: {  	s9 =	simm.s32 $0x600;
	s0 =	sadd.s32 s0, s6;
	s7 =	sshrl.u32 s7, $0x3  }
0x27: {  	s11 =	simm.s32 $0x680;
	s0 =	sshrl.u32 s0, $0x3;
	s7 =	sadd.s32 s1, s7  }
0x28: {  	s0 =	sadd.s32 s1, s0;
	s1 =	simm.s32 $0xC00;
	[dreg:$0x1e] =	wrdreg s7  }
0x29: {  	[smem:$0x7FD] =	sst s0;
	s0 =	simm.s32 $0x500;
	s7 =	simm.s32 $0x580  }
.LBB2_1:
0x2a: {  	[smem:$0x7FC] =	sst s19  }
0x2b: {  	s6 =	rddreg [dreg:$0x11]  }
0x2c: {  	[tilespmem:s21], [sflag:$0x3] =	stream.linear.gather [hbm4b:s6+s3], $0x4000, $0x38;
	[tilespmem:$0x1D000] =	vst v63  }
0x2d: {  	_ =	swait.ge [sflag:s22], $0x4000  }
0x2e: {  	[sflag:s22] =	ssyncset.done $0x0  }
0x2f: {  	[sflag:s22] =	ssyncadd.s32 $0xFFFFC000  }
0x30: {  	[spmem:s18] =	stream.linear.scatter [tilespmem:s21], [sflag:$0x3], $0x4000, $0x38;
	[tilespmem:$0x1D000] =	vst v63  }
0x31: {  	_ =	swait.ge [sflag:s22], $0x4000  }
0x32: {  	[sflag:s22] =	ssyncset.done $0x0  }
0x33: {  	s18 =	rddreg [dreg:$0x13];
	[sflag:s22] =	ssyncadd.s32 $0xFFFFC000  }
0x34: {  	[spmem:s18] =	stream.linear.scatter [tilespmem:s21], [sflag:$0x3], $0x4000, $0x38;
	[tilespmem:$0x1D000] =	vst v63  }
0x35: {  	_ =	swait.ge [sflag:s22], $0x4000  }
0x36: {  	[sflag:s22] =	ssyncset.done $0x0  }
0x37: {  	s19 =	rddreg [dreg:$0x14];
	[sflag:s22] =	ssyncadd.s32 $0xFFFFC000  }
0x38: {  	[spmem:s19] =	stream.linear.scatter [tilespmem:s21], [sflag:$0x3], $0x4000, $0x38;
	[tilespmem:$0x1D000] =	vst v63  }
0x39: {  	_ =	swait.ge [sflag:s22], $0x4000  }
0x3a: {  	[sflag:s22] =	ssyncset.done $0x0  }
0x3b: {  	s20 =	rddreg [dreg:$0x15];
	[sflag:s22] =	ssyncadd.s32 $0xFFFFC000  }
0x3c: {  	[spmem:s20] =	stream.linear.scatter [tilespmem:s21], [sflag:$0x3], $0x4000, $0x38;
	[tilespmem:$0x1D000] =	vst v63  }
0x3d: {  	_ =	swait.ge [sflag:s22], $0x4000  }
0x3e: {  	[sflag:s22] =	ssyncset.done $0x0  }
0x3f: {  	s18 =	rddreg [dreg:$0x16];
	[sflag:s22] =	ssyncadd.s32 $0xFFFFC000  }
0x40: {  	[spmem:s18] =	stream.linear.scatter [tilespmem:s21], [sflag:$0x3], $0x4000, $0x38;
	[tilespmem:$0x1D000] =	vst v63  }
0x41: {  	_ =	swait.ge [sflag:s22], $0x4000  }
0x42: {  	[sflag:s22] =	ssyncset.done $0x0  }
0x43: {  	[sflag:s22] =	ssyncadd.s32 $0xFFFFC000  }
0x44: {  	[bflag:$0x0] =	sbarrier.arrive $0xFFFF  }
0x45: {  	s19 =	rddreg [dreg:$0x4]  }
0x46: {  	s6 =	sadd.s32 $0x0, s19  }
0x47: {  	[tilespmem:s3], [sflag:$0x3] =	stream.linear.gather [hbm4b:s6+s3], $0x800, $0x38;
	[tilespmem:$0x1D000] =	vst v63  }
0x48: {  	_ =	swait.ge [sflag:s22], $0x800  }
0x49: {  	s20 =	rddreg [dreg:$0x3];
	[sflag:s22] =	ssyncset.done $0x0  }
0x4a: {  	[sflag:s22] =	ssyncadd.s32 $0xFFFFF800;
	s6 =	sadd.s32 $0x0, s20  }
0x4b: {  	[tilespmem:s23], [sflag:$0x3] =	stream.linear.gather [hbm4b:s6+s3], $0x800, $0x38;
	[tilespmem:$0x1D000] =	vst v63  }
0x4c: {  	_ =	swait.ge [sflag:s22], $0x800  }
0x4d: {  	[sflag:s22] =	ssyncset.done $0x0  }
0x4e: {  	[sflag:s22] =	ssyncadd.s32 $0xFFFFF800  }
0x4f: {  	[tilespmem:s21], [sflag:$0x1] =	stream.indirect.gather [hbm4b:s4+s24], $0x80, s3, s24, $0xb8;
	[tilespmem:$0x1D000] =	vst v63  }
0x50: {  	_ = 	snop  }
0x51: {  	[tilespmem:s25], [sflag:$0x2] =	stream.indirect.gather [hbm4b:s4+s24], $0x80, s24, s24, $0xb8;
	[tilespmem:$0x1D000] =	vst v63  }
0x52: {  	_ =	swait.ge [sflag:s26], $0x4000  }
0x53: {  	[sflag:s26] =	ssyncset.done $0x0  }
0x54: {  	[sflag:s26] =	ssyncadd.s32 $0xFFFFC000  }
0x55: {  	[spmem:s2] =	stream.indirect.scatter.add.f32 [tilespmem:s21], [sflag:$0x3], $0x80, s23, s24, $0xb8;
	[tilespmem:$0x1D000] =	vst v63  }
0x56: {  	_ =	swait.ge [sflag:s22], $0x4000  }
0x57: {  	[sflag:s22] =	ssyncset.done $0x0  }
0x58: {  	s18 =	rddreg [dreg:$0x5];
	[sflag:s22] =	ssyncadd.s32 $0xFFFFC000  }
0x59: {  	[tilespmem:s21], [sflag:$0x1] =	stream.indirect.gather [hbm4b:s4+s24], $0x80, s18, s24, $0xb8;
	[tilespmem:$0x1D000] =	vst v63  }
0x5a: {  	_ =	swait.ge [sflag:s28], $0x4000  }
0x5b: {  	[sflag:s28] =	ssyncset.done $0x0  }
0x5c: {  	s19 =	rddreg [dreg:$0x6];
	[sflag:s28] =	ssyncadd.s32 $0xFFFFC000  }
0x5d: {  	[spmem:s2] =	stream.indirect.scatter.add.f32 [tilespmem:s25], [sflag:$0x3], $0x80, s19, s24, $0xb8;
	[tilespmem:$0x1D000] =	vst v63  }
0x5e: {  	_ =	swait.ge [sflag:s22], $0x4000  }
0x5f: {  	[sflag:s22] =	ssyncset.done $0x0  }
0x60: {  	s20 =	rddreg [dreg:$0x7];
	[sflag:s22] =	ssyncadd.s32 $0xFFFFC000  }
0x61: {  	[tilespmem:s25], [sflag:$0x2] =	stream.indirect.gather [hbm4b:s4+s24], $0x80, s20, s24, $0xb8;
	[tilespmem:$0x1D000] =	vst v63  }
0x62: {  	_ =	swait.ge [sflag:s26], $0x4000  }
0x63: {  	[sflag:s26] =	ssyncset.done $0x0  }
0x64: {  	s18 =	rddreg [dreg:$0x8];
	[sflag:s26] =	ssyncadd.s32 $0xFFFFC000  }
0x65: {  	[spmem:s2] =	stream.indirect.scatter.add.f32 [tilespmem:s21], [sflag:$0x3], $0x80, s18, s24, $0xb8;
	[tilespmem:$0x1D000] =	vst v63  }
0x66: {  	_ =	swait.ge [sflag:s22], $0x4000  }
0x67: {  	[sflag:s22] =	ssyncset.done $0x0  }
0x68: {  	s19 =	rddreg [dreg:$0x9];
	[sflag:s22] =	ssyncadd.s32 $0xFFFFC000  }
0x69: {  	[tilespmem:s21], [sflag:$0x1] =	stream.indirect.gather [hbm4b:s4+s24], $0x80, s19, s24, $0xb8;
	[tilespmem:$0x1D000] =	vst v63  }
0x6a: {  	_ =	swait.ge [sflag:s28], $0x4000  }
0x6b: {  	[sflag:s28] =	ssyncset.done $0x0  }
0x6c: {  	s20 =	rddreg [dreg:$0xa];
	[sflag:s28] =	ssyncadd.s32 $0xFFFFC000  }
0x6d: {  	[spmem:s2] =	stream.indirect.scatter.add.f32 [tilespmem:s25], [sflag:$0x3], $0x80, s20, s24, $0xb8;
	[tilespmem:$0x1D000] =	vst v63  }
0x6e: {  	_ =	swait.ge [sflag:s22], $0x4000  }
0x6f: {  	[sflag:s22] =	ssyncset.done $0x0  }
0x70: {  	s18 =	rddreg [dreg:$0xb];
	[sflag:s22] =	ssyncadd.s32 $0xFFFFC000  }
0x71: {  	[tilespmem:s25], [sflag:$0x2] =	stream.indirect.gather [hbm4b:s4+s24], $0x80, s18, s24, $0xb8;
	[tilespmem:$0x1D000] =	vst v63  }
0x72: {  	_ =	swait.ge [sflag:s26], $0x4000  }
0x73: {  	[sflag:s26] =	ssyncset.done $0x0  }
0x74: {  	s19 =	rddreg [dreg:$0xc];
	[sflag:s26] =	ssyncadd.s32 $0xFFFFC000  }
0x75: {  	[spmem:s2] =	stream.indirect.scatter.add.f32 [tilespmem:s21], [sflag:$0x3], $0x80, s19, s24, $0xb8;
	[tilespmem:$0x1D000] =	vst v63  }
0x76: {  	_ =	swait.ge [sflag:s22], $0x4000  }
0x77: {  	[sflag:s22] =	ssyncset.done $0x0  }
0x78: {  	s20 =	rddreg [dreg:$0xd];
	[sflag:s22] =	ssyncadd.s32 $0xFFFFC000  }
0x79: {  	[tilespmem:s21], [sflag:$0x1] =	stream.indirect.gather [hbm4b:s4+s24], $0x80, s20, s24, $0xb8;
	[tilespmem:$0x1D000] =	vst v63  }
0x7a: {  	_ =	swait.ge [sflag:s28], $0x4000  }
0x7b: {  	[sflag:s28] =	ssyncset.done $0x0  }
0x7c: {  	s18 =	rddreg [dreg:$0xe];
	[sflag:s28] =	ssyncadd.s32 $0xFFFFC000  }
0x7d: {  	[spmem:s2] =	stream.indirect.scatter.add.f32 [tilespmem:s25], [sflag:$0x3], $0x80, s18, s24, $0xb8;
	[tilespmem:$0x1D000] =	vst v63  }
0x7e: {  	_ =	swait.ge [sflag:s22], $0x4000  }
0x7f: {  	[sflag:s22] =	ssyncset.done $0x0  }
0x80: {  	s19 =	rddreg [dreg:$0xf];
	[sflag:s22] =	ssyncadd.s32 $0xFFFFC000  }
0x81: {  	[tilespmem:s25], [sflag:$0x2] =	stream.indirect.gather [hbm4b:s4+s24], $0x80, s19, s24, $0xb8;
	[tilespmem:$0x1D000] =	vst v63  }
0x82: {  	_ =	swait.ge [sflag:s26], $0x4000  }
0x83: {  	[sflag:s26] =	ssyncset.done $0x0  }
0x84: {  	s20 =	rddreg [dreg:$0x10];
	[sflag:s26] =	ssyncadd.s32 $0xFFFFC000  }
0x85: {  	[spmem:s2] =	stream.indirect.scatter.add.f32 [tilespmem:s21], [sflag:$0x3], $0x80, s20, s24, $0xb8;
	[tilespmem:$0x1D000] =	vst v63  }
0x86: {  	_ =	swait.ge [sflag:s22], $0x4000  }
0x87: {  	[sflag:s22] =	ssyncset.done $0x0  }
0x88: {  	[sflag:s22] =	ssyncadd.s32 $0xFFFFC000  }
0x89: {  	[tilespmem:s21], [sflag:$0x1] =	stream.indirect.gather [hbm4b:s4+s24], $0x80, s29, s24, $0xb8;
	[tilespmem:$0x1D000] =	vst v63  }
0x8a: {  	_ =	swait.ge [sflag:s28], $0x4000  }
0x8b: {  	[sflag:s28] =	ssyncset.done $0x0  }
0x8c: {  	[sflag:s28] =	ssyncadd.s32 $0xFFFFC000  }
0x8d: {  	[spmem:s2] =	stream.indirect.scatter.add.f32 [tilespmem:s25], [sflag:$0x3], $0x80, s30, s24, $0xb8;
	[tilespmem:$0x1D000] =	vst v63  }
0x8e: {  	_ =	swait.ge [sflag:s22], $0x4000  }
0x8f: {  	[sflag:s22] =	ssyncset.done $0x0  }
0x90: {  	[sflag:s22] =	ssyncadd.s32 $0xFFFFC000  }
0x91: {  	[tilespmem:s25], [sflag:$0x2] =	stream.indirect.gather [hbm4b:s4+s24], $0x80, s31, s24, $0xb8;
	[tilespmem:$0x1D000] =	vst v63  }
0x92: {  	_ =	swait.ge [sflag:s26], $0x4000  }
0x93: {  	[sflag:s26] =	ssyncset.done $0x0  }
0x94: {  	[sflag:s26] =	ssyncadd.s32 $0xFFFFC000  }
0x95: {  	[spmem:s2] =	stream.indirect.scatter.add.f32 [tilespmem:s21], [sflag:$0x3], $0x80, s1, s24, $0xb8;
	[tilespmem:$0x1D000] =	vst v63  }
0x96: {  	_ =	swait.ge [sflag:s22], $0x4000  }
0x97: {  	[sflag:s22] =	ssyncset.done $0x0  }
0x98: {  	[sflag:s22] =	ssyncadd.s32 $0xFFFFC000  }
0x99: {  	[tilespmem:s21], [sflag:$0x1] =	stream.indirect.gather [hbm4b:s4+s24], $0x80, s0, s24, $0xb8;
	[tilespmem:$0x1D000] =	vst v63  }
0x9a: {  	_ =	swait.ge [sflag:s28], $0x4000  }
0x9b: {  	[sflag:s28] =	ssyncset.done $0x0  }
0x9c: {  	[sflag:s28] =	ssyncadd.s32 $0xFFFFC000  }
0x9d: {  	[spmem:s2] =	stream.indirect.scatter.add.f32 [tilespmem:s25], [sflag:$0x3], $0x80, s5, s24, $0xb8;
	[tilespmem:$0x1D000] =	vst v63  }
0x9e: {  	_ =	swait.ge [sflag:s22], $0x4000  }
0x9f: {  	[sflag:s22] =	ssyncset.done $0x0  }
0xa0: {  	[sflag:s22] =	ssyncadd.s32 $0xFFFFC000  }
0xa1: {  	[tilespmem:s25], [sflag:$0x2] =	stream.indirect.gather [hbm4b:s4+s24], $0x80, s7, s24, $0xb8;
	[tilespmem:$0x1D000] =	vst v63  }
0xa2: {  	_ =	swait.ge [sflag:s26], $0x4000  }
0xa3: {  	[sflag:s26] =	ssyncset.done $0x0  }
0xa4: {  	[sflag:s26] =	ssyncadd.s32 $0xFFFFC000  }
0xa5: {  	[spmem:s2] =	stream.indirect.scatter.add.f32 [tilespmem:s21], [sflag:$0x3], $0x80, s8, s24, $0xb8;
	[tilespmem:$0x1D000] =	vst v63  }
0xa6: {  	_ =	swait.ge [sflag:s22], $0x4000  }
0xa7: {  	[sflag:s22] =	ssyncset.done $0x0  }
0xa8: {  	[sflag:s22] =	ssyncadd.s32 $0xFFFFC000  }
0xa9: {  	[tilespmem:s21], [sflag:$0x1] =	stream.indirect.gather [hbm4b:s4+s24], $0x80, s9, s24, $0xb8;
	[tilespmem:$0x1D000] =	vst v63  }
0xaa: {  	_ =	swait.ge [sflag:s28], $0x4000  }
0xab: {  	[sflag:s28] =	ssyncset.done $0x0  }
0xac: {  	[sflag:s28] =	ssyncadd.s32 $0xFFFFC000  }
0xad: {  	[spmem:s2] =	stream.indirect.scatter.add.f32 [tilespmem:s25], [sflag:$0x3], $0x80, s10, s24, $0xb8;
	[tilespmem:$0x1D000] =	vst v63  }
0xae: {  	_ =	swait.ge [sflag:s22], $0x4000  }
0xaf: {  	[sflag:s22] =	ssyncset.done $0x0  }
0xb0: {  	[sflag:s22] =	ssyncadd.s32 $0xFFFFC000  }
0xb1: {  	[tilespmem:s25], [sflag:$0x2] =	stream.indirect.gather [hbm4b:s4+s24], $0x80, s11, s24, $0xb8;
	[tilespmem:$0x1D000] =	vst v63  }
0xb2: {  	_ =	swait.ge [sflag:s26], $0x4000  }
0xb3: {  	[sflag:s26] =	ssyncset.done $0x0  }
0xb4: {  	[sflag:s26] =	ssyncadd.s32 $0xFFFFC000  }
0xb5: {  	[spmem:s2] =	stream.indirect.scatter.add.f32 [tilespmem:s21], [sflag:$0x3], $0x80, s12, s24, $0xb8;
	[tilespmem:$0x1D000] =	vst v63  }
0xb6: {  	_ =	swait.ge [sflag:s22], $0x4000  }
0xb7: {  	[sflag:s22] =	ssyncset.done $0x0  }
0xb8: {  	[sflag:s22] =	ssyncadd.s32 $0xFFFFC000  }
0xb9: {  	[tilespmem:s21], [sflag:$0x1] =	stream.indirect.gather [hbm4b:s4+s24], $0x80, s13, s24, $0xb8;
	[tilespmem:$0x1D000] =	vst v63  }
0xba: {  	_ =	swait.ge [sflag:s28], $0x4000  }
0xbb: {  	[sflag:s28] =	ssyncset.done $0x0  }
0xbc: {  	[sflag:s28] =	ssyncadd.s32 $0xFFFFC000  }
0xbd: {  	[spmem:s2] =	stream.indirect.scatter.add.f32 [tilespmem:s25], [sflag:$0x3], $0x80, s14, s24, $0xb8;
	[tilespmem:$0x1D000] =	vst v63  }
0xbe: {  	_ =	swait.ge [sflag:s22], $0x4000  }
0xbf: {  	[sflag:s22] =	ssyncset.done $0x0  }
0xc0: {  	[sflag:s22] =	ssyncadd.s32 $0xFFFFC000  }
0xc1: {  	[tilespmem:s25], [sflag:$0x2] =	stream.indirect.gather [hbm4b:s4+s24], $0x80, s15, s24, $0xb8;
	[tilespmem:$0x1D000] =	vst v63  }
0xc2: {  	_ =	swait.ge [sflag:s26], $0x4000  }
0xc3: {  	[sflag:s26] =	ssyncset.done $0x0  }
0xc4: {  	[sflag:s26] =	ssyncadd.s32 $0xFFFFC000  }
0xc5: {  	[spmem:s2] =	stream.indirect.scatter.add.f32 [tilespmem:s21], [sflag:$0x3], $0x80, s16, s24, $0xb8;
	[tilespmem:$0x1D000] =	vst v63  }
0xc6: {  	_ =	swait.ge [sflag:s22], $0x4000  }
0xc7: {  	[sflag:s22] =	ssyncset.done $0x0  }
0xc8: {  	[sflag:s22] =	ssyncadd.s32 $0xFFFFC000  }
0xc9: {  	_ =	swait.ge [sflag:s28], $0x4000  }
0xca: {  	[sflag:s28] =	ssyncset.done $0x0  }
0xcb: {  	[sflag:s28] =	ssyncadd.s32 $0xFFFFC000  }
0xcc: {  	[spmem:s2] =	stream.indirect.scatter.add.f32 [tilespmem:s25], [sflag:$0x3], $0x80, s17, s24, $0xb8;
	[tilespmem:$0x1D000] =	vst v63  }
0xcd: {  	s19 =	simm.s32 $0x100;
	_ =	swait.ge [sflag:s22], $0x4000  }
0xce: {  	s20 =	simm.s32 $0x200;
	s6 =	rddreg [dreg:$0x4];
	[sflag:s22] =	ssyncset.done $0x0  }
.LBB2_2:
0xcf: {  	[sflag:s22] =	ssyncadd.s32 $0xFFFFC000;
	s6 =	sadd.s32 s19, s6  }
0xd0: {  	[tilespmem:s3], [sflag:$0x3] =	stream.linear.gather [hbm4b:s6+s3], $0x800, $0x38;
	[tilespmem:$0x1D000] =	vst v63  }
0xd1: {  	_ =	swait.ge [sflag:s22], $0x800  }
0xd2: {  	s6 =	rddreg [dreg:$0x3];
	[sflag:s22] =	ssyncset.done $0x0  }
0xd3: {  	[sflag:s22] =	ssyncadd.s32 $0xFFFFF800;
	s6 =	sadd.s32 s19, s6  }
0xd4: {  	[tilespmem:s23], [sflag:$0x3] =	stream.linear.gather [hbm4b:s6+s3], $0x800, $0x38;
	[tilespmem:$0x1D000] =	vst v63  }
0xd5: {  	_ =	swait.ge [sflag:s22], $0x800  }
0xd6: {  	[sflag:s22] =	ssyncset.done $0x0  }
0xd7: {  	[sflag:s22] =	ssyncadd.s32 $0xFFFFF800  }
0xd8: {  	[tilespmem:s21], [sflag:$0x1] =	stream.indirect.gather [hbm4b:s4+s24], $0x80, s3, s24, $0xb8;
	[tilespmem:$0x1D000] =	vst v63  }
0xd9: {  	_ = 	snop  }
0xda: {  	[tilespmem:s25], [sflag:$0x2] =	stream.indirect.gather [hbm4b:s4+s24], $0x80, s24, s24, $0xb8;
	[tilespmem:$0x1D000] =	vst v63  }
0xdb: {  	_ =	swait.ge [sflag:s26], $0x4000  }
0xdc: {  	[sflag:s26] =	ssyncset.done $0x0  }
0xdd: {  	[sflag:s26] =	ssyncadd.s32 $0xFFFFC000  }
0xde: {  	[spmem:s2] =	stream.indirect.scatter.add.f32 [tilespmem:s21], [sflag:$0x3], $0x80, s23, s24, $0xb8;
	[tilespmem:$0x1D000] =	vst v63  }
0xdf: {  	_ =	swait.ge [sflag:s22], $0x4000  }
0xe0: {  	s18 =	smov.u32 s20;
	[sflag:s22] =	ssyncset.done $0x0  }
0xe1: {  	s19 =	smov.u32 s18;
	s18 =	rddreg [dreg:$0x5];
	[sflag:s22] =	ssyncadd.s32 $0xFFFFC000  }
0xe2: {  	[tilespmem:s21], [sflag:$0x1] =	stream.indirect.gather [hbm4b:s4+s24], $0x80, s18, s24, $0xb8;
	[tilespmem:$0x1D000] =	vst v63  }
0xe3: {  	_ =	swait.ge [sflag:s28], $0x4000  }
0xe4: {  	[sflag:s28] =	ssyncset.done $0x0  }
0xe5: {  	s18 =	rddreg [dreg:$0x6];
	[sflag:s28] =	ssyncadd.s32 $0xFFFFC000  }
0xe6: {  	[spmem:s2] =	stream.indirect.scatter.add.f32 [tilespmem:s25], [sflag:$0x3], $0x80, s18, s24, $0xb8;
	[tilespmem:$0x1D000] =	vst v63  }
0xe7: {  	_ =	swait.ge [sflag:s22], $0x4000  }
0xe8: {  	[sflag:s22] =	ssyncset.done $0x0  }
0xe9: {  	s18 =	rddreg [dreg:$0x7];
	[sflag:s22] =	ssyncadd.s32 $0xFFFFC000  }
0xea: {  	[tilespmem:s25], [sflag:$0x2] =	stream.indirect.gather [hbm4b:s4+s24], $0x80, s18, s24, $0xb8;
	[tilespmem:$0x1D000] =	vst v63  }
0xeb: {  	_ =	swait.ge [sflag:s26], $0x4000  }
0xec: {  	[sflag:s26] =	ssyncset.done $0x0  }
0xed: {  	s18 =	rddreg [dreg:$0x8];
	[sflag:s26] =	ssyncadd.s32 $0xFFFFC000  }
0xee: {  	[spmem:s2] =	stream.indirect.scatter.add.f32 [tilespmem:s21], [sflag:$0x3], $0x80, s18, s24, $0xb8;
	[tilespmem:$0x1D000] =	vst v63  }
0xef: {  	_ =	swait.ge [sflag:s22], $0x4000  }
0xf0: {  	[sflag:s22] =	ssyncset.done $0x0  }
0xf1: {  	s18 =	rddreg [dreg:$0x9];
	[sflag:s22] =	ssyncadd.s32 $0xFFFFC000  }
0xf2: {  	[tilespmem:s21], [sflag:$0x1] =	stream.indirect.gather [hbm4b:s4+s24], $0x80, s18, s24, $0xb8;
	[tilespmem:$0x1D000] =	vst v63  }
0xf3: {  	_ =	swait.ge [sflag:s28], $0x4000  }
0xf4: {  	[sflag:s28] =	ssyncset.done $0x0  }
0xf5: {  	s18 =	rddreg [dreg:$0xa];
	[sflag:s28] =	ssyncadd.s32 $0xFFFFC000  }
0xf6: {  	[spmem:s2] =	stream.indirect.scatter.add.f32 [tilespmem:s25], [sflag:$0x3], $0x80, s18, s24, $0xb8;
	[tilespmem:$0x1D000] =	vst v63  }
0xf7: {  	_ =	swait.ge [sflag:s22], $0x4000  }
0xf8: {  	[sflag:s22] =	ssyncset.done $0x0  }
0xf9: {  	s18 =	rddreg [dreg:$0xb];
	[sflag:s22] =	ssyncadd.s32 $0xFFFFC000  }
0xfa: {  	[tilespmem:s25], [sflag:$0x2] =	stream.indirect.gather [hbm4b:s4+s24], $0x80, s18, s24, $0xb8;
	[tilespmem:$0x1D000] =	vst v63  }
0xfb: {  	_ =	swait.ge [sflag:s26], $0x4000  }
0xfc: {  	[sflag:s26] =	ssyncset.done $0x0  }
0xfd: {  	s18 =	rddreg [dreg:$0xc];
	[sflag:s26] =	ssyncadd.s32 $0xFFFFC000  }
0xfe: {  	[spmem:s2] =	stream.indirect.scatter.add.f32 [tilespmem:s21], [sflag:$0x3], $0x80, s18, s24, $0xb8;
	[tilespmem:$0x1D000] =	vst v63  }
0xff: {  	_ =	swait.ge [sflag:s22], $0x4000  }
0x100: {  	[sflag:s22] =	ssyncset.done $0x0  }
0x101: {  	s18 =	rddreg [dreg:$0xd];
	[sflag:s22] =	ssyncadd.s32 $0xFFFFC000  }
0x102: {  	[tilespmem:s21], [sflag:$0x1] =	stream.indirect.gather [hbm4b:s4+s24], $0x80, s18, s24, $0xb8;
	[tilespmem:$0x1D000] =	vst v63  }
0x103: {  	_ =	swait.ge [sflag:s28], $0x4000  }
0x104: {  	[sflag:s28] =	ssyncset.done $0x0  }
0x105: {  	s18 =	rddreg [dreg:$0xe];
	[sflag:s28] =	ssyncadd.s32 $0xFFFFC000  }
0x106: {  	[spmem:s2] =	stream.indirect.scatter.add.f32 [tilespmem:s25], [sflag:$0x3], $0x80, s18, s24, $0xb8;
	[tilespmem:$0x1D000] =	vst v63  }
0x107: {  	_ =	swait.ge [sflag:s22], $0x4000  }
0x108: {  	[sflag:s22] =	ssyncset.done $0x0  }
0x109: {  	s18 =	rddreg [dreg:$0xf];
	[sflag:s22] =	ssyncadd.s32 $0xFFFFC000  }
0x10a: {  	[tilespmem:s25], [sflag:$0x2] =	stream.indirect.gather [hbm4b:s4+s24], $0x80, s18, s24, $0xb8;
	[tilespmem:$0x1D000] =	vst v63  }
0x10b: {  	_ =	swait.ge [sflag:s26], $0x4000  }
0x10c: {  	[sflag:s26] =	ssyncset.done $0x0  }
0x10d: {  	s18 =	rddreg [dreg:$0x10];
	[sflag:s26] =	ssyncadd.s32 $0xFFFFC000  }
0x10e: {  	[spmem:s2] =	stream.indirect.scatter.add.f32 [tilespmem:s21], [sflag:$0x3], $0x80, s18, s24, $0xb8;
	[tilespmem:$0x1D000] =	vst v63  }
0x10f: {  	_ =	swait.ge [sflag:s22], $0x4000  }
0x110: {  	[sflag:s22] =	ssyncset.done $0x0  }
0x111: {  	[sflag:s22] =	ssyncadd.s32 $0xFFFFC000  }
0x112: {  	[tilespmem:s21], [sflag:$0x1] =	stream.indirect.gather [hbm4b:s4+s24], $0x80, s29, s24, $0xb8;
	[tilespmem:$0x1D000] =	vst v63  }
0x113: {  	_ =	swait.ge [sflag:s28], $0x4000  }
0x114: {  	[sflag:s28] =	ssyncset.done $0x0  }
0x115: {  	[sflag:s28] =	ssyncadd.s32 $0xFFFFC000  }
0x116: {  	[spmem:s2] =	stream.indirect.scatter.add.f32 [tilespmem:s25], [sflag:$0x3], $0x80, s30, s24, $0xb8;
	[tilespmem:$0x1D000] =	vst v63  }
0x117: {  	_ =	swait.ge [sflag:s22], $0x4000  }
0x118: {  	[sflag:s22] =	ssyncset.done $0x0  }
0x119: {  	[sflag:s22] =	ssyncadd.s32 $0xFFFFC000  }
0x11a: {  	[tilespmem:s25], [sflag:$0x2] =	stream.indirect.gather [hbm4b:s4+s24], $0x80, s31, s24, $0xb8;
	[tilespmem:$0x1D000] =	vst v63  }
0x11b: {  	_ =	swait.ge [sflag:s26], $0x4000  }
0x11c: {  	[sflag:s26] =	ssyncset.done $0x0  }
0x11d: {  	[sflag:s26] =	ssyncadd.s32 $0xFFFFC000  }
0x11e: {  	[spmem:s2] =	stream.indirect.scatter.add.f32 [tilespmem:s21], [sflag:$0x3], $0x80, s1, s24, $0xb8;
	[tilespmem:$0x1D000] =	vst v63  }
0x11f: {  	_ =	swait.ge [sflag:s22], $0x4000  }
0x120: {  	[sflag:s22] =	ssyncset.done $0x0  }
0x121: {  	[sflag:s22] =	ssyncadd.s32 $0xFFFFC000  }
0x122: {  	[tilespmem:s21], [sflag:$0x1] =	stream.indirect.gather [hbm4b:s4+s24], $0x80, s0, s24, $0xb8;
	[tilespmem:$0x1D000] =	vst v63  }
0x123: {  	_ =	swait.ge [sflag:s28], $0x4000  }
0x124: {  	[sflag:s28] =	ssyncset.done $0x0  }
0x125: {  	[sflag:s28] =	ssyncadd.s32 $0xFFFFC000  }
0x126: {  	[spmem:s2] =	stream.indirect.scatter.add.f32 [tilespmem:s25], [sflag:$0x3], $0x80, s5, s24, $0xb8;
	[tilespmem:$0x1D000] =	vst v63  }
0x127: {  	_ =	swait.ge [sflag:s22], $0x4000  }
0x128: {  	[sflag:s22] =	ssyncset.done $0x0  }
0x129: {  	[sflag:s22] =	ssyncadd.s32 $0xFFFFC000  }
0x12a: {  	[tilespmem:s25], [sflag:$0x2] =	stream.indirect.gather [hbm4b:s4+s24], $0x80, s7, s24, $0xb8;
	[tilespmem:$0x1D000] =	vst v63  }
0x12b: {  	_ =	swait.ge [sflag:s26], $0x4000  }
0x12c: {  	[sflag:s26] =	ssyncset.done $0x0  }
0x12d: {  	[sflag:s26] =	ssyncadd.s32 $0xFFFFC000  }
0x12e: {  	[spmem:s2] =	stream.indirect.scatter.add.f32 [tilespmem:s21], [sflag:$0x3], $0x80, s8, s24, $0xb8;
	[tilespmem:$0x1D000] =	vst v63  }
0x12f: {  	_ =	swait.ge [sflag:s22], $0x4000  }
0x130: {  	[sflag:s22] =	ssyncset.done $0x0  }
0x131: {  	[sflag:s22] =	ssyncadd.s32 $0xFFFFC000  }
0x132: {  	[tilespmem:s21], [sflag:$0x1] =	stream.indirect.gather [hbm4b:s4+s24], $0x80, s9, s24, $0xb8;
	[tilespmem:$0x1D000] =	vst v63  }
0x133: {  	_ =	swait.ge [sflag:s28], $0x4000  }
0x134: {  	[sflag:s28] =	ssyncset.done $0x0  }
0x135: {  	[sflag:s28] =	ssyncadd.s32 $0xFFFFC000  }
0x136: {  	[spmem:s2] =	stream.indirect.scatter.add.f32 [tilespmem:s25], [sflag:$0x3], $0x80, s10, s24, $0xb8;
	[tilespmem:$0x1D000] =	vst v63  }
0x137: {  	_ =	swait.ge [sflag:s22], $0x4000  }
0x138: {  	[sflag:s22] =	ssyncset.done $0x0  }
0x139: {  	[sflag:s22] =	ssyncadd.s32 $0xFFFFC000  }
0x13a: {  	[tilespmem:s25], [sflag:$0x2] =	stream.indirect.gather [hbm4b:s4+s24], $0x80, s11, s24, $0xb8;
	[tilespmem:$0x1D000] =	vst v63  }
0x13b: {  	_ =	swait.ge [sflag:s26], $0x4000  }
0x13c: {  	[sflag:s26] =	ssyncset.done $0x0  }
0x13d: {  	[sflag:s26] =	ssyncadd.s32 $0xFFFFC000  }
0x13e: {  	[spmem:s2] =	stream.indirect.scatter.add.f32 [tilespmem:s21], [sflag:$0x3], $0x80, s12, s24, $0xb8;
	[tilespmem:$0x1D000] =	vst v63  }
0x13f: {  	_ =	swait.ge [sflag:s22], $0x4000  }
0x140: {  	[sflag:s22] =	ssyncset.done $0x0  }
0x141: {  	[sflag:s22] =	ssyncadd.s32 $0xFFFFC000  }
0x142: {  	[tilespmem:s21], [sflag:$0x1] =	stream.indirect.gather [hbm4b:s4+s24], $0x80, s13, s24, $0xb8;
	[tilespmem:$0x1D000] =	vst v63  }
0x143: {  	_ =	swait.ge [sflag:s28], $0x4000  }
0x144: {  	[sflag:s28] =	ssyncset.done $0x0  }
0x145: {  	[sflag:s28] =	ssyncadd.s32 $0xFFFFC000  }
0x146: {  	[spmem:s2] =	stream.indirect.scatter.add.f32 [tilespmem:s25], [sflag:$0x3], $0x80, s14, s24, $0xb8;
	[tilespmem:$0x1D000] =	vst v63  }
0x147: {  	_ =	swait.ge [sflag:s22], $0x4000  }
0x148: {  	[sflag:s22] =	ssyncset.done $0x0  }
0x149: {  	[sflag:s22] =	ssyncadd.s32 $0xFFFFC000  }
0x14a: {  	[tilespmem:s25], [sflag:$0x2] =	stream.indirect.gather [hbm4b:s4+s24], $0x80, s15, s24, $0xb8;
	[tilespmem:$0x1D000] =	vst v63  }
0x14b: {  	_ =	swait.ge [sflag:s26], $0x4000  }
0x14c: {  	[sflag:s26] =	ssyncset.done $0x0  }
0x14d: {  	[sflag:s26] =	ssyncadd.s32 $0xFFFFC000  }
0x14e: {  	[spmem:s2] =	stream.indirect.scatter.add.f32 [tilespmem:s21], [sflag:$0x3], $0x80, s16, s24, $0xb8;
	[tilespmem:$0x1D000] =	vst v63  }
0x14f: {  	_ =	swait.ge [sflag:s22], $0x4000  }
0x150: {  	[sflag:s22] =	ssyncset.done $0x0  }
0x151: {  	[sflag:s22] =	ssyncadd.s32 $0xFFFFC000  }
0x152: {  	p0 =	sne.s32 s20, $0x400;
	_ =	swait.ge [sflag:s28], $0x4000  }
.Ltmp0:
0x153: {  	[sflag:s28] =	ssyncset.done $0x0;
	(pc) =	sbr.rel @p0 .LBB2_2-.Ltmp0, $4  }
0x154: {  	[sflag:s28] =	ssyncadd.s32 $0xFFFFC000  }
0x155: {  	[spmem:s2] =	stream.indirect.scatter.add.f32 [tilespmem:s25], [sflag:$0x3], $0x80, s17, s24, $0xb8;
	[tilespmem:$0x1D000] =	vst v63  }
0x156: {  	_ =	swait.ge [sflag:s22], $0x4000  }
0x157: {  	s20 =	sadd.s32 $0x100, s20;
	s6 =	rddreg [dreg:$0x4];
	[sflag:s22] =	ssyncset.done $0x0  }
0x158: {  	[sflag:s22] =	ssyncadd.s32 $0xFFFFC000;
	s6 =	sadd.s32 s19, s6  }
0x159: {  	[tilespmem:s3], [sflag:$0x3] =	stream.linear.gather [hbm4b:s6+s3], $0x800, $0x38;
	[tilespmem:$0x1D000] =	vst v63  }
0x15a: {  	_ =	swait.ge [sflag:s22], $0x800  }
0x15b: {  	s18 =	rddreg [dreg:$0x3];
	[sflag:s22] =	ssyncset.done $0x0  }
0x15c: {  	s6 =	sadd.s32 s19, s18;
	[sflag:s22] =	ssyncadd.s32 $0xFFFFF800  }
0x15d: {  	[tilespmem:s23], [sflag:$0x3] =	stream.linear.gather [hbm4b:s6+s3], $0x800, $0x38;
	[tilespmem:$0x1D000] =	vst v63  }
0x15e: {  	_ =	swait.ge [sflag:s22], $0x800  }
0x15f: {  	[sflag:s22] =	ssyncset.done $0x0  }
0x160: {  	[sflag:s22] =	ssyncadd.s32 $0xFFFFF800  }
0x161: {  	[tilespmem:s21], [sflag:$0x1] =	stream.indirect.gather [hbm4b:s4+s24], $0x80, s3, s24, $0xb8;
	[tilespmem:$0x1D000] =	vst v63  }
0x162: {  	_ = 	snop  }
0x163: {  	[tilespmem:s25], [sflag:$0x2] =	stream.indirect.gather [hbm4b:s4+s24], $0x80, s24, s24, $0xb8;
	[tilespmem:$0x1D000] =	vst v63  }
0x164: {  	_ =	swait.ge [sflag:s26], $0x4000  }
0x165: {  	[sflag:s26] =	ssyncset.done $0x0  }
0x166: {  	[sflag:s26] =	ssyncadd.s32 $0xFFFFC000  }
0x167: {  	[spmem:s2] =	stream.indirect.scatter.add.f32 [tilespmem:s21], [sflag:$0x3], $0x80, s23, s24, $0xb8;
	[tilespmem:$0x1D000] =	vst v63  }
0x168: {  	_ =	swait.ge [sflag:s22], $0x4000  }
0x169: {  	[sflag:s22] =	ssyncset.done $0x0  }
0x16a: {  	s20 =	rddreg [dreg:$0x5];
	[sflag:s22] =	ssyncadd.s32 $0xFFFFC000  }
0x16b: {  	[tilespmem:s21], [sflag:$0x1] =	stream.indirect.gather [hbm4b:s4+s24], $0x80, s20, s24, $0xb8;
	[tilespmem:$0x1D000] =	vst v63  }
0x16c: {  	_ =	swait.ge [sflag:s28], $0x4000  }
0x16d: {  	[sflag:s28] =	ssyncset.done $0x0  }
0x16e: {  	s18 =	rddreg [dreg:$0x6];
	[sflag:s28] =	ssyncadd.s32 $0xFFFFC000  }
0x16f: {  	[spmem:s2] =	stream.indirect.scatter.add.f32 [tilespmem:s25], [sflag:$0x3], $0x80, s18, s24, $0xb8;
	[tilespmem:$0x1D000] =	vst v63  }
0x170: {  	_ =	swait.ge [sflag:s22], $0x4000  }
0x171: {  	[sflag:s22] =	ssyncset.done $0x0  }
0x172: {  	s19 =	rddreg [dreg:$0x7];
	[sflag:s22] =	ssyncadd.s32 $0xFFFFC000  }
0x173: {  	[tilespmem:s25], [sflag:$0x2] =	stream.indirect.gather [hbm4b:s4+s24], $0x80, s19, s24, $0xb8;
	[tilespmem:$0x1D000] =	vst v63  }
0x174: {  	_ =	swait.ge [sflag:s26], $0x4000  }
0x175: {  	[sflag:s26] =	ssyncset.done $0x0  }
0x176: {  	s20 =	rddreg [dreg:$0x8];
	[sflag:s26] =	ssyncadd.s32 $0xFFFFC000  }
0x177: {  	[spmem:s2] =	stream.indirect.scatter.add.f32 [tilespmem:s21], [sflag:$0x3], $0x80, s20, s24, $0xb8;
	[tilespmem:$0x1D000] =	vst v63  }
0x178: {  	_ =	swait.ge [sflag:s22], $0x4000  }
0x179: {  	[sflag:s22] =	ssyncset.done $0x0  }
0x17a: {  	s18 =	rddreg [dreg:$0x9];
	[sflag:s22] =	ssyncadd.s32 $0xFFFFC000  }
0x17b: {  	[tilespmem:s21], [sflag:$0x1] =	stream.indirect.gather [hbm4b:s4+s24], $0x80, s18, s24, $0xb8;
	[tilespmem:$0x1D000] =	vst v63  }
0x17c: {  	_ =	swait.ge [sflag:s28], $0x4000  }
0x17d: {  	[sflag:s28] =	ssyncset.done $0x0  }
0x17e: {  	s19 =	rddreg [dreg:$0xa];
	[sflag:s28] =	ssyncadd.s32 $0xFFFFC000  }
0x17f: {  	[spmem:s2] =	stream.indirect.scatter.add.f32 [tilespmem:s25], [sflag:$0x3], $0x80, s19, s24, $0xb8;
	[tilespmem:$0x1D000] =	vst v63  }
0x180: {  	_ =	swait.ge [sflag:s22], $0x4000  }
0x181: {  	[sflag:s22] =	ssyncset.done $0x0  }
0x182: {  	s20 =	rddreg [dreg:$0xb];
	[sflag:s22] =	ssyncadd.s32 $0xFFFFC000  }
0x183: {  	[tilespmem:s25], [sflag:$0x2] =	stream.indirect.gather [hbm4b:s4+s24], $0x80, s20, s24, $0xb8;
	[tilespmem:$0x1D000] =	vst v63  }
0x184: {  	_ =	swait.ge [sflag:s26], $0x4000  }
0x185: {  	[sflag:s26] =	ssyncset.done $0x0  }
0x186: {  	s18 =	rddreg [dreg:$0xc];
	[sflag:s26] =	ssyncadd.s32 $0xFFFFC000  }
0x187: {  	[spmem:s2] =	stream.indirect.scatter.add.f32 [tilespmem:s21], [sflag:$0x3], $0x80, s18, s24, $0xb8;
	[tilespmem:$0x1D000] =	vst v63  }
0x188: {  	_ =	swait.ge [sflag:s22], $0x4000  }
0x189: {  	[sflag:s22] =	ssyncset.done $0x0  }
0x18a: {  	s19 =	rddreg [dreg:$0xd];
	[sflag:s22] =	ssyncadd.s32 $0xFFFFC000  }
0x18b: {  	[tilespmem:s21], [sflag:$0x1] =	stream.indirect.gather [hbm4b:s4+s24], $0x80, s19, s24, $0xb8;
	[tilespmem:$0x1D000] =	vst v63  }
0x18c: {  	_ =	swait.ge [sflag:s28], $0x4000  }
0x18d: {  	[sflag:s28] =	ssyncset.done $0x0  }
0x18e: {  	s20 =	rddreg [dreg:$0xe];
	[sflag:s28] =	ssyncadd.s32 $0xFFFFC000  }
0x18f: {  	[spmem:s2] =	stream.indirect.scatter.add.f32 [tilespmem:s25], [sflag:$0x3], $0x80, s20, s24, $0xb8;
	[tilespmem:$0x1D000] =	vst v63  }
0x190: {  	_ =	swait.ge [sflag:s22], $0x4000  }
0x191: {  	[sflag:s22] =	ssyncset.done $0x0  }
0x192: {  	s18 =	rddreg [dreg:$0xf];
	[sflag:s22] =	ssyncadd.s32 $0xFFFFC000  }
0x193: {  	[tilespmem:s25], [sflag:$0x2] =	stream.indirect.gather [hbm4b:s4+s24], $0x80, s18, s24, $0xb8;
	[tilespmem:$0x1D000] =	vst v63  }
0x194: {  	_ =	swait.ge [sflag:s26], $0x4000  }
0x195: {  	[sflag:s26] =	ssyncset.done $0x0  }
0x196: {  	s19 =	rddreg [dreg:$0x10];
	[sflag:s26] =	ssyncadd.s32 $0xFFFFC000  }
0x197: {  	[spmem:s2] =	stream.indirect.scatter.add.f32 [tilespmem:s21], [sflag:$0x3], $0x80, s19, s24, $0xb8;
	[tilespmem:$0x1D000] =	vst v63  }
0x198: {  	_ =	swait.ge [sflag:s22], $0x4000  }
0x199: {  	[sflag:s22] =	ssyncset.done $0x0  }
0x19a: {  	[sflag:s22] =	ssyncadd.s32 $0xFFFFC000  }
0x19b: {  	[tilespmem:s21], [sflag:$0x1] =	stream.indirect.gather [hbm4b:s4+s24], $0x80, s29, s24, $0xb8;
	[tilespmem:$0x1D000] =	vst v63  }
0x19c: {  	_ =	swait.ge [sflag:s28], $0x4000  }
0x19d: {  	[sflag:s28] =	ssyncset.done $0x0  }
0x19e: {  	[sflag:s28] =	ssyncadd.s32 $0xFFFFC000  }
0x19f: {  	[spmem:s2] =	stream.indirect.scatter.add.f32 [tilespmem:s25], [sflag:$0x3], $0x80, s30, s24, $0xb8;
	[tilespmem:$0x1D000] =	vst v63  }
0x1a0: {  	_ =	swait.ge [sflag:s22], $0x4000  }
0x1a1: {  	[sflag:s22] =	ssyncset.done $0x0  }
0x1a2: {  	[sflag:s22] =	ssyncadd.s32 $0xFFFFC000  }
0x1a3: {  	[tilespmem:s25], [sflag:$0x2] =	stream.indirect.gather [hbm4b:s4+s24], $0x80, s31, s24, $0xb8;
	[tilespmem:$0x1D000] =	vst v63  }
0x1a4: {  	_ =	swait.ge [sflag:s26], $0x4000  }
0x1a5: {  	[sflag:s26] =	ssyncset.done $0x0  }
0x1a6: {  	[sflag:s26] =	ssyncadd.s32 $0xFFFFC000  }
0x1a7: {  	[spmem:s2] =	stream.indirect.scatter.add.f32 [tilespmem:s21], [sflag:$0x3], $0x80, s1, s24, $0xb8;
	[tilespmem:$0x1D000] =	vst v63  }
0x1a8: {  	_ =	swait.ge [sflag:s22], $0x4000  }
0x1a9: {  	[sflag:s22] =	ssyncset.done $0x0  }
0x1aa: {  	[sflag:s22] =	ssyncadd.s32 $0xFFFFC000  }
0x1ab: {  	[tilespmem:s21], [sflag:$0x1] =	stream.indirect.gather [hbm4b:s4+s24], $0x80, s0, s24, $0xb8;
	[tilespmem:$0x1D000] =	vst v63  }
0x1ac: {  	_ =	swait.ge [sflag:s28], $0x4000  }
0x1ad: {  	[sflag:s28] =	ssyncset.done $0x0  }
0x1ae: {  	[sflag:s28] =	ssyncadd.s32 $0xFFFFC000  }
0x1af: {  	[spmem:s2] =	stream.indirect.scatter.add.f32 [tilespmem:s25], [sflag:$0x3], $0x80, s5, s24, $0xb8;
	[tilespmem:$0x1D000] =	vst v63  }
0x1b0: {  	_ =	swait.ge [sflag:s22], $0x4000  }
0x1b1: {  	[sflag:s22] =	ssyncset.done $0x0  }
0x1b2: {  	[sflag:s22] =	ssyncadd.s32 $0xFFFFC000  }
0x1b3: {  	[tilespmem:s25], [sflag:$0x2] =	stream.indirect.gather [hbm4b:s4+s24], $0x80, s7, s24, $0xb8;
	[tilespmem:$0x1D000] =	vst v63  }
0x1b4: {  	_ =	swait.ge [sflag:s26], $0x4000  }
0x1b5: {  	[sflag:s26] =	ssyncset.done $0x0  }
0x1b6: {  	[sflag:s26] =	ssyncadd.s32 $0xFFFFC000  }
0x1b7: {  	[spmem:s2] =	stream.indirect.scatter.add.f32 [tilespmem:s21], [sflag:$0x3], $0x80, s8, s24, $0xb8;
	[tilespmem:$0x1D000] =	vst v63  }
0x1b8: {  	_ =	swait.ge [sflag:s22], $0x4000  }
0x1b9: {  	[sflag:s22] =	ssyncset.done $0x0  }
0x1ba: {  	[sflag:s22] =	ssyncadd.s32 $0xFFFFC000  }
0x1bb: {  	[tilespmem:s21], [sflag:$0x1] =	stream.indirect.gather [hbm4b:s4+s24], $0x80, s9, s24, $0xb8;
	[tilespmem:$0x1D000] =	vst v63  }
0x1bc: {  	_ =	swait.ge [sflag:s28], $0x4000  }
0x1bd: {  	[sflag:s28] =	ssyncset.done $0x0  }
0x1be: {  	[sflag:s28] =	ssyncadd.s32 $0xFFFFC000  }
0x1bf: {  	[spmem:s2] =	stream.indirect.scatter.add.f32 [tilespmem:s25], [sflag:$0x3], $0x80, s10, s24, $0xb8;
	[tilespmem:$0x1D000] =	vst v63  }
0x1c0: {  	_ =	swait.ge [sflag:s22], $0x4000  }
0x1c1: {  	[sflag:s22] =	ssyncset.done $0x0  }
0x1c2: {  	[sflag:s22] =	ssyncadd.s32 $0xFFFFC000  }
0x1c3: {  	[tilespmem:s25], [sflag:$0x2] =	stream.indirect.gather [hbm4b:s4+s24], $0x80, s11, s24, $0xb8;
	[tilespmem:$0x1D000] =	vst v63  }
0x1c4: {  	_ =	swait.ge [sflag:s26], $0x4000  }
0x1c5: {  	[sflag:s26] =	ssyncset.done $0x0  }
0x1c6: {  	[sflag:s26] =	ssyncadd.s32 $0xFFFFC000  }
0x1c7: {  	[spmem:s2] =	stream.indirect.scatter.add.f32 [tilespmem:s21], [sflag:$0x3], $0x80, s12, s24, $0xb8;
	[tilespmem:$0x1D000] =	vst v63  }
0x1c8: {  	_ =	swait.ge [sflag:s22], $0x4000  }
0x1c9: {  	[sflag:s22] =	ssyncset.done $0x0  }
0x1ca: {  	[sflag:s22] =	ssyncadd.s32 $0xFFFFC000  }
0x1cb: {  	[tilespmem:s21], [sflag:$0x1] =	stream.indirect.gather [hbm4b:s4+s24], $0x80, s13, s24, $0xb8;
	[tilespmem:$0x1D000] =	vst v63  }
0x1cc: {  	_ =	swait.ge [sflag:s28], $0x4000  }
0x1cd: {  	[sflag:s28] =	ssyncset.done $0x0  }
0x1ce: {  	[sflag:s28] =	ssyncadd.s32 $0xFFFFC000  }
0x1cf: {  	[spmem:s2] =	stream.indirect.scatter.add.f32 [tilespmem:s25], [sflag:$0x3], $0x80, s14, s24, $0xb8;
	[tilespmem:$0x1D000] =	vst v63  }
0x1d0: {  	_ =	swait.ge [sflag:s22], $0x4000  }
0x1d1: {  	[sflag:s22] =	ssyncset.done $0x0  }
0x1d2: {  	[sflag:s22] =	ssyncadd.s32 $0xFFFFC000  }
0x1d3: {  	[tilespmem:s25], [sflag:$0x2] =	stream.indirect.gather [hbm4b:s4+s24], $0x80, s15, s24, $0xb8;
	[tilespmem:$0x1D000] =	vst v63  }
0x1d4: {  	_ =	swait.ge [sflag:s26], $0x4000  }
0x1d5: {  	[sflag:s26] =	ssyncset.done $0x0  }
0x1d6: {  	[sflag:s26] =	ssyncadd.s32 $0xFFFFC000  }
0x1d7: {  	[spmem:s2] =	stream.indirect.scatter.add.f32 [tilespmem:s21], [sflag:$0x3], $0x80, s16, s24, $0xb8;
	[tilespmem:$0x1D000] =	vst v63  }
0x1d8: {  	_ =	swait.ge [sflag:s22], $0x4000  }
0x1d9: {  	[sflag:s22] =	ssyncset.done $0x0  }
0x1da: {  	[sflag:s22] =	ssyncadd.s32 $0xFFFFC000  }
0x1db: {  	_ =	swait.ge [sflag:s28], $0x4000  }
0x1dc: {  	[sflag:s28] =	ssyncset.done $0x0  }
0x1dd: {  	[sflag:s28] =	ssyncadd.s32 $0xFFFFC000  }
0x1de: {  	[spmem:s2] =	stream.indirect.scatter.add.f32 [tilespmem:s25], [sflag:$0x3], $0x80, s17, s24, $0xb8;
	[tilespmem:$0x1D000] =	vst v63  }
0x1df: {  	_ =	swait.ge [sflag:s22], $0x4000  }
0x1e0: {  	[sflag:s22] =	ssyncset.done $0x0  }
0x1e1: {  	[sflag:s22] =	ssyncadd.s32 $0xFFFFC000  }
0x1e2: {  	[bflag:$0x0] =	sbarrier.arrive $0xFFFF  }
0x1e3: {  	s18 =	rddreg [dreg:$0x12]  }
0x1e4: {  	[tilespmem:s21], [sflag:$0x3] =	stream.linear.gather [spmem:s18], $0x4000, $0x38;
	[tilespmem:$0x1D000] =	vst v63  }
0x1e5: {  	_ =	swait.ge [sflag:s22], $0x4000  }
0x1e6: {  	[sflag:s22] =	ssyncset.done $0x0  }
0x1e7: {  	s20 =	rddreg [dreg:$0x18];
	[sflag:s22] =	ssyncadd.s32 $0xFFFFC000  }
0x1e8: {  	[hbm4b:s20+s3] =	stream.linear.scatter [tilespmem:s21], [sflag:$0x3], $0x4000, $0x38;
	[tilespmem:$0x1D000] =	vst v63  }
0x1e9: {  	_ =	swait.ge [sflag:s22], $0x4000  }
0x1ea: {  	[sflag:s22] =	ssyncset.done $0x0  }
0x1eb: {  	s19 =	rddreg [dreg:$0x19];
	[sflag:s22] =	ssyncadd.s32 $0xFFFFC000  }
0x1ec: {  	[tilespmem:s21], [sflag:$0x3] =	stream.linear.gather [spmem:s19], $0x4000, $0x38;
	[tilespmem:$0x1D000] =	vst v63  }
0x1ed: {  	_ =	swait.ge [sflag:s22], $0x4000  }
0x1ee: {  	[sflag:s22] =	ssyncset.done $0x0  }
0x1ef: {  	s20 =	rddreg [dreg:$0x1a];
	[sflag:s22] =	ssyncadd.s32 $0xFFFFC000  }
0x1f0: {  	[hbm4b:s20+s3] =	stream.linear.scatter [tilespmem:s21], [sflag:$0x3], $0x4000, $0x38;
	[tilespmem:$0x1D000] =	vst v63  }
0x1f1: {  	_ =	swait.ge [sflag:s22], $0x4000  }
0x1f2: {  	[sflag:s22] =	ssyncset.done $0x0  }
0x1f3: {  	s19 =	rddreg [dreg:$0x1b];
	[sflag:s22] =	ssyncadd.s32 $0xFFFFC000  }
0x1f4: {  	[tilespmem:s21], [sflag:$0x3] =	stream.linear.gather [spmem:s19], $0x4000, $0x38;
	[tilespmem:$0x1D000] =	vst v63  }
0x1f5: {  	_ =	swait.ge [sflag:s22], $0x4000  }
0x1f6: {  	[sflag:s22] =	ssyncset.done $0x0  }
0x1f7: {  	s20 =	rddreg [dreg:$0x1c];
	[sflag:s22] =	ssyncadd.s32 $0xFFFFC000  }
0x1f8: {  	[hbm4b:s20+s3] =	stream.linear.scatter [tilespmem:s21], [sflag:$0x3], $0x4000, $0x38;
	[tilespmem:$0x1D000] =	vst v63  }
0x1f9: {  	_ =	swait.ge [sflag:s22], $0x4000  }
0x1fa: {  	[sflag:s22] =	ssyncset.done $0x0  }
0x1fb: {  	s19 =	rddreg [dreg:$0x1d];
	[sflag:s22] =	ssyncadd.s32 $0xFFFFC000  }
0x1fc: {  	[tilespmem:s21], [sflag:$0x3] =	stream.linear.gather [spmem:s19], $0x4000, $0x38;
	[tilespmem:$0x1D000] =	vst v63  }
0x1fd: {  	_ =	swait.ge [sflag:s22], $0x4000  }
0x1fe: {  	[sflag:s22] =	ssyncset.done $0x0  }
0x1ff: {  	s20 =	rddreg [dreg:$0x1e];
	[sflag:s22] =	ssyncadd.s32 $0xFFFFC000  }
0x200: {  	[hbm4b:s20+s3] =	stream.linear.scatter [tilespmem:s21], [sflag:$0x3], $0x4000, $0x38;
	[tilespmem:$0x1D000] =	vst v63  }
0x201: {  	_ =	swait.ge [sflag:s22], $0x4000  }
0x202: {  	[sflag:s22] =	ssyncset.done $0x0  }
0x203: {  	s19 =	rddreg [dreg:$0x1f];
	[sflag:s22] =	ssyncadd.s32 $0xFFFFC000  }
0x204: {  	[tilespmem:s21], [sflag:$0x3] =	stream.linear.gather [spmem:s19], $0x4000, $0x38;
	[tilespmem:$0x1D000] =	vst v63  }
0x205: {  	_ =	swait.ge [sflag:s22], $0x4000  }
0x206: {  	s20 =	sld [smem:$0x7FD]  }
0x207: {  	[sflag:s22] =	ssyncset.done $0x0  }
0x208: {  	[sflag:s22] =	ssyncadd.s32 $0xFFFFC000  }
0x209: {  	[hbm4b:s20+s3] =	stream.linear.scatter [tilespmem:s21], [sflag:$0x3], $0x4000, $0x38;
	[tilespmem:$0x1D000] =	vst v63  }
0x20a: {  	_ =	swait.ge [sflag:s22], $0x4000  }
0x20b: {  	s6 =	sld [smem:$0x7FC];
	_ =	sdelay $0x2  }
0x20c: {  	s20 =	rddreg [dreg:$0x17];
	s19 =	sadd.s32 $0x1, s6  }
0x20d: {  	p0 =	sne.s32 s19, s20  }
.Ltmp1:
0x20e: {  	_ = 	snop;
	(pc) =	sbr.rel @p0 .LBB2_1-.Ltmp1, $3  }
0x20f: {  	_ =	sdelay $0x1  }
0x210: {  	[sflag:s22] =	ssyncset.done $0x0  }
0x211: {  	[sflag:s22] =	ssyncadd.s32 $0xFFFFC000  }
0x212: {  	_ =	sfence.sel $0x180000  }
0x213: {  	[bflag:$0x0] =	sbarrier.arrive $0xFFFF  }
0x214: {  	_ =	strace $0x90000050  }
0x215: {  	s0 =	stileid.u32;
	[bflag:$0x2] =	sbarrier.arrive $0xFFFF  }
0x216: {  	p0 =	sne.s32 s0, $0x0;
	s0 =	rddreg [dreg:$0x2]  }
0x217: {  	s0 =	sadd.s32 @!p0 $0x100000, s0  }
0x218: {  	[sflag:s0] =	ssyncadd.tile.s32 @!p0 $0x1;
	_ =	shalt  }
.Lfunc_end2:
_tile_overlayer_lowered:
.L_overlay_start_2:
0x219: {  	(tag) =	ssettag $0x2  }
0x21a: {  	s0 =	rddreg [dreg:$0x0];
	s2 =	stileid.u32  }
0x21b: {  	s1 =	rddreg [dreg:$0x1];
	p0 =	sne.s32 s2, $0x0  }
0x21c: {  	s3 =	rddreg [dreg:$0x2];
	[bflag:$0x3] =	sbarrier.arrive $0xFFFF;
	s2 =	simm.s32 @!p0 $0x1C03  }
0x21d: {  	[timem:s3], [sflag:s2] =	dma.local @!p0 [hbm:s0], s1  }
0x21e: {  	s0 =	simm.s32 @!p0 $0x3  }
0x21f: {  	_ =	swait.ge @!p0 [sflag:s0], s1  }
0x220: {  	s1 =	ssub.s32 @!p0 $0x0, s1;
	[sflag:s0] =	ssyncset.done @!p0 $0x0  }
0x221: {  	[sflag:s0] =	ssyncadd.s32 @!p0 s1  }
0x222: {  	[bflag:$0x3] =	sbarrier.arrive $0xFFFF  }
0x223: {  	_ =	shalt  }

</sc_bundles>
